<compile_context>
chip_gen: v7x
topology: tpu7x:2x2x1
jax: 0.10.2.dev20260603
libtpu: 0.0.44.dev20260713+nightly
codegen_flags: <defaults>
</compile_context>

<pallas_src>
import functools

import jax
import jax.numpy as jnp
from jax import lax
from jax.experimental import pallas as pl
from jax.experimental.pallas import tpu as pltpu
from jax.experimental.pallas import tpu_sc as plsc

N_NODES = 10000
N_EDGES = 320000
FEAT = 128

_NCORE = 2
_NSUB = 16
_K = 80
_NIB = 25
_NOUTER = 10
_NB = 3
_N_PAD = 10112
_ROWS_PER_TILE = _N_PAD // _NSUB

_sc_mesh = plsc.VectorSubcoreMesh(core_axis_name="c", subcore_axis_name="s")


@functools.partial(
    pl.kernel,
    mesh=_sc_mesh,
    out_type=jax.ShapeDtypeStruct((_NCORE, _N_PAD, FEAT), jnp.float32),
    scratch_types=[
        pltpu.VMEM((2, _NIB, _K), jnp.int32),
        pltpu.VMEM((2, _NIB, _K), jnp.int32),
        pltpu.VMEM((_NB, _K, FEAT), jnp.float32),
        pltpu.VMEM_SHARED((_N_PAD, FEAT), jnp.float32),
        pltpu.SemaphoreType.DMA((_NB,)),
        pltpu.SemaphoreType.DMA((_NB,)),
        pltpu.SemaphoreType.DMA,
    ],
)
def _sc_segment_sum(y_hbm, pe_hbm, ne_hbm, out_hbm,
                    src_v, dst_v, rows_v, acc_sh, sem_g, sem_s, sem_i):
    c = lax.axis_index("c")
    s = lax.axis_index("s")
    nchunk = _NOUTER * _NIB

    zvec = jnp.zeros((16,), jnp.float32)

    def _zero_body(i, _):
        r = i // (FEAT // 16)
        q = (i % (FEAT // 16)) * 16
        rows_v[0, r, pl.ds(q, 16)] = zvec
        return _

    lax.fori_loop(0, _K * (FEAT // 16), _zero_body, None)

    base = s * _ROWS_PER_TILE
    for j in range(_ROWS_PER_TILE // _K):
        pltpu.sync_copy(rows_v.at[0], acc_sh.at[pl.ds(base + j * _K, _K)])
    _zrem = _ROWS_PER_TILE % _K
    if _zrem:
        pltpu.sync_copy(
            rows_v.at[0, pl.ds(0, _zrem)],
            acc_sh.at[pl.ds(base + (_ROWS_PER_TILE // _K) * _K, _zrem)])
    plsc.subcore_barrier()

    def _load_idx(ib, slot, sync):
        for e_hbm, when in ((pe_hbm, c == 0), (ne_hbm, c == 1)):
            for kind, e_v in ((0, src_v), (1, dst_v)):
                @pl.when(when)
                def _():
                    cp = pltpu.async_copy(e_hbm.at[kind, s, ib],
                                          e_v.at[slot], sem_i)
                    if sync:
                        cp.wait()

    def _drain_idx():
        for e_v in (src_v, dst_v):
            pltpu.make_async_copy(pe_hbm.at[0, 0, 0], e_v.at[0], sem_i).wait()

    def _start_gather(j):
        slot = (j // _NIB) % 2
        r = j % _NIB
        pltpu.async_copy(y_hbm.at[c].at[src_v.at[slot, r]], rows_v.at[j % _NB],
                         sem_g.at[j % _NB])

    def _wait_gather(j):
        pltpu.make_async_copy(y_hbm.at[c].at[src_v.at[0, 0]],
                              rows_v.at[j % _NB], sem_g.at[j % _NB]).wait()

    def _start_scatter(j):
        slot = (j // _NIB) % 2
        r = j % _NIB
        pltpu.async_copy(rows_v.at[j % _NB], acc_sh.at[dst_v.at[slot, r]],
                         sem_s.at[j % _NB], add=True)

    def _wait_scatter(b):
        pltpu.make_async_copy(rows_v.at[b], acc_sh.at[dst_v.at[0, 0]],
                              sem_s.at[b]).wait()

    _load_idx(0, 0, True)
    _load_idx(1, 1, True)
    _start_gather(0)
    _start_gather(1)

    def _chunk_body(j, _):
        ib = j // _NIB
        r = j % _NIB
        pf = jnp.logical_and(ib >= 1, ib + 1 < _NOUTER)

        @pl.when(jnp.logical_and(r == 2, pf))
        def _():
            _load_idx(ib + 1, (ib + 1) % 2, False)

        @pl.when(j >= _NB - 2)
        def _():
            _wait_scatter((j + 2) % _NB)

        @pl.when(jnp.logical_and(r == _NIB - 2, pf))
        def _():
            _drain_idx()

        @pl.when(j + 2 < nchunk)
        def _():
            _start_gather(j + 2)

        _wait_gather(j)
        _start_scatter(j)
        return _

    lax.fori_loop(0, nchunk, _chunk_body, None)
    for t in range(_NB - 2):
        _wait_scatter((nchunk - (_NB - 2) + t) % _NB)
    plsc.subcore_barrier()

    pltpu.sync_copy(acc_sh.at[pl.ds(base, _ROWS_PER_TILE)],
                    out_hbm.at[c, pl.ds(base, _ROWS_PER_TILE)])


_BLK = 2000
_NBLK = N_NODES // _BLK


def _mm_body(px_ref, nx_ref, wp_ref, wn_ref, o_ref):
    o_ref[0] = jnp.dot(px_ref[...], wp_ref[...],
                       preferred_element_type=jnp.float32)
    o_ref[1] = jnp.dot(nx_ref[...], wn_ref[...],
                       preferred_element_type=jnp.float32)


def _relu_mm_body(a_ref, wp_ref, wn_ref, o_ref):
    o_ref[0] = jnp.dot(jnp.maximum(a_ref[0], 0.0), wp_ref[...],
                       preferred_element_type=jnp.float32)
    o_ref[1] = jnp.dot(jnp.maximum(a_ref[1], 0.0), wn_ref[...],
                       preferred_element_type=jnp.float32)


def _final_body(px_ref, nx_ref, agg_ref, o_ref):
    o_ref[:, 0:FEAT] = px_ref[...]
    o_ref[:, FEAT:2 * FEAT] = jnp.maximum(agg_ref[0], 0.0)
    o_ref[:, 2 * FEAT:3 * FEAT] = nx_ref[...]
    o_ref[:, 3 * FEAT:4 * FEAT] = jnp.maximum(agg_ref[1], 0.0)


_x_spec = pl.BlockSpec((_BLK, FEAT), lambda i: (i, 0))
_w_spec = pl.BlockSpec((FEAT, FEAT), lambda i: (0, 0))
_pair_spec = pl.BlockSpec((_NCORE, _BLK, FEAT), lambda i: (0, i, 0))
_y_type = jax.ShapeDtypeStruct((_NCORE, N_NODES, FEAT), jnp.float32)


def _mm0(pos_x, neg_x, wp, wn):
    return pl.pallas_call(
        _mm_body, grid=(_NBLK,),
        in_specs=[_x_spec, _x_spec, _w_spec, _w_spec],
        out_specs=_pair_spec, out_shape=_y_type,
    )(pos_x, neg_x, wp, wn)


def _relu_mm(agg, wp, wn):
    return pl.pallas_call(
        _relu_mm_body, grid=(_NBLK,),
        in_specs=[_pair_spec, _w_spec, _w_spec],
        out_specs=_pair_spec, out_shape=_y_type,
    )(agg, wp, wn)


def _final_concat(pos_x, neg_x, agg):
    return pl.pallas_call(
        _final_body, grid=(_NBLK,),
        in_specs=[_x_spec, _x_spec, _pair_spec],
        out_specs=pl.BlockSpec((_BLK, 4 * FEAT), lambda i: (i, 0)),
        out_shape=jax.ShapeDtypeStruct((N_NODES, 4 * FEAT), jnp.float32),
    )(pos_x, neg_x, agg)


def kernel(pos_x, pos_edge_index, neg_x, neg_edge_index,
           pos_W0, pos_W1, pos_W2, neg_W0, neg_W1, neg_W2):
    eshape = (2, _NSUB, _NOUTER, _NIB, _K)
    pe = pos_edge_index.reshape(eshape)
    ne = neg_edge_index.reshape(eshape)

    y = _mm0(pos_x, neg_x, pos_W0, neg_W0)
    agg = _sc_segment_sum(y, pe, ne)
    y = _relu_mm(agg, pos_W1, neg_W1)
    agg = _sc_segment_sum(y, pe, ne)
    y = _relu_mm(agg, pos_W2, neg_W2)
    agg = _sc_segment_sum(y, pe, ne)
    return _final_concat(pos_x, neg_x, agg)

# --- scband reference (transcript-rebuilt; emitter-appended) ---
"""Pipeline reference for scband-ltl-pos-neg-net-16518444221124 (READ-ONLY COPY).

The authoritative reference and input builder live on the scoring server;
editing this copy changes nothing except your own understanding.
"""

import jax, jax.numpy as jnp
import numpy as np

N_NODES = 10000
N_EDGES = 320000
FEAT = 128
EMB = 128  # embedding_dim // 2 per branch
NUM_LAYERS = 3


def _make_weights(key):
    Ws = []
    in_dim = FEAT
    for i in range(NUM_LAYERS):
        key, sub = jax.random.split(key)
        Ws.append(jax.random.normal(sub, (in_dim, EMB), dtype=jnp.float32) * (1.0 / np.sqrt(in_dim)))
        in_dim = EMB
    return Ws


def setup_inputs(seed: int = 0) -> dict:
    key = jax.random.key(seed)
    k1, k2, k3, k4, k5, k6 = jax.random.split(key, 6)
    pos_x = jax.random.normal(k1, (N_NODES, FEAT), dtype=jnp.float32)
    neg_x = jax.random.normal(k2, (N_NODES, FEAT), dtype=jnp.float32)
    pos_edge_index = jax.random.randint(k3, (2, N_EDGES), 0, N_NODES, dtype=jnp.int64 if jax.config.jax_enable_x64 else jnp.int32).astype(jnp.int32)
    neg_edge_index = jax.random.randint(k4, (2, N_EDGES), 0, N_NODES, dtype=jnp.int64 if jax.config.jax_enable_x64 else jnp.int32).astype(jnp.int32)
    pW = _make_weights(k5)
    nW = _make_weights(k6)
    return {
        "pos_x": pos_x,
        "pos_edge_index": pos_edge_index,
        "neg_x": neg_x,
        "neg_edge_index": neg_edge_index,
        "pos_W0": pW[0], "pos_W1": pW[1], "pos_W2": pW[2],
        "neg_W0": nW[0], "neg_W1": nW[1], "neg_W2": nW[2],
    }


def _gnn(x, edge_index, Ws, concat_initial_features=True):
    src = edge_index[0]
    dst = edge_index[1]
    h = x
    for W in Ws:
        msgs = jnp.take(h, src, axis=0)
        agg = jax.ops.segment_sum(msgs, dst, num_segments=x.shape[0])
        h = jax.nn.relu(agg @ W)
    if concat_initial_features:
        h = jnp.concatenate([x, h], axis=1)
    return h


def reference(pos_x, pos_edge_index, neg_x, neg_edge_index,
              pos_W0, pos_W1, pos_W2, neg_W0, neg_W1, neg_W2):
    pos_embedding = _gnn(pos_x, pos_edge_index, [pos_W0, pos_W1, pos_W2], True)
    neg_embedding = _gnn(neg_x, neg_edge_index, [neg_W0, neg_W1, neg_W2], True)
    return jnp.concatenate([pos_embedding, neg_embedding], axis=1)

if __name__ == "__main__":
    import jax
    _d = setup_inputs()
    print(jax.jit(kernel)(*tuple(_d.values())))

</pallas_src>

<mosaic_0001>
#map = affine_map<(d0, d1) -> (0, 0, 0)>
#map1 = affine_map<(d0, d1) -> (0, 0, 0, 0, 0)>
module attributes {stable_mosaic.version = 14 : i64} {
  func.func @_sc_segment_sum(%arg0: i32, %arg1: i32, %arg2: memref<2x10000x128xf32, #tpu.memory_space<hbm>>, %arg3: memref<2x16x10x25x80xi32, #tpu.memory_space<hbm>>, %arg4: memref<2x16x10x25x80xi32, #tpu.memory_space<hbm>>, %arg5: memref<2x10112x128xf32, #tpu.memory_space<hbm>>, %arg6: memref<2x25x80xi32, #tpu.memory_space<vmem>>, %arg7: memref<2x25x80xi32, #tpu.memory_space<vmem>>, %arg8: memref<3x80x128xf32, #tpu.memory_space<vmem>>, %arg9: memref<10112x128xf32, #tpu.memory_space<vmem_shared>>, %arg10: memref<3x!tpu.dma_semaphore, #tpu.memory_space<semaphore_mem>>, %arg11: memref<3x!tpu.dma_semaphore, #tpu.memory_space<semaphore_mem>>, %arg12: memref<!tpu.dma_semaphore, #tpu.memory_space<semaphore_mem>>) attributes {dimension_semantics = [#tpu.dimension_semantics<core_parallel>, #tpu.dimension_semantics<subcore_parallel>], iteration_bounds = array<i64: 2, 16>, scalar_prefetch = 0 : i64, scratch_operands = 7 : i64, tpu.core_type = #tpu.core_type<sc_vector_subcore>, window_params = [{transform_indices = #map}, {transform_indices = #map1}, {transform_indices = #map1}, {transform_indices = #map}]} {
    %broadcast_in_dim3A = arith.constant 0.000000e+00 : f32
    %broadcast_in_dim3A_0 = vector.broadcast %broadcast_in_dim3A : f32 to vector<16xf32>
    %scan3A = arith.constant 0 : i32
    %scan3A_1 = arith.constant 640 : i32
    %scan3A_2 = arith.addi %scan3A, %scan3A_1 : i32
    %scan3A_3 = arith.constant 1 : i32
    scf.for %scan3A_117 = %scan3A to %scan3A_2 step %scan3A_3  : i32 {
      %jit3A = arith.constant 8 : i32
      %div3A = arith.divsi %scan3A_117, %jit3A : i32
      %sign3A = arith.constant 0 : i32
      %sign3A_118 = arith.cmpi sgt, %scan3A_117, %sign3A : i32
      %sign3A_119 = arith.extui %sign3A_118 : i1 to i32
      %sign3A_120 = arith.constant 0 : i32
      %sign3A_121 = arith.cmpi slt, %scan3A_117, %sign3A_120 : i32
      %sign3A_122 = arith.extui %sign3A_121 : i1 to i32
      %sign3A_123 = arith.subi %sign3A_119, %sign3A_122 : i32
      %sign3A_124 = arith.constant 0 : i32
      %sign3A_125 = arith.cmpi sgt, %jit3A, %sign3A_124 : i32
      %sign3A_126 = arith.extui %sign3A_125 : i1 to i32
      %sign3A_127 = arith.constant 0 : i32
      %sign3A_128 = arith.cmpi slt, %jit3A, %sign3A_127 : i32
      %sign3A_129 = arith.extui %sign3A_128 : i1 to i32
      %sign3A_130 = arith.subi %sign3A_126, %sign3A_129 : i32
      %ne3A = arith.cmpi ne, %sign3A_123, %sign3A_130 : i32
      %rem3A = arith.remsi %scan3A_117, %jit3A : i32
      %ne3A_131 = arith.constant 0 : i32
      %ne3A_132 = arith.cmpi ne, %rem3A, %ne3A_131 : i32
      %and3A = arith.andi %ne3A, %ne3A_132 : i1
      %sub3A = arith.constant 1 : i32
      %sub3A_133 = arith.subi %div3A, %sub3A : i32
      %select_n3A = arith.select %and3A, %sub3A_133, %div3A : i32
      %jit3A_134 = arith.constant 8 : i32
      %eq3A_135 = arith.constant 0 : i32
      %eq3A_136 = arith.cmpi eq, %jit3A_134, %eq3A_135 : i32
      %jit3A_137 = arith.constant 1 : i32
      %select_n3A_138 = arith.select %eq3A_136, %jit3A_137, %jit3A_134 : i32
      %rem3A_139 = arith.remsi %scan3A_117, %select_n3A_138 : i32
      %ne3A_140 = arith.constant 0 : i32
      %ne3A_141 = arith.cmpi ne, %rem3A_139, %ne3A_140 : i32
      %lt3A = arith.constant 0 : i32
      %lt3A_142 = arith.cmpi slt, %rem3A_139, %lt3A : i32
      %lt3A_143 = arith.constant 0 : i32
      %lt3A_144 = arith.cmpi slt, %select_n3A_138, %lt3A_143 : i32
      %ne3A_145 = arith.xori %lt3A_142, %lt3A_144 : i1
      %and3A_146 = arith.andi %ne3A_145, %ne3A_141 : i1
      %add3A_147 = arith.addi %rem3A_139, %select_n3A_138 : i32
      %select_n3A_148 = arith.select %and3A_146, %add3A_147, %rem3A_139 : i32
      %mul3A_149 = arith.constant 16 : i32
      %mul3A_150 = arith.muli %select_n3A_148, %mul3A_149 : i32
      %swap3A = arith.constant 0 : i32
      %swap3A_151 = arith.index_cast %swap3A : i32 to index
      %swap3A_152 = arith.index_cast %select_n3A : i32 to index
      %swap3A_153 = arith.index_cast %mul3A_150 : i32 to index
      %swap3A_154 = tpu.vector_load %arg8[%swap3A_151, %swap3A_152, %swap3A_153] {strides = array<i32>} : memref<3x80x128xf32, #tpu.memory_space<vmem>>, vector<1x1x16xf32>,
      %swap3A_155 = vector.shape_cast %swap3A_154 : vector<1x1x16xf32> to vector<16xf32>
      %swap3A_156 = vector.shape_cast %broadcast_in_dim3A_0 : vector<16xf32> to vector<1x1x16xf32>
      tpu.vector_store %arg8[%swap3A_151, %swap3A_152, %swap3A_153], %swap3A_156 {strides = array<i32>} : memref<3x80x128xf32, #tpu.memory_space<vmem>>, vector<1x1x16xf32>,
    }
    %scan3A_4 = arith.constant 640 : i32
    %mul3A = arith.constant 632 : i32
    %mul3A_5 = arith.muli %arg1, %mul3A : i32
    %add3A = arith.constant 0 : i32
    %add3A_6 = arith.addi %mul3A_5, %add3A : i32
    %run_scoped3A = arith.constant 0 : i32
    "tpu.region"() ({
      %run_scoped3A_117 = tpu.sem_alloc : memref<!tpu.dma_semaphore, #tpu.memory_space<semaphore_mem>>
      %dma_start3A_118 = arith.constant 0 : i32
      %dma_start3A_119 = arith.constant 0 : i32
      %dma_start3A_120 = tpu.memref_slice %arg8[%run_scoped3A, %dma_start3A_118, %dma_start3A_119] : memref<3x80x128xf32, #tpu.memory_space<vmem>> -> memref<1x80x128xf32, #tpu.memory_space<vmem>>
      %dma_start3A_121 = tpu.memref_squeeze %dma_start3A_120 : memref<1x80x128xf32, #tpu.memory_space<vmem>> -> memref<80x128xf32, #tpu.memory_space<vmem>>
      %dma_start3A_122 = arith.constant 0 : i32
      %dma_start3A_123 = tpu.memref_slice %arg9[%add3A_6, %dma_start3A_122] : memref<10112x128xf32, #tpu.memory_space<vmem_shared>> -> memref<80x128xf32, #tpu.memory_space<vmem_shared>>
      %dma_start3A_124 = arith.constant 0 : i32
      %dma_start3A_125 = tpu.memref_slice %arg9[%add3A_6, %dma_start3A_124] : memref<10112x128xf32, #tpu.memory_space<vmem_shared>> -> memref<80x128xf32, #tpu.memory_space<vmem_shared>>
      %dma_start3A_126 = arith.constant 0 : i32
      %dma_start3A_127 = arith.constant 0 : i32
      %dma_start3A_128 = tpu.memref_slice %arg8[%run_scoped3A, %dma_start3A_126, %dma_start3A_127] : memref<3x80x128xf32, #tpu.memory_space<vmem>> -> memref<1x80x128xf32, #tpu.memory_space<vmem>>
      %dma_start3A_129 = tpu.memref_squeeze %dma_start3A_128 : memref<1x80x128xf32, #tpu.memory_space<vmem>> -> memref<80x128xf32, #tpu.memory_space<vmem>>
      tpu.enqueue_dma source(%dma_start3A_129 : memref<80x128xf32, #tpu.memory_space<vmem>>) target(%dma_start3A_125 : memref<80x128xf32, #tpu.memory_space<vmem_shared>>) target_semaphore(%run_scoped3A_117 : memref<!tpu.dma_semaphore, #tpu.memory_space<semaphore_mem>>)
      %dma_wait3A_130 = arith.constant 0 : i32
      %dma_wait3A_131 = arith.constant 0 : i32
      %dma_wait3A_132 = tpu.memref_slice %arg8[%run_scoped3A, %dma_wait3A_130, %dma_wait3A_131] : memref<3x80x128xf32, #tpu.memory_space<vmem>> -> memref<1x80x128xf32, #tpu.memory_space<vmem>>
      %dma_wait3A_133 = tpu.memref_squeeze %dma_wait3A_132 : memref<1x80x128xf32, #tpu.memory_space<vmem>> -> memref<80x128xf32, #tpu.memory_space<vmem>>
      %dma_wait3A_134 = arith.constant 0 : i32
      %dma_wait3A_135 = tpu.memref_slice %arg9[%add3A_6, %dma_wait3A_134] : memref<10112x128xf32, #tpu.memory_space<vmem_shared>> -> memref<80x128xf32, #tpu.memory_space<vmem_shared>>
      %dma_wait3A_136 = arith.constant 0 : i32
      %dma_wait3A_137 = tpu.memref_slice %arg9[%add3A_6, %dma_wait3A_136] : memref<10112x128xf32, #tpu.memory_space<vmem_shared>> -> memref<80x128xf32, #tpu.memory_space<vmem_shared>>
      %dma_wait3A_138 = arith.constant 0 : i32
      %dma_wait3A_139 = arith.constant 0 : i32
      %dma_wait3A_140 = tpu.memref_slice %arg8[%run_scoped3A, %dma_wait3A_138, %dma_wait3A_139] : memref<3x80x128xf32, #tpu.memory_space<vmem>> -> memref<1x80x128xf32, #tpu.memory_space<vmem>>
      %dma_wait3A_141 = tpu.memref_squeeze %dma_wait3A_140 : memref<1x80x128xf32, #tpu.memory_space<vmem>> -> memref<80x128xf32, #tpu.memory_space<vmem>>
      tpu.wait_dma2 semaphore(%run_scoped3A_117 : memref<!tpu.dma_semaphore, #tpu.memory_space<semaphore_mem>>) src(%dma_wait3A_141 : memref<80x128xf32, #tpu.memory_space<vmem>>) dst(%dma_wait3A_137 : memref<80x128xf32, #tpu.memory_space<vmem_shared>>)
      tpu.yield
    }) : () -> ()
    %add3A_7 = arith.constant 80 : i32
    %add3A_8 = arith.addi %mul3A_5, %add3A_7 : i32
    %run_scoped3A_9 = arith.constant 0 : i32
    "tpu.region"() ({
      %run_scoped3A_117 = tpu.sem_alloc : memref<!tpu.dma_semaphore, #tpu.memory_space<semaphore_mem>>
      %dma_start3A_118 = arith.constant 0 : i32
      %dma_start3A_119 = arith.constant 0 : i32
      %dma_start3A_120 = tpu.memref_slice %arg8[%run_scoped3A_9, %dma_start3A_118, %dma_start3A_119] : memref<3x80x128xf32, #tpu.memory_space<vmem>> -> memref<1x80x128xf32, #tpu.memory_space<vmem>>
      %dma_start3A_121 = tpu.memref_squeeze %dma_start3A_120 : memref<1x80x128xf32, #tpu.memory_space<vmem>> -> memref<80x128xf32, #tpu.memory_space<vmem>>
      %dma_start3A_122 = arith.constant 0 : i32
      %dma_start3A_123 = tpu.memref_slice %arg9[%add3A_8, %dma_start3A_122] : memref<10112x128xf32, #tpu.memory_space<vmem_shared>> -> memref<80x128xf32, #tpu.memory_space<vmem_shared>>
      %dma_start3A_124 = arith.constant 0 : i32
      %dma_start3A_125 = tpu.memref_slice %arg9[%add3A_8, %dma_start3A_124] : memref<10112x128xf32, #tpu.memory_space<vmem_shared>> -> memref<80x128xf32, #tpu.memory_space<vmem_shared>>
      %dma_start3A_126 = arith.constant 0 : i32
      %dma_start3A_127 = arith.constant 0 : i32
      %dma_start3A_128 = tpu.memref_slice %arg8[%run_scoped3A_9, %dma_start3A_126, %dma_start3A_127] : memref<3x80x128xf32, #tpu.memory_space<vmem>> -> memref<1x80x128xf32, #tpu.memory_space<vmem>>
      %dma_start3A_129 = tpu.memref_squeeze %dma_start3A_128 : memref<1x80x128xf32, #tpu.memory_space<vmem>> -> memref<80x128xf32, #tpu.memory_space<vmem>>
      tpu.enqueue_dma source(%dma_start3A_129 : memref<80x128xf32, #tpu.memory_space<vmem>>) target(%dma_start3A_125 : memref<80x128xf32, #tpu.memory_space<vmem_shared>>) target_semaphore(%run_scoped3A_117 : memref<!tpu.dma_semaphore, #tpu.memory_space<semaphore_mem>>)
      %dma_wait3A_130 = arith.constant 0 : i32
      %dma_wait3A_131 = arith.constant 0 : i32
      %dma_wait3A_132 = tpu.memref_slice %arg8[%run_scoped3A_9, %dma_wait3A_130, %dma_wait3A_131] : memref<3x80x128xf32, #tpu.memory_space<vmem>> -> memref<1x80x128xf32, #tpu.memory_space<vmem>>
      %dma_wait3A_133 = tpu.memref_squeeze %dma_wait3A_132 : memref<1x80x128xf32, #tpu.memory_space<vmem>> -> memref<80x128xf32, #tpu.memory_space<vmem>>
      %dma_wait3A_134 = arith.constant 0 : i32
      %dma_wait3A_135 = tpu.memref_slice %arg9[%add3A_8, %dma_wait3A_134] : memref<10112x128xf32, #tpu.memory_space<vmem_shared>> -> memref<80x128xf32, #tpu.memory_space<vmem_shared>>
      %dma_wait3A_136 = arith.constant 0 : i32
      %dma_wait3A_137 = tpu.memref_slice %arg9[%add3A_8, %dma_wait3A_136] : memref<10112x128xf32, #tpu.memory_space<vmem_shared>> -> memref<80x128xf32, #tpu.memory_space<vmem_shared>>
      %dma_wait3A_138 = arith.constant 0 : i32
      %dma_wait3A_139 = arith.constant 0 : i32
      %dma_wait3A_140 = tpu.memref_slice %arg8[%run_scoped3A_9, %dma_wait3A_138, %dma_wait3A_139] : memref<3x80x128xf32, #tpu.memory_space<vmem>> -> memref<1x80x128xf32, #tpu.memory_space<vmem>>
      %dma_wait3A_141 = tpu.memref_squeeze %dma_wait3A_140 : memref<1x80x128xf32, #tpu.memory_space<vmem>> -> memref<80x128xf32, #tpu.memory_space<vmem>>
      tpu.wait_dma2 semaphore(%run_scoped3A_117 : memref<!tpu.dma_semaphore, #tpu.memory_space<semaphore_mem>>) src(%dma_wait3A_141 : memref<80x128xf32, #tpu.memory_space<vmem>>) dst(%dma_wait3A_137 : memref<80x128xf32, #tpu.memory_space<vmem_shared>>)
      tpu.yield
    }) : () -> ()
    %add3A_10 = arith.constant 160 : i32
    %add3A_11 = arith.addi %mul3A_5, %add3A_10 : i32
    %run_scoped3A_12 = arith.constant 0 : i32
    "tpu.region"() ({
      %run_scoped3A_117 = tpu.sem_alloc : memref<!tpu.dma_semaphore, #tpu.memory_space<semaphore_mem>>
      %dma_start3A_118 = arith.constant 0 : i32
      %dma_start3A_119 = arith.constant 0 : i32
      %dma_start3A_120 = tpu.memref_slice %arg8[%run_scoped3A_12, %dma_start3A_118, %dma_start3A_119] : memref<3x80x128xf32, #tpu.memory_space<vmem>> -> memref<1x80x128xf32, #tpu.memory_space<vmem>>
      %dma_start3A_121 = tpu.memref_squeeze %dma_start3A_120 : memref<1x80x128xf32, #tpu.memory_space<vmem>> -> memref<80x128xf32, #tpu.memory_space<vmem>>
      %dma_start3A_122 = arith.constant 0 : i32
      %dma_start3A_123 = tpu.memref_slice %arg9[%add3A_11, %dma_start3A_122] : memref<10112x128xf32, #tpu.memory_space<vmem_shared>> -> memref<80x128xf32, #tpu.memory_space<vmem_shared>>
      %dma_start3A_124 = arith.constant 0 : i32
      %dma_start3A_125 = tpu.memref_slice %arg9[%add3A_11, %dma_start3A_124] : memref<10112x128xf32, #tpu.memory_space<vmem_shared>> -> memref<80x128xf32, #tpu.memory_space<vmem_shared>>
      %dma_start3A_126 = arith.constant 0 : i32
      %dma_start3A_127 = arith.constant 0 : i32
      %dma_start3A_128 = tpu.memref_slice %arg8[%run_scoped3A_12, %dma_start3A_126, %dma_start3A_127] : memref<3x80x128xf32, #tpu.memory_space<vmem>> -> memref<1x80x128xf32, #tpu.memory_space<vmem>>
      %dma_start3A_129 = tpu.memref_squeeze %dma_start3A_128 : memref<1x80x128xf32, #tpu.memory_space<vmem>> -> memref<80x128xf32, #tpu.memory_space<vmem>>
      tpu.enqueue_dma source(%dma_start3A_129 : memref<80x128xf32, #tpu.memory_space<vmem>>) target(%dma_start3A_125 : memref<80x128xf32, #tpu.memory_space<vmem_shared>>) target_semaphore(%run_scoped3A_117 : memref<!tpu.dma_semaphore, #tpu.memory_space<semaphore_mem>>)
      %dma_wait3A_130 = arith.constant 0 : i32
      %dma_wait3A_131 = arith.constant 0 : i32
      %dma_wait3A_132 = tpu.memref_slice %arg8[%run_scoped3A_12, %dma_wait3A_130, %dma_wait3A_131] : memref<3x80x128xf32, #tpu.memory_space<vmem>> -> memref<1x80x128xf32, #tpu.memory_space<vmem>>
      %dma_wait3A_133 = tpu.memref_squeeze %dma_wait3A_132 : memref<1x80x128xf32, #tpu.memory_space<vmem>> -> memref<80x128xf32, #tpu.memory_space<vmem>>
      %dma_wait3A_134 = arith.constant 0 : i32
      %dma_wait3A_135 = tpu.memref_slice %arg9[%add3A_11, %dma_wait3A_134] : memref<10112x128xf32, #tpu.memory_space<vmem_shared>> -> memref<80x128xf32, #tpu.memory_space<vmem_shared>>
      %dma_wait3A_136 = arith.constant 0 : i32
      %dma_wait3A_137 = tpu.memref_slice %arg9[%add3A_11, %dma_wait3A_136] : memref<10112x128xf32, #tpu.memory_space<vmem_shared>> -> memref<80x128xf32, #tpu.memory_space<vmem_shared>>
      %dma_wait3A_138 = arith.constant 0 : i32
      %dma_wait3A_139 = arith.constant 0 : i32
      %dma_wait3A_140 = tpu.memref_slice %arg8[%run_scoped3A_12, %dma_wait3A_138, %dma_wait3A_139] : memref<3x80x128xf32, #tpu.memory_space<vmem>> -> memref<1x80x128xf32, #tpu.memory_space<vmem>>
      %dma_wait3A_141 = tpu.memref_squeeze %dma_wait3A_140 : memref<1x80x128xf32, #tpu.memory_space<vmem>> -> memref<80x128xf32, #tpu.memory_space<vmem>>
      tpu.wait_dma2 semaphore(%run_scoped3A_117 : memref<!tpu.dma_semaphore, #tpu.memory_space<semaphore_mem>>) src(%dma_wait3A_141 : memref<80x128xf32, #tpu.memory_space<vmem>>) dst(%dma_wait3A_137 : memref<80x128xf32, #tpu.memory_space<vmem_shared>>)
      tpu.yield
    }) : () -> ()
    %add3A_13 = arith.constant 240 : i32
    %add3A_14 = arith.addi %mul3A_5, %add3A_13 : i32
    %run_scoped3A_15 = arith.constant 0 : i32
    "tpu.region"() ({
      %run_scoped3A_117 = tpu.sem_alloc : memref<!tpu.dma_semaphore, #tpu.memory_space<semaphore_mem>>
      %dma_start3A_118 = arith.constant 0 : i32
      %dma_start3A_119 = arith.constant 0 : i32
      %dma_start3A_120 = tpu.memref_slice %arg8[%run_scoped3A_15, %dma_start3A_118, %dma_start3A_119] : memref<3x80x128xf32, #tpu.memory_space<vmem>> -> memref<1x80x128xf32, #tpu.memory_space<vmem>>
      %dma_start3A_121 = tpu.memref_squeeze %dma_start3A_120 : memref<1x80x128xf32, #tpu.memory_space<vmem>> -> memref<80x128xf32, #tpu.memory_space<vmem>>
      %dma_start3A_122 = arith.constant 0 : i32
      %dma_start3A_123 = tpu.memref_slice %arg9[%add3A_14, %dma_start3A_122] : memref<10112x128xf32, #tpu.memory_space<vmem_shared>> -> memref<80x128xf32, #tpu.memory_space<vmem_shared>>
      %dma_start3A_124 = arith.constant 0 : i32
      %dma_start3A_125 = tpu.memref_slice %arg9[%add3A_14, %dma_start3A_124] : memref<10112x128xf32, #tpu.memory_space<vmem_shared>> -> memref<80x128xf32, #tpu.memory_space<vmem_shared>>
      %dma_start3A_126 = arith.constant 0 : i32
      %dma_start3A_127 = arith.constant 0 : i32
      %dma_start3A_128 = tpu.memref_slice %arg8[%run_scoped3A_15, %dma_start3A_126, %dma_start3A_127] : memref<3x80x128xf32, #tpu.memory_space<vmem>> -> memref<1x80x128xf32, #tpu.memory_space<vmem>>
      %dma_start3A_129 = tpu.memref_squeeze %dma_start3A_128 : memref<1x80x128xf32, #tpu.memory_space<vmem>> -> memref<80x128xf32, #tpu.memory_space<vmem>>
      tpu.enqueue_dma source(%dma_start3A_129 : memref<80x128xf32, #tpu.memory_space<vmem>>) target(%dma_start3A_125 : memref<80x128xf32, #tpu.memory_space<vmem_shared>>) target_semaphore(%run_scoped3A_117 : memref<!tpu.dma_semaphore, #tpu.memory_space<semaphore_mem>>)
      %dma_wait3A_130 = arith.constant 0 : i32
      %dma_wait3A_131 = arith.constant 0 : i32
      %dma_wait3A_132 = tpu.memref_slice %arg8[%run_scoped3A_15, %dma_wait3A_130, %dma_wait3A_131] : memref<3x80x128xf32, #tpu.memory_space<vmem>> -> memref<1x80x128xf32, #tpu.memory_space<vmem>>
      %dma_wait3A_133 = tpu.memref_squeeze %dma_wait3A_132 : memref<1x80x128xf32, #tpu.memory_space<vmem>> -> memref<80x128xf32, #tpu.memory_space<vmem>>
      %dma_wait3A_134 = arith.constant 0 : i32
      %dma_wait3A_135 = tpu.memref_slice %arg9[%add3A_14, %dma_wait3A_134] : memref<10112x128xf32, #tpu.memory_space<vmem_shared>> -> memref<80x128xf32, #tpu.memory_space<vmem_shared>>
      %dma_wait3A_136 = arith.constant 0 : i32
      %dma_wait3A_137 = tpu.memref_slice %arg9[%add3A_14, %dma_wait3A_136] : memref<10112x128xf32, #tpu.memory_space<vmem_shared>> -> memref<80x128xf32, #tpu.memory_space<vmem_shared>>
      %dma_wait3A_138 = arith.constant 0 : i32
      %dma_wait3A_139 = arith.constant 0 : i32
      %dma_wait3A_140 = tpu.memref_slice %arg8[%run_scoped3A_15, %dma_wait3A_138, %dma_wait3A_139] : memref<3x80x128xf32, #tpu.memory_space<vmem>> -> memref<1x80x128xf32, #tpu.memory_space<vmem>>
      %dma_wait3A_141 = tpu.memref_squeeze %dma_wait3A_140 : memref<1x80x128xf32, #tpu.memory_space<vmem>> -> memref<80x128xf32, #tpu.memory_space<vmem>>
      tpu.wait_dma2 semaphore(%run_scoped3A_117 : memref<!tpu.dma_semaphore, #tpu.memory_space<semaphore_mem>>) src(%dma_wait3A_141 : memref<80x128xf32, #tpu.memory_space<vmem>>) dst(%dma_wait3A_137 : memref<80x128xf32, #tpu.memory_space<vmem_shared>>)
      tpu.yield
    }) : () -> ()
    %add3A_16 = arith.constant 320 : i32
    %add3A_17 = arith.addi %mul3A_5, %add3A_16 : i32
    %run_scoped3A_18 = arith.constant 0 : i32
    "tpu.region"() ({
      %run_scoped3A_117 = tpu.sem_alloc : memref<!tpu.dma_semaphore, #tpu.memory_space<semaphore_mem>>
      %dma_start3A_118 = arith.constant 0 : i32
      %dma_start3A_119 = arith.constant 0 : i32
      %dma_start3A_120 = tpu.memref_slice %arg8[%run_scoped3A_18, %dma_start3A_118, %dma_start3A_119] : memref<3x80x128xf32, #tpu.memory_space<vmem>> -> memref<1x80x128xf32, #tpu.memory_space<vmem>>
      %dma_start3A_121 = tpu.memref_squeeze %dma_start3A_120 : memref<1x80x128xf32, #tpu.memory_space<vmem>> -> memref<80x128xf32, #tpu.memory_space<vmem>>
      %dma_start3A_122 = arith.constant 0 : i32
      %dma_start3A_123 = tpu.memref_slice %arg9[%add3A_17, %dma_start3A_122] : memref<10112x128xf32, #tpu.memory_space<vmem_shared>> -> memref<80x128xf32, #tpu.memory_space<vmem_shared>>
      %dma_start3A_124 = arith.constant 0 : i32
      %dma_start3A_125 = tpu.memref_slice %arg9[%add3A_17, %dma_start3A_124] : memref<10112x128xf32, #tpu.memory_space<vmem_shared>> -> memref<80x128xf32, #tpu.memory_space<vmem_shared>>
      %dma_start3A_126 = arith.constant 0 : i32
      %dma_start3A_127 = arith.constant 0 : i32
      %dma_start3A_128 = tpu.memref_slice %arg8[%run_scoped3A_18, %dma_start3A_126, %dma_start3A_127] : memref<3x80x128xf32, #tpu.memory_space<vmem>> -> memref<1x80x128xf32, #tpu.memory_space<vmem>>
      %dma_start3A_129 = tpu.memref_squeeze %dma_start3A_128 : memref<1x80x128xf32, #tpu.memory_space<vmem>> -> memref<80x128xf32, #tpu.memory_space<vmem>>
      tpu.enqueue_dma source(%dma_start3A_129 : memref<80x128xf32, #tpu.memory_space<vmem>>) target(%dma_start3A_125 : memref<80x128xf32, #tpu.memory_space<vmem_shared>>) target_semaphore(%run_scoped3A_117 : memref<!tpu.dma_semaphore, #tpu.memory_space<semaphore_mem>>)
      %dma_wait3A_130 = arith.constant 0 : i32
      %dma_wait3A_131 = arith.constant 0 : i32
      %dma_wait3A_132 = tpu.memref_slice %arg8[%run_scoped3A_18, %dma_wait3A_130, %dma_wait3A_131] : memref<3x80x128xf32, #tpu.memory_space<vmem>> -> memref<1x80x128xf32, #tpu.memory_space<vmem>>
      %dma_wait3A_133 = tpu.memref_squeeze %dma_wait3A_132 : memref<1x80x128xf32, #tpu.memory_space<vmem>> -> memref<80x128xf32, #tpu.memory_space<vmem>>
      %dma_wait3A_134 = arith.constant 0 : i32
      %dma_wait3A_135 = tpu.memref_slice %arg9[%add3A_17, %dma_wait3A_134] : memref<10112x128xf32, #tpu.memory_space<vmem_shared>> -> memref<80x128xf32, #tpu.memory_space<vmem_shared>>
      %dma_wait3A_136 = arith.constant 0 : i32
      %dma_wait3A_137 = tpu.memref_slice %arg9[%add3A_17, %dma_wait3A_136] : memref<10112x128xf32, #tpu.memory_space<vmem_shared>> -> memref<80x128xf32, #tpu.memory_space<vmem_shared>>
      %dma_wait3A_138 = arith.constant 0 : i32
      %dma_wait3A_139 = arith.constant 0 : i32
      %dma_wait3A_140 = tpu.memref_slice %arg8[%run_scoped3A_18, %dma_wait3A_138, %dma_wait3A_139] : memref<3x80x128xf32, #tpu.memory_space<vmem>> -> memref<1x80x128xf32, #tpu.memory_space<vmem>>
      %dma_wait3A_141 = tpu.memref_squeeze %dma_wait3A_140 : memref<1x80x128xf32, #tpu.memory_space<vmem>> -> memref<80x128xf32, #tpu.memory_space<vmem>>
      tpu.wait_dma2 semaphore(%run_scoped3A_117 : memref<!tpu.dma_semaphore, #tpu.memory_space<semaphore_mem>>) src(%dma_wait3A_141 : memref<80x128xf32, #tpu.memory_space<vmem>>) dst(%dma_wait3A_137 : memref<80x128xf32, #tpu.memory_space<vmem_shared>>)
      tpu.yield
    }) : () -> ()
    %add3A_19 = arith.constant 400 : i32
    %add3A_20 = arith.addi %mul3A_5, %add3A_19 : i32
    %run_scoped3A_21 = arith.constant 0 : i32
    "tpu.region"() ({
      %run_scoped3A_117 = tpu.sem_alloc : memref<!tpu.dma_semaphore, #tpu.memory_space<semaphore_mem>>
      %dma_start3A_118 = arith.constant 0 : i32
      %dma_start3A_119 = arith.constant 0 : i32
      %dma_start3A_120 = tpu.memref_slice %arg8[%run_scoped3A_21, %dma_start3A_118, %dma_start3A_119] : memref<3x80x128xf32, #tpu.memory_space<vmem>> -> memref<1x80x128xf32, #tpu.memory_space<vmem>>
      %dma_start3A_121 = tpu.memref_squeeze %dma_start3A_120 : memref<1x80x128xf32, #tpu.memory_space<vmem>> -> memref<80x128xf32, #tpu.memory_space<vmem>>
      %dma_start3A_122 = arith.constant 0 : i32
      %dma_start3A_123 = tpu.memref_slice %arg9[%add3A_20, %dma_start3A_122] : memref<10112x128xf32, #tpu.memory_space<vmem_shared>> -> memref<80x128xf32, #tpu.memory_space<vmem_shared>>
      %dma_start3A_124 = arith.constant 0 : i32
      %dma_start3A_125 = tpu.memref_slice %arg9[%add3A_20, %dma_start3A_124] : memref<10112x128xf32, #tpu.memory_space<vmem_shared>> -> memref<80x128xf32, #tpu.memory_space<vmem_shared>>
      %dma_start3A_126 = arith.constant 0 : i32
      %dma_start3A_127 = arith.constant 0 : i32
      %dma_start3A_128 = tpu.memref_slice %arg8[%run_scoped3A_21, %dma_start3A_126, %dma_start3A_127] : memref<3x80x128xf32, #tpu.memory_space<vmem>> -> memref<1x80x128xf32, #tpu.memory_space<vmem>>
      %dma_start3A_129 = tpu.memref_squeeze %dma_start3A_128 : memref<1x80x128xf32, #tpu.memory_space<vmem>> -> memref<80x128xf32, #tpu.memory_space<vmem>>
      tpu.enqueue_dma source(%dma_start3A_129 : memref<80x128xf32, #tpu.memory_space<vmem>>) target(%dma_start3A_125 : memref<80x128xf32, #tpu.memory_space<vmem_shared>>) target_semaphore(%run_scoped3A_117 : memref<!tpu.dma_semaphore, #tpu.memory_space<semaphore_mem>>)
      %dma_wait3A_130 = arith.constant 0 : i32
      %dma_wait3A_131 = arith.constant 0 : i32
      %dma_wait3A_132 = tpu.memref_slice %arg8[%run_scoped3A_21, %dma_wait3A_130, %dma_wait3A_131] : memref<3x80x128xf32, #tpu.memory_space<vmem>> -> memref<1x80x128xf32, #tpu.memory_space<vmem>>
      %dma_wait3A_133 = tpu.memref_squeeze %dma_wait3A_132 : memref<1x80x128xf32, #tpu.memory_space<vmem>> -> memref<80x128xf32, #tpu.memory_space<vmem>>
      %dma_wait3A_134 = arith.constant 0 : i32
      %dma_wait3A_135 = tpu.memref_slice %arg9[%add3A_20, %dma_wait3A_134] : memref<10112x128xf32, #tpu.memory_space<vmem_shared>> -> memref<80x128xf32, #tpu.memory_space<vmem_shared>>
      %dma_wait3A_136 = arith.constant 0 : i32
      %dma_wait3A_137 = tpu.memref_slice %arg9[%add3A_20, %dma_wait3A_136] : memref<10112x128xf32, #tpu.memory_space<vmem_shared>> -> memref<80x128xf32, #tpu.memory_space<vmem_shared>>
      %dma_wait3A_138 = arith.constant 0 : i32
      %dma_wait3A_139 = arith.constant 0 : i32
      %dma_wait3A_140 = tpu.memref_slice %arg8[%run_scoped3A_21, %dma_wait3A_138, %dma_wait3A_139] : memref<3x80x128xf32, #tpu.memory_space<vmem>> -> memref<1x80x128xf32, #tpu.memory_space<vmem>>
      %dma_wait3A_141 = tpu.memref_squeeze %dma_wait3A_140 : memref<1x80x128xf32, #tpu.memory_space<vmem>> -> memref<80x128xf32, #tpu.memory_space<vmem>>
      tpu.wait_dma2 semaphore(%run_scoped3A_117 : memref<!tpu.dma_semaphore, #tpu.memory_space<semaphore_mem>>) src(%dma_wait3A_141 : memref<80x128xf32, #tpu.memory_space<vmem>>) dst(%dma_wait3A_137 : memref<80x128xf32, #tpu.memory_space<vmem_shared>>)
      tpu.yield
    }) : () -> ()
    %add3A_22 = arith.constant 480 : i32
    %add3A_23 = arith.addi %mul3A_5, %add3A_22 : i32
    %run_scoped3A_24 = arith.constant 0 : i32
    "tpu.region"() ({
      %run_scoped3A_117 = tpu.sem_alloc : memref<!tpu.dma_semaphore, #tpu.memory_space<semaphore_mem>>
      %dma_start3A_118 = arith.constant 0 : i32
      %dma_start3A_119 = arith.constant 0 : i32
      %dma_start3A_120 = tpu.memref_slice %arg8[%run_scoped3A_24, %dma_start3A_118, %dma_start3A_119] : memref<3x80x128xf32, #tpu.memory_space<vmem>> -> memref<1x80x128xf32, #tpu.memory_space<vmem>>
      %dma_start3A_121 = tpu.memref_squeeze %dma_start3A_120 : memref<1x80x128xf32, #tpu.memory_space<vmem>> -> memref<80x128xf32, #tpu.memory_space<vmem>>
      %dma_start3A_122 = arith.constant 0 : i32
      %dma_start3A_123 = tpu.memref_slice %arg9[%add3A_23, %dma_start3A_122] : memref<10112x128xf32, #tpu.memory_space<vmem_shared>> -> memref<80x128xf32, #tpu.memory_space<vmem_shared>>
      %dma_start3A_124 = arith.constant 0 : i32
      %dma_start3A_125 = tpu.memref_slice %arg9[%add3A_23, %dma_start3A_124] : memref<10112x128xf32, #tpu.memory_space<vmem_shared>> -> memref<80x128xf32, #tpu.memory_space<vmem_shared>>
      %dma_start3A_126 = arith.constant 0 : i32
      %dma_start3A_127 = arith.constant 0 : i32
      %dma_start3A_128 = tpu.memref_slice %arg8[%run_scoped3A_24, %dma_start3A_126, %dma_start3A_127] : memref<3x80x128xf32, #tpu.memory_space<vmem>> -> memref<1x80x128xf32, #tpu.memory_space<vmem>>
      %dma_start3A_129 = tpu.memref_squeeze %dma_start3A_128 : memref<1x80x128xf32, #tpu.memory_space<vmem>> -> memref<80x128xf32, #tpu.memory_space<vmem>>
      tpu.enqueue_dma source(%dma_start3A_129 : memref<80x128xf32, #tpu.memory_space<vmem>>) target(%dma_start3A_125 : memref<80x128xf32, #tpu.memory_space<vmem_shared>>) target_semaphore(%run_scoped3A_117 : memref<!tpu.dma_semaphore, #tpu.memory_space<semaphore_mem>>)
      %dma_wait3A_130 = arith.constant 0 : i32
      %dma_wait3A_131 = arith.constant 0 : i32
      %dma_wait3A_132 = tpu.memref_slice %arg8[%run_scoped3A_24, %dma_wait3A_130, %dma_wait3A_131] : memref<3x80x128xf32, #tpu.memory_space<vmem>> -> memref<1x80x128xf32, #tpu.memory_space<vmem>>
      %dma_wait3A_133 = tpu.memref_squeeze %dma_wait3A_132 : memref<1x80x128xf32, #tpu.memory_space<vmem>> -> memref<80x128xf32, #tpu.memory_space<vmem>>
      %dma_wait3A_134 = arith.constant 0 : i32
      %dma_wait3A_135 = tpu.memref_slice %arg9[%add3A_23, %dma_wait3A_134] : memref<10112x128xf32, #tpu.memory_space<vmem_shared>> -> memref<80x128xf32, #tpu.memory_space<vmem_shared>>
      %dma_wait3A_136 = arith.constant 0 : i32
      %dma_wait3A_137 = tpu.memref_slice %arg9[%add3A_23, %dma_wait3A_136] : memref<10112x128xf32, #tpu.memory_space<vmem_shared>> -> memref<80x128xf32, #tpu.memory_space<vmem_shared>>
      %dma_wait3A_138 = arith.constant 0 : i32
      %dma_wait3A_139 = arith.constant 0 : i32
      %dma_wait3A_140 = tpu.memref_slice %arg8[%run_scoped3A_24, %dma_wait3A_138, %dma_wait3A_139] : memref<3x80x128xf32, #tpu.memory_space<vmem>> -> memref<1x80x128xf32, #tpu.memory_space<vmem>>
      %dma_wait3A_141 = tpu.memref_squeeze %dma_wait3A_140 : memref<1x80x128xf32, #tpu.memory_space<vmem>> -> memref<80x128xf32, #tpu.memory_space<vmem>>
      tpu.wait_dma2 semaphore(%run_scoped3A_117 : memref<!tpu.dma_semaphore, #tpu.memory_space<semaphore_mem>>) src(%dma_wait3A_141 : memref<80x128xf32, #tpu.memory_space<vmem>>) dst(%dma_wait3A_137 : memref<80x128xf32, #tpu.memory_space<vmem_shared>>)
      tpu.yield
    }) : () -> ()
    %add3A_25 = arith.constant 560 : i32
    %add3A_26 = arith.addi %mul3A_5, %add3A_25 : i32
    %run_scoped3A_27 = arith.constant 0 : i32
    "tpu.region"() ({
      %run_scoped3A_117 = tpu.sem_alloc : memref<!tpu.dma_semaphore, #tpu.memory_space<semaphore_mem>>
      %dma_start3A_118 = arith.constant 0 : i32
      %dma_start3A_119 = arith.constant 0 : i32
      %dma_start3A_120 = tpu.memref_slice %arg8[%run_scoped3A_27, %dma_start3A_118, %dma_start3A_119] : memref<3x80x128xf32, #tpu.memory_space<vmem>> -> memref<1x72x128xf32, #tpu.memory_space<vmem>>
      %dma_start3A_121 = tpu.memref_squeeze %dma_start3A_120 : memref<1x72x128xf32, #tpu.memory_space<vmem>> -> memref<72x128xf32, #tpu.memory_space<vmem>>
      %dma_start3A_122 = arith.constant 0 : i32
      %dma_start3A_123 = tpu.memref_slice %arg9[%add3A_26, %dma_start3A_122] : memref<10112x128xf32, #tpu.memory_space<vmem_shared>> -> memref<72x128xf32, #tpu.memory_space<vmem_shared>>
      %dma_start3A_124 = arith.constant 0 : i32
      %dma_start3A_125 = tpu.memref_slice %arg9[%add3A_26, %dma_start3A_124] : memref<10112x128xf32, #tpu.memory_space<vmem_shared>> -> memref<72x128xf32, #tpu.memory_space<vmem_shared>>
      %dma_start3A_126 = arith.constant 0 : i32
      %dma_start3A_127 = arith.constant 0 : i32
      %dma_start3A_128 = tpu.memref_slice %arg8[%run_scoped3A_27, %dma_start3A_126, %dma_start3A_127] : memref<3x80x128xf32, #tpu.memory_space<vmem>> -> memref<1x72x128xf32, #tpu.memory_space<vmem>>
      %dma_start3A_129 = tpu.memref_squeeze %dma_start3A_128 : memref<1x72x128xf32, #tpu.memory_space<vmem>> -> memref<72x128xf32, #tpu.memory_space<vmem>>
      tpu.enqueue_dma source(%dma_start3A_129 : memref<72x128xf32, #tpu.memory_space<vmem>>) target(%dma_start3A_125 : memref<72x128xf32, #tpu.memory_space<vmem_shared>>) target_semaphore(%run_scoped3A_117 : memref<!tpu.dma_semaphore, #tpu.memory_space<semaphore_mem>>)
      %dma_wait3A_130 = arith.constant 0 : i32
      %dma_wait3A_131 = arith.constant 0 : i32
      %dma_wait3A_132 = tpu.memref_slice %arg8[%run_scoped3A_27, %dma_wait3A_130, %dma_wait3A_131] : memref<3x80x128xf32, #tpu.memory_space<vmem>> -> memref<1x72x128xf32, #tpu.memory_space<vmem>>
      %dma_wait3A_133 = tpu.memref_squeeze %dma_wait3A_132 : memref<1x72x128xf32, #tpu.memory_space<vmem>> -> memref<72x128xf32, #tpu.memory_space<vmem>>
      %dma_wait3A_134 = arith.constant 0 : i32
      %dma_wait3A_135 = tpu.memref_slice %arg9[%add3A_26, %dma_wait3A_134] : memref<10112x128xf32, #tpu.memory_space<vmem_shared>> -> memref<72x128xf32, #tpu.memory_space<vmem_shared>>
      %dma_wait3A_136 = arith.constant 0 : i32
      %dma_wait3A_137 = tpu.memref_slice %arg9[%add3A_26, %dma_wait3A_136] : memref<10112x128xf32, #tpu.memory_space<vmem_shared>> -> memref<72x128xf32, #tpu.memory_space<vmem_shared>>
      %dma_wait3A_138 = arith.constant 0 : i32
      %dma_wait3A_139 = arith.constant 0 : i32
      %dma_wait3A_140 = tpu.memref_slice %arg8[%run_scoped3A_27, %dma_wait3A_138, %dma_wait3A_139] : memref<3x80x128xf32, #tpu.memory_space<vmem>> -> memref<1x72x128xf32, #tpu.memory_space<vmem>>
      %dma_wait3A_141 = tpu.memref_squeeze %dma_wait3A_140 : memref<1x72x128xf32, #tpu.memory_space<vmem>> -> memref<72x128xf32, #tpu.memory_space<vmem>>
      tpu.wait_dma2 semaphore(%run_scoped3A_117 : memref<!tpu.dma_semaphore, #tpu.memory_space<semaphore_mem>>) src(%dma_wait3A_141 : memref<72x128xf32, #tpu.memory_space<vmem>>) dst(%dma_wait3A_137 : memref<72x128xf32, #tpu.memory_space<vmem_shared>>)
      tpu.yield
    }) : () -> ()
    %barrier3A = arith.constant 0 : index
    tpu.barrier barrier_id(%barrier3A)
    %eq3A = arith.constant 0 : i32
    %eq3A_28 = arith.cmpi eq, %arg0, %eq3A : i32
    %eq3A_29 = arith.constant 1 : i32
    %eq3A_30 = arith.cmpi eq, %arg0, %eq3A_29 : i32
    %convert_element_type3A = arith.extui %eq3A_28 : i1 to i32
    %cond3A = arith.constant 0 : i32
    %cond3A_31 = arith.cmpi ne, %convert_element_type3A, %cond3A : i32
    scf.if %cond3A_31 {
      %dma_start3A_117 = arith.constant 0 : i32
      %dma_start3A_118 = arith.constant 0 : i32
      %dma_start3A_119 = arith.constant 0 : i32
      %dma_start3A_120 = arith.constant 0 : i32
      %dma_start3A_121 = arith.constant 0 : i32
      %dma_start3A_122 = tpu.memref_slice %arg6[%dma_start3A_119, %dma_start3A_120, %dma_start3A_121] : memref<2x25x80xi32, #tpu.memory_space<vmem>> -> memref<1x25x80xi32, #tpu.memory_space<vmem>>
      %dma_start3A_123 = tpu.memref_squeeze %dma_start3A_122 : memref<1x25x80xi32, #tpu.memory_space<vmem>> -> memref<25x80xi32, #tpu.memory_space<vmem>>
      %dma_start3A_124 = arith.constant 0 : i32
      %dma_start3A_125 = arith.constant 0 : i32
      %dma_start3A_126 = tpu.memref_slice %arg3[%dma_start3A_117, %arg1, %dma_start3A_118, %dma_start3A_124, %dma_start3A_125] : memref<2x16x10x25x80xi32, #tpu.memory_space<hbm>> -> memref<1x1x1x25x80xi32, #tpu.memory_space<hbm>>
      %dma_start3A_127 = tpu.memref_squeeze %dma_start3A_126 : memref<1x1x1x25x80xi32, #tpu.memory_space<hbm>> -> memref<25x80xi32, #tpu.memory_space<hbm>>
      %dma_start3A_128 = arith.constant 0 : i32
      %dma_start3A_129 = arith.constant 0 : i32
      %dma_start3A_130 = tpu.memref_slice %arg6[%dma_start3A_119, %dma_start3A_128, %dma_start3A_129] : memref<2x25x80xi32, #tpu.memory_space<vmem>> -> memref<1x25x80xi32, #tpu.memory_space<vmem>>
      %dma_start3A_131 = tpu.memref_squeeze %dma_start3A_130 : memref<1x25x80xi32, #tpu.memory_space<vmem>> -> memref<25x80xi32, #tpu.memory_space<vmem>>
      %dma_start3A_132 = arith.constant 0 : i32
      %dma_start3A_133 = arith.constant 0 : i32
      %dma_start3A_134 = tpu.memref_slice %arg3[%dma_start3A_117, %arg1, %dma_start3A_118, %dma_start3A_132, %dma_start3A_133] : memref<2x16x10x25x80xi32, #tpu.memory_space<hbm>> -> memref<1x1x1x25x80xi32, #tpu.memory_space<hbm>>
      %dma_start3A_135 = tpu.memref_squeeze %dma_start3A_134 : memref<1x1x1x25x80xi32, #tpu.memory_space<hbm>> -> memref<25x80xi32, #tpu.memory_space<hbm>>
      tpu.enqueue_dma source(%dma_start3A_135 : memref<25x80xi32, #tpu.memory_space<hbm>>) target(%dma_start3A_131 : memref<25x80xi32, #tpu.memory_space<vmem>>) target_semaphore(%arg12 : memref<!tpu.dma_semaphore, #tpu.memory_space<semaphore_mem>>)
      %dma_wait3A_136 = arith.constant 0 : i32
      %dma_wait3A_137 = arith.constant 0 : i32
      %dma_wait3A_138 = arith.constant 0 : i32
      %dma_wait3A_139 = arith.constant 0 : i32
      %dma_wait3A_140 = arith.constant 0 : i32
      %dma_wait3A_141 = tpu.memref_slice %arg6[%dma_wait3A_138, %dma_wait3A_139, %dma_wait3A_140] : memref<2x25x80xi32, #tpu.memory_space<vmem>> -> memref<1x25x80xi32, #tpu.memory_space<vmem>>
      %dma_wait3A_142 = tpu.memref_squeeze %dma_wait3A_141 : memref<1x25x80xi32, #tpu.memory_space<vmem>> -> memref<25x80xi32, #tpu.memory_space<vmem>>
      %dma_wait3A_143 = arith.constant 0 : i32
      %dma_wait3A_144 = arith.constant 0 : i32
      %dma_wait3A_145 = tpu.memref_slice %arg3[%dma_wait3A_136, %arg1, %dma_wait3A_137, %dma_wait3A_143, %dma_wait3A_144] : memref<2x16x10x25x80xi32, #tpu.memory_space<hbm>> -> memref<1x1x1x25x80xi32, #tpu.memory_space<hbm>>
      %dma_wait3A_146 = tpu.memref_squeeze %dma_wait3A_145 : memref<1x1x1x25x80xi32, #tpu.memory_space<hbm>> -> memref<25x80xi32, #tpu.memory_space<hbm>>
      %dma_wait3A_147 = arith.constant 0 : i32
      %dma_wait3A_148 = arith.constant 0 : i32
      %dma_wait3A_149 = tpu.memref_slice %arg6[%dma_wait3A_138, %dma_wait3A_147, %dma_wait3A_148] : memref<2x25x80xi32, #tpu.memory_space<vmem>> -> memref<1x25x80xi32, #tpu.memory_space<vmem>>
      %dma_wait3A_150 = tpu.memref_squeeze %dma_wait3A_149 : memref<1x25x80xi32, #tpu.memory_space<vmem>> -> memref<25x80xi32, #tpu.memory_space<vmem>>
      %dma_wait3A_151 = arith.constant 0 : i32
      %dma_wait3A_152 = arith.constant 0 : i32
      %dma_wait3A_153 = tpu.memref_slice %arg3[%dma_wait3A_136, %arg1, %dma_wait3A_137, %dma_wait3A_151, %dma_wait3A_152] : memref<2x16x10x25x80xi32, #tpu.memory_space<hbm>> -> memref<1x1x1x25x80xi32, #tpu.memory_space<hbm>>
      %dma_wait3A_154 = tpu.memref_squeeze %dma_wait3A_153 : memref<1x1x1x25x80xi32, #tpu.memory_space<hbm>> -> memref<25x80xi32, #tpu.memory_space<hbm>>
      tpu.wait_dma2 semaphore(%arg12 : memref<!tpu.dma_semaphore, #tpu.memory_space<semaphore_mem>>) src(%dma_wait3A_154 : memref<25x80xi32, #tpu.memory_space<hbm>>) dst(%dma_wait3A_150 : memref<25x80xi32, #tpu.memory_space<vmem>>)
    } else {
    }
    %convert_element_type3A_32 = arith.extui %eq3A_28 : i1 to i32
    %cond3A_33 = arith.constant 0 : i32
    %cond3A_34 = arith.cmpi ne, %convert_element_type3A_32, %cond3A_33 : i32
    scf.if %cond3A_34 {
      %dma_start3A_117 = arith.constant 1 : i32
      %dma_start3A_118 = arith.constant 0 : i32
      %dma_start3A_119 = arith.constant 0 : i32
      %dma_start3A_120 = arith.constant 0 : i32
      %dma_start3A_121 = arith.constant 0 : i32
      %dma_start3A_122 = tpu.memref_slice %arg7[%dma_start3A_119, %dma_start3A_120, %dma_start3A_121] : memref<2x25x80xi32, #tpu.memory_space<vmem>> -> memref<1x25x80xi32, #tpu.memory_space<vmem>>
      %dma_start3A_123 = tpu.memref_squeeze %dma_start3A_122 : memref<1x25x80xi32, #tpu.memory_space<vmem>> -> memref<25x80xi32, #tpu.memory_space<vmem>>
      %dma_start3A_124 = arith.constant 0 : i32
      %dma_start3A_125 = arith.constant 0 : i32
      %dma_start3A_126 = tpu.memref_slice %arg3[%dma_start3A_117, %arg1, %dma_start3A_118, %dma_start3A_124, %dma_start3A_125] : memref<2x16x10x25x80xi32, #tpu.memory_space<hbm>> -> memref<1x1x1x25x80xi32, #tpu.memory_space<hbm>>
      %dma_start3A_127 = tpu.memref_squeeze %dma_start3A_126 : memref<1x1x1x25x80xi32, #tpu.memory_space<hbm>> -> memref<25x80xi32, #tpu.memory_space<hbm>>
      %dma_start3A_128 = arith.constant 0 : i32
      %dma_start3A_129 = arith.constant 0 : i32
      %dma_start3A_130 = tpu.memref_slice %arg7[%dma_start3A_119, %dma_start3A_128, %dma_start3A_129] : memref<2x25x80xi32, #tpu.memory_space<vmem>> -> memref<1x25x80xi32, #tpu.memory_space<vmem>>
      %dma_start3A_131 = tpu.memref_squeeze %dma_start3A_130 : memref<1x25x80xi32, #tpu.memory_space<vmem>> -> memref<25x80xi32, #tpu.memory_space<vmem>>
      %dma_start3A_132 = arith.constant 0 : i32
      %dma_start3A_133 = arith.constant 0 : i32
      %dma_start3A_134 = tpu.memref_slice %arg3[%dma_start3A_117, %arg1, %dma_start3A_118, %dma_start3A_132, %dma_start3A_133] : memref<2x16x10x25x80xi32, #tpu.memory_space<hbm>> -> memref<1x1x1x25x80xi32, #tpu.memory_space<hbm>>
      %dma_start3A_135 = tpu.memref_squeeze %dma_start3A_134 : memref<1x1x1x25x80xi32, #tpu.memory_space<hbm>> -> memref<25x80xi32, #tpu.memory_space<hbm>>
      tpu.enqueue_dma source(%dma_start3A_135 : memref<25x80xi32, #tpu.memory_space<hbm>>) target(%dma_start3A_131 : memref<25x80xi32, #tpu.memory_space<vmem>>) target_semaphore(%arg12 : memref<!tpu.dma_semaphore, #tpu.memory_space<semaphore_mem>>)
      %dma_wait3A_136 = arith.constant 1 : i32
      %dma_wait3A_137 = arith.constant 0 : i32
      %dma_wait3A_138 = arith.constant 0 : i32
      %dma_wait3A_139 = arith.constant 0 : i32
      %dma_wait3A_140 = arith.constant 0 : i32
      %dma_wait3A_141 = tpu.memref_slice %arg7[%dma_wait3A_138, %dma_wait3A_139, %dma_wait3A_140] : memref<2x25x80xi32, #tpu.memory_space<vmem>> -> memref<1x25x80xi32, #tpu.memory_space<vmem>>
      %dma_wait3A_142 = tpu.memref_squeeze %dma_wait3A_141 : memref<1x25x80xi32, #tpu.memory_space<vmem>> -> memref<25x80xi32, #tpu.memory_space<vmem>>
      %dma_wait3A_143 = arith.constant 0 : i32
      %dma_wait3A_144 = arith.constant 0 : i32
      %dma_wait3A_145 = tpu.memref_slice %arg3[%dma_wait3A_136, %arg1, %dma_wait3A_137, %dma_wait3A_143, %dma_wait3A_144] : memref<2x16x10x25x80xi32, #tpu.memory_space<hbm>> -> memref<1x1x1x25x80xi32, #tpu.memory_space<hbm>>
      %dma_wait3A_146 = tpu.memref_squeeze %dma_wait3A_145 : memref<1x1x1x25x80xi32, #tpu.memory_space<hbm>> -> memref<25x80xi32, #tpu.memory_space<hbm>>
      %dma_wait3A_147 = arith.constant 0 : i32
      %dma_wait3A_148 = arith.constant 0 : i32
      %dma_wait3A_149 = tpu.memref_slice %arg7[%dma_wait3A_138, %dma_wait3A_147, %dma_wait3A_148] : memref<2x25x80xi32, #tpu.memory_space<vmem>> -> memref<1x25x80xi32, #tpu.memory_space<vmem>>
      %dma_wait3A_150 = tpu.memref_squeeze %dma_wait3A_149 : memref<1x25x80xi32, #tpu.memory_space<vmem>> -> memref<25x80xi32, #tpu.memory_space<vmem>>
      %dma_wait3A_151 = arith.constant 0 : i32
      %dma_wait3A_152 = arith.constant 0 : i32
      %dma_wait3A_153 = tpu.memref_slice %arg3[%dma_wait3A_136, %arg1, %dma_wait3A_137, %dma_wait3A_151, %dma_wait3A_152] : memref<2x16x10x25x80xi32, #tpu.memory_space<hbm>> -> memref<1x1x1x25x80xi32, #tpu.memory_space<hbm>>
      %dma_wait3A_154 = tpu.memref_squeeze %dma_wait3A_153 : memref<1x1x1x25x80xi32, #tpu.memory_space<hbm>> -> memref<25x80xi32, #tpu.memory_space<hbm>>
      tpu.wait_dma2 semaphore(%arg12 : memref<!tpu.dma_semaphore, #tpu.memory_space<semaphore_mem>>) src(%dma_wait3A_154 : memref<25x80xi32, #tpu.memory_space<hbm>>) dst(%dma_wait3A_150 : memref<25x80xi32, #tpu.memory_space<vmem>>)
    } else {
    }
    %convert_element_type3A_35 = arith.extui %eq3A_30 : i1 to i32
    %cond3A_36 = arith.constant 0 : i32
    %cond3A_37 = arith.cmpi ne, %convert_element_type3A_35, %cond3A_36 : i32
    scf.if %cond3A_37 {
      %dma_start3A_117 = arith.constant 0 : i32
      %dma_start3A_118 = arith.constant 0 : i32
      %dma_start3A_119 = arith.constant 0 : i32
      %dma_start3A_120 = arith.constant 0 : i32
      %dma_start3A_121 = arith.constant 0 : i32
      %dma_start3A_122 = tpu.memref_slice %arg6[%dma_start3A_119, %dma_start3A_120, %dma_start3A_121] : memref<2x25x80xi32, #tpu.memory_space<vmem>> -> memref<1x25x80xi32, #tpu.memory_space<vmem>>
      %dma_start3A_123 = tpu.memref_squeeze %dma_start3A_122 : memref<1x25x80xi32, #tpu.memory_space<vmem>> -> memref<25x80xi32, #tpu.memory_space<vmem>>
      %dma_start3A_124 = arith.constant 0 : i32
      %dma_start3A_125 = arith.constant 0 : i32
      %dma_start3A_126 = tpu.memref_slice %arg4[%dma_start3A_117, %arg1, %dma_start3A_118, %dma_start3A_124, %dma_start3A_125] : memref<2x16x10x25x80xi32, #tpu.memory_space<hbm>> -> memref<1x1x1x25x80xi32, #tpu.memory_space<hbm>>
      %dma_start3A_127 = tpu.memref_squeeze %dma_start3A_126 : memref<1x1x1x25x80xi32, #tpu.memory_space<hbm>> -> memref<25x80xi32, #tpu.memory_space<hbm>>
      %dma_start3A_128 = arith.constant 0 : i32
      %dma_start3A_129 = arith.constant 0 : i32
      %dma_start3A_130 = tpu.memref_slice %arg6[%dma_start3A_119, %dma_start3A_128, %dma_start3A_129] : memref<2x25x80xi32, #tpu.memory_space<vmem>> -> memref<1x25x80xi32, #tpu.memory_space<vmem>>
      %dma_start3A_131 = tpu.memref_squeeze %dma_start3A_130 : memref<1x25x80xi32, #tpu.memory_space<vmem>> -> memref<25x80xi32, #tpu.memory_space<vmem>>
      %dma_start3A_132 = arith.constant 0 : i32
      %dma_start3A_133 = arith.constant 0 : i32
      %dma_start3A_134 = tpu.memref_slice %arg4[%dma_start3A_117, %arg1, %dma_start3A_118, %dma_start3A_132, %dma_start3A_133] : memref<2x16x10x25x80xi32, #tpu.memory_space<hbm>> -> memref<1x1x1x25x80xi32, #tpu.memory_space<hbm>>
      %dma_start3A_135 = tpu.memref_squeeze %dma_start3A_134 : memref<1x1x1x25x80xi32, #tpu.memory_space<hbm>> -> memref<25x80xi32, #tpu.memory_space<hbm>>
      tpu.enqueue_dma source(%dma_start3A_135 : memref<25x80xi32, #tpu.memory_space<hbm>>) target(%dma_start3A_131 : memref<25x80xi32, #tpu.memory_space<vmem>>) target_semaphore(%arg12 : memref<!tpu.dma_semaphore, #tpu.memory_space<semaphore_mem>>)
      %dma_wait3A_136 = arith.constant 0 : i32
      %dma_wait3A_137 = arith.constant 0 : i32
      %dma_wait3A_138 = arith.constant 0 : i32
      %dma_wait3A_139 = arith.constant 0 : i32
      %dma_wait3A_140 = arith.constant 0 : i32
      %dma_wait3A_141 = tpu.memref_slice %arg6[%dma_wait3A_138, %dma_wait3A_139, %dma_wait3A_140] : memref<2x25x80xi32, #tpu.memory_space<vmem>> -> memref<1x25x80xi32, #tpu.memory_space<vmem>>
      %dma_wait3A_142 = tpu.memref_squeeze %dma_wait3A_141 : memref<1x25x80xi32, #tpu.memory_space<vmem>> -> memref<25x80xi32, #tpu.memory_space<vmem>>
      %dma_wait3A_143 = arith.constant 0 : i32
      %dma_wait3A_144 = arith.constant 0 : i32
      %dma_wait3A_145 = tpu.memref_slice %arg4[%dma_wait3A_136, %arg1, %dma_wait3A_137, %dma_wait3A_143, %dma_wait3A_144] : memref<2x16x10x25x80xi32, #tpu.memory_space<hbm>> -> memref<1x1x1x25x80xi32, #tpu.memory_space<hbm>>
      %dma_wait3A_146 = tpu.memref_squeeze %dma_wait3A_145 : memref<1x1x1x25x80xi32, #tpu.memory_space<hbm>> -> memref<25x80xi32, #tpu.memory_space<hbm>>
      %dma_wait3A_147 = arith.constant 0 : i32
      %dma_wait3A_148 = arith.constant 0 : i32
      %dma_wait3A_149 = tpu.memref_slice %arg6[%dma_wait3A_138, %dma_wait3A_147, %dma_wait3A_148] : memref<2x25x80xi32, #tpu.memory_space<vmem>> -> memref<1x25x80xi32, #tpu.memory_space<vmem>>
      %dma_wait3A_150 = tpu.memref_squeeze %dma_wait3A_149 : memref<1x25x80xi32, #tpu.memory_space<vmem>> -> memref<25x80xi32, #tpu.memory_space<vmem>>
      %dma_wait3A_151 = arith.constant 0 : i32
      %dma_wait3A_152 = arith.constant 0 : i32
      %dma_wait3A_153 = tpu.memref_slice %arg4[%dma_wait3A_136, %arg1, %dma_wait3A_137, %dma_wait3A_151, %dma_wait3A_152] : memref<2x16x10x25x80xi32, #tpu.memory_space<hbm>> -> memref<1x1x1x25x80xi32, #tpu.memory_space<hbm>>
      %dma_wait3A_154 = tpu.memref_squeeze %dma_wait3A_153 : memref<1x1x1x25x80xi32, #tpu.memory_space<hbm>> -> memref<25x80xi32, #tpu.memory_space<hbm>>
      tpu.wait_dma2 semaphore(%arg12 : memref<!tpu.dma_semaphore, #tpu.memory_space<semaphore_mem>>) src(%dma_wait3A_154 : memref<25x80xi32, #tpu.memory_space<hbm>>) dst(%dma_wait3A_150 : memref<25x80xi32, #tpu.memory_space<vmem>>)
    } else {
    }
    %convert_element_type3A_38 = arith.extui %eq3A_30 : i1 to i32
    %cond3A_39 = arith.constant 0 : i32
    %cond3A_40 = arith.cmpi ne, %convert_element_type3A_38, %cond3A_39 : i32
    scf.if %cond3A_40 {
      %dma_start3A_117 = arith.constant 1 : i32
      %dma_start3A_118 = arith.constant 0 : i32
      %dma_start3A_119 = arith.constant 0 : i32
      %dma_start3A_120 = arith.constant 0 : i32
      %dma_start3A_121 = arith.constant 0 : i32
      %dma_start3A_122 = tpu.memref_slice %arg7[%dma_start3A_119, %dma_start3A_120, %dma_start3A_121] : memref<2x25x80xi32, #tpu.memory_space<vmem>> -> memref<1x25x80xi32, #tpu.memory_space<vmem>>
      %dma_start3A_123 = tpu.memref_squeeze %dma_start3A_122 : memref<1x25x80xi32, #tpu.memory_space<vmem>> -> memref<25x80xi32, #tpu.memory_space<vmem>>
      %dma_start3A_124 = arith.constant 0 : i32
      %dma_start3A_125 = arith.constant 0 : i32
      %dma_start3A_126 = tpu.memref_slice %arg4[%dma_start3A_117, %arg1, %dma_start3A_118, %dma_start3A_124, %dma_start3A_125] : memref<2x16x10x25x80xi32, #tpu.memory_space<hbm>> -> memref<1x1x1x25x80xi32, #tpu.memory_space<hbm>>
      %dma_start3A_127 = tpu.memref_squeeze %dma_start3A_126 : memref<1x1x1x25x80xi32, #tpu.memory_space<hbm>> -> memref<25x80xi32, #tpu.memory_space<hbm>>
      %dma_start3A_128 = arith.constant 0 : i32
      %dma_start3A_129 = arith.constant 0 : i32
      %dma_start3A_130 = tpu.memref_slice %arg7[%dma_start3A_119, %dma_start3A_128, %dma_start3A_129] : memref<2x25x80xi32, #tpu.memory_space<vmem>> -> memref<1x25x80xi32, #tpu.memory_space<vmem>>
      %dma_start3A_131 = tpu.memref_squeeze %dma_start3A_130 : memref<1x25x80xi32, #tpu.memory_space<vmem>> -> memref<25x80xi32, #tpu.memory_space<vmem>>
      %dma_start3A_132 = arith.constant 0 : i32
      %dma_start3A_133 = arith.constant 0 : i32
      %dma_start3A_134 = tpu.memref_slice %arg4[%dma_start3A_117, %arg1, %dma_start3A_118, %dma_start3A_132, %dma_start3A_133] : memref<2x16x10x25x80xi32, #tpu.memory_space<hbm>> -> memref<1x1x1x25x80xi32, #tpu.memory_space<hbm>>
      %dma_start3A_135 = tpu.memref_squeeze %dma_start3A_134 : memref<1x1x1x25x80xi32, #tpu.memory_space<hbm>> -> memref<25x80xi32, #tpu.memory_space<hbm>>
      tpu.enqueue_dma source(%dma_start3A_135 : memref<25x80xi32, #tpu.memory_space<hbm>>) target(%dma_start3A_131 : memref<25x80xi32, #tpu.memory_space<vmem>>) target_semaphore(%arg12 : memref<!tpu.dma_semaphore, #tpu.memory_space<semaphore_mem>>)
      %dma_wait3A_136 = arith.constant 1 : i32
      %dma_wait3A_137 = arith.constant 0 : i32
      %dma_wait3A_138 = arith.constant 0 : i32
      %dma_wait3A_139 = arith.constant 0 : i32
      %dma_wait3A_140 = arith.constant 0 : i32
      %dma_wait3A_141 = tpu.memref_slice %arg7[%dma_wait3A_138, %dma_wait3A_139, %dma_wait3A_140] : memref<2x25x80xi32, #tpu.memory_space<vmem>> -> memref<1x25x80xi32, #tpu.memory_space<vmem>>
      %dma_wait3A_142 = tpu.memref_squeeze %dma_wait3A_141 : memref<1x25x80xi32, #tpu.memory_space<vmem>> -> memref<25x80xi32, #tpu.memory_space<vmem>>
      %dma_wait3A_143 = arith.constant 0 : i32
      %dma_wait3A_144 = arith.constant 0 : i32
      %dma_wait3A_145 = tpu.memref_slice %arg4[%dma_wait3A_136, %arg1, %dma_wait3A_137, %dma_wait3A_143, %dma_wait3A_144] : memref<2x16x10x25x80xi32, #tpu.memory_space<hbm>> -> memref<1x1x1x25x80xi32, #tpu.memory_space<hbm>>
      %dma_wait3A_146 = tpu.memref_squeeze %dma_wait3A_145 : memref<1x1x1x25x80xi32, #tpu.memory_space<hbm>> -> memref<25x80xi32, #tpu.memory_space<hbm>>
      %dma_wait3A_147 = arith.constant 0 : i32
      %dma_wait3A_148 = arith.constant 0 : i32
      %dma_wait3A_149 = tpu.memref_slice %arg7[%dma_wait3A_138, %dma_wait3A_147, %dma_wait3A_148] : memref<2x25x80xi32, #tpu.memory_space<vmem>> -> memref<1x25x80xi32, #tpu.memory_space<vmem>>
      %dma_wait3A_150 = tpu.memref_squeeze %dma_wait3A_149 : memref<1x25x80xi32, #tpu.memory_space<vmem>> -> memref<25x80xi32, #tpu.memory_space<vmem>>
      %dma_wait3A_151 = arith.constant 0 : i32
      %dma_wait3A_152 = arith.constant 0 : i32
      %dma_wait3A_153 = tpu.memref_slice %arg4[%dma_wait3A_136, %arg1, %dma_wait3A_137, %dma_wait3A_151, %dma_wait3A_152] : memref<2x16x10x25x80xi32, #tpu.memory_space<hbm>> -> memref<1x1x1x25x80xi32, #tpu.memory_space<hbm>>
      %dma_wait3A_154 = tpu.memref_squeeze %dma_wait3A_153 : memref<1x1x1x25x80xi32, #tpu.memory_space<hbm>> -> memref<25x80xi32, #tpu.memory_space<hbm>>
      tpu.wait_dma2 semaphore(%arg12 : memref<!tpu.dma_semaphore, #tpu.memory_space<semaphore_mem>>) src(%dma_wait3A_154 : memref<25x80xi32, #tpu.memory_space<hbm>>) dst(%dma_wait3A_150 : memref<25x80xi32, #tpu.memory_space<vmem>>)
    } else {
    }
    %eq3A_41 = arith.constant 0 : i32
    %eq3A_42 = arith.cmpi eq, %arg0, %eq3A_41 : i32
    %eq3A_43 = arith.constant 1 : i32
    %eq3A_44 = arith.cmpi eq, %arg0, %eq3A_43 : i32
    %convert_element_type3A_45 = arith.extui %eq3A_42 : i1 to i32
    %cond3A_46 = arith.constant 0 : i32
    %cond3A_47 = arith.cmpi ne, %convert_element_type3A_45, %cond3A_46 : i32
    scf.if %cond3A_47 {
      %dma_start3A_117 = arith.constant 0 : i32
      %dma_start3A_118 = arith.constant 1 : i32
      %dma_start3A_119 = arith.constant 1 : i32
      %dma_start3A_120 = arith.constant 0 : i32
      %dma_start3A_121 = arith.constant 0 : i32
      %dma_start3A_122 = tpu.memref_slice %arg6[%dma_start3A_119, %dma_start3A_120, %dma_start3A_121] : memref<2x25x80xi32, #tpu.memory_space<vmem>> -> memref<1x25x80xi32, #tpu.memory_space<vmem>>
      %dma_start3A_123 = tpu.memref_squeeze %dma_start3A_122 : memref<1x25x80xi32, #tpu.memory_space<vmem>> -> memref<25x80xi32, #tpu.memory_space<vmem>>
      %dma_start3A_124 = arith.constant 0 : i32
      %dma_start3A_125 = arith.constant 0 : i32
      %dma_start3A_126 = tpu.memref_slice %arg3[%dma_start3A_117, %arg1, %dma_start3A_118, %dma_start3A_124, %dma_start3A_125] : memref<2x16x10x25x80xi32, #tpu.memory_space<hbm>> -> memref<1x1x1x25x80xi32, #tpu.memory_space<hbm>>
      %dma_start3A_127 = tpu.memref_squeeze %dma_start3A_126 : memref<1x1x1x25x80xi32, #tpu.memory_space<hbm>> -> memref<25x80xi32, #tpu.memory_space<hbm>>
      %dma_start3A_128 = arith.constant 0 : i32
      %dma_start3A_129 = arith.constant 0 : i32
      %dma_start3A_130 = tpu.memref_slice %arg6[%dma_start3A_119, %dma_start3A_128, %dma_start3A_129] : memref<2x25x80xi32, #tpu.memory_space<vmem>> -> memref<1x25x80xi32, #tpu.memory_space<vmem>>
      %dma_start3A_131 = tpu.memref_squeeze %dma_start3A_130 : memref<1x25x80xi32, #tpu.memory_space<vmem>> -> memref<25x80xi32, #tpu.memory_space<vmem>>
      %dma_start3A_132 = arith.constant 0 : i32
      %dma_start3A_133 = arith.constant 0 : i32
      %dma_start3A_134 = tpu.memref_slice %arg3[%dma_start3A_117, %arg1, %dma_start3A_118, %dma_start3A_132, %dma_start3A_133] : memref<2x16x10x25x80xi32, #tpu.memory_space<hbm>> -> memref<1x1x1x25x80xi32, #tpu.memory_space<hbm>>
      %dma_start3A_135 = tpu.memref_squeeze %dma_start3A_134 : memref<1x1x1x25x80xi32, #tpu.memory_space<hbm>> -> memref<25x80xi32, #tpu.memory_space<hbm>>
      tpu.enqueue_dma source(%dma_start3A_135 : memref<25x80xi32, #tpu.memory_space<hbm>>) target(%dma_start3A_131 : memref<25x80xi32, #tpu.memory_space<vmem>>) target_semaphore(%arg12 : memref<!tpu.dma_semaphore, #tpu.memory_space<semaphore_mem>>)
      %dma_wait3A_136 = arith.constant 0 : i32
      %dma_wait3A_137 = arith.constant 1 : i32
      %dma_wait3A_138 = arith.constant 1 : i32
      %dma_wait3A_139 = arith.constant 0 : i32
      %dma_wait3A_140 = arith.constant 0 : i32
      %dma_wait3A_141 = tpu.memref_slice %arg6[%dma_wait3A_138, %dma_wait3A_139, %dma_wait3A_140] : memref<2x25x80xi32, #tpu.memory_space<vmem>> -> memref<1x25x80xi32, #tpu.memory_space<vmem>>
      %dma_wait3A_142 = tpu.memref_squeeze %dma_wait3A_141 : memref<1x25x80xi32, #tpu.memory_space<vmem>> -> memref<25x80xi32, #tpu.memory_space<vmem>>
      %dma_wait3A_143 = arith.constant 0 : i32
      %dma_wait3A_144 = arith.constant 0 : i32
      %dma_wait3A_145 = tpu.memref_slice %arg3[%dma_wait3A_136, %arg1, %dma_wait3A_137, %dma_wait3A_143, %dma_wait3A_144] : memref<2x16x10x25x80xi32, #tpu.memory_space<hbm>> -> memref<1x1x1x25x80xi32, #tpu.memory_space<hbm>>
      %dma_wait3A_146 = tpu.memref_squeeze %dma_wait3A_145 : memref<1x1x1x25x80xi32, #tpu.memory_space<hbm>> -> memref<25x80xi32, #tpu.memory_space<hbm>>
      %dma_wait3A_147 = arith.constant 0 : i32
      %dma_wait3A_148 = arith.constant 0 : i32
      %dma_wait3A_149 = tpu.memref_slice %arg6[%dma_wait3A_138, %dma_wait3A_147, %dma_wait3A_148] : memref<2x25x80xi32, #tpu.memory_space<vmem>> -> memref<1x25x80xi32, #tpu.memory_space<vmem>>
      %dma_wait3A_150 = tpu.memref_squeeze %dma_wait3A_149 : memref<1x25x80xi32, #tpu.memory_space<vmem>> -> memref<25x80xi32, #tpu.memory_space<vmem>>
      %dma_wait3A_151 = arith.constant 0 : i32
      %dma_wait3A_152 = arith.constant 0 : i32
      %dma_wait3A_153 = tpu.memref_slice %arg3[%dma_wait3A_136, %arg1, %dma_wait3A_137, %dma_wait3A_151, %dma_wait3A_152] : memref<2x16x10x25x80xi32, #tpu.memory_space<hbm>> -> memref<1x1x1x25x80xi32, #tpu.memory_space<hbm>>
      %dma_wait3A_154 = tpu.memref_squeeze %dma_wait3A_153 : memref<1x1x1x25x80xi32, #tpu.memory_space<hbm>> -> memref<25x80xi32, #tpu.memory_space<hbm>>
      tpu.wait_dma2 semaphore(%arg12 : memref<!tpu.dma_semaphore, #tpu.memory_space<semaphore_mem>>) src(%dma_wait3A_154 : memref<25x80xi32, #tpu.memory_space<hbm>>) dst(%dma_wait3A_150 : memref<25x80xi32, #tpu.memory_space<vmem>>)
    } else {
    }
    %convert_element_type3A_48 = arith.extui %eq3A_42 : i1 to i32
    %cond3A_49 = arith.constant 0 : i32
    %cond3A_50 = arith.cmpi ne, %convert_element_type3A_48, %cond3A_49 : i32
    scf.if %cond3A_50 {
      %dma_start3A_117 = arith.constant 1 : i32
      %dma_start3A_118 = arith.constant 1 : i32
      %dma_start3A_119 = arith.constant 1 : i32
      %dma_start3A_120 = arith.constant 0 : i32
      %dma_start3A_121 = arith.constant 0 : i32
      %dma_start3A_122 = tpu.memref_slice %arg7[%dma_start3A_119, %dma_start3A_120, %dma_start3A_121] : memref<2x25x80xi32, #tpu.memory_space<vmem>> -> memref<1x25x80xi32, #tpu.memory_space<vmem>>
      %dma_start3A_123 = tpu.memref_squeeze %dma_start3A_122 : memref<1x25x80xi32, #tpu.memory_space<vmem>> -> memref<25x80xi32, #tpu.memory_space<vmem>>
      %dma_start3A_124 = arith.constant 0 : i32
      %dma_start3A_125 = arith.constant 0 : i32
      %dma_start3A_126 = tpu.memref_slice %arg3[%dma_start3A_117, %arg1, %dma_start3A_118, %dma_start3A_124, %dma_start3A_125] : memref<2x16x10x25x80xi32, #tpu.memory_space<hbm>> -> memref<1x1x1x25x80xi32, #tpu.memory_space<hbm>>
      %dma_start3A_127 = tpu.memref_squeeze %dma_start3A_126 : memref<1x1x1x25x80xi32, #tpu.memory_space<hbm>> -> memref<25x80xi32, #tpu.memory_space<hbm>>
      %dma_start3A_128 = arith.constant 0 : i32
      %dma_start3A_129 = arith.constant 0 : i32
      %dma_start3A_130 = tpu.memref_slice %arg7[%dma_start3A_119, %dma_start3A_128, %dma_start3A_129] : memref<2x25x80xi32, #tpu.memory_space<vmem>> -> memref<1x25x80xi32, #tpu.memory_space<vmem>>
      %dma_start3A_131 = tpu.memref_squeeze %dma_start3A_130 : memref<1x25x80xi32, #tpu.memory_space<vmem>> -> memref<25x80xi32, #tpu.memory_space<vmem>>
      %dma_start3A_132 = arith.constant 0 : i32
      %dma_start3A_133 = arith.constant 0 : i32
      %dma_start3A_134 = tpu.memref_slice %arg3[%dma_start3A_117, %arg1, %dma_start3A_118, %dma_start3A_132, %dma_start3A_133] : memref<2x16x10x25x80xi32, #tpu.memory_space<hbm>> -> memref<1x1x1x25x80xi32, #tpu.memory_space<hbm>>
      %dma_start3A_135 = tpu.memref_squeeze %dma_start3A_134 : memref<1x1x1x25x80xi32, #tpu.memory_space<hbm>> -> memref<25x80xi32, #tpu.memory_space<hbm>>
      tpu.enqueue_dma source(%dma_start3A_135 : memref<25x80xi32, #tpu.memory_space<hbm>>) target(%dma_start3A_131 : memref<25x80xi32, #tpu.memory_space<vmem>>) target_semaphore(%arg12 : memref<!tpu.dma_semaphore, #tpu.memory_space<semaphore_mem>>)
      %dma_wait3A_136 = arith.constant 1 : i32
      %dma_wait3A_137 = arith.constant 1 : i32
      %dma_wait3A_138 = arith.constant 1 : i32
      %dma_wait3A_139 = arith.constant 0 : i32
      %dma_wait3A_140 = arith.constant 0 : i32
      %dma_wait3A_141 = tpu.memref_slice %arg7[%dma_wait3A_138, %dma_wait3A_139, %dma_wait3A_140] : memref<2x25x80xi32, #tpu.memory_space<vmem>> -> memref<1x25x80xi32, #tpu.memory_space<vmem>>
      %dma_wait3A_142 = tpu.memref_squeeze %dma_wait3A_141 : memref<1x25x80xi32, #tpu.memory_space<vmem>> -> memref<25x80xi32, #tpu.memory_space<vmem>>
      %dma_wait3A_143 = arith.constant 0 : i32
      %dma_wait3A_144 = arith.constant 0 : i32
      %dma_wait3A_145 = tpu.memref_slice %arg3[%dma_wait3A_136, %arg1, %dma_wait3A_137, %dma_wait3A_143, %dma_wait3A_144] : memref<2x16x10x25x80xi32, #tpu.memory_space<hbm>> -> memref<1x1x1x25x80xi32, #tpu.memory_space<hbm>>
      %dma_wait3A_146 = tpu.memref_squeeze %dma_wait3A_145 : memref<1x1x1x25x80xi32, #tpu.memory_space<hbm>> -> memref<25x80xi32, #tpu.memory_space<hbm>>
      %dma_wait3A_147 = arith.constant 0 : i32
      %dma_wait3A_148 = arith.constant 0 : i32
      %dma_wait3A_149 = tpu.memref_slice %arg7[%dma_wait3A_138, %dma_wait3A_147, %dma_wait3A_148] : memref<2x25x80xi32, #tpu.memory_space<vmem>> -> memref<1x25x80xi32, #tpu.memory_space<vmem>>
      %dma_wait3A_150 = tpu.memref_squeeze %dma_wait3A_149 : memref<1x25x80xi32, #tpu.memory_space<vmem>> -> memref<25x80xi32, #tpu.memory_space<vmem>>
      %dma_wait3A_151 = arith.constant 0 : i32
      %dma_wait3A_152 = arith.constant 0 : i32
      %dma_wait3A_153 = tpu.memref_slice %arg3[%dma_wait3A_136, %arg1, %dma_wait3A_137, %dma_wait3A_151, %dma_wait3A_152] : memref<2x16x10x25x80xi32, #tpu.memory_space<hbm>> -> memref<1x1x1x25x80xi32, #tpu.memory_space<hbm>>
      %dma_wait3A_154 = tpu.memref_squeeze %dma_wait3A_153 : memref<1x1x1x25x80xi32, #tpu.memory_space<hbm>> -> memref<25x80xi32, #tpu.memory_space<hbm>>
      tpu.wait_dma2 semaphore(%arg12 : memref<!tpu.dma_semaphore, #tpu.memory_space<semaphore_mem>>) src(%dma_wait3A_154 : memref<25x80xi32, #tpu.memory_space<hbm>>) dst(%dma_wait3A_150 : memref<25x80xi32, #tpu.memory_space<vmem>>)
    } else {
    }
    %convert_element_type3A_51 = arith.extui %eq3A_44 : i1 to i32
    %cond3A_52 = arith.constant 0 : i32
    %cond3A_53 = arith.cmpi ne, %convert_element_type3A_51, %cond3A_52 : i32
    scf.if %cond3A_53 {
      %dma_start3A_117 = arith.constant 0 : i32
      %dma_start3A_118 = arith.constant 1 : i32
      %dma_start3A_119 = arith.constant 1 : i32
      %dma_start3A_120 = arith.constant 0 : i32
      %dma_start3A_121 = arith.constant 0 : i32
      %dma_start3A_122 = tpu.memref_slice %arg6[%dma_start3A_119, %dma_start3A_120, %dma_start3A_121] : memref<2x25x80xi32, #tpu.memory_space<vmem>> -> memref<1x25x80xi32, #tpu.memory_space<vmem>>
      %dma_start3A_123 = tpu.memref_squeeze %dma_start3A_122 : memref<1x25x80xi32, #tpu.memory_space<vmem>> -> memref<25x80xi32, #tpu.memory_space<vmem>>
      %dma_start3A_124 = arith.constant 0 : i32
      %dma_start3A_125 = arith.constant 0 : i32
      %dma_start3A_126 = tpu.memref_slice %arg4[%dma_start3A_117, %arg1, %dma_start3A_118, %dma_start3A_124, %dma_start3A_125] : memref<2x16x10x25x80xi32, #tpu.memory_space<hbm>> -> memref<1x1x1x25x80xi32, #tpu.memory_space<hbm>>
      %dma_start3A_127 = tpu.memref_squeeze %dma_start3A_126 : memref<1x1x1x25x80xi32, #tpu.memory_space<hbm>> -> memref<25x80xi32, #tpu.memory_space<hbm>>
      %dma_start3A_128 = arith.constant 0 : i32
      %dma_start3A_129 = arith.constant 0 : i32
      %dma_start3A_130 = tpu.memref_slice %arg6[%dma_start3A_119, %dma_start3A_128, %dma_start3A_129] : memref<2x25x80xi32, #tpu.memory_space<vmem>> -> memref<1x25x80xi32, #tpu.memory_space<vmem>>
      %dma_start3A_131 = tpu.memref_squeeze %dma_start3A_130 : memref<1x25x80xi32, #tpu.memory_space<vmem>> -> memref<25x80xi32, #tpu.memory_space<vmem>>
      %dma_start3A_132 = arith.constant 0 : i32
      %dma_start3A_133 = arith.constant 0 : i32
      %dma_start3A_134 = tpu.memref_slice %arg4[%dma_start3A_117, %arg1, %dma_start3A_118, %dma_start3A_132, %dma_start3A_133] : memref<2x16x10x25x80xi32, #tpu.memory_space<hbm>> -> memref<1x1x1x25x80xi32, #tpu.memory_space<hbm>>
      %dma_start3A_135 = tpu.memref_squeeze %dma_start3A_134 : memref<1x1x1x25x80xi32, #tpu.memory_space<hbm>> -> memref<25x80xi32, #tpu.memory_space<hbm>>
      tpu.enqueue_dma source(%dma_start3A_135 : memref<25x80xi32, #tpu.memory_space<hbm>>) target(%dma_start3A_131 : memref<25x80xi32, #tpu.memory_space<vmem>>) target_semaphore(%arg12 : memref<!tpu.dma_semaphore, #tpu.memory_space<semaphore_mem>>)
      %dma_wait3A_136 = arith.constant 0 : i32
      %dma_wait3A_137 = arith.constant 1 : i32
      %dma_wait3A_138 = arith.constant 1 : i32
      %dma_wait3A_139 = arith.constant 0 : i32
      %dma_wait3A_140 = arith.constant 0 : i32
      %dma_wait3A_141 = tpu.memref_slice %arg6[%dma_wait3A_138, %dma_wait3A_139, %dma_wait3A_140] : memref<2x25x80xi32, #tpu.memory_space<vmem>> -> memref<1x25x80xi32, #tpu.memory_space<vmem>>
      %dma_wait3A_142 = tpu.memref_squeeze %dma_wait3A_141 : memref<1x25x80xi32, #tpu.memory_space<vmem>> -> memref<25x80xi32, #tpu.memory_space<vmem>>
      %dma_wait3A_143 = arith.constant 0 : i32
      %dma_wait3A_144 = arith.constant 0 : i32
      %dma_wait3A_145 = tpu.memref_slice %arg4[%dma_wait3A_136, %arg1, %dma_wait3A_137, %dma_wait3A_143, %dma_wait3A_144] : memref<2x16x10x25x80xi32, #tpu.memory_space<hbm>> -> memref<1x1x1x25x80xi32, #tpu.memory_space<hbm>>
      %dma_wait3A_146 = tpu.memref_squeeze %dma_wait3A_145 : memref<1x1x1x25x80xi32, #tpu.memory_space<hbm>> -> memref<25x80xi32, #tpu.memory_space<hbm>>
      %dma_wait3A_147 = arith.constant 0 : i32
      %dma_wait3A_148 = arith.constant 0 : i32
      %dma_wait3A_149 = tpu.memref_slice %arg6[%dma_wait3A_138, %dma_wait3A_147, %dma_wait3A_148] : memref<2x25x80xi32, #tpu.memory_space<vmem>> -> memref<1x25x80xi32, #tpu.memory_space<vmem>>
      %dma_wait3A_150 = tpu.memref_squeeze %dma_wait3A_149 : memref<1x25x80xi32, #tpu.memory_space<vmem>> -> memref<25x80xi32, #tpu.memory_space<vmem>>
      %dma_wait3A_151 = arith.constant 0 : i32
      %dma_wait3A_152 = arith.constant 0 : i32
      %dma_wait3A_153 = tpu.memref_slice %arg4[%dma_wait3A_136, %arg1, %dma_wait3A_137, %dma_wait3A_151, %dma_wait3A_152] : memref<2x16x10x25x80xi32, #tpu.memory_space<hbm>> -> memref<1x1x1x25x80xi32, #tpu.memory_space<hbm>>
      %dma_wait3A_154 = tpu.memref_squeeze %dma_wait3A_153 : memref<1x1x1x25x80xi32, #tpu.memory_space<hbm>> -> memref<25x80xi32, #tpu.memory_space<hbm>>
      tpu.wait_dma2 semaphore(%arg12 : memref<!tpu.dma_semaphore, #tpu.memory_space<semaphore_mem>>) src(%dma_wait3A_154 : memref<25x80xi32, #tpu.memory_space<hbm>>) dst(%dma_wait3A_150 : memref<25x80xi32, #tpu.memory_space<vmem>>)
    } else {
    }
    %convert_element_type3A_54 = arith.extui %eq3A_44 : i1 to i32
    %cond3A_55 = arith.constant 0 : i32
    %cond3A_56 = arith.cmpi ne, %convert_element_type3A_54, %cond3A_55 : i32
    scf.if %cond3A_56 {
      %dma_start3A_117 = arith.constant 1 : i32
      %dma_start3A_118 = arith.constant 1 : i32
      %dma_start3A_119 = arith.constant 1 : i32
      %dma_start3A_120 = arith.constant 0 : i32
      %dma_start3A_121 = arith.constant 0 : i32
      %dma_start3A_122 = tpu.memref_slice %arg7[%dma_start3A_119, %dma_start3A_120, %dma_start3A_121] : memref<2x25x80xi32, #tpu.memory_space<vmem>> -> memref<1x25x80xi32, #tpu.memory_space<vmem>>
      %dma_start3A_123 = tpu.memref_squeeze %dma_start3A_122 : memref<1x25x80xi32, #tpu.memory_space<vmem>> -> memref<25x80xi32, #tpu.memory_space<vmem>>
      %dma_start3A_124 = arith.constant 0 : i32
      %dma_start3A_125 = arith.constant 0 : i32
      %dma_start3A_126 = tpu.memref_slice %arg4[%dma_start3A_117, %arg1, %dma_start3A_118, %dma_start3A_124, %dma_start3A_125] : memref<2x16x10x25x80xi32, #tpu.memory_space<hbm>> -> memref<1x1x1x25x80xi32, #tpu.memory_space<hbm>>
      %dma_start3A_127 = tpu.memref_squeeze %dma_start3A_126 : memref<1x1x1x25x80xi32, #tpu.memory_space<hbm>> -> memref<25x80xi32, #tpu.memory_space<hbm>>
      %dma_start3A_128 = arith.constant 0 : i32
      %dma_start3A_129 = arith.constant 0 : i32
      %dma_start3A_130 = tpu.memref_slice %arg7[%dma_start3A_119, %dma_start3A_128, %dma_start3A_129] : memref<2x25x80xi32, #tpu.memory_space<vmem>> -> memref<1x25x80xi32, #tpu.memory_space<vmem>>
      %dma_start3A_131 = tpu.memref_squeeze %dma_start3A_130 : memref<1x25x80xi32, #tpu.memory_space<vmem>> -> memref<25x80xi32, #tpu.memory_space<vmem>>
      %dma_start3A_132 = arith.constant 0 : i32
      %dma_start3A_133 = arith.constant 0 : i32
      %dma_start3A_134 = tpu.memref_slice %arg4[%dma_start3A_117, %arg1, %dma_start3A_118, %dma_start3A_132, %dma_start3A_133] : memref<2x16x10x25x80xi32, #tpu.memory_space<hbm>> -> memref<1x1x1x25x80xi32, #tpu.memory_space<hbm>>
      %dma_start3A_135 = tpu.memref_squeeze %dma_start3A_134 : memref<1x1x1x25x80xi32, #tpu.memory_space<hbm>> -> memref<25x80xi32, #tpu.memory_space<hbm>>
      tpu.enqueue_dma source(%dma_start3A_135 : memref<25x80xi32, #tpu.memory_space<hbm>>) target(%dma_start3A_131 : memref<25x80xi32, #tpu.memory_space<vmem>>) target_semaphore(%arg12 : memref<!tpu.dma_semaphore, #tpu.memory_space<semaphore_mem>>)
      %dma_wait3A_136 = arith.constant 1 : i32
      %dma_wait3A_137 = arith.constant 1 : i32
      %dma_wait3A_138 = arith.constant 1 : i32
      %dma_wait3A_139 = arith.constant 0 : i32
      %dma_wait3A_140 = arith.constant 0 : i32
      %dma_wait3A_141 = tpu.memref_slice %arg7[%dma_wait3A_138, %dma_wait3A_139, %dma_wait3A_140] : memref<2x25x80xi32, #tpu.memory_space<vmem>> -> memref<1x25x80xi32, #tpu.memory_space<vmem>>
      %dma_wait3A_142 = tpu.memref_squeeze %dma_wait3A_141 : memref<1x25x80xi32, #tpu.memory_space<vmem>> -> memref<25x80xi32, #tpu.memory_space<vmem>>
      %dma_wait3A_143 = arith.constant 0 : i32
      %dma_wait3A_144 = arith.constant 0 : i32
      %dma_wait3A_145 = tpu.memref_slice %arg4[%dma_wait3A_136, %arg1, %dma_wait3A_137, %dma_wait3A_143, %dma_wait3A_144] : memref<2x16x10x25x80xi32, #tpu.memory_space<hbm>> -> memref<1x1x1x25x80xi32, #tpu.memory_space<hbm>>
      %dma_wait3A_146 = tpu.memref_squeeze %dma_wait3A_145 : memref<1x1x1x25x80xi32, #tpu.memory_space<hbm>> -> memref<25x80xi32, #tpu.memory_space<hbm>>
      %dma_wait3A_147 = arith.constant 0 : i32
      %dma_wait3A_148 = arith.constant 0 : i32
      %dma_wait3A_149 = tpu.memref_slice %arg7[%dma_wait3A_138, %dma_wait3A_147, %dma_wait3A_148] : memref<2x25x80xi32, #tpu.memory_space<vmem>> -> memref<1x25x80xi32, #tpu.memory_space<vmem>>
      %dma_wait3A_150 = tpu.memref_squeeze %dma_wait3A_149 : memref<1x25x80xi32, #tpu.memory_space<vmem>> -> memref<25x80xi32, #tpu.memory_space<vmem>>
      %dma_wait3A_151 = arith.constant 0 : i32
      %dma_wait3A_152 = arith.constant 0 : i32
      %dma_wait3A_153 = tpu.memref_slice %arg4[%dma_wait3A_136, %arg1, %dma_wait3A_137, %dma_wait3A_151, %dma_wait3A_152] : memref<2x16x10x25x80xi32, #tpu.memory_space<hbm>> -> memref<1x1x1x25x80xi32, #tpu.memory_space<hbm>>
      %dma_wait3A_154 = tpu.memref_squeeze %dma_wait3A_153 : memref<1x1x1x25x80xi32, #tpu.memory_space<hbm>> -> memref<25x80xi32, #tpu.memory_space<hbm>>
      tpu.wait_dma2 semaphore(%arg12 : memref<!tpu.dma_semaphore, #tpu.memory_space<semaphore_mem>>) src(%dma_wait3A_154 : memref<25x80xi32, #tpu.memory_space<hbm>>) dst(%dma_wait3A_150 : memref<25x80xi32, #tpu.memory_space<vmem>>)
    } else {
    }
    %dma_start3A = arith.constant 0 : i32
    %dma_start3A_57 = arith.constant 0 : i32
    %dma_start3A_58 = arith.constant 0 : i32
    %dma_start3A_59 = arith.constant 0 : i32
    %dma_start3A_60 = arith.constant 0 : i32
    %dma_start3A_61 = arith.constant 0 : i32
    %dma_start3A_62 = tpu.memref_slice %arg8[%dma_start3A_58, %dma_start3A_60, %dma_start3A_61] : memref<3x80x128xf32, #tpu.memory_space<vmem>> -> memref<1x80x128xf32, #tpu.memory_space<vmem>>
    %dma_start3A_63 = tpu.memref_squeeze %dma_start3A_62 : memref<1x80x128xf32, #tpu.memory_space<vmem>> -> memref<80x128xf32, #tpu.memory_space<vmem>>
    %dma_start3A_64 = arith.constant 0 : i32
    %dma_start3A_65 = tpu.memref_slice %arg6[%dma_start3A, %dma_start3A_57, %dma_start3A_64] : memref<2x25x80xi32, #tpu.memory_space<vmem>> -> memref<1x1x80xi32, #tpu.memory_space<vmem>>
    %dma_start3A_66 = tpu.memref_squeeze %dma_start3A_65 : memref<1x1x80xi32, #tpu.memory_space<vmem>> -> memref<80xi32, #tpu.memory_space<vmem>>
    %dma_start3A_67 = arith.constant 0 : i32
    %dma_start3A_68 = arith.constant 0 : i32
    %dma_start3A_69 = tpu.memref_slice %arg2[%arg0, %dma_start3A_67, %dma_start3A_68] : memref<2x10000x128xf32, #tpu.memory_space<hbm>> -> memref<1x10000x128xf32, #tpu.memory_space<hbm>>
    %dma_start3A_70 = tpu.memref_squeeze %dma_start3A_69 : memref<1x10000x128xf32, #tpu.memory_space<hbm>> -> memref<10000x128xf32, #tpu.memory_space<hbm>>
    %dma_start3A_71 = arith.constant 0 : i32
    %dma_start3A_72 = arith.constant 0 : i32
    %dma_start3A_73 = tpu.memref_slice %dma_start3A_70[%dma_start3A_71, %dma_start3A_72] : memref<10000x128xf32, #tpu.memory_space<hbm>> -> memref<10000x128xf32, #tpu.memory_space<hbm>>
    %dma_start3A_74 = tpu.memref_slice %arg10[%dma_start3A_59] : memref<3x!tpu.dma_semaphore, #tpu.memory_space<semaphore_mem>> -> memref<1x!tpu.dma_semaphore, #tpu.memory_space<semaphore_mem>>
    %dma_start3A_75 = tpu.memref_squeeze %dma_start3A_74 : memref<1x!tpu.dma_semaphore, #tpu.memory_space<semaphore_mem>> -> memref<!tpu.dma_semaphore, #tpu.memory_space<semaphore_mem>>
    tpu.enqueue_indirect_dma source(%dma_start3A_73 : memref<10000x128xf32, #tpu.memory_space<hbm>>) target(%dma_start3A_63 : memref<80x128xf32, #tpu.memory_space<vmem>>) offsets(%dma_start3A_66 : memref<80xi32, #tpu.memory_space<vmem>>) semaphore(%dma_start3A_75 : memref<!tpu.dma_semaphore, #tpu.memory_space<semaphore_mem>>)
    %dma_start3A_76 = arith.constant 0 : i32
    %dma_start3A_77 = arith.constant 1 : i32
    %dma_start3A_78 = arith.constant 1 : i32
    %dma_start3A_79 = arith.constant 1 : i32
    %dma_start3A_80 = arith.constant 0 : i32
    %dma_start3A_81 = arith.constant 0 : i32
    %dma_start3A_82 = tpu.memref_slice %arg8[%dma_start3A_78, %dma_start3A_80, %dma_start3A_81] : memref<3x80x128xf32, #tpu.memory_space<vmem>> -> memref<1x80x128xf32, #tpu.memory_space<vmem>>
    %dma_start3A_83 = tpu.memref_squeeze %dma_start3A_82 : memref<1x80x128xf32, #tpu.memory_space<vmem>> -> memref<80x128xf32, #tpu.memory_space<vmem>>
    %dma_start3A_84 = arith.constant 0 : i32
    %dma_start3A_85 = tpu.memref_slice %arg6[%dma_start3A_76, %dma_start3A_77, %dma_start3A_84] : memref<2x25x80xi32, #tpu.memory_space<vmem>> -> memref<1x1x80xi32, #tpu.memory_space<vmem>>
    %dma_start3A_86 = tpu.memref_squeeze %dma_start3A_85 : memref<1x1x80xi32, #tpu.memory_space<vmem>> -> memref<80xi32, #tpu.memory_space<vmem>>
    %dma_start3A_87 = arith.constant 0 : i32
    %dma_start3A_88 = arith.constant 0 : i32
    %dma_start3A_89 = tpu.memref_slice %arg2[%arg0, %dma_start3A_87, %dma_start3A_88] : memref<2x10000x128xf32, #tpu.memory_space<hbm>> -> memref<1x10000x128xf32, #tpu.memory_space<hbm>>
    %dma_start3A_90 = tpu.memref_squeeze %dma_start3A_89 : memref<1x10000x128xf32, #tpu.memory_space<hbm>> -> memref<10000x128xf32, #tpu.memory_space<hbm>>
    %dma_start3A_91 = arith.constant 0 : i32
    %dma_start3A_92 = arith.constant 0 : i32
    %dma_start3A_93 = tpu.memref_slice %dma_start3A_90[%dma_start3A_91, %dma_start3A_92] : memref<10000x128xf32, #tpu.memory_space<hbm>> -> memref<10000x128xf32, #tpu.memory_space<hbm>>
    %dma_start3A_94 = tpu.memref_slice %arg10[%dma_start3A_79] : memref<3x!tpu.dma_semaphore, #tpu.memory_space<semaphore_mem>> -> memref<1x!tpu.dma_semaphore, #tpu.memory_space<semaphore_mem>>
    %dma_start3A_95 = tpu.memref_squeeze %dma_start3A_94 : memref<1x!tpu.dma_semaphore, #tpu.memory_space<semaphore_mem>> -> memref<!tpu.dma_semaphore, #tpu.memory_space<semaphore_mem>>
    tpu.enqueue_indirect_dma source(%dma_start3A_93 : memref<10000x128xf32, #tpu.memory_space<hbm>>) target(%dma_start3A_83 : memref<80x128xf32, #tpu.memory_space<vmem>>) offsets(%dma_start3A_86 : memref<80xi32, #tpu.memory_space<vmem>>) semaphore(%dma_start3A_95 : memref<!tpu.dma_semaphore, #tpu.memory_space<semaphore_mem>>)
    %scan3A_96 = arith.constant 0 : i32
    %scan3A_97 = arith.constant 250 : i32
    %scan3A_98 = arith.addi %scan3A_96, %scan3A_97 : i32
    %scan3A_99 = arith.constant 1 : i32
    scf.for %scan3A_117 = %scan3A_96 to %scan3A_98 step %scan3A_99  : i32 {
      %jit3A = arith.constant 25 : i32
      %div3A = arith.divsi %scan3A_117, %jit3A : i32
      %sign3A = arith.constant 0 : i32
      %sign3A_118 = arith.cmpi sgt, %scan3A_117, %sign3A : i32
      %sign3A_119 = arith.extui %sign3A_118 : i1 to i32
      %sign3A_120 = arith.constant 0 : i32
      %sign3A_121 = arith.cmpi slt, %scan3A_117, %sign3A_120 : i32
      %sign3A_122 = arith.extui %sign3A_121 : i1 to i32
      %sign3A_123 = arith.subi %sign3A_119, %sign3A_122 : i32
      %sign3A_124 = arith.constant 0 : i32
      %sign3A_125 = arith.cmpi sgt, %jit3A, %sign3A_124 : i32
      %sign3A_126 = arith.extui %sign3A_125 : i1 to i32
      %sign3A_127 = arith.constant 0 : i32
      %sign3A_128 = arith.cmpi slt, %jit3A, %sign3A_127 : i32
      %sign3A_129 = arith.extui %sign3A_128 : i1 to i32
      %sign3A_130 = arith.subi %sign3A_126, %sign3A_129 : i32
      %ne3A = arith.cmpi ne, %sign3A_123, %sign3A_130 : i32
      %rem3A = arith.remsi %scan3A_117, %jit3A : i32
      %ne3A_131 = arith.constant 0 : i32
      %ne3A_132 = arith.cmpi ne, %rem3A, %ne3A_131 : i32
      %and3A = arith.andi %ne3A, %ne3A_132 : i1
      %sub3A = arith.constant 1 : i32
      %sub3A_133 = arith.subi %div3A, %sub3A : i32
      %select_n3A = arith.select %and3A, %sub3A_133, %div3A : i32
      %jit3A_134 = arith.constant 25 : i32
      %eq3A_135 = arith.constant 0 : i32
      %eq3A_136 = arith.cmpi eq, %jit3A_134, %eq3A_135 : i32
      %jit3A_137 = arith.constant 1 : i32
      %select_n3A_138 = arith.select %eq3A_136, %jit3A_137, %jit3A_134 : i32
      %rem3A_139 = arith.remsi %scan3A_117, %select_n3A_138 : i32
      %ne3A_140 = arith.constant 0 : i32
      %ne3A_141 = arith.cmpi ne, %rem3A_139, %ne3A_140 : i32
      %lt3A = arith.constant 0 : i32
      %lt3A_142 = arith.cmpi slt, %rem3A_139, %lt3A : i32
      %lt3A_143 = arith.constant 0 : i32
      %lt3A_144 = arith.cmpi slt, %select_n3A_138, %lt3A_143 : i32
      %ne3A_145 = arith.xori %lt3A_142, %lt3A_144 : i1
      %and3A_146 = arith.andi %ne3A_145, %ne3A_141 : i1
      %add3A_147 = arith.addi %rem3A_139, %select_n3A_138 : i32
      %select_n3A_148 = arith.select %and3A_146, %add3A_147, %rem3A_139 : i32
      %ge3A = arith.constant 1 : i32
      %ge3A_149 = arith.cmpi sge, %select_n3A, %ge3A : i32
      %add3A_150 = arith.constant 1 : i32
      %add3A_151 = arith.addi %select_n3A, %add3A_150 : i32
      %lt3A_152 = arith.constant 10 : i32
      %lt3A_153 = arith.cmpi slt, %add3A_151, %lt3A_152 : i32
      %and3A_154 = arith.andi %ge3A_149, %lt3A_153 : i1
      %eq3A_155 = arith.constant 2 : i32
      %eq3A_156 = arith.cmpi eq, %select_n3A_148, %eq3A_155 : i32
      %and3A_157 = arith.andi %eq3A_156, %and3A_154 : i1
      %convert_element_type3A_158 = arith.extui %and3A_157 : i1 to i32
      %cond3A_159 = arith.constant 0 : i32
      %cond3A_160 = arith.cmpi ne, %convert_element_type3A_158, %cond3A_159 : i32
      scf.if %cond3A_160 {
        %add3A_329 = arith.constant 1 : i32
        %add3A_330 = arith.addi %select_n3A, %add3A_329 : i32
        %add3A_331 = arith.constant 1 : i32
        %add3A_332 = arith.addi %select_n3A, %add3A_331 : i32
        %jit3A_333 = arith.constant 2 : i32
        %eq3A_334 = arith.constant 0 : i32
        %eq3A_335 = arith.cmpi eq, %jit3A_333, %eq3A_334 : i32
        %jit3A_336 = arith.constant 1 : i32
        %select_n3A_337 = arith.select %eq3A_335, %jit3A_336, %jit3A_333 : i32
        %rem3A_338 = arith.remsi %add3A_332, %select_n3A_337 : i32
        %ne3A_339 = arith.constant 0 : i32
        %ne3A_340 = arith.cmpi ne, %rem3A_338, %ne3A_339 : i32
        %lt3A_341 = arith.constant 0 : i32
        %lt3A_342 = arith.cmpi slt, %rem3A_338, %lt3A_341 : i32
        %lt3A_343 = arith.constant 0 : i32
        %lt3A_344 = arith.cmpi slt, %select_n3A_337, %lt3A_343 : i32
        %ne3A_345 = arith.xori %lt3A_342, %lt3A_344 : i1
        %and3A_346 = arith.andi %ne3A_345, %ne3A_340 : i1
        %add3A_347 = arith.addi %rem3A_338, %select_n3A_337 : i32
        %select_n3A_348 = arith.select %and3A_346, %add3A_347, %rem3A_338 : i32
        %eq3A_349 = arith.constant 0 : i32
        %eq3A_350 = arith.cmpi eq, %arg0, %eq3A_349 : i32
        %eq3A_351 = arith.constant 1 : i32
        %eq3A_352 = arith.cmpi eq, %arg0, %eq3A_351 : i32
        %convert_element_type3A_353 = arith.extui %eq3A_350 : i1 to i32
        %cond3A_354 = arith.constant 0 : i32
        %cond3A_355 = arith.cmpi ne, %convert_element_type3A_353, %cond3A_354 : i32
        scf.if %cond3A_355 {
          %dma_start3A_365 = arith.constant 0 : i32
          %dma_start3A_366 = arith.constant 0 : i32
          %dma_start3A_367 = arith.constant 0 : i32
          %dma_start3A_368 = tpu.memref_slice %arg6[%select_n3A_348, %dma_start3A_366, %dma_start3A_367] : memref<2x25x80xi32, #tpu.memory_space<vmem>> -> memref<1x25x80xi32, #tpu.memory_space<vmem>>
          %dma_start3A_369 = tpu.memref_squeeze %dma_start3A_368 : memref<1x25x80xi32, #tpu.memory_space<vmem>> -> memref<25x80xi32, #tpu.memory_space<vmem>>
          %dma_start3A_370 = arith.constant 0 : i32
          %dma_start3A_371 = arith.constant 0 : i32
          %dma_start3A_372 = tpu.memref_slice %arg3[%dma_start3A_365, %arg1, %add3A_330, %dma_start3A_370, %dma_start3A_371] : memref<2x16x10x25x80xi32, #tpu.memory_space<hbm>> -> memref<1x1x1x25x80xi32, #tpu.memory_space<hbm>>
          %dma_start3A_373 = tpu.memref_squeeze %dma_start3A_372 : memref<1x1x1x25x80xi32, #tpu.memory_space<hbm>> -> memref<25x80xi32, #tpu.memory_space<hbm>>
          %dma_start3A_374 = arith.constant 0 : i32
          %dma_start3A_375 = arith.constant 0 : i32
          %dma_start3A_376 = tpu.memref_slice %arg6[%select_n3A_348, %dma_start3A_374, %dma_start3A_375] : memref<2x25x80xi32, #tpu.memory_space<vmem>> -> memref<1x25x80xi32, #tpu.memory_space<vmem>>
          %dma_start3A_377 = tpu.memref_squeeze %dma_start3A_376 : memref<1x25x80xi32, #tpu.memory_space<vmem>> -> memref<25x80xi32, #tpu.memory_space<vmem>>
          %dma_start3A_378 = arith.constant 0 : i32
          %dma_start3A_379 = arith.constant 0 : i32
          %dma_start3A_380 = tpu.memref_slice %arg3[%dma_start3A_365, %arg1, %add3A_330, %dma_start3A_378, %dma_start3A_379] : memref<2x16x10x25x80xi32, #tpu.memory_space<hbm>> -> memref<1x1x1x25x80xi32, #tpu.memory_space<hbm>>
          %dma_start3A_381 = tpu.memref_squeeze %dma_start3A_380 : memref<1x1x1x25x80xi32, #tpu.memory_space<hbm>> -> memref<25x80xi32, #tpu.memory_space<hbm>>
          tpu.enqueue_dma source(%dma_start3A_381 : memref<25x80xi32, #tpu.memory_space<hbm>>) target(%dma_start3A_377 : memref<25x80xi32, #tpu.memory_space<vmem>>) target_semaphore(%arg12 : memref<!tpu.dma_semaphore, #tpu.memory_space<semaphore_mem>>)
        } else {
        }
        %convert_element_type3A_356 = arith.extui %eq3A_350 : i1 to i32
        %cond3A_357 = arith.constant 0 : i32
        %cond3A_358 = arith.cmpi ne, %convert_element_type3A_356, %cond3A_357 : i32
        scf.if %cond3A_358 {
          %dma_start3A_365 = arith.constant 1 : i32
          %dma_start3A_366 = arith.constant 0 : i32
          %dma_start3A_367 = arith.constant 0 : i32
          %dma_start3A_368 = tpu.memref_slice %arg7[%select_n3A_348, %dma_start3A_366, %dma_start3A_367] : memref<2x25x80xi32, #tpu.memory_space<vmem>> -> memref<1x25x80xi32, #tpu.memory_space<vmem>>
          %dma_start3A_369 = tpu.memref_squeeze %dma_start3A_368 : memref<1x25x80xi32, #tpu.memory_space<vmem>> -> memref<25x80xi32, #tpu.memory_space<vmem>>
          %dma_start3A_370 = arith.constant 0 : i32
          %dma_start3A_371 = arith.constant 0 : i32
          %dma_start3A_372 = tpu.memref_slice %arg3[%dma_start3A_365, %arg1, %add3A_330, %dma_start3A_370, %dma_start3A_371] : memref<2x16x10x25x80xi32, #tpu.memory_space<hbm>> -> memref<1x1x1x25x80xi32, #tpu.memory_space<hbm>>
          %dma_start3A_373 = tpu.memref_squeeze %dma_start3A_372 : memref<1x1x1x25x80xi32, #tpu.memory_space<hbm>> -> memref<25x80xi32, #tpu.memory_space<hbm>>
          %dma_start3A_374 = arith.constant 0 : i32
          %dma_start3A_375 = arith.constant 0 : i32
          %dma_start3A_376 = tpu.memref_slice %arg7[%select_n3A_348, %dma_start3A_374, %dma_start3A_375] : memref<2x25x80xi32, #tpu.memory_space<vmem>> -> memref<1x25x80xi32, #tpu.memory_space<vmem>>
          %dma_start3A_377 = tpu.memref_squeeze %dma_start3A_376 : memref<1x25x80xi32, #tpu.memory_space<vmem>> -> memref<25x80xi32, #tpu.memory_space<vmem>>
          %dma_start3A_378 = arith.constant 0 : i32
          %dma_start3A_379 = arith.constant 0 : i32
          %dma_start3A_380 = tpu.memref_slice %arg3[%dma_start3A_365, %arg1, %add3A_330, %dma_start3A_378, %dma_start3A_379] : memref<2x16x10x25x80xi32, #tpu.memory_space<hbm>> -> memref<1x1x1x25x80xi32, #tpu.memory_space<hbm>>
          %dma_start3A_381 = tpu.memref_squeeze %dma_start3A_380 : memref<1x1x1x25x80xi32, #tpu.memory_space<hbm>> -> memref<25x80xi32, #tpu.memory_space<hbm>>
          tpu.enqueue_dma source(%dma_start3A_381 : memref<25x80xi32, #tpu.memory_space<hbm>>) target(%dma_start3A_377 : memref<25x80xi32, #tpu.memory_space<vmem>>) target_semaphore(%arg12 : memref<!tpu.dma_semaphore, #tpu.memory_space<semaphore_mem>>)
        } else {
        }
        %convert_element_type3A_359 = arith.extui %eq3A_352 : i1 to i32
        %cond3A_360 = arith.constant 0 : i32
        %cond3A_361 = arith.cmpi ne, %convert_element_type3A_359, %cond3A_360 : i32
        scf.if %cond3A_361 {
          %dma_start3A_365 = arith.constant 0 : i32
          %dma_start3A_366 = arith.constant 0 : i32
          %dma_start3A_367 = arith.constant 0 : i32
          %dma_start3A_368 = tpu.memref_slice %arg6[%select_n3A_348, %dma_start3A_366, %dma_start3A_367] : memref<2x25x80xi32, #tpu.memory_space<vmem>> -> memref<1x25x80xi32, #tpu.memory_space<vmem>>
          %dma_start3A_369 = tpu.memref_squeeze %dma_start3A_368 : memref<1x25x80xi32, #tpu.memory_space<vmem>> -> memref<25x80xi32, #tpu.memory_space<vmem>>
          %dma_start3A_370 = arith.constant 0 : i32
          %dma_start3A_371 = arith.constant 0 : i32
          %dma_start3A_372 = tpu.memref_slice %arg4[%dma_start3A_365, %arg1, %add3A_330, %dma_start3A_370, %dma_start3A_371] : memref<2x16x10x25x80xi32, #tpu.memory_space<hbm>> -> memref<1x1x1x25x80xi32, #tpu.memory_space<hbm>>
          %dma_start3A_373 = tpu.memref_squeeze %dma_start3A_372 : memref<1x1x1x25x80xi32, #tpu.memory_space<hbm>> -> memref<25x80xi32, #tpu.memory_space<hbm>>
          %dma_start3A_374 = arith.constant 0 : i32
          %dma_start3A_375 = arith.constant 0 : i32
          %dma_start3A_376 = tpu.memref_slice %arg6[%select_n3A_348, %dma_start3A_374, %dma_start3A_375] : memref<2x25x80xi32, #tpu.memory_space<vmem>> -> memref<1x25x80xi32, #tpu.memory_space<vmem>>
          %dma_start3A_377 = tpu.memref_squeeze %dma_start3A_376 : memref<1x25x80xi32, #tpu.memory_space<vmem>> -> memref<25x80xi32, #tpu.memory_space<vmem>>
          %dma_start3A_378 = arith.constant 0 : i32
          %dma_start3A_379 = arith.constant 0 : i32
          %dma_start3A_380 = tpu.memref_slice %arg4[%dma_start3A_365, %arg1, %add3A_330, %dma_start3A_378, %dma_start3A_379] : memref<2x16x10x25x80xi32, #tpu.memory_space<hbm>> -> memref<1x1x1x25x80xi32, #tpu.memory_space<hbm>>
          %dma_start3A_381 = tpu.memref_squeeze %dma_start3A_380 : memref<1x1x1x25x80xi32, #tpu.memory_space<hbm>> -> memref<25x80xi32, #tpu.memory_space<hbm>>
          tpu.enqueue_dma source(%dma_start3A_381 : memref<25x80xi32, #tpu.memory_space<hbm>>) target(%dma_start3A_377 : memref<25x80xi32, #tpu.memory_space<vmem>>) target_semaphore(%arg12 : memref<!tpu.dma_semaphore, #tpu.memory_space<semaphore_mem>>)
        } else {
        }
        %convert_element_type3A_362 = arith.extui %eq3A_352 : i1 to i32
        %cond3A_363 = arith.constant 0 : i32
        %cond3A_364 = arith.cmpi ne, %convert_element_type3A_362, %cond3A_363 : i32
        scf.if %cond3A_364 {
          %dma_start3A_365 = arith.constant 1 : i32
          %dma_start3A_366 = arith.constant 0 : i32
          %dma_start3A_367 = arith.constant 0 : i32
          %dma_start3A_368 = tpu.memref_slice %arg7[%select_n3A_348, %dma_start3A_366, %dma_start3A_367] : memref<2x25x80xi32, #tpu.memory_space<vmem>> -> memref<1x25x80xi32, #tpu.memory_space<vmem>>
          %dma_start3A_369 = tpu.memref_squeeze %dma_start3A_368 : memref<1x25x80xi32, #tpu.memory_space<vmem>> -> memref<25x80xi32, #tpu.memory_space<vmem>>
          %dma_start3A_370 = arith.constant 0 : i32
          %dma_start3A_371 = arith.constant 0 : i32
          %dma_start3A_372 = tpu.memref_slice %arg4[%dma_start3A_365, %arg1, %add3A_330, %dma_start3A_370, %dma_start3A_371] : memref<2x16x10x25x80xi32, #tpu.memory_space<hbm>> -> memref<1x1x1x25x80xi32, #tpu.memory_space<hbm>>
          %dma_start3A_373 = tpu.memref_squeeze %dma_start3A_372 : memref<1x1x1x25x80xi32, #tpu.memory_space<hbm>> -> memref<25x80xi32, #tpu.memory_space<hbm>>
          %dma_start3A_374 = arith.constant 0 : i32
          %dma_start3A_375 = arith.constant 0 : i32
          %dma_start3A_376 = tpu.memref_slice %arg7[%select_n3A_348, %dma_start3A_374, %dma_start3A_375] : memref<2x25x80xi32, #tpu.memory_space<vmem>> -> memref<1x25x80xi32, #tpu.memory_space<vmem>>
          %dma_start3A_377 = tpu.memref_squeeze %dma_start3A_376 : memref<1x25x80xi32, #tpu.memory_space<vmem>> -> memref<25x80xi32, #tpu.memory_space<vmem>>
          %dma_start3A_378 = arith.constant 0 : i32
          %dma_start3A_379 = arith.constant 0 : i32
          %dma_start3A_380 = tpu.memref_slice %arg4[%dma_start3A_365, %arg1, %add3A_330, %dma_start3A_378, %dma_start3A_379] : memref<2x16x10x25x80xi32, #tpu.memory_space<hbm>> -> memref<1x1x1x25x80xi32, #tpu.memory_space<hbm>>
          %dma_start3A_381 = tpu.memref_squeeze %dma_start3A_380 : memref<1x1x1x25x80xi32, #tpu.memory_space<hbm>> -> memref<25x80xi32, #tpu.memory_space<hbm>>
          tpu.enqueue_dma source(%dma_start3A_381 : memref<25x80xi32, #tpu.memory_space<hbm>>) target(%dma_start3A_377 : memref<25x80xi32, #tpu.memory_space<vmem>>) target_semaphore(%arg12 : memref<!tpu.dma_semaphore, #tpu.memory_space<semaphore_mem>>)
        } else {
        }
      } else {
      }
      %ge3A_161 = arith.constant 1 : i32
      %ge3A_162 = arith.cmpi sge, %scan3A_117, %ge3A_161 : i32
      %convert_element_type3A_163 = arith.extui %ge3A_162 : i1 to i32
      %cond3A_164 = arith.constant 0 : i32
      %cond3A_165 = arith.cmpi ne, %convert_element_type3A_163, %cond3A_164 : i32
      scf.if %cond3A_165 {
        %add3A_329 = arith.constant 2 : i32
        %add3A_330 = arith.addi %scan3A_117, %add3A_329 : i32
        %jit3A_331 = arith.constant 3 : i32
        %eq3A_332 = arith.constant 0 : i32
        %eq3A_333 = arith.cmpi eq, %jit3A_331, %eq3A_332 : i32
        %jit3A_334 = arith.constant 1 : i32
        %select_n3A_335 = arith.select %eq3A_333, %jit3A_334, %jit3A_331 : i32
        %rem3A_336 = arith.remsi %add3A_330, %select_n3A_335 : i32
        %ne3A_337 = arith.constant 0 : i32
        %ne3A_338 = arith.cmpi ne, %rem3A_336, %ne3A_337 : i32
        %lt3A_339 = arith.constant 0 : i32
        %lt3A_340 = arith.cmpi slt, %rem3A_336, %lt3A_339 : i32
        %lt3A_341 = arith.constant 0 : i32
        %lt3A_342 = arith.cmpi slt, %select_n3A_335, %lt3A_341 : i32
        %ne3A_343 = arith.xori %lt3A_340, %lt3A_342 : i1
        %and3A_344 = arith.andi %ne3A_343, %ne3A_338 : i1
        %add3A_345 = arith.addi %rem3A_336, %select_n3A_335 : i32
        %select_n3A_346 = arith.select %and3A_344, %add3A_345, %rem3A_336 : i32
        %dma_wait3A_347 = arith.constant 0 : i32
        %dma_wait3A_348 = arith.constant 0 : i32
        %dma_wait3A_349 = arith.constant 0 : i32
        %dma_wait3A_350 = arith.constant 0 : i32
        %dma_wait3A_351 = tpu.memref_slice %arg8[%select_n3A_346, %dma_wait3A_349, %dma_wait3A_350] : memref<3x80x128xf32, #tpu.memory_space<vmem>> -> memref<1x80x128xf32, #tpu.memory_space<vmem>>
        %dma_wait3A_352 = tpu.memref_squeeze %dma_wait3A_351 : memref<1x80x128xf32, #tpu.memory_space<vmem>> -> memref<80x128xf32, #tpu.memory_space<vmem>>
        %dma_wait3A_353 = arith.constant 0 : i32
        %dma_wait3A_354 = tpu.memref_slice %arg7[%dma_wait3A_347, %dma_wait3A_348, %dma_wait3A_353] : memref<2x25x80xi32, #tpu.memory_space<vmem>> -> memref<1x1x80xi32, #tpu.memory_space<vmem>>
        %dma_wait3A_355 = tpu.memref_squeeze %dma_wait3A_354 : memref<1x1x80xi32, #tpu.memory_space<vmem>> -> memref<80xi32, #tpu.memory_space<vmem>>
        %dma_wait3A_356 = arith.constant 0 : i32
        %dma_wait3A_357 = arith.constant 0 : i32
        %dma_wait3A_358 = tpu.memref_slice %arg9[%dma_wait3A_356, %dma_wait3A_357] : memref<10112x128xf32, #tpu.memory_space<vmem_shared>> -> memref<10112x128xf32, #tpu.memory_space<vmem_shared>>
        %dma_wait3A_359 = tpu.memref_slice %arg11[%select_n3A_346] : memref<3x!tpu.dma_semaphore, #tpu.memory_space<semaphore_mem>> -> memref<1x!tpu.dma_semaphore, #tpu.memory_space<semaphore_mem>>
        %dma_wait3A_360 = tpu.memref_squeeze %dma_wait3A_359 : memref<1x!tpu.dma_semaphore, #tpu.memory_space<semaphore_mem>> -> memref<!tpu.dma_semaphore, #tpu.memory_space<semaphore_mem>>
        tpu.wait_indirect_dma semaphore(%dma_wait3A_360 : memref<!tpu.dma_semaphore, #tpu.memory_space<semaphore_mem>>) src(%dma_wait3A_352 : memref<80x128xf32, #tpu.memory_space<vmem>>) dst(%dma_wait3A_358 : memref<10112x128xf32, #tpu.memory_space<vmem_shared>>)
      } else {
      }
      %eq3A_166 = arith.constant 23 : i32
      %eq3A_167 = arith.cmpi eq, %select_n3A_148, %eq3A_166 : i32
      %and3A_168 = arith.andi %eq3A_167, %and3A_154 : i1
      %convert_element_type3A_169 = arith.extui %and3A_168 : i1 to i32
      %cond3A_170 = arith.constant 0 : i32
      %cond3A_171 = arith.cmpi ne, %convert_element_type3A_169, %cond3A_170 : i32
      scf.if %cond3A_171 {
        %dma_wait3A_329 = arith.constant 0 : i32
        %dma_wait3A_330 = arith.constant 0 : i32
        %dma_wait3A_331 = arith.constant 0 : i32
        %dma_wait3A_332 = arith.constant 0 : i32
        %dma_wait3A_333 = arith.constant 0 : i32
        %dma_wait3A_334 = arith.constant 0 : i32
        %dma_wait3A_335 = tpu.memref_slice %arg6[%dma_wait3A_332, %dma_wait3A_333, %dma_wait3A_334] : memref<2x25x80xi32, #tpu.memory_space<vmem>> -> memref<1x25x80xi32, #tpu.memory_space<vmem>>
        %dma_wait3A_336 = tpu.memref_squeeze %dma_wait3A_335 : memref<1x25x80xi32, #tpu.memory_space<vmem>> -> memref<25x80xi32, #tpu.memory_space<vmem>>
        %dma_wait3A_337 = arith.constant 0 : i32
        %dma_wait3A_338 = arith.constant 0 : i32
        %dma_wait3A_339 = tpu.memref_slice %arg3[%dma_wait3A_329, %dma_wait3A_330, %dma_wait3A_331, %dma_wait3A_337, %dma_wait3A_338] : memref<2x16x10x25x80xi32, #tpu.memory_space<hbm>> -> memref<1x1x1x25x80xi32, #tpu.memory_space<hbm>>
        %dma_wait3A_340 = tpu.memref_squeeze %dma_wait3A_339 : memref<1x1x1x25x80xi32, #tpu.memory_space<hbm>> -> memref<25x80xi32, #tpu.memory_space<hbm>>
        %dma_wait3A_341 = arith.constant 0 : i32
        %dma_wait3A_342 = arith.constant 0 : i32
        %dma_wait3A_343 = tpu.memref_slice %arg6[%dma_wait3A_332, %dma_wait3A_341, %dma_wait3A_342] : memref<2x25x80xi32, #tpu.memory_space<vmem>> -> memref<1x25x80xi32, #tpu.memory_space<vmem>>
        %dma_wait3A_344 = tpu.memref_squeeze %dma_wait3A_343 : memref<1x25x80xi32, #tpu.memory_space<vmem>> -> memref<25x80xi32, #tpu.memory_space<vmem>>
        %dma_wait3A_345 = arith.constant 0 : i32
        %dma_wait3A_346 = arith.constant 0 : i32
        %dma_wait3A_347 = tpu.memref_slice %arg3[%dma_wait3A_329, %dma_wait3A_330, %dma_wait3A_331, %dma_wait3A_345, %dma_wait3A_346] : memref<2x16x10x25x80xi32, #tpu.memory_space<hbm>> -> memref<1x1x1x25x80xi32, #tpu.memory_space<hbm>>
        %dma_wait3A_348 = tpu.memref_squeeze %dma_wait3A_347 : memref<1x1x1x25x80xi32, #tpu.memory_space<hbm>> -> memref<25x80xi32, #tpu.memory_space<hbm>>
        tpu.wait_dma2 semaphore(%arg12 : memref<!tpu.dma_semaphore, #tpu.memory_space<semaphore_mem>>) src(%dma_wait3A_348 : memref<25x80xi32, #tpu.memory_space<hbm>>) dst(%dma_wait3A_344 : memref<25x80xi32, #tpu.memory_space<vmem>>)
        %dma_wait3A_349 = arith.constant 0 : i32
        %dma_wait3A_350 = arith.constant 0 : i32
        %dma_wait3A_351 = arith.constant 0 : i32
        %dma_wait3A_352 = arith.constant 0 : i32
        %dma_wait3A_353 = arith.constant 0 : i32
        %dma_wait3A_354 = arith.constant 0 : i32
        %dma_wait3A_355 = tpu.memref_slice %arg7[%dma_wait3A_352, %dma_wait3A_353, %dma_wait3A_354] : memref<2x25x80xi32, #tpu.memory_space<vmem>> -> memref<1x25x80xi32, #tpu.memory_space<vmem>>
        %dma_wait3A_356 = tpu.memref_squeeze %dma_wait3A_355 : memref<1x25x80xi32, #tpu.memory_space<vmem>> -> memref<25x80xi32, #tpu.memory_space<vmem>>
        %dma_wait3A_357 = arith.constant 0 : i32
        %dma_wait3A_358 = arith.constant 0 : i32
        %dma_wait3A_359 = tpu.memref_slice %arg3[%dma_wait3A_349, %dma_wait3A_350, %dma_wait3A_351, %dma_wait3A_357, %dma_wait3A_358] : memref<2x16x10x25x80xi32, #tpu.memory_space<hbm>> -> memref<1x1x1x25x80xi32, #tpu.memory_space<hbm>>
        %dma_wait3A_360 = tpu.memref_squeeze %dma_wait3A_359 : memref<1x1x1x25x80xi32, #tpu.memory_space<hbm>> -> memref<25x80xi32, #tpu.memory_space<hbm>>
        %dma_wait3A_361 = arith.constant 0 : i32
        %dma_wait3A_362 = arith.constant 0 : i32
        %dma_wait3A_363 = tpu.memref_slice %arg7[%dma_wait3A_352, %dma_wait3A_361, %dma_wait3A_362] : memref<2x25x80xi32, #tpu.memory_space<vmem>> -> memref<1x25x80xi32, #tpu.memory_space<vmem>>
        %dma_wait3A_364 = tpu.memref_squeeze %dma_wait3A_363 : memref<1x25x80xi32, #tpu.memory_space<vmem>> -> memref<25x80xi32, #tpu.memory_space<vmem>>
        %dma_wait3A_365 = arith.constant 0 : i32
        %dma_wait3A_366 = arith.constant 0 : i32
        %dma_wait3A_367 = tpu.memref_slice %arg3[%dma_wait3A_349, %dma_wait3A_350, %dma_wait3A_351, %dma_wait3A_365, %dma_wait3A_366] : memref<2x16x10x25x80xi32, #tpu.memory_space<hbm>> -> memref<1x1x1x25x80xi32, #tpu.memory_space<hbm>>
        %dma_wait3A_368 = tpu.memref_squeeze %dma_wait3A_367 : memref<1x1x1x25x80xi32, #tpu.memory_space<hbm>> -> memref<25x80xi32, #tpu.memory_space<hbm>>
        tpu.wait_dma2 semaphore(%arg12 : memref<!tpu.dma_semaphore, #tpu.memory_space<semaphore_mem>>) src(%dma_wait3A_368 : memref<25x80xi32, #tpu.memory_space<hbm>>) dst(%dma_wait3A_364 : memref<25x80xi32, #tpu.memory_space<vmem>>)
      } else {
      }
      %add3A_172 = arith.constant 2 : i32
      %add3A_173 = arith.addi %scan3A_117, %add3A_172 : i32
      %lt3A_174 = arith.constant 250 : i32
      %lt3A_175 = arith.cmpi slt, %add3A_173, %lt3A_174 : i32
      %convert_element_type3A_176 = arith.extui %lt3A_175 : i1 to i32
      %cond3A_177 = arith.constant 0 : i32
      %cond3A_178 = arith.cmpi ne, %convert_element_type3A_176, %cond3A_177 : i32
      scf.if %cond3A_178 {
        %add3A_329 = arith.constant 2 : i32
        %add3A_330 = arith.addi %scan3A_117, %add3A_329 : i32
        %jit3A_331 = arith.constant 25 : i32
        %div3A_332 = arith.divsi %add3A_330, %jit3A_331 : i32
        %sign3A_333 = arith.constant 0 : i32
        %sign3A_334 = arith.cmpi sgt, %add3A_330, %sign3A_333 : i32
        %sign3A_335 = arith.extui %sign3A_334 : i1 to i32
        %sign3A_336 = arith.constant 0 : i32
        %sign3A_337 = arith.cmpi slt, %add3A_330, %sign3A_336 : i32
        %sign3A_338 = arith.extui %sign3A_337 : i1 to i32
        %sign3A_339 = arith.subi %sign3A_335, %sign3A_338 : i32
        %sign3A_340 = arith.constant 0 : i32
        %sign3A_341 = arith.cmpi sgt, %jit3A_331, %sign3A_340 : i32
        %sign3A_342 = arith.extui %sign3A_341 : i1 to i32
        %sign3A_343 = arith.constant 0 : i32
        %sign3A_344 = arith.cmpi slt, %jit3A_331, %sign3A_343 : i32
        %sign3A_345 = arith.extui %sign3A_344 : i1 to i32
        %sign3A_346 = arith.subi %sign3A_342, %sign3A_345 : i32
        %ne3A_347 = arith.cmpi ne, %sign3A_339, %sign3A_346 : i32
        %rem3A_348 = arith.remsi %add3A_330, %jit3A_331 : i32
        %ne3A_349 = arith.constant 0 : i32
        %ne3A_350 = arith.cmpi ne, %rem3A_348, %ne3A_349 : i32
        %and3A_351 = arith.andi %ne3A_347, %ne3A_350 : i1
        %sub3A_352 = arith.constant 1 : i32
        %sub3A_353 = arith.subi %div3A_332, %sub3A_352 : i32
        %select_n3A_354 = arith.select %and3A_351, %sub3A_353, %div3A_332 : i32
        %jit3A_355 = arith.constant 2 : i32
        %eq3A_356 = arith.constant 0 : i32
        %eq3A_357 = arith.cmpi eq, %jit3A_355, %eq3A_356 : i32
        %jit3A_358 = arith.constant 1 : i32
        %select_n3A_359 = arith.select %eq3A_357, %jit3A_358, %jit3A_355 : i32
        %rem3A_360 = arith.remsi %select_n3A_354, %select_n3A_359 : i32
        %ne3A_361 = arith.constant 0 : i32
        %ne3A_362 = arith.cmpi ne, %rem3A_360, %ne3A_361 : i32
        %lt3A_363 = arith.constant 0 : i32
        %lt3A_364 = arith.cmpi slt, %rem3A_360, %lt3A_363 : i32
        %lt3A_365 = arith.constant 0 : i32
        %lt3A_366 = arith.cmpi slt, %select_n3A_359, %lt3A_365 : i32
        %ne3A_367 = arith.xori %lt3A_364, %lt3A_366 : i1
        %and3A_368 = arith.andi %ne3A_367, %ne3A_362 : i1
        %add3A_369 = arith.addi %rem3A_360, %select_n3A_359 : i32
        %select_n3A_370 = arith.select %and3A_368, %add3A_369, %rem3A_360 : i32
        %jit3A_371 = arith.constant 25 : i32
        %eq3A_372 = arith.constant 0 : i32
        %eq3A_373 = arith.cmpi eq, %jit3A_371, %eq3A_372 : i32
        %jit3A_374 = arith.constant 1 : i32
        %select_n3A_375 = arith.select %eq3A_373, %jit3A_374, %jit3A_371 : i32
        %rem3A_376 = arith.remsi %add3A_330, %select_n3A_375 : i32
        %ne3A_377 = arith.constant 0 : i32
        %ne3A_378 = arith.cmpi ne, %rem3A_376, %ne3A_377 : i32
        %lt3A_379 = arith.constant 0 : i32
        %lt3A_380 = arith.cmpi slt, %rem3A_376, %lt3A_379 : i32
        %lt3A_381 = arith.constant 0 : i32
        %lt3A_382 = arith.cmpi slt, %select_n3A_375, %lt3A_381 : i32
        %ne3A_383 = arith.xori %lt3A_380, %lt3A_382 : i1
        %and3A_384 = arith.andi %ne3A_383, %ne3A_378 : i1
        %add3A_385 = arith.addi %rem3A_376, %select_n3A_375 : i32
        %select_n3A_386 = arith.select %and3A_384, %add3A_385, %rem3A_376 : i32
        %jit3A_387 = arith.constant 3 : i32
        %eq3A_388 = arith.constant 0 : i32
        %eq3A_389 = arith.cmpi eq, %jit3A_387, %eq3A_388 : i32
        %jit3A_390 = arith.constant 1 : i32
        %select_n3A_391 = arith.select %eq3A_389, %jit3A_390, %jit3A_387 : i32
        %rem3A_392 = arith.remsi %add3A_330, %select_n3A_391 : i32
        %ne3A_393 = arith.constant 0 : i32
        %ne3A_394 = arith.cmpi ne, %rem3A_392, %ne3A_393 : i32
        %lt3A_395 = arith.constant 0 : i32
        %lt3A_396 = arith.cmpi slt, %rem3A_392, %lt3A_395 : i32
        %lt3A_397 = arith.constant 0 : i32
        %lt3A_398 = arith.cmpi slt, %select_n3A_391, %lt3A_397 : i32
        %ne3A_399 = arith.xori %lt3A_396, %lt3A_398 : i1
        %and3A_400 = arith.andi %ne3A_399, %ne3A_394 : i1
        %add3A_401 = arith.addi %rem3A_392, %select_n3A_391 : i32
        %select_n3A_402 = arith.select %and3A_400, %add3A_401, %rem3A_392 : i32
        %jit3A_403 = arith.constant 3 : i32
        %eq3A_404 = arith.constant 0 : i32
        %eq3A_405 = arith.cmpi eq, %jit3A_403, %eq3A_404 : i32
        %jit3A_406 = arith.constant 1 : i32
        %select_n3A_407 = arith.select %eq3A_405, %jit3A_406, %jit3A_403 : i32
        %rem3A_408 = arith.remsi %add3A_330, %select_n3A_407 : i32
        %ne3A_409 = arith.constant 0 : i32
        %ne3A_410 = arith.cmpi ne, %rem3A_408, %ne3A_409 : i32
        %lt3A_411 = arith.constant 0 : i32
        %lt3A_412 = arith.cmpi slt, %rem3A_408, %lt3A_411 : i32
        %lt3A_413 = arith.constant 0 : i32
        %lt3A_414 = arith.cmpi slt, %select_n3A_407, %lt3A_413 : i32
        %ne3A_415 = arith.xori %lt3A_412, %lt3A_414 : i1
        %and3A_416 = arith.andi %ne3A_415, %ne3A_410 : i1
        %add3A_417 = arith.addi %rem3A_408, %select_n3A_407 : i32
        %select_n3A_418 = arith.select %and3A_416, %add3A_417, %rem3A_408 : i32
        %dma_start3A_419 = arith.constant 0 : i32
        %dma_start3A_420 = arith.constant 0 : i32
        %dma_start3A_421 = tpu.memref_slice %arg8[%select_n3A_402, %dma_start3A_419, %dma_start3A_420] : memref<3x80x128xf32, #tpu.memory_space<vmem>> -> memref<1x80x128xf32, #tpu.memory_space<vmem>>
        %dma_start3A_422 = tpu.memref_squeeze %dma_start3A_421 : memref<1x80x128xf32, #tpu.memory_space<vmem>> -> memref<80x128xf32, #tpu.memory_space<vmem>>
        %dma_start3A_423 = arith.constant 0 : i32
        %dma_start3A_424 = tpu.memref_slice %arg6[%select_n3A_370, %select_n3A_386, %dma_start3A_423] : memref<2x25x80xi32, #tpu.memory_space<vmem>> -> memref<1x1x80xi32, #tpu.memory_space<vmem>>
        %dma_start3A_425 = tpu.memref_squeeze %dma_start3A_424 : memref<1x1x80xi32, #tpu.memory_space<vmem>> -> memref<80xi32, #tpu.memory_space<vmem>>
        %dma_start3A_426 = arith.constant 0 : i32
        %dma_start3A_427 = arith.constant 0 : i32
        %dma_start3A_428 = tpu.memref_slice %arg2[%arg0, %dma_start3A_426, %dma_start3A_427] : memref<2x10000x128xf32, #tpu.memory_space<hbm>> -> memref<1x10000x128xf32, #tpu.memory_space<hbm>>
        %dma_start3A_429 = tpu.memref_squeeze %dma_start3A_428 : memref<1x10000x128xf32, #tpu.memory_space<hbm>> -> memref<10000x128xf32, #tpu.memory_space<hbm>>
        %dma_start3A_430 = arith.constant 0 : i32
        %dma_start3A_431 = arith.constant 0 : i32
        %dma_start3A_432 = tpu.memref_slice %dma_start3A_429[%dma_start3A_430, %dma_start3A_431] : memref<10000x128xf32, #tpu.memory_space<hbm>> -> memref<10000x128xf32, #tpu.memory_space<hbm>>
        %dma_start3A_433 = tpu.memref_slice %arg10[%select_n3A_418] : memref<3x!tpu.dma_semaphore, #tpu.memory_space<semaphore_mem>> -> memref<1x!tpu.dma_semaphore, #tpu.memory_space<semaphore_mem>>
        %dma_start3A_434 = tpu.memref_squeeze %dma_start3A_433 : memref<1x!tpu.dma_semaphore, #tpu.memory_space<semaphore_mem>> -> memref<!tpu.dma_semaphore, #tpu.memory_space<semaphore_mem>>
        tpu.enqueue_indirect_dma source(%dma_start3A_432 : memref<10000x128xf32, #tpu.memory_space<hbm>>) target(%dma_start3A_422 : memref<80x128xf32, #tpu.memory_space<vmem>>) offsets(%dma_start3A_425 : memref<80xi32, #tpu.memory_space<vmem>>) semaphore(%dma_start3A_434 : memref<!tpu.dma_semaphore, #tpu.memory_space<semaphore_mem>>)
      } else {
      }
      %jit3A_179 = arith.constant 3 : i32
      %eq3A_180 = arith.constant 0 : i32
      %eq3A_181 = arith.cmpi eq, %jit3A_179, %eq3A_180 : i32
      %jit3A_182 = arith.constant 1 : i32
      %select_n3A_183 = arith.select %eq3A_181, %jit3A_182, %jit3A_179 : i32
      %rem3A_184 = arith.remsi %scan3A_117, %select_n3A_183 : i32
      %ne3A_185 = arith.constant 0 : i32
      %ne3A_186 = arith.cmpi ne, %rem3A_184, %ne3A_185 : i32
      %lt3A_187 = arith.constant 0 : i32
      %lt3A_188 = arith.cmpi slt, %rem3A_184, %lt3A_187 : i32
      %lt3A_189 = arith.constant 0 : i32
      %lt3A_190 = arith.cmpi slt, %select_n3A_183, %lt3A_189 : i32
      %ne3A_191 = arith.xori %lt3A_188, %lt3A_190 : i1
      %and3A_192 = arith.andi %ne3A_191, %ne3A_186 : i1
      %add3A_193 = arith.addi %rem3A_184, %select_n3A_183 : i32
      %select_n3A_194 = arith.select %and3A_192, %add3A_193, %rem3A_184 : i32
      %jit3A_195 = arith.constant 3 : i32
      %eq3A_196 = arith.constant 0 : i32
      %eq3A_197 = arith.cmpi eq, %jit3A_195, %eq3A_196 : i32
      %jit3A_198 = arith.constant 1 : i32
      %select_n3A_199 = arith.select %eq3A_197, %jit3A_198, %jit3A_195 : i32
      %rem3A_200 = arith.remsi %scan3A_117, %select_n3A_199 : i32
      %ne3A_201 = arith.constant 0 : i32
      %ne3A_202 = arith.cmpi ne, %rem3A_200, %ne3A_201 : i32
      %lt3A_203 = arith.constant 0 : i32
      %lt3A_204 = arith.cmpi slt, %rem3A_200, %lt3A_203 : i32
      %lt3A_205 = arith.constant 0 : i32
      %lt3A_206 = arith.cmpi slt, %select_n3A_199, %lt3A_205 : i32
      %ne3A_207 = arith.xori %lt3A_204, %lt3A_206 : i1
      %and3A_208 = arith.andi %ne3A_207, %ne3A_202 : i1
      %add3A_209 = arith.addi %rem3A_200, %select_n3A_199 : i32
      %select_n3A_210 = arith.select %and3A_208, %add3A_209, %rem3A_200 : i32
      %dma_wait3A_211 = arith.constant 0 : i32
      %dma_wait3A_212 = arith.constant 0 : i32
      %dma_wait3A_213 = arith.constant 0 : i32
      %dma_wait3A_214 = arith.constant 0 : i32
      %dma_wait3A_215 = tpu.memref_slice %arg8[%select_n3A_194, %dma_wait3A_213, %dma_wait3A_214] : memref<3x80x128xf32, #tpu.memory_space<vmem>> -> memref<1x80x128xf32, #tpu.memory_space<vmem>>
      %dma_wait3A_216 = tpu.memref_squeeze %dma_wait3A_215 : memref<1x80x128xf32, #tpu.memory_space<vmem>> -> memref<80x128xf32, #tpu.memory_space<vmem>>
      %dma_wait3A_217 = arith.constant 0 : i32
      %dma_wait3A_218 = tpu.memref_slice %arg6[%dma_wait3A_211, %dma_wait3A_212, %dma_wait3A_217] : memref<2x25x80xi32, #tpu.memory_space<vmem>> -> memref<1x1x80xi32, #tpu.memory_space<vmem>>
      %dma_wait3A_219 = tpu.memref_squeeze %dma_wait3A_218 : memref<1x1x80xi32, #tpu.memory_space<vmem>> -> memref<80xi32, #tpu.memory_space<vmem>>
      %dma_wait3A_220 = arith.constant 0 : i32
      %dma_wait3A_221 = arith.constant 0 : i32
      %dma_wait3A_222 = tpu.memref_slice %arg2[%arg0, %dma_wait3A_220, %dma_wait3A_221] : memref<2x10000x128xf32, #tpu.memory_space<hbm>> -> memref<1x10000x128xf32, #tpu.memory_space<hbm>>
      %dma_wait3A_223 = tpu.memref_squeeze %dma_wait3A_222 : memref<1x10000x128xf32, #tpu.memory_space<hbm>> -> memref<10000x128xf32, #tpu.memory_space<hbm>>
      %dma_wait3A_224 = arith.constant 0 : i32
      %dma_wait3A_225 = arith.constant 0 : i32
      %dma_wait3A_226 = tpu.memref_slice %dma_wait3A_223[%dma_wait3A_224, %dma_wait3A_225] : memref<10000x128xf32, #tpu.memory_space<hbm>> -> memref<10000x128xf32, #tpu.memory_space<hbm>>
      %dma_wait3A_227 = tpu.memref_slice %arg10[%select_n3A_210] : memref<3x!tpu.dma_semaphore, #tpu.memory_space<semaphore_mem>> -> memref<1x!tpu.dma_semaphore, #tpu.memory_space<semaphore_mem>>
      %dma_wait3A_228 = tpu.memref_squeeze %dma_wait3A_227 : memref<1x!tpu.dma_semaphore, #tpu.memory_space<semaphore_mem>> -> memref<!tpu.dma_semaphore, #tpu.memory_space<semaphore_mem>>
      tpu.wait_indirect_dma semaphore(%dma_wait3A_228 : memref<!tpu.dma_semaphore, #tpu.memory_space<semaphore_mem>>) src(%dma_wait3A_226 : memref<10000x128xf32, #tpu.memory_space<hbm>>) dst(%dma_wait3A_216 : memref<80x128xf32, #tpu.memory_space<vmem>>)
      %jit3A_229 = arith.constant 25 : i32
      %div3A_230 = arith.divsi %scan3A_117, %jit3A_229 : i32
      %sign3A_231 = arith.constant 0 : i32
      %sign3A_232 = arith.cmpi sgt, %scan3A_117, %sign3A_231 : i32
      %sign3A_233 = arith.extui %sign3A_232 : i1 to i32
      %sign3A_234 = arith.constant 0 : i32
      %sign3A_235 = arith.cmpi slt, %scan3A_117, %sign3A_234 : i32
      %sign3A_236 = arith.extui %sign3A_235 : i1 to i32
      %sign3A_237 = arith.subi %sign3A_233, %sign3A_236 : i32
      %sign3A_238 = arith.constant 0 : i32
      %sign3A_239 = arith.cmpi sgt, %jit3A_229, %sign3A_238 : i32
      %sign3A_240 = arith.extui %sign3A_239 : i1 to i32
      %sign3A_241 = arith.constant 0 : i32
      %sign3A_242 = arith.cmpi slt, %jit3A_229, %sign3A_241 : i32
      %sign3A_243 = arith.extui %sign3A_242 : i1 to i32
      %sign3A_244 = arith.subi %sign3A_240, %sign3A_243 : i32
      %ne3A_245 = arith.cmpi ne, %sign3A_237, %sign3A_244 : i32
      %rem3A_246 = arith.remsi %scan3A_117, %jit3A_229 : i32
      %ne3A_247 = arith.constant 0 : i32
      %ne3A_248 = arith.cmpi ne, %rem3A_246, %ne3A_247 : i32
      %and3A_249 = arith.andi %ne3A_245, %ne3A_248 : i1
      %sub3A_250 = arith.constant 1 : i32
      %sub3A_251 = arith.subi %div3A_230, %sub3A_250 : i32
      %select_n3A_252 = arith.select %and3A_249, %sub3A_251, %div3A_230 : i32
      %jit3A_253 = arith.constant 2 : i32
      %eq3A_254 = arith.constant 0 : i32
      %eq3A_255 = arith.cmpi eq, %jit3A_253, %eq3A_254 : i32
      %jit3A_256 = arith.constant 1 : i32
      %select_n3A_257 = arith.select %eq3A_255, %jit3A_256, %jit3A_253 : i32
      %rem3A_258 = arith.remsi %select_n3A_252, %select_n3A_257 : i32
      %ne3A_259 = arith.constant 0 : i32
      %ne3A_260 = arith.cmpi ne, %rem3A_258, %ne3A_259 : i32
      %lt3A_261 = arith.constant 0 : i32
      %lt3A_262 = arith.cmpi slt, %rem3A_258, %lt3A_261 : i32
      %lt3A_263 = arith.constant 0 : i32
      %lt3A_264 = arith.cmpi slt, %select_n3A_257, %lt3A_263 : i32
      %ne3A_265 = arith.xori %lt3A_262, %lt3A_264 : i1
      %and3A_266 = arith.andi %ne3A_265, %ne3A_260 : i1
      %add3A_267 = arith.addi %rem3A_258, %select_n3A_257 : i32
      %select_n3A_268 = arith.select %and3A_266, %add3A_267, %rem3A_258 : i32
      %jit3A_269 = arith.constant 25 : i32
      %eq3A_270 = arith.constant 0 : i32
      %eq3A_271 = arith.cmpi eq, %jit3A_269, %eq3A_270 : i32
      %jit3A_272 = arith.constant 1 : i32
      %select_n3A_273 = arith.select %eq3A_271, %jit3A_272, %jit3A_269 : i32
      %rem3A_274 = arith.remsi %scan3A_117, %select_n3A_273 : i32
      %ne3A_275 = arith.constant 0 : i32
      %ne3A_276 = arith.cmpi ne, %rem3A_274, %ne3A_275 : i32
      %lt3A_277 = arith.constant 0 : i32
      %lt3A_278 = arith.cmpi slt, %rem3A_274, %lt3A_277 : i32
      %lt3A_279 = arith.constant 0 : i32
      %lt3A_280 = arith.cmpi slt, %select_n3A_273, %lt3A_279 : i32
      %ne3A_281 = arith.xori %lt3A_278, %lt3A_280 : i1
      %and3A_282 = arith.andi %ne3A_281, %ne3A_276 : i1
      %add3A_283 = arith.addi %rem3A_274, %select_n3A_273 : i32
      %select_n3A_284 = arith.select %and3A_282, %add3A_283, %rem3A_274 : i32
      %jit3A_285 = arith.constant 3 : i32
      %eq3A_286 = arith.constant 0 : i32
      %eq3A_287 = arith.cmpi eq, %jit3A_285, %eq3A_286 : i32
      %jit3A_288 = arith.constant 1 : i32
      %select_n3A_289 = arith.select %eq3A_287, %jit3A_288, %jit3A_285 : i32
      %rem3A_290 = arith.remsi %scan3A_117, %select_n3A_289 : i32
      %ne3A_291 = arith.constant 0 : i32
      %ne3A_292 = arith.cmpi ne, %rem3A_290, %ne3A_291 : i32
      %lt3A_293 = arith.constant 0 : i32
      %lt3A_294 = arith.cmpi slt, %rem3A_290, %lt3A_293 : i32
      %lt3A_295 = arith.constant 0 : i32
      %lt3A_296 = arith.cmpi slt, %select_n3A_289, %lt3A_295 : i32
      %ne3A_297 = arith.xori %lt3A_294, %lt3A_296 : i1
      %and3A_298 = arith.andi %ne3A_297, %ne3A_292 : i1
      %add3A_299 = arith.addi %rem3A_290, %select_n3A_289 : i32
      %select_n3A_300 = arith.select %and3A_298, %add3A_299, %rem3A_290 : i32
      %jit3A_301 = arith.constant 3 : i32
      %eq3A_302 = arith.constant 0 : i32
      %eq3A_303 = arith.cmpi eq, %jit3A_301, %eq3A_302 : i32
      %jit3A_304 = arith.constant 1 : i32
      %select_n3A_305 = arith.select %eq3A_303, %jit3A_304, %jit3A_301 : i32
      %rem3A_306 = arith.remsi %scan3A_117, %select_n3A_305 : i32
      %ne3A_307 = arith.constant 0 : i32
      %ne3A_308 = arith.cmpi ne, %rem3A_306, %ne3A_307 : i32
      %lt3A_309 = arith.constant 0 : i32
      %lt3A_310 = arith.cmpi slt, %rem3A_306, %lt3A_309 : i32
      %lt3A_311 = arith.constant 0 : i32
      %lt3A_312 = arith.cmpi slt, %select_n3A_305, %lt3A_311 : i32
      %ne3A_313 = arith.xori %lt3A_310, %lt3A_312 : i1
      %and3A_314 = arith.andi %ne3A_313, %ne3A_308 : i1
      %add3A_315 = arith.addi %rem3A_306, %select_n3A_305 : i32
      %select_n3A_316 = arith.select %and3A_314, %add3A_315, %rem3A_306 : i32
      %dma_start3A_317 = arith.constant 0 : i32
      %dma_start3A_318 = arith.constant 0 : i32
      %dma_start3A_319 = tpu.memref_slice %arg8[%select_n3A_300, %dma_start3A_317, %dma_start3A_318] : memref<3x80x128xf32, #tpu.memory_space<vmem>> -> memref<1x80x128xf32, #tpu.memory_space<vmem>>
      %dma_start3A_320 = tpu.memref_squeeze %dma_start3A_319 : memref<1x80x128xf32, #tpu.memory_space<vmem>> -> memref<80x128xf32, #tpu.memory_space<vmem>>
      %dma_start3A_321 = arith.constant 0 : i32
      %dma_start3A_322 = tpu.memref_slice %arg7[%select_n3A_268, %select_n3A_284, %dma_start3A_321] : memref<2x25x80xi32, #tpu.memory_space<vmem>> -> memref<1x1x80xi32, #tpu.memory_space<vmem>>
      %dma_start3A_323 = tpu.memref_squeeze %dma_start3A_322 : memref<1x1x80xi32, #tpu.memory_space<vmem>> -> memref<80xi32, #tpu.memory_space<vmem>>
      %dma_start3A_324 = arith.constant 0 : i32
      %dma_start3A_325 = arith.constant 0 : i32
      %dma_start3A_326 = tpu.memref_slice %arg9[%dma_start3A_324, %dma_start3A_325] : memref<10112x128xf32, #tpu.memory_space<vmem_shared>> -> memref<10112x128xf32, #tpu.memory_space<vmem_shared>>
      %dma_start3A_327 = tpu.memref_slice %arg11[%select_n3A_316] : memref<3x!tpu.dma_semaphore, #tpu.memory_space<semaphore_mem>> -> memref<1x!tpu.dma_semaphore, #tpu.memory_space<semaphore_mem>>
      %dma_start3A_328 = tpu.memref_squeeze %dma_start3A_327 : memref<1x!tpu.dma_semaphore, #tpu.memory_space<semaphore_mem>> -> memref<!tpu.dma_semaphore, #tpu.memory_space<semaphore_mem>>
      tpu.enqueue_indirect_dma source(%dma_start3A_320 : memref<80x128xf32, #tpu.memory_space<vmem>>) target(%dma_start3A_326 : memref<10112x128xf32, #tpu.memory_space<vmem_shared>>) offsets(%dma_start3A_323 : memref<80xi32, #tpu.memory_space<vmem>>) semaphore(%dma_start3A_328 : memref<!tpu.dma_semaphore, #tpu.memory_space<semaphore_mem>>) {add = true}
    }
    %scan3A_100 = arith.constant 250 : i32
    %dma_wait3A = arith.constant 0 : i32
    %dma_wait3A_101 = arith.constant 0 : i32
    %dma_wait3A_102 = arith.constant 0 : i32
    %dma_wait3A_103 = arith.constant 0 : i32
    %dma_wait3A_104 = arith.constant 0 : i32
    %dma_wait3A_105 = arith.constant 0 : i32
    %dma_wait3A_106 = tpu.memref_slice %arg8[%dma_wait3A, %dma_wait3A_104, %dma_wait3A_105] : memref<3x80x128xf32, #tpu.memory_space<vmem>> -> memref<1x80x128xf32, #tpu.memory_space<vmem>>
    %dma_wait3A_107 = tpu.memref_squeeze %dma_wait3A_106 : memref<1x80x128xf32, #tpu.memory_space<vmem>> -> memref<80x128xf32, #tpu.memory_space<vmem>>
    %dma_wait3A_108 = arith.constant 0 : i32
    %dma_wait3A_109 = tpu.memref_slice %arg7[%dma_wait3A_101, %dma_wait3A_102, %dma_wait3A_108] : memref<2x25x80xi32, #tpu.memory_space<vmem>> -> memref<1x1x80xi32, #tpu.memory_space<vmem>>
    %dma_wait3A_110 = tpu.memref_squeeze %dma_wait3A_109 : memref<1x1x80xi32, #tpu.memory_space<vmem>> -> memref<80xi32, #tpu.memory_space<vmem>>
    %dma_wait3A_111 = arith.constant 0 : i32
    %dma_wait3A_112 = arith.constant 0 : i32
    %dma_wait3A_113 = tpu.memref_slice %arg9[%dma_wait3A_111, %dma_wait3A_112] : memref<10112x128xf32, #tpu.memory_space<vmem_shared>> -> memref<10112x128xf32, #tpu.memory_space<vmem_shared>>
    %dma_wait3A_114 = tpu.memref_slice %arg11[%dma_wait3A_103] : memref<3x!tpu.dma_semaphore, #tpu.memory_space<semaphore_mem>> -> memref<1x!tpu.dma_semaphore, #tpu.memory_space<semaphore_mem>>
    %dma_wait3A_115 = tpu.memref_squeeze %dma_wait3A_114 : memref<1x!tpu.dma_semaphore, #tpu.memory_space<semaphore_mem>> -> memref<!tpu.dma_semaphore, #tpu.memory_space<semaphore_mem>>
    tpu.wait_indirect_dma semaphore(%dma_wait3A_115 : memref<!tpu.dma_semaphore, #tpu.memory_space<semaphore_mem>>) src(%dma_wait3A_107 : memref<80x128xf32, #tpu.memory_space<vmem>>) dst(%dma_wait3A_113 : memref<10112x128xf32, #tpu.memory_space<vmem_shared>>)
    %barrier3A_116 = arith.constant 0 : index
    tpu.barrier barrier_id(%barrier3A_116)
    "tpu.region"() ({
      %run_scoped3A_117 = tpu.sem_alloc : memref<!tpu.dma_semaphore, #tpu.memory_space<semaphore_mem>>
      %dma_start3A_118 = arith.constant 0 : i32
      %dma_start3A_119 = tpu.memref_slice %arg5[%arg0, %mul3A_5, %dma_start3A_118] : memref<2x10112x128xf32, #tpu.memory_space<hbm>> -> memref<1x632x128xf32, #tpu.memory_space<hbm>>
      %dma_start3A_120 = tpu.memref_squeeze %dma_start3A_119 : memref<1x632x128xf32, #tpu.memory_space<hbm>> -> memref<632x128xf32, #tpu.memory_space<hbm>>
      %dma_start3A_121 = arith.constant 0 : i32
      %dma_start3A_122 = tpu.memref_slice %arg9[%mul3A_5, %dma_start3A_121] : memref<10112x128xf32, #tpu.memory_space<vmem_shared>> -> memref<632x128xf32, #tpu.memory_space<vmem_shared>>
      tpu.enqueue_dma source(%dma_start3A_122 : memref<632x128xf32, #tpu.memory_space<vmem_shared>>) target(%dma_start3A_120 : memref<632x128xf32, #tpu.memory_space<hbm>>) target_semaphore(%run_scoped3A_117 : memref<!tpu.dma_semaphore, #tpu.memory_space<semaphore_mem>>)
      %dma_wait3A_123 = arith.constant 0 : i32
      %dma_wait3A_124 = tpu.memref_slice %arg5[%arg0, %mul3A_5, %dma_wait3A_123] : memref<2x10112x128xf32, #tpu.memory_space<hbm>> -> memref<1x632x128xf32, #tpu.memory_space<hbm>>
      %dma_wait3A_125 = tpu.memref_squeeze %dma_wait3A_124 : memref<1x632x128xf32, #tpu.memory_space<hbm>> -> memref<632x128xf32, #tpu.memory_space<hbm>>
      %dma_wait3A_126 = arith.constant 0 : i32
      %dma_wait3A_127 = tpu.memref_slice %arg9[%mul3A_5, %dma_wait3A_126] : memref<10112x128xf32, #tpu.memory_space<vmem_shared>> -> memref<632x128xf32, #tpu.memory_space<vmem_shared>>
      tpu.wait_dma2 semaphore(%run_scoped3A_117 : memref<!tpu.dma_semaphore, #tpu.memory_space<semaphore_mem>>) src(%dma_wait3A_127 : memref<632x128xf32, #tpu.memory_space<vmem_shared>>) dst(%dma_wait3A_125 : memref<632x128xf32, #tpu.memory_space<hbm>>)
      tpu.yield
    }) : () -> ()
    return
  }
}

#map = affine_map<(d0, d1) -> (0, 0, 0)>
#map1 = affine_map<(d0, d1) -> (0, 0, 0, 0, 0)>
module attributes {stable_mosaic.version = 14 : i64} {
  func.func @_sc_segment_sum(%arg0: i32, %arg1: i32, %arg2: memref<2x10000x128xf32, #tpu.memory_space<hbm>>, %arg3: memref<2x16x10x25x80xi32, #tpu.memory_space<hbm>>, %arg4: memref<2x16x10x25x80xi32, #tpu.memory_space<hbm>>, %arg5: memref<2x10112x128xf32, #tpu.memory_space<hbm>>, %arg6: memref<2x25x80xi32, #tpu.memory_space<vmem>>, %arg7: memref<2x25x80xi32, #tpu.memory_space<vmem>>, %arg8: memref<3x80x128xf32, #tpu.memory_space<vmem>>, %arg9: memref<10112x128xf32, #tpu.memory_space<vmem_shared>>, %arg10: memref<3x!tpu.dma_semaphore, #tpu.memory_space<semaphore_mem>>, %arg11: memref<3x!tpu.dma_semaphore, #tpu.memory_space<semaphore_mem>>, %arg12: memref<!tpu.dma_semaphore, #tpu.memory_space<semaphore_mem>>) attributes {dimension_semantics = [#tpu.dimension_semantics<core_parallel>, #tpu.dimension_semantics<subcore_parallel>], iteration_bounds = array<i64: 2, 16>, scalar_prefetch = 0 : i64, scratch_operands = 7 : i64, tpu.core_type = #tpu.core_type<sc_vector_subcore>, window_params = [{transform_indices = #map}, {transform_indices = #map1}, {transform_indices = #map1}, {transform_indices = #map}]} {
    %broadcast_in_dim3A = arith.constant 0.000000e+00 : f32
    %broadcast_in_dim3A_0 = vector.broadcast %broadcast_in_dim3A : f32 to vector<16xf32>
    %scan3A = arith.constant 0 : i32
    %scan3A_1 = arith.constant 640 : i32
    %scan3A_2 = arith.addi %scan3A, %scan3A_1 : i32
    %scan3A_3 = arith.constant 1 : i32
    scf.for %scan3A_117 = %scan3A to %scan3A_2 step %scan3A_3  : i32 {
      %jit3A = arith.constant 8 : i32
      %div3A = arith.divsi %scan3A_117, %jit3A : i32
      %sign3A = arith.constant 0 : i32
      %sign3A_118 = arith.cmpi sgt, %scan3A_117, %sign3A : i32
      %sign3A_119 = arith.extui %sign3A_118 : i1 to i32
      %sign3A_120 = arith.constant 0 : i32
      %sign3A_121 = arith.cmpi slt, %scan3A_117, %sign3A_120 : i32
      %sign3A_122 = arith.extui %sign3A_121 : i1 to i32
      %sign3A_123 = arith.subi %sign3A_119, %sign3A_122 : i32
      %sign3A_124 = arith.constant 0 : i32
      %sign3A_125 = arith.cmpi sgt, %jit3A, %sign3A_124 : i32
      %sign3A_126 = arith.extui %sign3A_125 : i1 to i32
      %sign3A_127 = arith.constant 0 : i32
      %sign3A_128 = arith.cmpi slt, %jit3A, %sign3A_127 : i32
      %sign3A_129 = arith.extui %sign3A_128 : i1 to i32
      %sign3A_130 = arith.subi %sign3A_126, %sign3A_129 : i32
      %ne3A = arith.cmpi ne, %sign3A_123, %sign3A_130 : i32
      %rem3A = arith.remsi %scan3A_117, %jit3A : i32
      %ne3A_131 = arith.constant 0 : i32
      %ne3A_132 = arith.cmpi ne, %rem3A, %ne3A_131 : i32
      %and3A = arith.andi %ne3A, %ne3A_132 : i1
      %sub3A = arith.constant 1 : i32
      %sub3A_133 = arith.subi %div3A, %sub3A : i32
      %select_n3A = arith.select %and3A, %sub3A_133, %div3A : i32
      %jit3A_134 = arith.constant 8 : i32
      %eq3A_135 = arith.constant 0 : i32
      %eq3A_136 = arith.cmpi eq, %jit3A_134, %eq3A_135 : i32
      %jit3A_137 = arith.constant 1 : i32
      %select_n3A_138 = arith.select %eq3A_136, %jit3A_137, %jit3A_134 : i32
      %rem3A_139 = arith.remsi %scan3A_117, %select_n3A_138 : i32
      %ne3A_140 = arith.constant 0 : i32
      %ne3A_141 = arith.cmpi ne, %rem3A_139, %ne3A_140 : i32
      %lt3A = arith.constant 0 : i32
      %lt3A_142 = arith.cmpi slt, %rem3A_139, %lt3A : i32
      %lt3A_143 = arith.constant 0 : i32
      %lt3A_144 = arith.cmpi slt, %select_n3A_138, %lt3A_143 : i32
      %ne3A_145 = arith.xori %lt3A_142, %lt3A_144 : i1
      %and3A_146 = arith.andi %ne3A_145, %ne3A_141 : i1
      %add3A_147 = arith.addi %rem3A_139, %select_n3A_138 : i32
      %select_n3A_148 = arith.select %and3A_146, %add3A_147, %rem3A_139 : i32
      %mul3A_149 = arith.constant 16 : i32
      %mul3A_150 = arith.muli %select_n3A_148, %mul3A_149 : i32
      %swap3A = arith.constant 0 : i32
      %swap3A_151 = arith.index_cast %swap3A : i32 to index
      %swap3A_152 = arith.index_cast %select_n3A : i32 to index
      %swap3A_153 = arith.index_cast %mul3A_150 : i32 to index
      %swap3A_154 = tpu.vector_load %arg8[%swap3A_151, %swap3A_152, %swap3A_153] {strides = array<i32>} : memref<3x80x128xf32, #tpu.memory_space<vmem>>, vector<1x1x16xf32>,
      %swap3A_155 = vector.shape_cast %swap3A_154 : vector<1x1x16xf32> to vector<16xf32>
      %swap3A_156 = vector.shape_cast %broadcast_in_dim3A_0 : vector<16xf32> to vector<1x1x16xf32>
      tpu.vector_store %arg8[%swap3A_151, %swap3A_152, %swap3A_153], %swap3A_156 {strides = array<i32>} : memref<3x80x128xf32, #tpu.memory_space<vmem>>, vector<1x1x16xf32>,
    }
    %scan3A_4 = arith.constant 640 : i32
    %mul3A = arith.constant 632 : i32
    %mul3A_5 = arith.muli %arg1, %mul3A : i32
    %add3A = arith.constant 0 : i32
    %add3A_6 = arith.addi %mul3A_5, %add3A : i32
    %run_scoped3A = arith.constant 0 : i32
    "tpu.region"() ({
      %run_scoped3A_117 = tpu.sem_alloc : memref<!tpu.dma_semaphore, #tpu.memory_space<semaphore_mem>>
      %dma_start3A_118 = arith.constant 0 : i32
      %dma_start3A_119 = arith.constant 0 : i32
      %dma_start3A_120 = tpu.memref_slice %arg8[%run_scoped3A, %dma_start3A_118, %dma_start3A_119] : memref<3x80x128xf32, #tpu.memory_space<vmem>> -> memref<1x80x128xf32, #tpu.memory_space<vmem>>
      %dma_start3A_121 = tpu.memref_squeeze %dma_start3A_120 : memref<1x80x128xf32, #tpu.memory_space<vmem>> -> memref<80x128xf32, #tpu.memory_space<vmem>>
      %dma_start3A_122 = arith.constant 0 : i32
      %dma_start3A_123 = tpu.memref_slice %arg9[%add3A_6, %dma_start3A_122] : memref<10112x128xf32, #tpu.memory_space<vmem_shared>> -> memref<80x128xf32, #tpu.memory_space<vmem_shared>>
      %dma_start3A_124 = arith.constant 0 : i32
      %dma_start3A_125 = tpu.memref_slice %arg9[%add3A_6, %dma_start3A_124] : memref<10112x128xf32, #tpu.memory_space<vmem_shared>> -> memref<80x128xf32, #tpu.memory_space<vmem_shared>>
      %dma_start3A_126 = arith.constant 0 : i32
      %dma_start3A_127 = arith.constant 0 : i32
      %dma_start3A_128 = tpu.memref_slice %arg8[%run_scoped3A, %dma_start3A_126, %dma_start3A_127] : memref<3x80x128xf32, #tpu.memory_space<vmem>> -> memref<1x80x128xf32, #tpu.memory_space<vmem>>
      %dma_start3A_129 = tpu.memref_squeeze %dma_start3A_128 : memref<1x80x128xf32, #tpu.memory_space<vmem>> -> memref<80x128xf32, #tpu.memory_space<vmem>>
      tpu.enqueue_dma source(%dma_start3A_129 : memref<80x128xf32, #tpu.memory_space<vmem>>) target(%dma_start3A_125 : memref<80x128xf32, #tpu.memory_space<vmem_shared>>) target_semaphore(%run_scoped3A_117 : memref<!tpu.dma_semaphore, #tpu.memory_space<semaphore_mem>>)
      %dma_wait3A_130 = arith.constant 0 : i32
      %dma_wait3A_131 = arith.constant 0 : i32
      %dma_wait3A_132 = tpu.memref_slice %arg8[%run_scoped3A, %dma_wait3A_130, %dma_wait3A_131] : memref<3x80x128xf32, #tpu.memory_space<vmem>> -> memref<1x80x128xf32, #tpu.memory_space<vmem>>
      %dma_wait3A_133 = tpu.memref_squeeze %dma_wait3A_132 : memref<1x80x128xf32, #tpu.memory_space<vmem>> -> memref<80x128xf32, #tpu.memory_space<vmem>>
      %dma_wait3A_134 = arith.constant 0 : i32
      %dma_wait3A_135 = tpu.memref_slice %arg9[%add3A_6, %dma_wait3A_134] : memref<10112x128xf32, #tpu.memory_space<vmem_shared>> -> memref<80x128xf32, #tpu.memory_space<vmem_shared>>
      %dma_wait3A_136 = arith.constant 0 : i32
      %dma_wait3A_137 = tpu.memref_slice %arg9[%add3A_6, %dma_wait3A_136] : memref<10112x128xf32, #tpu.memory_space<vmem_shared>> -> memref<80x128xf32, #tpu.memory_space<vmem_shared>>
      %dma_wait3A_138 = arith.constant 0 : i32
      %dma_wait3A_139 = arith.constant 0 : i32
      %dma_wait3A_140 = tpu.memref_slice %arg8[%run_scoped3A, %dma_wait3A_138, %dma_wait3A_139] : memref<3x80x128xf32, #tpu.memory_space<vmem>> -> memref<1x80x128xf32, #tpu.memory_space<vmem>>
      %dma_wait3A_141 = tpu.memref_squeeze %dma_wait3A_140 : memref<1x80x128xf32, #tpu.memory_space<vmem>> -> memref<80x128xf32, #tpu.memory_space<vmem>>
      tpu.wait_dma2 semaphore(%run_scoped3A_117 : memref<!tpu.dma_semaphore, #tpu.memory_space<semaphore_mem>>) src(%dma_wait3A_141 : memref<80x128xf32, #tpu.memory_space<vmem>>) dst(%dma_wait3A_137 : memref<80x128xf32, #tpu.memory_space<vmem_shared>>)
      tpu.yield
    }) : () -> ()
    %add3A_7 = arith.constant 80 : i32
    %add3A_8 = arith.addi %mul3A_5, %add3A_7 : i32
    %run_scoped3A_9 = arith.constant 0 : i32
    "tpu.region"() ({
      %run_scoped3A_117 = tpu.sem_alloc : memref<!tpu.dma_semaphore, #tpu.memory_space<semaphore_mem>>
      %dma_start3A_118 = arith.constant 0 : i32
      %dma_start3A_119 = arith.constant 0 : i32
      %dma_start3A_120 = tpu.memref_slice %arg8[%run_scoped3A_9, %dma_start3A_118, %dma_start3A_119] : memref<3x80x128xf32, #tpu.memory_space<vmem>> -> memref<1x80x128xf32, #tpu.memory_space<vmem>>
      %dma_start3A_121 = tpu.memref_squeeze %dma_start3A_120 : memref<1x80x128xf32, #tpu.memory_space<vmem>> -> memref<80x128xf32, #tpu.memory_space<vmem>>
      %dma_start3A_122 = arith.constant 0 : i32
      %dma_start3A_123 = tpu.memref_slice %arg9[%add3A_8, %dma_start3A_122] : memref<10112x128xf32, #tpu.memory_space<vmem_shared>> -> memref<80x128xf32, #tpu.memory_space<vmem_shared>>
      %dma_start3A_124 = arith.constant 0 : i32
      %dma_start3A_125 = tpu.memref_slice %arg9[%add3A_8, %dma_start3A_124] : memref<10112x128xf32, #tpu.memory_space<vmem_shared>> -> memref<80x128xf32, #tpu.memory_space<vmem_shared>>
      %dma_start3A_126 = arith.constant 0 : i32
      %dma_start3A_127 = arith.constant 0 : i32
      %dma_start3A_128 = tpu.memref_slice %arg8[%run_scoped3A_9, %dma_start3A_126, %dma_start3A_127] : memref<3x80x128xf32, #tpu.memory_space<vmem>> -> memref<1x80x128xf32, #tpu.memory_space<vmem>>
      %dma_start3A_129 = tpu.memref_squeeze %dma_start3A_128 : memref<1x80x128xf32, #tpu.memory_space<vmem>> -> memref<80x128xf32, #tpu.memory_space<vmem>>
      tpu.enqueue_dma source(%dma_start3A_129 : memref<80x128xf32, #tpu.memory_space<vmem>>) target(%dma_start3A_125 : memref<80x128xf32, #tpu.memory_space<vmem_shared>>) target_semaphore(%run_scoped3A_117 : memref<!tpu.dma_semaphore, #tpu.memory_space<semaphore_mem>>)
      %dma_wait3A_130 = arith.constant 0 : i32
      %dma_wait3A_131 = arith.constant 0 : i32
      %dma_wait3A_132 = tpu.memref_slice %arg8[%run_scoped3A_9, %dma_wait3A_130, %dma_wait3A_131] : memref<3x80x128xf32, #tpu.memory_space<vmem>> -> memref<1x80x128xf32, #tpu.memory_space<vmem>>
      %dma_wait3A_133 = tpu.memref_squeeze %dma_wait3A_132 : memref<1x80x128xf32, #tpu.memory_space<vmem>> -> memref<80x128xf32, #tpu.memory_space<vmem>>
      %dma_wait3A_134 = arith.constant 0 : i32
      %dma_wait3A_135 = tpu.memref_slice %arg9[%add3A_8, %dma_wait3A_134] : memref<10112x128xf32, #tpu.memory_space<vmem_shared>> -> memref<80x128xf32, #tpu.memory_space<vmem_shared>>
      %dma_wait3A_136 = arith.constant 0 : i32
      %dma_wait3A_137 = tpu.memref_slice %arg9[%add3A_8, %dma_wait3A_136] : memref<10112x128xf32, #tpu.memory_space<vmem_shared>> -> memref<80x128xf32, #tpu.memory_space<vmem_shared>>
      %dma_wait3A_138 = arith.constant 0 : i32
      %dma_wait3A_139 = arith.constant 0 : i32
      %dma_wait3A_140 = tpu.memref_slice %arg8[%run_scoped3A_9, %dma_wait3A_138, %dma_wait3A_139] : memref<3x80x128xf32, #tpu.memory_space<vmem>> -> memref<1x80x128xf32, #tpu.memory_space<vmem>>
      %dma_wait3A_141 = tpu.memref_squeeze %dma_wait3A_140 : memref<1x80x128xf32, #tpu.memory_space<vmem>> -> memref<80x128xf32, #tpu.memory_space<vmem>>
      tpu.wait_dma2 semaphore(%run_scoped3A_117 : memref<!tpu.dma_semaphore, #tpu.memory_space<semaphore_mem>>) src(%dma_wait3A_141 : memref<80x128xf32, #tpu.memory_space<vmem>>) dst(%dma_wait3A_137 : memref<80x128xf32, #tpu.memory_space<vmem_shared>>)
      tpu.yield
    }) : () -> ()
    %add3A_10 = arith.constant 160 : i32
    %add3A_11 = arith.addi %mul3A_5, %add3A_10 : i32
    %run_scoped3A_12 = arith.constant 0 : i32
    "tpu.region"() ({
      %run_scoped3A_117 = tpu.sem_alloc : memref<!tpu.dma_semaphore, #tpu.memory_space<semaphore_mem>>
      %dma_start3A_118 = arith.constant 0 : i32
      %dma_start3A_119 = arith.constant 0 : i32
      %dma_start3A_120 = tpu.memref_slice %arg8[%run_scoped3A_12, %dma_start3A_118, %dma_start3A_119] : memref<3x80x128xf32, #tpu.memory_space<vmem>> -> memref<1x80x128xf32, #tpu.memory_space<vmem>>
      %dma_start3A_121 = tpu.memref_squeeze %dma_start3A_120 : memref<1x80x128xf32, #tpu.memory_space<vmem>> -> memref<80x128xf32, #tpu.memory_space<vmem>>
      %dma_start3A_122 = arith.constant 0 : i32
      %dma_start3A_123 = tpu.memref_slice %arg9[%add3A_11, %dma_start3A_122] : memref<10112x128xf32, #tpu.memory_space<vmem_shared>> -> memref<80x128xf32, #tpu.memory_space<vmem_shared>>
      %dma_start3A_124 = arith.constant 0 : i32
      %dma_start3A_125 = tpu.memref_slice %arg9[%add3A_11, %dma_start3A_124] : memref<10112x128xf32, #tpu.memory_space<vmem_shared>> -> memref<80x128xf32, #tpu.memory_space<vmem_shared>>
      %dma_start3A_126 = arith.constant 0 : i32
      %dma_start3A_127 = arith.constant 0 : i32
      %dma_start3A_128 = tpu.memref_slice %arg8[%run_scoped3A_12, %dma_start3A_126, %dma_start3A_127] : memref<3x80x128xf32, #tpu.memory_space<vmem>> -> memref<1x80x128xf32, #tpu.memory_space<vmem>>
      %dma_start3A_129 = tpu.memref_squeeze %dma_start3A_128 : memref<1x80x128xf32, #tpu.memory_space<vmem>> -> memref<80x128xf32, #tpu.memory_space<vmem>>
      tpu.enqueue_dma source(%dma_start3A_129 : memref<80x128xf32, #tpu.memory_space<vmem>>) target(%dma_start3A_125 : memref<80x128xf32, #tpu.memory_space<vmem_shared>>) target_semaphore(%run_scoped3A_117 : memref<!tpu.dma_semaphore, #tpu.memory_space<semaphore_mem>>)
      %dma_wait3A_130 = arith.constant 0 : i32
      %dma_wait3A_131 = arith.constant 0 : i32
      %dma_wait3A_132 = tpu.memref_slice %arg8[%run_scoped3A_12, %dma_wait3A_130, %dma_wait3A_131] : memref<3x80x128xf32, #tpu.memory_space<vmem>> -> memref<1x80x128xf32, #tpu.memory_space<vmem>>
      %dma_wait3A_133 = tpu.memref_squeeze %dma_wait3A_132 : memref<1x80x128xf32, #tpu.memory_space<vmem>> -> memref<80x128xf32, #tpu.memory_space<vmem>>
      %dma_wait3A_134 = arith.constant 0 : i32
      %dma_wait3A_135 = tpu.memref_slice %arg9[%add3A_11, %dma_wait3A_134] : memref<10112x128xf32, #tpu.memory_space<vmem_shared>> -> memref<80x128xf32, #tpu.memory_space<vmem_shared>>
      %dma_wait3A_136 = arith.constant 0 : i32
      %dma_wait3A_137 = tpu.memref_slice %arg9[%add3A_11, %dma_wait3A_136] : memref<10112x128xf32, #tpu.memory_space<vmem_shared>> -> memref<80x128xf32, #tpu.memory_space<vmem_shared>>
      %dma_wait3A_138 = arith.constant 0 : i32
      %dma_wait3A_139 = arith.constant 0 : i32
      %dma_wait3A_140 = tpu.memref_slice %arg8[%run_scoped3A_12, %dma_wait3A_138, %dma_wait3A_139] : memref<3x80x128xf32, #tpu.memory_space<vmem>> -> memref<1x80x128xf32, #tpu.memory_space<vmem>>
      %dma_wait3A_141 = tpu.memref_squeeze %dma_wait3A_140 : memref<1x80x128xf32, #tpu.memory_space<vmem>> -> memref<80x128xf32, #tpu.memory_space<vmem>>
      tpu.wait_dma2 semaphore(%run_scoped3A_117 : memref<!tpu.dma_semaphore, #tpu.memory_space<semaphore_mem>>) src(%dma_wait3A_141 : memref<80x128xf32, #tpu.memory_space<vmem>>) dst(%dma_wait3A_137 : memref<80x128xf32, #tpu.memory_space<vmem_shared>>)
      tpu.yield
    }) : () -> ()
    %add3A_13 = arith.constant 240 : i32
    %add3A_14 = arith.addi %mul3A_5, %add3A_13 : i32
    %run_scoped3A_15 = arith.constant 0 : i32
    "tpu.region"() ({
      %run_scoped3A_117 = tpu.sem_alloc : memref<!tpu.dma_semaphore, #tpu.memory_space<semaphore_mem>>
      %dma_start3A_118 = arith.constant 0 : i32
      %dma_start3A_119 = arith.constant 0 : i32
      %dma_start3A_120 = tpu.memref_slice %arg8[%run_scoped3A_15, %dma_start3A_118, %dma_start3A_119] : memref<3x80x128xf32, #tpu.memory_space<vmem>> -> memref<1x80x128xf32, #tpu.memory_space<vmem>>
      %dma_start3A_121 = tpu.memref_squeeze %dma_start3A_120 : memref<1x80x128xf32, #tpu.memory_space<vmem>> -> memref<80x128xf32, #tpu.memory_space<vmem>>
      %dma_start3A_122 = arith.constant 0 : i32
      %dma_start3A_123 = tpu.memref_slice %arg9[%add3A_14, %dma_start3A_122] : memref<10112x128xf32, #tpu.memory_space<vmem_shared>> -> memref<80x128xf32, #tpu.memory_space<vmem_shared>>
      %dma_start3A_124 = arith.constant 0 : i32
      %dma_start3A_125 = tpu.memref_slice %arg9[%add3A_14, %dma_start3A_124] : memref<10112x128xf32, #tpu.memory_space<vmem_shared>> -> memref<80x128xf32, #tpu.memory_space<vmem_shared>>
      %dma_start3A_126 = arith.constant 0 : i32
      %dma_start3A_127 = arith.constant 0 : i32
      %dma_start3A_128 = tpu.memref_slice %arg8[%run_scoped3A_15, %dma_start3A_126, %dma_start3A_127] : memref<3x80x128xf32, #tpu.memory_space<vmem>> -> memref<1x80x128xf32, #tpu.memory_space<vmem>>
      %dma_start3A_129 = tpu.memref_squeeze %dma_start3A_128 : memref<1x80x128xf32, #tpu.memory_space<vmem>> -> memref<80x128xf32, #tpu.memory_space<vmem>>
      tpu.enqueue_dma source(%dma_start3A_129 : memref<80x128xf32, #tpu.memory_space<vmem>>) target(%dma_start3A_125 : memref<80x128xf32, #tpu.memory_space<vmem_shared>>) target_semaphore(%run_scoped3A_117 : memref<!tpu.dma_semaphore, #tpu.memory_space<semaphore_mem>>)
      %dma_wait3A_130 = arith.constant 0 : i32
      %dma_wait3A_131 = arith.constant 0 : i32
      %dma_wait3A_132 = tpu.memref_slice %arg8[%run_scoped3A_15, %dma_wait3A_130, %dma_wait3A_131] : memref<3x80x128xf32, #tpu.memory_space<vmem>> -> memref<1x80x128xf32, #tpu.memory_space<vmem>>
      %dma_wait3A_133 = tpu.memref_squeeze %dma_wait3A_132 : memref<1x80x128xf32, #tpu.memory_space<vmem>> -> memref<80x128xf32, #tpu.memory_space<vmem>>
      %dma_wait3A_134 = arith.constant 0 : i32
      %dma_wait3A_135 = tpu.memref_slice %arg9[%add3A_14, %dma_wait3A_134] : memref<10112x128xf32, #tpu.memory_space<vmem_shared>> -> memref<80x128xf32, #tpu.memory_space<vmem_shared>>
      %dma_wait3A_136 = arith.constant 0 : i32
      %dma_wait3A_137 = tpu.memref_slice %arg9[%add3A_14, %dma_wait3A_136] : memref<10112x128xf32, #tpu.memory_space<vmem_shared>> -> memref<80x128xf32, #tpu.memory_space<vmem_shared>>
      %dma_wait3A_138 = arith.constant 0 : i32
      %dma_wait3A_139 = arith.constant 0 : i32
      %dma_wait3A_140 = tpu.memref_slice %arg8[%run_scoped3A_15, %dma_wait3A_138, %dma_wait3A_139] : memref<3x80x128xf32, #tpu.memory_space<vmem>> -> memref<1x80x128xf32, #tpu.memory_space<vmem>>
      %dma_wait3A_141 = tpu.memref_squeeze %dma_wait3A_140 : memref<1x80x128xf32, #tpu.memory_space<vmem>> -> memref<80x128xf32, #tpu.memory_space<vmem>>
      tpu.wait_dma2 semaphore(%run_scoped3A_117 : memref<!tpu.dma_semaphore, #tpu.memory_space<semaphore_mem>>) src(%dma_wait3A_141 : memref<80x128xf32, #tpu.memory_space<vmem>>) dst(%dma_wait3A_137 : memref<80x128xf32, #tpu.memory_space<vmem_shared>>)
      tpu.yield
    }) : () -> ()
    %add3A_16 = arith.constant 320 : i32
    %add3A_17 = arith.addi %mul3A_5, %add3A_16 : i32
    %run_scoped3A_18 = arith.constant 0 : i32
    "tpu.region"() ({
      %run_scoped3A_117 = tpu.sem_alloc : memref<!tpu.dma_semaphore, #tpu.memory_space<semaphore_mem>>
      %dma_start3A_118 = arith.constant 0 : i32
      %dma_start3A_119 = arith.constant 0 : i32
      %dma_start3A_120 = tpu.memref_slice %arg8[%run_scoped3A_18, %dma_start3A_118, %dma_start3A_119] : memref<3x80x128xf32, #tpu.memory_space<vmem>> -> memref<1x80x128xf32, #tpu.memory_space<vmem>>
      %dma_start3A_121 = tpu.memref_squeeze %dma_start3A_120 : memref<1x80x128xf32, #tpu.memory_space<vmem>> -> memref<80x128xf32, #tpu.memory_space<vmem>>
      %dma_start3A_122 = arith.constant 0 : i32
      %dma_start3A_123 = tpu.memref_slice %arg9[%add3A_17, %dma_start3A_122] : memref<10112x128xf32, #tpu.memory_space<vmem_shared>> -> memref<80x128xf32, #tpu.memory_space<vmem_shared>>
      %dma_start3A_124 = arith.constant 0 : i32
      %dma_start3A_125 = tpu.memref_slice %arg9[%add3A_17, %dma_start3A_124] : memref<10112x128xf32, #tpu.memory_space<vmem_shared>> -> memref<80x128xf32, #tpu.memory_space<vmem_shared>>
      %dma_start3A_126 = arith.constant 0 : i32
      %dma_start3A_127 = arith.constant 0 : i32
      %dma_start3A_128 = tpu.memref_slice %arg8[%run_scoped3A_18, %dma_start3A_126, %dma_start3A_127] : memref<3x80x128xf32, #tpu.memory_space<vmem>> -> memref<1x80x128xf32, #tpu.memory_space<vmem>>
      %dma_start3A_129 = tpu.memref_squeeze %dma_start3A_128 : memref<1x80x128xf32, #tpu.memory_space<vmem>> -> memref<80x128xf32, #tpu.memory_space<vmem>>
      tpu.enqueue_dma source(%dma_start3A_129 : memref<80x128xf32, #tpu.memory_space<vmem>>) target(%dma_start3A_125 : memref<80x128xf32, #tpu.memory_space<vmem_shared>>) target_semaphore(%run_scoped3A_117 : memref<!tpu.dma_semaphore, #tpu.memory_space<semaphore_mem>>)
      %dma_wait3A_130 = arith.constant 0 : i32
      %dma_wait3A_131 = arith.constant 0 : i32
      %dma_wait3A_132 = tpu.memref_slice %arg8[%run_scoped3A_18, %dma_wait3A_130, %dma_wait3A_131] : memref<3x80x128xf32, #tpu.memory_space<vmem>> -> memref<1x80x128xf32, #tpu.memory_space<vmem>>
      %dma_wait3A_133 = tpu.memref_squeeze %dma_wait3A_132 : memref<1x80x128xf32, #tpu.memory_space<vmem>> -> memref<80x128xf32, #tpu.memory_space<vmem>>
      %dma_wait3A_134 = arith.constant 0 : i32
      %dma_wait3A_135 = tpu.memref_slice %arg9[%add3A_17, %dma_wait3A_134] : memref<10112x128xf32, #tpu.memory_space<vmem_shared>> -> memref<80x128xf32, #tpu.memory_space<vmem_shared>>
      %dma_wait3A_136 = arith.constant 0 : i32
      %dma_wait3A_137 = tpu.memref_slice %arg9[%add3A_17, %dma_wait3A_136] : memref<10112x128xf32, #tpu.memory_space<vmem_shared>> -> memref<80x128xf32, #tpu.memory_space<vmem_shared>>
      %dma_wait3A_138 = arith.constant 0 : i32
      %dma_wait3A_139 = arith.constant 0 : i32
      %dma_wait3A_140 = tpu.memref_slice %arg8[%run_scoped3A_18, %dma_wait3A_138, %dma_wait3A_139] : memref<3x80x128xf32, #tpu.memory_space<vmem>> -> memref<1x80x128xf32, #tpu.memory_space<vmem>>
      %dma_wait3A_141 = tpu.memref_squeeze %dma_wait3A_140 : memref<1x80x128xf32, #tpu.memory_space<vmem>> -> memref<80x128xf32, #tpu.memory_space<vmem>>
      tpu.wait_dma2 semaphore(%run_scoped3A_117 : memref<!tpu.dma_semaphore, #tpu.memory_space<semaphore_mem>>) src(%dma_wait3A_141 : memref<80x128xf32, #tpu.memory_space<vmem>>) dst(%dma_wait3A_137 : memref<80x128xf32, #tpu.memory_space<vmem_shared>>)
      tpu.yield
    }) : () -> ()
    %add3A_19 = arith.constant 400 : i32
    %add3A_20 = arith.addi %mul3A_5, %add3A_19 : i32
    %run_scoped3A_21 = arith.constant 0 : i32
    "tpu.region"() ({
      %run_scoped3A_117 = tpu.sem_alloc : memref<!tpu.dma_semaphore, #tpu.memory_space<semaphore_mem>>
      %dma_start3A_118 = arith.constant 0 : i32
      %dma_start3A_119 = arith.constant 0 : i32
      %dma_start3A_120 = tpu.memref_slice %arg8[%run_scoped3A_21, %dma_start3A_118, %dma_start3A_119] : memref<3x80x128xf32, #tpu.memory_space<vmem>> -> memref<1x80x128xf32, #tpu.memory_space<vmem>>
      %dma_start3A_121 = tpu.memref_squeeze %dma_start3A_120 : memref<1x80x128xf32, #tpu.memory_space<vmem>> -> memref<80x128xf32, #tpu.memory_space<vmem>>
      %dma_start3A_122 = arith.constant 0 : i32
      %dma_start3A_123 = tpu.memref_slice %arg9[%add3A_20, %dma_start3A_122] : memref<10112x128xf32, #tpu.memory_space<vmem_shared>> -> memref<80x128xf32, #tpu.memory_space<vmem_shared>>
      %dma_start3A_124 = arith.constant 0 : i32
      %dma_start3A_125 = tpu.memref_slice %arg9[%add3A_20, %dma_start3A_124] : memref<10112x128xf32, #tpu.memory_space<vmem_shared>> -> memref<80x128xf32, #tpu.memory_space<vmem_shared>>
      %dma_start3A_126 = arith.constant 0 : i32
      %dma_start3A_127 = arith.constant 0 : i32
      %dma_start3A_128 = tpu.memref_slice %arg8[%run_scoped3A_21, %dma_start3A_126, %dma_start3A_127] : memref<3x80x128xf32, #tpu.memory_space<vmem>> -> memref<1x80x128xf32, #tpu.memory_space<vmem>>
      %dma_start3A_129 = tpu.memref_squeeze %dma_start3A_128 : memref<1x80x128xf32, #tpu.memory_space<vmem>> -> memref<80x128xf32, #tpu.memory_space<vmem>>
      tpu.enqueue_dma source(%dma_start3A_129 : memref<80x128xf32, #tpu.memory_space<vmem>>) target(%dma_start3A_125 : memref<80x128xf32, #tpu.memory_space<vmem_shared>>) target_semaphore(%run_scoped3A_117 : memref<!tpu.dma_semaphore, #tpu.memory_space<semaphore_mem>>)
      %dma_wait3A_130 = arith.constant 0 : i32
      %dma_wait3A_131 = arith.constant 0 : i32
      %dma_wait3A_132 = tpu.memref_slice %arg8[%run_scoped3A_21, %dma_wait3A_130, %dma_wait3A_131] : memref<3x80x128xf32, #tpu.memory_space<vmem>> -> memref<1x80x128xf32, #tpu.memory_space<vmem>>
      %dma_wait3A_133 = tpu.memref_squeeze %dma_wait3A_132 : memref<1x80x128xf32, #tpu.memory_space<vmem>> -> memref<80x128xf32, #tpu.memory_space<vmem>>
      %dma_wait3A_134 = arith.constant 0 : i32
      %dma_wait3A_135 = tpu.memref_slice %arg9[%add3A_20, %dma_wait3A_134] : memref<10112x128xf32, #tpu.memory_space<vmem_shared>> -> memref<80x128xf32, #tpu.memory_space<vmem_shared>>
      %dma_wait3A_136 = arith.constant 0 : i32
      %dma_wait3A_137 = tpu.memref_slice %arg9[%add3A_20, %dma_wait3A_136] : memref<10112x128xf32, #tpu.memory_space<vmem_shared>> -> memref<80x128xf32, #tpu.memory_space<vmem_shared>>
      %dma_wait3A_138 = arith.constant 0 : i32
      %dma_wait3A_139 = arith.constant 0 : i32
      %dma_wait3A_140 = tpu.memref_slice %arg8[%run_scoped3A_21, %dma_wait3A_138, %dma_wait3A_139] : memref<3x80x128xf32, #tpu.memory_space<vmem>> -> memref<1x80x128xf32, #tpu.memory_space<vmem>>
      %dma_wait3A_141 = tpu.memref_squeeze %dma_wait3A_140 : memref<1x80x128xf32, #tpu.memory_space<vmem>> -> memref<80x128xf32, #tpu.memory_space<vmem>>
      tpu.wait_dma2 semaphore(%run_scoped3A_117 : memref<!tpu.dma_semaphore, #tpu.memory_space<semaphore_mem>>) src(%dma_wait3A_141 : memref<80x128xf32, #tpu.memory_space<vmem>>) dst(%dma_wait3A_137 : memref<80x128xf32, #tpu.memory_space<vmem_shared>>)
      tpu.yield
    }) : () -> ()
    %add3A_22 = arith.constant 480 : i32
    %add3A_23 = arith.addi %mul3A_5, %add3A_22 : i32
    %run_scoped3A_24 = arith.constant 0 : i32
    "tpu.region"() ({
      %run_scoped3A_117 = tpu.sem_alloc : memref<!tpu.dma_semaphore, #tpu.memory_space<semaphore_mem>>
      %dma_start3A_118 = arith.constant 0 : i32
      %dma_start3A_119 = arith.constant 0 : i32
      %dma_start3A_120 = tpu.memref_slice %arg8[%run_scoped3A_24, %dma_start3A_118, %dma_start3A_119] : memref<3x80x128xf32, #tpu.memory_space<vmem>> -> memref<1x80x128xf32, #tpu.memory_space<vmem>>
      %dma_start3A_121 = tpu.memref_squeeze %dma_start3A_120 : memref<1x80x128xf32, #tpu.memory_space<vmem>> -> memref<80x128xf32, #tpu.memory_space<vmem>>
      %dma_start3A_122 = arith.constant 0 : i32
      %dma_start3A_123 = tpu.memref_slice %arg9[%add3A_23, %dma_start3A_122] : memref<10112x128xf32, #tpu.memory_space<vmem_shared>> -> memref<80x128xf32, #tpu.memory_space<vmem_shared>>
      %dma_start3A_124 = arith.constant 0 : i32
      %dma_start3A_125 = tpu.memref_slice %arg9[%add3A_23, %dma_start3A_124] : memref<10112x128xf32, #tpu.memory_space<vmem_shared>> -> memref<80x128xf32, #tpu.memory_space<vmem_shared>>
      %dma_start3A_126 = arith.constant 0 : i32
      %dma_start3A_127 = arith.constant 0 : i32
      %dma_start3A_128 = tpu.memref_slice %arg8[%run_scoped3A_24, %dma_start3A_126, %dma_start3A_127] : memref<3x80x128xf32, #tpu.memory_space<vmem>> -> memref<1x80x128xf32, #tpu.memory_space<vmem>>
      %dma_start3A_129 = tpu.memref_squeeze %dma_start3A_128 : memref<1x80x128xf32, #tpu.memory_space<vmem>> -> memref<80x128xf32, #tpu.memory_space<vmem>>
      tpu.enqueue_dma source(%dma_start3A_129 : memref<80x128xf32, #tpu.memory_space<vmem>>) target(%dma_start3A_125 : memref<80x128xf32, #tpu.memory_space<vmem_shared>>) target_semaphore(%run_scoped3A_117 : memref<!tpu.dma_semaphore, #tpu.memory_space<semaphore_mem>>)
      %dma_wait3A_130 = arith.constant 0 : i32
      %dma_wait3A_131 = arith.constant 0 : i32
      %dma_wait3A_132 = tpu.memref_slice %arg8[%run_scoped3A_24, %dma_wait3A_130, %dma_wait3A_131] : memref<3x80x128xf32, #tpu.memory_space<vmem>> -> memref<1x80x128xf32, #tpu.memory_space<vmem>>
      %dma_wait3A_133 = tpu.memref_squeeze %dma_wait3A_132 : memref<1x80x128xf32, #tpu.memory_space<vmem>> -> memref<80x128xf32, #tpu.memory_space<vmem>>
      %dma_wait3A_134 = arith.constant 0 : i32
      %dma_wait3A_135 = tpu.memref_slice %arg9[%add3A_23, %dma_wait3A_134] : memref<10112x128xf32, #tpu.memory_space<vmem_shared>> -> memref<80x128xf32, #tpu.memory_space<vmem_shared>>
      %dma_wait3A_136 = arith.constant 0 : i32
      %dma_wait3A_137 = tpu.memref_slice %arg9[%add3A_23, %dma_wait3A_136] : memref<10112x128xf32, #tpu.memory_space<vmem_shared>> -> memref<80x128xf32, #tpu.memory_space<vmem_shared>>
      %dma_wait3A_138 = arith.constant 0 : i32
      %dma_wait3A_139 = arith.constant 0 : i32
      %dma_wait3A_140 = tpu.memref_slice %arg8[%run_scoped3A_24, %dma_wait3A_138, %dma_wait3A_139] : memref<3x80x128xf32, #tpu.memory_space<vmem>> -> memref<1x80x128xf32, #tpu.memory_space<vmem>>
      %dma_wait3A_141 = tpu.memref_squeeze %dma_wait3A_140 : memref<1x80x128xf32, #tpu.memory_space<vmem>> -> memref<80x128xf32, #tpu.memory_space<vmem>>
      tpu.wait_dma2 semaphore(%run_scoped3A_117 : memref<!tpu.dma_semaphore, #tpu.memory_space<semaphore_mem>>) src(%dma_wait3A_141 : memref<80x128xf32, #tpu.memory_space<vmem>>) dst(%dma_wait3A_137 : memref<80x128xf32, #tpu.memory_space<vmem_shared>>)
      tpu.yield
    }) : () -> ()
    %add3A_25 = arith.constant 560 : i32
    %add3A_26 = arith.addi %mul3A_5, %add3A_25 : i32
    %run_scoped3A_27 = arith.constant 0 : i32
    "tpu.region"() ({
      %run_scoped3A_117 = tpu.sem_alloc : memref<!tpu.dma_semaphore, #tpu.memory_space<semaphore_mem>>
      %dma_start3A_118 = arith.constant 0 : i32
      %dma_start3A_119 = arith.constant 0 : i32
      %dma_start3A_120 = tpu.memref_slice %arg8[%run_scoped3A_27, %dma_start3A_118, %dma_start3A_119] : memref<3x80x128xf32, #tpu.memory_space<vmem>> -> memref<1x72x128xf32, #tpu.memory_space<vmem>>
      %dma_start3A_121 = tpu.memref_squeeze %dma_start3A_120 : memref<1x72x128xf32, #tpu.memory_space<vmem>> -> memref<72x128xf32, #tpu.memory_space<vmem>>
      %dma_start3A_122 = arith.constant 0 : i32
      %dma_start3A_123 = tpu.memref_slice %arg9[%add3A_26, %dma_start3A_122] : memref<10112x128xf32, #tpu.memory_space<vmem_shared>> -> memref<72x128xf32, #tpu.memory_space<vmem_shared>>
      %dma_start3A_124 = arith.constant 0 : i32
      %dma_start3A_125 = tpu.memref_slice %arg9[%add3A_26, %dma_start3A_124] : memref<10112x128xf32, #tpu.memory_space<vmem_shared>> -> memref<72x128xf32, #tpu.memory_space<vmem_shared>>
      %dma_start3A_126 = arith.constant 0 : i32
      %dma_start3A_127 = arith.constant 0 : i32
      %dma_start3A_128 = tpu.memref_slice %arg8[%run_scoped3A_27, %dma_start3A_126, %dma_start3A_127] : memref<3x80x128xf32, #tpu.memory_space<vmem>> -> memref<1x72x128xf32, #tpu.memory_space<vmem>>
      %dma_start3A_129 = tpu.memref_squeeze %dma_start3A_128 : memref<1x72x128xf32, #tpu.memory_space<vmem>> -> memref<72x128xf32, #tpu.memory_space<vmem>>
      tpu.enqueue_dma source(%dma_start3A_129 : memref<72x128xf32, #tpu.memory_space<vmem>>) target(%dma_start3A_125 : memref<72x128xf32, #tpu.memory_space<vmem_shared>>) target_semaphore(%run_scoped3A_117 : memref<!tpu.dma_semaphore, #tpu.memory_space<semaphore_mem>>)
      %dma_wait3A_130 = arith.constant 0 : i32
      %dma_wait3A_131 = arith.constant 0 : i32
      %dma_wait3A_132 = tpu.memref_slice %arg8[%run_scoped3A_27, %dma_wait3A_130, %dma_wait3A_131] : memref<3x80x128xf32, #tpu.memory_space<vmem>> -> memref<1x72x128xf32, #tpu.memory_space<vmem>>
      %dma_wait3A_133 = tpu.memref_squeeze %dma_wait3A_132 : memref<1x72x128xf32, #tpu.memory_space<vmem>> -> memref<72x128xf32, #tpu.memory_space<vmem>>
      %dma_wait3A_134 = arith.constant 0 : i32
      %dma_wait3A_135 = tpu.memref_slice %arg9[%add3A_26, %dma_wait3A_134] : memref<10112x128xf32, #tpu.memory_space<vmem_shared>> -> memref<72x128xf32, #tpu.memory_space<vmem_shared>>
      %dma_wait3A_136 = arith.constant 0 : i32
      %dma_wait3A_137 = tpu.memref_slice %arg9[%add3A_26, %dma_wait3A_136] : memref<10112x128xf32, #tpu.memory_space<vmem_shared>> -> memref<72x128xf32, #tpu.memory_space<vmem_shared>>
      %dma_wait3A_138 = arith.constant 0 : i32
      %dma_wait3A_139 = arith.constant 0 : i32
      %dma_wait3A_140 = tpu.memref_slice %arg8[%run_scoped3A_27, %dma_wait3A_138, %dma_wait3A_139] : memref<3x80x128xf32, #tpu.memory_space<vmem>> -> memref<1x72x128xf32, #tpu.memory_space<vmem>>
      %dma_wait3A_141 = tpu.memref_squeeze %dma_wait3A_140 : memref<1x72x128xf32, #tpu.memory_space<vmem>> -> memref<72x128xf32, #tpu.memory_space<vmem>>
      tpu.wait_dma2 semaphore(%run_scoped3A_117 : memref<!tpu.dma_semaphore, #tpu.memory_space<semaphore_mem>>) src(%dma_wait3A_141 : memref<72x128xf32, #tpu.memory_space<vmem>>) dst(%dma_wait3A_137 : memref<72x128xf32, #tpu.memory_space<vmem_shared>>)
      tpu.yield
    }) : () -> ()
    %barrier3A = arith.constant 0 : index
    tpu.barrier barrier_id(%barrier3A)
    %eq3A = arith.constant 0 : i32
    %eq3A_28 = arith.cmpi eq, %arg0, %eq3A : i32
    %eq3A_29 = arith.constant 1 : i32
    %eq3A_30 = arith.cmpi eq, %arg0, %eq3A_29 : i32
    %convert_element_type3A = arith.extui %eq3A_28 : i1 to i32
    %cond3A = arith.constant 0 : i32
    %cond3A_31 = arith.cmpi ne, %convert_element_type3A, %cond3A : i32
    scf.if %cond3A_31 {
      %dma_start3A_117 = arith.constant 0 : i32
      %dma_start3A_118 = arith.constant 0 : i32
      %dma_start3A_119 = arith.constant 0 : i32
      %dma_start3A_120 = arith.constant 0 : i32
      %dma_start3A_121 = arith.constant 0 : i32
      %dma_start3A_122 = tpu.memref_slice %arg6[%dma_start3A_119, %dma_start3A_120, %dma_start3A_121] : memref<2x25x80xi32, #tpu.memory_space<vmem>> -> memref<1x25x80xi32, #tpu.memory_space<vmem>>
      %dma_start3A_123 = tpu.memref_squeeze %dma_start3A_122 : memref<1x25x80xi32, #tpu.memory_space<vmem>> -> memref<25x80xi32, #tpu.memory_space<vmem>>
      %dma_start3A_124 = arith.constant 0 : i32
      %dma_start3A_125 = arith.constant 0 : i32
      %dma_start3A_126 = tpu.memref_slice %arg3[%dma_start3A_117, %arg1, %dma_start3A_118, %dma_start3A_124, %dma_start3A_125] : memref<2x16x10x25x80xi32, #tpu.memory_space<hbm>> -> memref<1x1x1x25x80xi32, #tpu.memory_space<hbm>>
      %dma_start3A_127 = tpu.memref_squeeze %dma_start3A_126 : memref<1x1x1x25x80xi32, #tpu.memory_space<hbm>> -> memref<25x80xi32, #tpu.memory_space<hbm>>
      %dma_start3A_128 = arith.constant 0 : i32
      %dma_start3A_129 = arith.constant 0 : i32
      %dma_start3A_130 = tpu.memref_slice %arg6[%dma_start3A_119, %dma_start3A_128, %dma_start3A_129] : memref<2x25x80xi32, #tpu.memory_space<vmem>> -> memref<1x25x80xi32, #tpu.memory_space<vmem>>
      %dma_start3A_131 = tpu.memref_squeeze %dma_start3A_130 : memref<1x25x80xi32, #tpu.memory_space<vmem>> -> memref<25x80xi32, #tpu.memory_space<vmem>>
      %dma_start3A_132 = arith.constant 0 : i32
      %dma_start3A_133 = arith.constant 0 : i32
      %dma_start3A_134 = tpu.memref_slice %arg3[%dma_start3A_117, %arg1, %dma_start3A_118, %dma_start3A_132, %dma_start3A_133] : memref<2x16x10x25x80xi32, #tpu.memory_space<hbm>> -> memref<1x1x1x25x80xi32, #tpu.memory_space<hbm>>
      %dma_start3A_135 = tpu.memref_squeeze %dma_start3A_134 : memref<1x1x1x25x80xi32, #tpu.memory_space<hbm>> -> memref<25x80xi32, #tpu.memory_space<hbm>>
      tpu.enqueue_dma source(%dma_start3A_135 : memref<25x80xi32, #tpu.memory_space<hbm>>) target(%dma_start3A_131 : memref<25x80xi32, #tpu.memory_space<vmem>>) target_semaphore(%arg12 : memref<!tpu.dma_semaphore, #tpu.memory_space<semaphore_mem>>)
      %dma_wait3A_136 = arith.constant 0 : i32
      %dma_wait3A_137 = arith.constant 0 : i32
      %dma_wait3A_138 = arith.constant 0 : i32
      %dma_wait3A_139 = arith.constant 0 : i32
      %dma_wait3A_140 = arith.constant 0 : i32
      %dma_wait3A_141 = tpu.memref_slice %arg6[%dma_wait3A_138, %dma_wait3A_139, %dma_wait3A_140] : memref<2x25x80xi32, #tpu.memory_space<vmem>> -> memref<1x25x80xi32, #tpu.memory_space<vmem>>
      %dma_wait3A_142 = tpu.memref_squeeze %dma_wait3A_141 : memref<1x25x80xi32, #tpu.memory_space<vmem>> -> memref<25x80xi32, #tpu.memory_space<vmem>>
      %dma_wait3A_143 = arith.constant 0 : i32
      %dma_wait3A_144 = arith.constant 0 : i32
      %dma_wait3A_145 = tpu.memref_slice %arg3[%dma_wait3A_136, %arg1, %dma_wait3A_137, %dma_wait3A_143, %dma_wait3A_144] : memref<2x16x10x25x80xi32, #tpu.memory_space<hbm>> -> memref<1x1x1x25x80xi32, #tpu.memory_space<hbm>>
      %dma_wait3A_146 = tpu.memref_squeeze %dma_wait3A_145 : memref<1x1x1x25x80xi32, #tpu.memory_space<hbm>> -> memref<25x80xi32, #tpu.memory_space<hbm>>
      %dma_wait3A_147 = arith.constant 0 : i32
      %dma_wait3A_148 = arith.constant 0 : i32
      %dma_wait3A_149 = tpu.memref_slice %arg6[%dma_wait3A_138, %dma_wait3A_147, %dma_wait3A_148] : memref<2x25x80xi32, #tpu.memory_space<vmem>> -> memref<1x25x80xi32, #tpu.memory_space<vmem>>
      %dma_wait3A_150 = tpu.memref_squeeze %dma_wait3A_149 : memref<1x25x80xi32, #tpu.memory_space<vmem>> -> memref<25x80xi32, #tpu.memory_space<vmem>>
      %dma_wait3A_151 = arith.constant 0 : i32
      %dma_wait3A_152 = arith.constant 0 : i32
      %dma_wait3A_153 = tpu.memref_slice %arg3[%dma_wait3A_136, %arg1, %dma_wait3A_137, %dma_wait3A_151, %dma_wait3A_152] : memref<2x16x10x25x80xi32, #tpu.memory_space<hbm>> -> memref<1x1x1x25x80xi32, #tpu.memory_space<hbm>>
      %dma_wait3A_154 = tpu.memref_squeeze %dma_wait3A_153 : memref<1x1x1x25x80xi32, #tpu.memory_space<hbm>> -> memref<25x80xi32, #tpu.memory_space<hbm>>
      tpu.wait_dma2 semaphore(%arg12 : memref<!tpu.dma_semaphore, #tpu.memory_space<semaphore_mem>>) src(%dma_wait3A_154 : memref<25x80xi32, #tpu.memory_space<hbm>>) dst(%dma_wait3A_150 : memref<25x80xi32, #tpu.memory_space<vmem>>)
    } else {
    }
    %convert_element_type3A_32 = arith.extui %eq3A_28 : i1 to i32
    %cond3A_33 = arith.constant 0 : i32
    %cond3A_34 = arith.cmpi ne, %convert_element_type3A_32, %cond3A_33 : i32
    scf.if %cond3A_34 {
      %dma_start3A_117 = arith.constant 1 : i32
      %dma_start3A_118 = arith.constant 0 : i32
      %dma_start3A_119 = arith.constant 0 : i32
      %dma_start3A_120 = arith.constant 0 : i32
      %dma_start3A_121 = arith.constant 0 : i32
      %dma_start3A_122 = tpu.memref_slice %arg7[%dma_start3A_119, %dma_start3A_120, %dma_start3A_121] : memref<2x25x80xi32, #tpu.memory_space<vmem>> -> memref<1x25x80xi32, #tpu.memory_space<vmem>>
      %dma_start3A_123 = tpu.memref_squeeze %dma_start3A_122 : memref<1x25x80xi32, #tpu.memory_space<vmem>> -> memref<25x80xi32, #tpu.memory_space<vmem>>
      %dma_start3A_124 = arith.constant 0 : i32
      %dma_start3A_125 = arith.constant 0 : i32
      %dma_start3A_126 = tpu.memref_slice %arg3[%dma_start3A_117, %arg1, %dma_start3A_118, %dma_start3A_124, %dma_start3A_125] : memref<2x16x10x25x80xi32, #tpu.memory_space<hbm>> -> memref<1x1x1x25x80xi32, #tpu.memory_space<hbm>>
      %dma_start3A_127 = tpu.memref_squeeze %dma_start3A_126 : memref<1x1x1x25x80xi32, #tpu.memory_space<hbm>> -> memref<25x80xi32, #tpu.memory_space<hbm>>
      %dma_start3A_128 = arith.constant 0 : i32
      %dma_start3A_129 = arith.constant 0 : i32
      %dma_start3A_130 = tpu.memref_slice %arg7[%dma_start3A_119, %dma_start3A_128, %dma_start3A_129] : memref<2x25x80xi32, #tpu.memory_space<vmem>> -> memref<1x25x80xi32, #tpu.memory_space<vmem>>
      %dma_start3A_131 = tpu.memref_squeeze %dma_start3A_130 : memref<1x25x80xi32, #tpu.memory_space<vmem>> -> memref<25x80xi32, #tpu.memory_space<vmem>>
      %dma_start3A_132 = arith.constant 0 : i32
      %dma_start3A_133 = arith.constant 0 : i32
      %dma_start3A_134 = tpu.memref_slice %arg3[%dma_start3A_117, %arg1, %dma_start3A_118, %dma_start3A_132, %dma_start3A_133] : memref<2x16x10x25x80xi32, #tpu.memory_space<hbm>> -> memref<1x1x1x25x80xi32, #tpu.memory_space<hbm>>
      %dma_start3A_135 = tpu.memref_squeeze %dma_start3A_134 : memref<1x1x1x25x80xi32, #tpu.memory_space<hbm>> -> memref<25x80xi32, #tpu.memory_space<hbm>>
      tpu.enqueue_dma source(%dma_start3A_135 : memref<25x80xi32, #tpu.memory_space<hbm>>) target(%dma_start3A_131 : memref<25x80xi32, #tpu.memory_space<vmem>>) target_semaphore(%arg12 : memref<!tpu.dma_semaphore, #tpu.memory_space<semaphore_mem>>)
      %dma_wait3A_136 = arith.constant 1 : i32
      %dma_wait3A_137 = arith.constant 0 : i32
      %dma_wait3A_138 = arith.constant 0 : i32
      %dma_wait3A_139 = arith.constant 0 : i32
      %dma_wait3A_140 = arith.constant 0 : i32
      %dma_wait3A_141 = tpu.memref_slice %arg7[%dma_wait3A_138, %dma_wait3A_139, %dma_wait3A_140] : memref<2x25x80xi32, #tpu.memory_space<vmem>> -> memref<1x25x80xi32, #tpu.memory_space<vmem>>
      %dma_wait3A_142 = tpu.memref_squeeze %dma_wait3A_141 : memref<1x25x80xi32, #tpu.memory_space<vmem>> -> memref<25x80xi32, #tpu.memory_space<vmem>>
      %dma_wait3A_143 = arith.constant 0 : i32
      %dma_wait3A_144 = arith.constant 0 : i32
      %dma_wait3A_145 = tpu.memref_slice %arg3[%dma_wait3A_136, %arg1, %dma_wait3A_137, %dma_wait3A_143, %dma_wait3A_144] : memref<2x16x10x25x80xi32, #tpu.memory_space<hbm>> -> memref<1x1x1x25x80xi32, #tpu.memory_space<hbm>>
      %dma_wait3A_146 = tpu.memref_squeeze %dma_wait3A_145 : memref<1x1x1x25x80xi32, #tpu.memory_space<hbm>> -> memref<25x80xi32, #tpu.memory_space<hbm>>
      %dma_wait3A_147 = arith.constant 0 : i32
      %dma_wait3A_148 = arith.constant 0 : i32
      %dma_wait3A_149 = tpu.memref_slice %arg7[%dma_wait3A_138, %dma_wait3A_147, %dma_wait3A_148] : memref<2x25x80xi32, #tpu.memory_space<vmem>> -> memref<1x25x80xi32, #tpu.memory_space<vmem>>
      %dma_wait3A_150 = tpu.memref_squeeze %dma_wait3A_149 : memref<1x25x80xi32, #tpu.memory_space<vmem>> -> memref<25x80xi32, #tpu.memory_space<vmem>>
      %dma_wait3A_151 = arith.constant 0 : i32
      %dma_wait3A_152 = arith.constant 0 : i32
      %dma_wait3A_153 = tpu.memref_slice %arg3[%dma_wait3A_136, %arg1, %dma_wait3A_137, %dma_wait3A_151, %dma_wait3A_152] : memref<2x16x10x25x80xi32, #tpu.memory_space<hbm>> -> memref<1x1x1x25x80xi32, #tpu.memory_space<hbm>>
      %dma_wait3A_154 = tpu.memref_squeeze %dma_wait3A_153 : memref<1x1x1x25x80xi32, #tpu.memory_space<hbm>> -> memref<25x80xi32, #tpu.memory_space<hbm>>
      tpu.wait_dma2 semaphore(%arg12 : memref<!tpu.dma_semaphore, #tpu.memory_space<semaphore_mem>>) src(%dma_wait3A_154 : memref<25x80xi32, #tpu.memory_space<hbm>>) dst(%dma_wait3A_150 : memref<25x80xi32, #tpu.memory_space<vmem>>)
    } else {
    }
    %convert_element_type3A_35 = arith.extui %eq3A_30 : i1 to i32
    %cond3A_36 = arith.constant 0 : i32
    %cond3A_37 = arith.cmpi ne, %convert_element_type3A_35, %cond3A_36 : i32
    scf.if %cond3A_37 {
      %dma_start3A_117 = arith.constant 0 : i32
      %dma_start3A_118 = arith.constant 0 : i32
      %dma_start3A_119 = arith.constant 0 : i32
      %dma_start3A_120 = arith.constant 0 : i32
      %dma_start3A_121 = arith.constant 0 : i32
      %dma_start3A_122 = tpu.memref_slice %arg6[%dma_start3A_119, %dma_start3A_120, %dma_start3A_121] : memref<2x25x80xi32, #tpu.memory_space<vmem>> -> memref<1x25x80xi32, #tpu.memory_space<vmem>>
      %dma_start3A_123 = tpu.memref_squeeze %dma_start3A_122 : memref<1x25x80xi32, #tpu.memory_space<vmem>> -> memref<25x80xi32, #tpu.memory_space<vmem>>
      %dma_start3A_124 = arith.constant 0 : i32
      %dma_start3A_125 = arith.constant 0 : i32
      %dma_start3A_126 = tpu.memref_slice %arg4[%dma_start3A_117, %arg1, %dma_start3A_118, %dma_start3A_124, %dma_start3A_125] : memref<2x16x10x25x80xi32, #tpu.memory_space<hbm>> -> memref<1x1x1x25x80xi32, #tpu.memory_space<hbm>>
      %dma_start3A_127 = tpu.memref_squeeze %dma_start3A_126 : memref<1x1x1x25x80xi32, #tpu.memory_space<hbm>> -> memref<25x80xi32, #tpu.memory_space<hbm>>
      %dma_start3A_128 = arith.constant 0 : i32
      %dma_start3A_129 = arith.constant 0 : i32
      %dma_start3A_130 = tpu.memref_slice %arg6[%dma_start3A_119, %dma_start3A_128, %dma_start3A_129] : memref<2x25x80xi32, #tpu.memory_space<vmem>> -> memref<1x25x80xi32, #tpu.memory_space<vmem>>
      %dma_start3A_131 = tpu.memref_squeeze %dma_start3A_130 : memref<1x25x80xi32, #tpu.memory_space<vmem>> -> memref<25x80xi32, #tpu.memory_space<vmem>>
      %dma_start3A_132 = arith.constant 0 : i32
      %dma_start3A_133 = arith.constant 0 : i32
      %dma_start3A_134 = tpu.memref_slice %arg4[%dma_start3A_117, %arg1, %dma_start3A_118, %dma_start3A_132, %dma_start3A_133] : memref<2x16x10x25x80xi32, #tpu.memory_space<hbm>> -> memref<1x1x1x25x80xi32, #tpu.memory_space<hbm>>
      %dma_start3A_135 = tpu.memref_squeeze %dma_start3A_134 : memref<1x1x1x25x80xi32, #tpu.memory_space<hbm>> -> memref<25x80xi32, #tpu.memory_space<hbm>>
      tpu.enqueue_dma source(%dma_start3A_135 : memref<25x80xi32, #tpu.memory_space<hbm>>) target(%dma_start3A_131 : memref<25x80xi32, #tpu.memory_space<vmem>>) target_semaphore(%arg12 : memref<!tpu.dma_semaphore, #tpu.memory_space<semaphore_mem>>)
      %dma_wait3A_136 = arith.constant 0 : i32
      %dma_wait3A_137 = arith.constant 0 : i32
      %dma_wait3A_138 = arith.constant 0 : i32
      %dma_wait3A_139 = arith.constant 0 : i32
      %dma_wait3A_140 = arith.constant 0 : i32
      %dma_wait3A_141 = tpu.memref_slice %arg6[%dma_wait3A_138, %dma_wait3A_139, %dma_wait3A_140] : memref<2x25x80xi32, #tpu.memory_space<vmem>> -> memref<1x25x80xi32, #tpu.memory_space<vmem>>
      %dma_wait3A_142 = tpu.memref_squeeze %dma_wait3A_141 : memref<1x25x80xi32, #tpu.memory_space<vmem>> -> memref<25x80xi32, #tpu.memory_space<vmem>>
      %dma_wait3A_143 = arith.constant 0 : i32
      %dma_wait3A_144 = arith.constant 0 : i32
      %dma_wait3A_145 = tpu.memref_slice %arg4[%dma_wait3A_136, %arg1, %dma_wait3A_137, %dma_wait3A_143, %dma_wait3A_144] : memref<2x16x10x25x80xi32, #tpu.memory_space<hbm>> -> memref<1x1x1x25x80xi32, #tpu.memory_space<hbm>>
      %dma_wait3A_146 = tpu.memref_squeeze %dma_wait3A_145 : memref<1x1x1x25x80xi32, #tpu.memory_space<hbm>> -> memref<25x80xi32, #tpu.memory_space<hbm>>
      %dma_wait3A_147 = arith.constant 0 : i32
      %dma_wait3A_148 = arith.constant 0 : i32
      %dma_wait3A_149 = tpu.memref_slice %arg6[%dma_wait3A_138, %dma_wait3A_147, %dma_wait3A_148] : memref<2x25x80xi32, #tpu.memory_space<vmem>> -> memref<1x25x80xi32, #tpu.memory_space<vmem>>
      %dma_wait3A_150 = tpu.memref_squeeze %dma_wait3A_149 : memref<1x25x80xi32, #tpu.memory_space<vmem>> -> memref<25x80xi32, #tpu.memory_space<vmem>>
      %dma_wait3A_151 = arith.constant 0 : i32
      %dma_wait3A_152 = arith.constant 0 : i32
      %dma_wait3A_153 = tpu.memref_slice %arg4[%dma_wait3A_136, %arg1, %dma_wait3A_137, %dma_wait3A_151, %dma_wait3A_152] : memref<2x16x10x25x80xi32, #tpu.memory_space<hbm>> -> memref<1x1x1x25x80xi32, #tpu.memory_space<hbm>>
      %dma_wait3A_154 = tpu.memref_squeeze %dma_wait3A_153 : memref<1x1x1x25x80xi32, #tpu.memory_space<hbm>> -> memref<25x80xi32, #tpu.memory_space<hbm>>
      tpu.wait_dma2 semaphore(%arg12 : memref<!tpu.dma_semaphore, #tpu.memory_space<semaphore_mem>>) src(%dma_wait3A_154 : memref<25x80xi32, #tpu.memory_space<hbm>>) dst(%dma_wait3A_150 : memref<25x80xi32, #tpu.memory_space<vmem>>)
    } else {
    }
    %convert_element_type3A_38 = arith.extui %eq3A_30 : i1 to i32
    %cond3A_39 = arith.constant 0 : i32
    %cond3A_40 = arith.cmpi ne, %convert_element_type3A_38, %cond3A_39 : i32
    scf.if %cond3A_40 {
      %dma_start3A_117 = arith.constant 1 : i32
      %dma_start3A_118 = arith.constant 0 : i32
      %dma_start3A_119 = arith.constant 0 : i32
      %dma_start3A_120 = arith.constant 0 : i32
      %dma_start3A_121 = arith.constant 0 : i32
      %dma_start3A_122 = tpu.memref_slice %arg7[%dma_start3A_119, %dma_start3A_120, %dma_start3A_121] : memref<2x25x80xi32, #tpu.memory_space<vmem>> -> memref<1x25x80xi32, #tpu.memory_space<vmem>>
      %dma_start3A_123 = tpu.memref_squeeze %dma_start3A_122 : memref<1x25x80xi32, #tpu.memory_space<vmem>> -> memref<25x80xi32, #tpu.memory_space<vmem>>
      %dma_start3A_124 = arith.constant 0 : i32
      %dma_start3A_125 = arith.constant 0 : i32
      %dma_start3A_126 = tpu.memref_slice %arg4[%dma_start3A_117, %arg1, %dma_start3A_118, %dma_start3A_124, %dma_start3A_125] : memref<2x16x10x25x80xi32, #tpu.memory_space<hbm>> -> memref<1x1x1x25x80xi32, #tpu.memory_space<hbm>>
      %dma_start3A_127 = tpu.memref_squeeze %dma_start3A_126 : memref<1x1x1x25x80xi32, #tpu.memory_space<hbm>> -> memref<25x80xi32, #tpu.memory_space<hbm>>
      %dma_start3A_128 = arith.constant 0 : i32
      %dma_start3A_129 = arith.constant 0 : i32
      %dma_start3A_130 = tpu.memref_slice %arg7[%dma_start3A_119, %dma_start3A_128, %dma_start3A_129] : memref<2x25x80xi32, #tpu.memory_space<vmem>> -> memref<1x25x80xi32, #tpu.memory_space<vmem>>
      %dma_start3A_131 = tpu.memref_squeeze %dma_start3A_130 : memref<1x25x80xi32, #tpu.memory_space<vmem>> -> memref<25x80xi32, #tpu.memory_space<vmem>>
      %dma_start3A_132 = arith.constant 0 : i32
      %dma_start3A_133 = arith.constant 0 : i32
      %dma_start3A_134 = tpu.memref_slice %arg4[%dma_start3A_117, %arg1, %dma_start3A_118, %dma_start3A_132, %dma_start3A_133] : memref<2x16x10x25x80xi32, #tpu.memory_space<hbm>> -> memref<1x1x1x25x80xi32, #tpu.memory_space<hbm>>
      %dma_start3A_135 = tpu.memref_squeeze %dma_start3A_134 : memref<1x1x1x25x80xi32, #tpu.memory_space<hbm>> -> memref<25x80xi32, #tpu.memory_space<hbm>>
      tpu.enqueue_dma source(%dma_start3A_135 : memref<25x80xi32, #tpu.memory_space<hbm>>) target(%dma_start3A_131 : memref<25x80xi32, #tpu.memory_space<vmem>>) target_semaphore(%arg12 : memref<!tpu.dma_semaphore, #tpu.memory_space<semaphore_mem>>)
      %dma_wait3A_136 = arith.constant 1 : i32
      %dma_wait3A_137 = arith.constant 0 : i32
      %dma_wait3A_138 = arith.constant 0 : i32
      %dma_wait3A_139 = arith.constant 0 : i32
      %dma_wait3A_140 = arith.constant 0 : i32
      %dma_wait3A_141 = tpu.memref_slice %arg7[%dma_wait3A_138, %dma_wait3A_139, %dma_wait3A_140] : memref<2x25x80xi32, #tpu.memory_space<vmem>> -> memref<1x25x80xi32, #tpu.memory_space<vmem>>
      %dma_wait3A_142 = tpu.memref_squeeze %dma_wait3A_141 : memref<1x25x80xi32, #tpu.memory_space<vmem>> -> memref<25x80xi32, #tpu.memory_space<vmem>>
      %dma_wait3A_143 = arith.constant 0 : i32
      %dma_wait3A_144 = arith.constant 0 : i32
      %dma_wait3A_145 = tpu.memref_slice %arg4[%dma_wait3A_136, %arg1, %dma_wait3A_137, %dma_wait3A_143, %dma_wait3A_144] : memref<2x16x10x25x80xi32, #tpu.memory_space<hbm>> -> memref<1x1x1x25x80xi32, #tpu.memory_space<hbm>>
      %dma_wait3A_146 = tpu.memref_squeeze %dma_wait3A_145 : memref<1x1x1x25x80xi32, #tpu.memory_space<hbm>> -> memref<25x80xi32, #tpu.memory_space<hbm>>
      %dma_wait3A_147 = arith.constant 0 : i32
      %dma_wait3A_148 = arith.constant 0 : i32
      %dma_wait3A_149 = tpu.memref_slice %arg7[%dma_wait3A_138, %dma_wait3A_147, %dma_wait3A_148] : memref<2x25x80xi32, #tpu.memory_space<vmem>> -> memref<1x25x80xi32, #tpu.memory_space<vmem>>
      %dma_wait3A_150 = tpu.memref_squeeze %dma_wait3A_149 : memref<1x25x80xi32, #tpu.memory_space<vmem>> -> memref<25x80xi32, #tpu.memory_space<vmem>>
      %dma_wait3A_151 = arith.constant 0 : i32
      %dma_wait3A_152 = arith.constant 0 : i32
      %dma_wait3A_153 = tpu.memref_slice %arg4[%dma_wait3A_136, %arg1, %dma_wait3A_137, %dma_wait3A_151, %dma_wait3A_152] : memref<2x16x10x25x80xi32, #tpu.memory_space<hbm>> -> memref<1x1x1x25x80xi32, #tpu.memory_space<hbm>>
      %dma_wait3A_154 = tpu.memref_squeeze %dma_wait3A_153 : memref<1x1x1x25x80xi32, #tpu.memory_space<hbm>> -> memref<25x80xi32, #tpu.memory_space<hbm>>
      tpu.wait_dma2 semaphore(%arg12 : memref<!tpu.dma_semaphore, #tpu.memory_space<semaphore_mem>>) src(%dma_wait3A_154 : memref<25x80xi32, #tpu.memory_space<hbm>>) dst(%dma_wait3A_150 : memref<25x80xi32, #tpu.memory_space<vmem>>)
    } else {
    }
    %eq3A_41 = arith.constant 0 : i32
    %eq3A_42 = arith.cmpi eq, %arg0, %eq3A_41 : i32
    %eq3A_43 = arith.constant 1 : i32
    %eq3A_44 = arith.cmpi eq, %arg0, %eq3A_43 : i32
    %convert_element_type3A_45 = arith.extui %eq3A_42 : i1 to i32
    %cond3A_46 = arith.constant 0 : i32
    %cond3A_47 = arith.cmpi ne, %convert_element_type3A_45, %cond3A_46 : i32
    scf.if %cond3A_47 {
      %dma_start3A_117 = arith.constant 0 : i32
      %dma_start3A_118 = arith.constant 1 : i32
      %dma_start3A_119 = arith.constant 1 : i32
      %dma_start3A_120 = arith.constant 0 : i32
      %dma_start3A_121 = arith.constant 0 : i32
      %dma_start3A_122 = tpu.memref_slice %arg6[%dma_start3A_119, %dma_start3A_120, %dma_start3A_121] : memref<2x25x80xi32, #tpu.memory_space<vmem>> -> memref<1x25x80xi32, #tpu.memory_space<vmem>>
      %dma_start3A_123 = tpu.memref_squeeze %dma_start3A_122 : memref<1x25x80xi32, #tpu.memory_space<vmem>> -> memref<25x80xi32, #tpu.memory_space<vmem>>
      %dma_start3A_124 = arith.constant 0 : i32
      %dma_start3A_125 = arith.constant 0 : i32
      %dma_start3A_126 = tpu.memref_slice %arg3[%dma_start3A_117, %arg1, %dma_start3A_118, %dma_start3A_124, %dma_start3A_125] : memref<2x16x10x25x80xi32, #tpu.memory_space<hbm>> -> memref<1x1x1x25x80xi32, #tpu.memory_space<hbm>>
      %dma_start3A_127 = tpu.memref_squeeze %dma_start3A_126 : memref<1x1x1x25x80xi32, #tpu.memory_space<hbm>> -> memref<25x80xi32, #tpu.memory_space<hbm>>
      %dma_start3A_128 = arith.constant 0 : i32
      %dma_start3A_129 = arith.constant 0 : i32
      %dma_start3A_130 = tpu.memref_slice %arg6[%dma_start3A_119, %dma_start3A_128, %dma_start3A_129] : memref<2x25x80xi32, #tpu.memory_space<vmem>> -> memref<1x25x80xi32, #tpu.memory_space<vmem>>
      %dma_start3A_131 = tpu.memref_squeeze %dma_start3A_130 : memref<1x25x80xi32, #tpu.memory_space<vmem>> -> memref<25x80xi32, #tpu.memory_space<vmem>>
      %dma_start3A_132 = arith.constant 0 : i32
      %dma_start3A_133 = arith.constant 0 : i32
      %dma_start3A_134 = tpu.memref_slice %arg3[%dma_start3A_117, %arg1, %dma_start3A_118, %dma_start3A_132, %dma_start3A_133] : memref<2x16x10x25x80xi32, #tpu.memory_space<hbm>> -> memref<1x1x1x25x80xi32, #tpu.memory_space<hbm>>
      %dma_start3A_135 = tpu.memref_squeeze %dma_start3A_134 : memref<1x1x1x25x80xi32, #tpu.memory_space<hbm>> -> memref<25x80xi32, #tpu.memory_space<hbm>>
      tpu.enqueue_dma source(%dma_start3A_135 : memref<25x80xi32, #tpu.memory_space<hbm>>) target(%dma_start3A_131 : memref<25x80xi32, #tpu.memory_space<vmem>>) target_semaphore(%arg12 : memref<!tpu.dma_semaphore, #tpu.memory_space<semaphore_mem>>)
      %dma_wait3A_136 = arith.constant 0 : i32
      %dma_wait3A_137 = arith.constant 1 : i32
      %dma_wait3A_138 = arith.constant 1 : i32
      %dma_wait3A_139 = arith.constant 0 : i32
      %dma_wait3A_140 = arith.constant 0 : i32
      %dma_wait3A_141 = tpu.memref_slice %arg6[%dma_wait3A_138, %dma_wait3A_139, %dma_wait3A_140] : memref<2x25x80xi32, #tpu.memory_space<vmem>> -> memref<1x25x80xi32, #tpu.memory_space<vmem>>
      %dma_wait3A_142 = tpu.memref_squeeze %dma_wait3A_141 : memref<1x25x80xi32, #tpu.memory_space<vmem>> -> memref<25x80xi32, #tpu.memory_space<vmem>>
      %dma_wait3A_143 = arith.constant 0 : i32
      %dma_wait3A_144 = arith.constant 0 : i32
      %dma_wait3A_145 = tpu.memref_slice %arg3[%dma_wait3A_136, %arg1, %dma_wait3A_137, %dma_wait3A_143, %dma_wait3A_144] : memref<2x16x10x25x80xi32, #tpu.memory_space<hbm>> -> memref<1x1x1x25x80xi32, #tpu.memory_space<hbm>>
      %dma_wait3A_146 = tpu.memref_squeeze %dma_wait3A_145 : memref<1x1x1x25x80xi32, #tpu.memory_space<hbm>> -> memref<25x80xi32, #tpu.memory_space<hbm>>
      %dma_wait3A_147 = arith.constant 0 : i32
      %dma_wait3A_148 = arith.constant 0 : i32
      %dma_wait3A_149 = tpu.memref_slice %arg6[%dma_wait3A_138, %dma_wait3A_147, %dma_wait3A_148] : memref<2x25x80xi32, #tpu.memory_space<vmem>> -> memref<1x25x80xi32, #tpu.memory_space<vmem>>
      %dma_wait3A_150 = tpu.memref_squeeze %dma_wait3A_149 : memref<1x25x80xi32, #tpu.memory_space<vmem>> -> memref<25x80xi32, #tpu.memory_space<vmem>>
      %dma_wait3A_151 = arith.constant 0 : i32
      %dma_wait3A_152 = arith.constant 0 : i32
      %dma_wait3A_153 = tpu.memref_slice %arg3[%dma_wait3A_136, %arg1, %dma_wait3A_137, %dma_wait3A_151, %dma_wait3A_152] : memref<2x16x10x25x80xi32, #tpu.memory_space<hbm>> -> memref<1x1x1x25x80xi32, #tpu.memory_space<hbm>>
      %dma_wait3A_154 = tpu.memref_squeeze %dma_wait3A_153 : memref<1x1x1x25x80xi32, #tpu.memory_space<hbm>> -> memref<25x80xi32, #tpu.memory_space<hbm>>
      tpu.wait_dma2 semaphore(%arg12 : memref<!tpu.dma_semaphore, #tpu.memory_space<semaphore_mem>>) src(%dma_wait3A_154 : memref<25x80xi32, #tpu.memory_space<hbm>>) dst(%dma_wait3A_150 : memref<25x80xi32, #tpu.memory_space<vmem>>)
    } else {
    }
    %convert_element_type3A_48 = arith.extui %eq3A_42 : i1 to i32
    %cond3A_49 = arith.constant 0 : i32
    %cond3A_50 = arith.cmpi ne, %convert_element_type3A_48, %cond3A_49 : i32
    scf.if %cond3A_50 {
      %dma_start3A_117 = arith.constant 1 : i32
      %dma_start3A_118 = arith.constant 1 : i32
      %dma_start3A_119 = arith.constant 1 : i32
      %dma_start3A_120 = arith.constant 0 : i32
      %dma_start3A_121 = arith.constant 0 : i32
      %dma_start3A_122 = tpu.memref_slice %arg7[%dma_start3A_119, %dma_start3A_120, %dma_start3A_121] : memref<2x25x80xi32, #tpu.memory_space<vmem>> -> memref<1x25x80xi32, #tpu.memory_space<vmem>>
      %dma_start3A_123 = tpu.memref_squeeze %dma_start3A_122 : memref<1x25x80xi32, #tpu.memory_space<vmem>> -> memref<25x80xi32, #tpu.memory_space<vmem>>
      %dma_start3A_124 = arith.constant 0 : i32
      %dma_start3A_125 = arith.constant 0 : i32
      %dma_start3A_126 = tpu.memref_slice %arg3[%dma_start3A_117, %arg1, %dma_start3A_118, %dma_start3A_124, %dma_start3A_125] : memref<2x16x10x25x80xi32, #tpu.memory_space<hbm>> -> memref<1x1x1x25x80xi32, #tpu.memory_space<hbm>>
      %dma_start3A_127 = tpu.memref_squeeze %dma_start3A_126 : memref<1x1x1x25x80xi32, #tpu.memory_space<hbm>> -> memref<25x80xi32, #tpu.memory_space<hbm>>
      %dma_start3A_128 = arith.constant 0 : i32
      %dma_start3A_129 = arith.constant 0 : i32
      %dma_start3A_130 = tpu.memref_slice %arg7[%dma_start3A_119, %dma_start3A_128, %dma_start3A_129] : memref<2x25x80xi32, #tpu.memory_space<vmem>> -> memref<1x25x80xi32, #tpu.memory_space<vmem>>
      %dma_start3A_131 = tpu.memref_squeeze %dma_start3A_130 : memref<1x25x80xi32, #tpu.memory_space<vmem>> -> memref<25x80xi32, #tpu.memory_space<vmem>>
      %dma_start3A_132 = arith.constant 0 : i32
      %dma_start3A_133 = arith.constant 0 : i32
      %dma_start3A_134 = tpu.memref_slice %arg3[%dma_start3A_117, %arg1, %dma_start3A_118, %dma_start3A_132, %dma_start3A_133] : memref<2x16x10x25x80xi32, #tpu.memory_space<hbm>> -> memref<1x1x1x25x80xi32, #tpu.memory_space<hbm>>
      %dma_start3A_135 = tpu.memref_squeeze %dma_start3A_134 : memref<1x1x1x25x80xi32, #tpu.memory_space<hbm>> -> memref<25x80xi32, #tpu.memory_space<hbm>>
      tpu.enqueue_dma source(%dma_start3A_135 : memref<25x80xi32, #tpu.memory_space<hbm>>) target(%dma_start3A_131 : memref<25x80xi32, #tpu.memory_space<vmem>>) target_semaphore(%arg12 : memref<!tpu.dma_semaphore, #tpu.memory_space<semaphore_mem>>)
      %dma_wait3A_136 = arith.constant 1 : i32
      %dma_wait3A_137 = arith.constant 1 : i32
      %dma_wait3A_138 = arith.constant 1 : i32
      %dma_wait3A_139 = arith.constant 0 : i32
      %dma_wait3A_140 = arith.constant 0 : i32
      %dma_wait3A_141 = tpu.memref_slice %arg7[%dma_wait3A_138, %dma_wait3A_139, %dma_wait3A_140] : memref<2x25x80xi32, #tpu.memory_space<vmem>> -> memref<1x25x80xi32, #tpu.memory_space<vmem>>
      %dma_wait3A_142 = tpu.memref_squeeze %dma_wait3A_141 : memref<1x25x80xi32, #tpu.memory_space<vmem>> -> memref<25x80xi32, #tpu.memory_space<vmem>>
      %dma_wait3A_143 = arith.constant 0 : i32
      %dma_wait3A_144 = arith.constant 0 : i32
      %dma_wait3A_145 = tpu.memref_slice %arg3[%dma_wait3A_136, %arg1, %dma_wait3A_137, %dma_wait3A_143, %dma_wait3A_144] : memref<2x16x10x25x80xi32, #tpu.memory_space<hbm>> -> memref<1x1x1x25x80xi32, #tpu.memory_space<hbm>>
      %dma_wait3A_146 = tpu.memref_squeeze %dma_wait3A_145 : memref<1x1x1x25x80xi32, #tpu.memory_space<hbm>> -> memref<25x80xi32, #tpu.memory_space<hbm>>
      %dma_wait3A_147 = arith.constant 0 : i32
      %dma_wait3A_148 = arith.constant 0 : i32
      %dma_wait3A_149 = tpu.memref_slice %arg7[%dma_wait3A_138, %dma_wait3A_147, %dma_wait3A_148] : memref<2x25x80xi32, #tpu.memory_space<vmem>> -> memref<1x25x80xi32, #tpu.memory_space<vmem>>
      %dma_wait3A_150 = tpu.memref_squeeze %dma_wait3A_149 : memref<1x25x80xi32, #tpu.memory_space<vmem>> -> memref<25x80xi32, #tpu.memory_space<vmem>>
      %dma_wait3A_151 = arith.constant 0 : i32
      %dma_wait3A_152 = arith.constant 0 : i32
      %dma_wait3A_153 = tpu.memref_slice %arg3[%dma_wait3A_136, %arg1, %dma_wait3A_137, %dma_wait3A_151, %dma_wait3A_152] : memref<2x16x10x25x80xi32, #tpu.memory_space<hbm>> -> memref<1x1x1x25x80xi32, #tpu.memory_space<hbm>>
      %dma_wait3A_154 = tpu.memref_squeeze %dma_wait3A_153 : memref<1x1x1x25x80xi32, #tpu.memory_space<hbm>> -> memref<25x80xi32, #tpu.memory_space<hbm>>
      tpu.wait_dma2 semaphore(%arg12 : memref<!tpu.dma_semaphore, #tpu.memory_space<semaphore_mem>>) src(%dma_wait3A_154 : memref<25x80xi32, #tpu.memory_space<hbm>>) dst(%dma_wait3A_150 : memref<25x80xi32, #tpu.memory_space<vmem>>)
    } else {
    }
    %convert_element_type3A_51 = arith.extui %eq3A_44 : i1 to i32
    %cond3A_52 = arith.constant 0 : i32
    %cond3A_53 = arith.cmpi ne, %convert_element_type3A_51, %cond3A_52 : i32
    scf.if %cond3A_53 {
      %dma_start3A_117 = arith.constant 0 : i32
      %dma_start3A_118 = arith.constant 1 : i32
      %dma_start3A_119 = arith.constant 1 : i32
      %dma_start3A_120 = arith.constant 0 : i32
      %dma_start3A_121 = arith.constant 0 : i32
      %dma_start3A_122 = tpu.memref_slice %arg6[%dma_start3A_119, %dma_start3A_120, %dma_start3A_121] : memref<2x25x80xi32, #tpu.memory_space<vmem>> -> memref<1x25x80xi32, #tpu.memory_space<vmem>>
      %dma_start3A_123 = tpu.memref_squeeze %dma_start3A_122 : memref<1x25x80xi32, #tpu.memory_space<vmem>> -> memref<25x80xi32, #tpu.memory_space<vmem>>
      %dma_start3A_124 = arith.constant 0 : i32
      %dma_start3A_125 = arith.constant 0 : i32
      %dma_start3A_126 = tpu.memref_slice %arg4[%dma_start3A_117, %arg1, %dma_start3A_118, %dma_start3A_124, %dma_start3A_125] : memref<2x16x10x25x80xi32, #tpu.memory_space<hbm>> -> memref<1x1x1x25x80xi32, #tpu.memory_space<hbm>>
      %dma_start3A_127 = tpu.memref_squeeze %dma_start3A_126 : memref<1x1x1x25x80xi32, #tpu.memory_space<hbm>> -> memref<25x80xi32, #tpu.memory_space<hbm>>
      %dma_start3A_128 = arith.constant 0 : i32
      %dma_start3A_129 = arith.constant 0 : i32
      %dma_start3A_130 = tpu.memref_slice %arg6[%dma_start3A_119, %dma_start3A_128, %dma_start3A_129] : memref<2x25x80xi32, #tpu.memory_space<vmem>> -> memref<1x25x80xi32, #tpu.memory_space<vmem>>
      %dma_start3A_131 = tpu.memref_squeeze %dma_start3A_130 : memref<1x25x80xi32, #tpu.memory_space<vmem>> -> memref<25x80xi32, #tpu.memory_space<vmem>>
      %dma_start3A_132 = arith.constant 0 : i32
      %dma_start3A_133 = arith.constant 0 : i32
      %dma_start3A_134 = tpu.memref_slice %arg4[%dma_start3A_117, %arg1, %dma_start3A_118, %dma_start3A_132, %dma_start3A_133] : memref<2x16x10x25x80xi32, #tpu.memory_space<hbm>> -> memref<1x1x1x25x80xi32, #tpu.memory_space<hbm>>
      %dma_start3A_135 = tpu.memref_squeeze %dma_start3A_134 : memref<1x1x1x25x80xi32, #tpu.memory_space<hbm>> -> memref<25x80xi32, #tpu.memory_space<hbm>>
      tpu.enqueue_dma source(%dma_start3A_135 : memref<25x80xi32, #tpu.memory_space<hbm>>) target(%dma_start3A_131 : memref<25x80xi32, #tpu.memory_space<vmem>>) target_semaphore(%arg12 : memref<!tpu.dma_semaphore, #tpu.memory_space<semaphore_mem>>)
      %dma_wait3A_136 = arith.constant 0 : i32
      %dma_wait3A_137 = arith.constant 1 : i32
      %dma_wait3A_138 = arith.constant 1 : i32
      %dma_wait3A_139 = arith.constant 0 : i32
      %dma_wait3A_140 = arith.constant 0 : i32
      %dma_wait3A_141 = tpu.memref_slice %arg6[%dma_wait3A_138, %dma_wait3A_139, %dma_wait3A_140] : memref<2x25x80xi32, #tpu.memory_space<vmem>> -> memref<1x25x80xi32, #tpu.memory_space<vmem>>
      %dma_wait3A_142 = tpu.memref_squeeze %dma_wait3A_141 : memref<1x25x80xi32, #tpu.memory_space<vmem>> -> memref<25x80xi32, #tpu.memory_space<vmem>>
      %dma_wait3A_143 = arith.constant 0 : i32
      %dma_wait3A_144 = arith.constant 0 : i32
      %dma_wait3A_145 = tpu.memref_slice %arg4[%dma_wait3A_136, %arg1, %dma_wait3A_137, %dma_wait3A_143, %dma_wait3A_144] : memref<2x16x10x25x80xi32, #tpu.memory_space<hbm>> -> memref<1x1x1x25x80xi32, #tpu.memory_space<hbm>>
      %dma_wait3A_146 = tpu.memref_squeeze %dma_wait3A_145 : memref<1x1x1x25x80xi32, #tpu.memory_space<hbm>> -> memref<25x80xi32, #tpu.memory_space<hbm>>
      %dma_wait3A_147 = arith.constant 0 : i32
      %dma_wait3A_148 = arith.constant 0 : i32
      %dma_wait3A_149 = tpu.memref_slice %arg6[%dma_wait3A_138, %dma_wait3A_147, %dma_wait3A_148] : memref<2x25x80xi32, #tpu.memory_space<vmem>> -> memref<1x25x80xi32, #tpu.memory_space<vmem>>
      %dma_wait3A_150 = tpu.memref_squeeze %dma_wait3A_149 : memref<1x25x80xi32, #tpu.memory_space<vmem>> -> memref<25x80xi32, #tpu.memory_space<vmem>>
      %dma_wait3A_151 = arith.constant 0 : i32
      %dma_wait3A_152 = arith.constant 0 : i32
      %dma_wait3A_153 = tpu.memref_slice %arg4[%dma_wait3A_136, %arg1, %dma_wait3A_137, %dma_wait3A_151, %dma_wait3A_152] : memref<2x16x10x25x80xi32, #tpu.memory_space<hbm>> -> memref<1x1x1x25x80xi32, #tpu.memory_space<hbm>>
      %dma_wait3A_154 = tpu.memref_squeeze %dma_wait3A_153 : memref<1x1x1x25x80xi32, #tpu.memory_space<hbm>> -> memref<25x80xi32, #tpu.memory_space<hbm>>
      tpu.wait_dma2 semaphore(%arg12 : memref<!tpu.dma_semaphore, #tpu.memory_space<semaphore_mem>>) src(%dma_wait3A_154 : memref<25x80xi32, #tpu.memory_space<hbm>>) dst(%dma_wait3A_150 : memref<25x80xi32, #tpu.memory_space<vmem>>)
    } else {
    }
    %convert_element_type3A_54 = arith.extui %eq3A_44 : i1 to i32
    %cond3A_55 = arith.constant 0 : i32
    %cond3A_56 = arith.cmpi ne, %convert_element_type3A_54, %cond3A_55 : i32
    scf.if %cond3A_56 {
      %dma_start3A_117 = arith.constant 1 : i32
      %dma_start3A_118 = arith.constant 1 : i32
      %dma_start3A_119 = arith.constant 1 : i32
      %dma_start3A_120 = arith.constant 0 : i32
      %dma_start3A_121 = arith.constant 0 : i32
      %dma_start3A_122 = tpu.memref_slice %arg7[%dma_start3A_119, %dma_start3A_120, %dma_start3A_121] : memref<2x25x80xi32, #tpu.memory_space<vmem>> -> memref<1x25x80xi32, #tpu.memory_space<vmem>>
      %dma_start3A_123 = tpu.memref_squeeze %dma_start3A_122 : memref<1x25x80xi32, #tpu.memory_space<vmem>> -> memref<25x80xi32, #tpu.memory_space<vmem>>
      %dma_start3A_124 = arith.constant 0 : i32
      %dma_start3A_125 = arith.constant 0 : i32
      %dma_start3A_126 = tpu.memref_slice %arg4[%dma_start3A_117, %arg1, %dma_start3A_118, %dma_start3A_124, %dma_start3A_125] : memref<2x16x10x25x80xi32, #tpu.memory_space<hbm>> -> memref<1x1x1x25x80xi32, #tpu.memory_space<hbm>>
      %dma_start3A_127 = tpu.memref_squeeze %dma_start3A_126 : memref<1x1x1x25x80xi32, #tpu.memory_space<hbm>> -> memref<25x80xi32, #tpu.memory_space<hbm>>
      %dma_start3A_128 = arith.constant 0 : i32
      %dma_start3A_129 = arith.constant 0 : i32
      %dma_start3A_130 = tpu.memref_slice %arg7[%dma_start3A_119, %dma_start3A_128, %dma_start3A_129] : memref<2x25x80xi32, #tpu.memory_space<vmem>> -> memref<1x25x80xi32, #tpu.memory_space<vmem>>
      %dma_start3A_131 = tpu.memref_squeeze %dma_start3A_130 : memref<1x25x80xi32, #tpu.memory_space<vmem>> -> memref<25x80xi32, #tpu.memory_space<vmem>>
      %dma_start3A_132 = arith.constant 0 : i32
      %dma_start3A_133 = arith.constant 0 : i32
      %dma_start3A_134 = tpu.memref_slice %arg4[%dma_start3A_117, %arg1, %dma_start3A_118, %dma_start3A_132, %dma_start3A_133] : memref<2x16x10x25x80xi32, #tpu.memory_space<hbm>> -> memref<1x1x1x25x80xi32, #tpu.memory_space<hbm>>
      %dma_start3A_135 = tpu.memref_squeeze %dma_start3A_134 : memref<1x1x1x25x80xi32, #tpu.memory_space<hbm>> -> memref<25x80xi32, #tpu.memory_space<hbm>>
      tpu.enqueue_dma source(%dma_start3A_135 : memref<25x80xi32, #tpu.memory_space<hbm>>) target(%dma_start3A_131 : memref<25x80xi32, #tpu.memory_space<vmem>>) target_semaphore(%arg12 : memref<!tpu.dma_semaphore, #tpu.memory_space<semaphore_mem>>)
      %dma_wait3A_136 = arith.constant 1 : i32
      %dma_wait3A_137 = arith.constant 1 : i32
      %dma_wait3A_138 = arith.constant 1 : i32
      %dma_wait3A_139 = arith.constant 0 : i32
      %dma_wait3A_140 = arith.constant 0 : i32
      %dma_wait3A_141 = tpu.memref_slice %arg7[%dma_wait3A_138, %dma_wait3A_139, %dma_wait3A_140] : memref<2x25x80xi32, #tpu.memory_space<vmem>> -> memref<1x25x80xi32, #tpu.memory_space<vmem>>
      %dma_wait3A_142 = tpu.memref_squeeze %dma_wait3A_141 : memref<1x25x80xi32, #tpu.memory_space<vmem>> -> memref<25x80xi32, #tpu.memory_space<vmem>>
      %dma_wait3A_143 = arith.constant 0 : i32
      %dma_wait3A_144 = arith.constant 0 : i32
      %dma_wait3A_145 = tpu.memref_slice %arg4[%dma_wait3A_136, %arg1, %dma_wait3A_137, %dma_wait3A_143, %dma_wait3A_144] : memref<2x16x10x25x80xi32, #tpu.memory_space<hbm>> -> memref<1x1x1x25x80xi32, #tpu.memory_space<hbm>>
      %dma_wait3A_146 = tpu.memref_squeeze %dma_wait3A_145 : memref<1x1x1x25x80xi32, #tpu.memory_space<hbm>> -> memref<25x80xi32, #tpu.memory_space<hbm>>
      %dma_wait3A_147 = arith.constant 0 : i32
      %dma_wait3A_148 = arith.constant 0 : i32
      %dma_wait3A_149 = tpu.memref_slice %arg7[%dma_wait3A_138, %dma_wait3A_147, %dma_wait3A_148] : memref<2x25x80xi32, #tpu.memory_space<vmem>> -> memref<1x25x80xi32, #tpu.memory_space<vmem>>
      %dma_wait3A_150 = tpu.memref_squeeze %dma_wait3A_149 : memref<1x25x80xi32, #tpu.memory_space<vmem>> -> memref<25x80xi32, #tpu.memory_space<vmem>>
      %dma_wait3A_151 = arith.constant 0 : i32
      %dma_wait3A_152 = arith.constant 0 : i32
      %dma_wait3A_153 = tpu.memref_slice %arg4[%dma_wait3A_136, %arg1, %dma_wait3A_137, %dma_wait3A_151, %dma_wait3A_152] : memref<2x16x10x25x80xi32, #tpu.memory_space<hbm>> -> memref<1x1x1x25x80xi32, #tpu.memory_space<hbm>>
      %dma_wait3A_154 = tpu.memref_squeeze %dma_wait3A_153 : memref<1x1x1x25x80xi32, #tpu.memory_space<hbm>> -> memref<25x80xi32, #tpu.memory_space<hbm>>
      tpu.wait_dma2 semaphore(%arg12 : memref<!tpu.dma_semaphore, #tpu.memory_space<semaphore_mem>>) src(%dma_wait3A_154 : memref<25x80xi32, #tpu.memory_space<hbm>>) dst(%dma_wait3A_150 : memref<25x80xi32, #tpu.memory_space<vmem>>)
    } else {
    }
    %dma_start3A = arith.constant 0 : i32
    %dma_start3A_57 = arith.constant 0 : i32
    %dma_start3A_58 = arith.constant 0 : i32
    %dma_start3A_59 = arith.constant 0 : i32
    %dma_start3A_60 = arith.constant 0 : i32
    %dma_start3A_61 = arith.constant 0 : i32
    %dma_start3A_62 = tpu.memref_slice %arg8[%dma_start3A_58, %dma_start3A_60, %dma_start3A_61] : memref<3x80x128xf32, #tpu.memory_space<vmem>> -> memref<1x80x128xf32, #tpu.memory_space<vmem>>
    %dma_start3A_63 = tpu.memref_squeeze %dma_start3A_62 : memref<1x80x128xf32, #tpu.memory_space<vmem>> -> memref<80x128xf32, #tpu.memory_space<vmem>>
    %dma_start3A_64 = arith.constant 0 : i32
    %dma_start3A_65 = tpu.memref_slice %arg6[%dma_start3A, %dma_start3A_57, %dma_start3A_64] : memref<2x25x80xi32, #tpu.memory_space<vmem>> -> memref<1x1x80xi32, #tpu.memory_space<vmem>>
    %dma_start3A_66 = tpu.memref_squeeze %dma_start3A_65 : memref<1x1x80xi32, #tpu.memory_space<vmem>> -> memref<80xi32, #tpu.memory_space<vmem>>
    %dma_start3A_67 = arith.constant 0 : i32
    %dma_start3A_68 = arith.constant 0 : i32
    %dma_start3A_69 = tpu.memref_slice %arg2[%arg0, %dma_start3A_67, %dma_start3A_68] : memref<2x10000x128xf32, #tpu.memory_space<hbm>> -> memref<1x10000x128xf32, #tpu.memory_space<hbm>>
    %dma_start3A_70 = tpu.memref_squeeze %dma_start3A_69 : memref<1x10000x128xf32, #tpu.memory_space<hbm>> -> memref<10000x128xf32, #tpu.memory_space<hbm>>
    %dma_start3A_71 = arith.constant 0 : i32
    %dma_start3A_72 = arith.constant 0 : i32
    %dma_start3A_73 = tpu.memref_slice %dma_start3A_70[%dma_start3A_71, %dma_start3A_72] : memref<10000x128xf32, #tpu.memory_space<hbm>> -> memref<10000x128xf32, #tpu.memory_space<hbm>>
    %dma_start3A_74 = tpu.memref_slice %arg10[%dma_start3A_59] : memref<3x!tpu.dma_semaphore, #tpu.memory_space<semaphore_mem>> -> memref<1x!tpu.dma_semaphore, #tpu.memory_space<semaphore_mem>>
    %dma_start3A_75 = tpu.memref_squeeze %dma_start3A_74 : memref<1x!tpu.dma_semaphore, #tpu.memory_space<semaphore_mem>> -> memref<!tpu.dma_semaphore, #tpu.memory_space<semaphore_mem>>
    tpu.enqueue_indirect_dma source(%dma_start3A_73 : memref<10000x128xf32, #tpu.memory_space<hbm>>) target(%dma_start3A_63 : memref<80x128xf32, #tpu.memory_space<vmem>>) offsets(%dma_start3A_66 : memref<80xi32, #tpu.memory_space<vmem>>) semaphore(%dma_start3A_75 : memref<!tpu.dma_semaphore, #tpu.memory_space<semaphore_mem>>)
    %dma_start3A_76 = arith.constant 0 : i32
    %dma_start3A_77 = arith.constant 1 : i32
    %dma_start3A_78 = arith.constant 1 : i32
    %dma_start3A_79 = arith.constant 1 : i32
    %dma_start3A_80 = arith.constant 0 : i32
    %dma_start3A_81 = arith.constant 0 : i32
    %dma_start3A_82 = tpu.memref_slice %arg8[%dma_start3A_78, %dma_start3A_80, %dma_start3A_81] : memref<3x80x128xf32, #tpu.memory_space<vmem>> -> memref<1x80x128xf32, #tpu.memory_space<vmem>>
    %dma_start3A_83 = tpu.memref_squeeze %dma_start3A_82 : memref<1x80x128xf32, #tpu.memory_space<vmem>> -> memref<80x128xf32, #tpu.memory_space<vmem>>
    %dma_start3A_84 = arith.constant 0 : i32
    %dma_start3A_85 = tpu.memref_slice %arg6[%dma_start3A_76, %dma_start3A_77, %dma_start3A_84] : memref<2x25x80xi32, #tpu.memory_space<vmem>> -> memref<1x1x80xi32, #tpu.memory_space<vmem>>
    %dma_start3A_86 = tpu.memref_squeeze %dma_start3A_85 : memref<1x1x80xi32, #tpu.memory_space<vmem>> -> memref<80xi32, #tpu.memory_space<vmem>>
    %dma_start3A_87 = arith.constant 0 : i32
    %dma_start3A_88 = arith.constant 0 : i32
    %dma_start3A_89 = tpu.memref_slice %arg2[%arg0, %dma_start3A_87, %dma_start3A_88] : memref<2x10000x128xf32, #tpu.memory_space<hbm>> -> memref<1x10000x128xf32, #tpu.memory_space<hbm>>
    %dma_start3A_90 = tpu.memref_squeeze %dma_start3A_89 : memref<1x10000x128xf32, #tpu.memory_space<hbm>> -> memref<10000x128xf32, #tpu.memory_space<hbm>>
    %dma_start3A_91 = arith.constant 0 : i32
    %dma_start3A_92 = arith.constant 0 : i32
    %dma_start3A_93 = tpu.memref_slice %dma_start3A_90[%dma_start3A_91, %dma_start3A_92] : memref<10000x128xf32, #tpu.memory_space<hbm>> -> memref<10000x128xf32, #tpu.memory_space<hbm>>
    %dma_start3A_94 = tpu.memref_slice %arg10[%dma_start3A_79] : memref<3x!tpu.dma_semaphore, #tpu.memory_space<semaphore_mem>> -> memref<1x!tpu.dma_semaphore, #tpu.memory_space<semaphore_mem>>
    %dma_start3A_95 = tpu.memref_squeeze %dma_start3A_94 : memref<1x!tpu.dma_semaphore, #tpu.memory_space<semaphore_mem>> -> memref<!tpu.dma_semaphore, #tpu.memory_space<semaphore_mem>>
    tpu.enqueue_indirect_dma source(%dma_start3A_93 : memref<10000x128xf32, #tpu.memory_space<hbm>>) target(%dma_start3A_83 : memref<80x128xf32, #tpu.memory_space<vmem>>) offsets(%dma_start3A_86 : memref<80xi32, #tpu.memory_space<vmem>>) semaphore(%dma_start3A_95 : memref<!tpu.dma_semaphore, #tpu.memory_space<semaphore_mem>>)
    %scan3A_96 = arith.constant 0 : i32
    %scan3A_97 = arith.constant 250 : i32
    %scan3A_98 = arith.addi %scan3A_96, %scan3A_97 : i32
    %scan3A_99 = arith.constant 1 : i32
    scf.for %scan3A_117 = %scan3A_96 to %scan3A_98 step %scan3A_99  : i32 {
      %jit3A = arith.constant 25 : i32
      %div3A = arith.divsi %scan3A_117, %jit3A : i32
      %sign3A = arith.constant 0 : i32
      %sign3A_118 = arith.cmpi sgt, %scan3A_117, %sign3A : i32
      %sign3A_119 = arith.extui %sign3A_118 : i1 to i32
      %sign3A_120 = arith.constant 0 : i32
      %sign3A_121 = arith.cmpi slt, %scan3A_117, %sign3A_120 : i32
      %sign3A_122 = arith.extui %sign3A_121 : i1 to i32
      %sign3A_123 = arith.subi %sign3A_119, %sign3A_122 : i32
      %sign3A_124 = arith.constant 0 : i32
      %sign3A_125 = arith.cmpi sgt, %jit3A, %sign3A_124 : i32
      %sign3A_126 = arith.extui %sign3A_125 : i1 to i32
      %sign3A_127 = arith.constant 0 : i32
      %sign3A_128 = arith.cmpi slt, %jit3A, %sign3A_127 : i32
      %sign3A_129 = arith.extui %sign3A_128 : i1 to i32
      %sign3A_130 = arith.subi %sign3A_126, %sign3A_129 : i32
      %ne3A = arith.cmpi ne, %sign3A_123, %sign3A_130 : i32
      %rem3A = arith.remsi %scan3A_117, %jit3A : i32
      %ne3A_131 = arith.constant 0 : i32
      %ne3A_132 = arith.cmpi ne, %rem3A, %ne3A_131 : i32
      %and3A = arith.andi %ne3A, %ne3A_132 : i1
      %sub3A = arith.constant 1 : i32
      %sub3A_133 = arith.subi %div3A, %sub3A : i32
      %select_n3A = arith.select %and3A, %sub3A_133, %div3A : i32
      %jit3A_134 = arith.constant 25 : i32
      %eq3A_135 = arith.constant 0 : i32
      %eq3A_136 = arith.cmpi eq, %jit3A_134, %eq3A_135 : i32
      %jit3A_137 = arith.constant 1 : i32
      %select_n3A_138 = arith.select %eq3A_136, %jit3A_137, %jit3A_134 : i32
      %rem3A_139 = arith.remsi %scan3A_117, %select_n3A_138 : i32
      %ne3A_140 = arith.constant 0 : i32
      %ne3A_141 = arith.cmpi ne, %rem3A_139, %ne3A_140 : i32
      %lt3A = arith.constant 0 : i32
      %lt3A_142 = arith.cmpi slt, %rem3A_139, %lt3A : i32
      %lt3A_143 = arith.constant 0 : i32
      %lt3A_144 = arith.cmpi slt, %select_n3A_138, %lt3A_143 : i32
      %ne3A_145 = arith.xori %lt3A_142, %lt3A_144 : i1
      %and3A_146 = arith.andi %ne3A_145, %ne3A_141 : i1
      %add3A_147 = arith.addi %rem3A_139, %select_n3A_138 : i32
      %select_n3A_148 = arith.select %and3A_146, %add3A_147, %rem3A_139 : i32
      %ge3A = arith.constant 1 : i32
      %ge3A_149 = arith.cmpi sge, %select_n3A, %ge3A : i32
      %add3A_150 = arith.constant 1 : i32
      %add3A_151 = arith.addi %select_n3A, %add3A_150 : i32
      %lt3A_152 = arith.constant 10 : i32
      %lt3A_153 = arith.cmpi slt, %add3A_151, %lt3A_152 : i32
      %and3A_154 = arith.andi %ge3A_149, %lt3A_153 : i1
      %eq3A_155 = arith.constant 2 : i32
      %eq3A_156 = arith.cmpi eq, %select_n3A_148, %eq3A_155 : i32
      %and3A_157 = arith.andi %eq3A_156, %and3A_154 : i1
      %convert_element_type3A_158 = arith.extui %and3A_157 : i1 to i32
      %cond3A_159 = arith.constant 0 : i32
      %cond3A_160 = arith.cmpi ne, %convert_element_type3A_158, %cond3A_159 : i32
      scf.if %cond3A_160 {
        %add3A_329 = arith.constant 1 : i32
        %add3A_330 = arith.addi %select_n3A, %add3A_329 : i32
        %add3A_331 = arith.constant 1 : i32
        %add3A_332 = arith.addi %select_n3A, %add3A_331 : i32
        %jit3A_333 = arith.constant 2 : i32
        %eq3A_334 = arith.constant 0 : i32
        %eq3A_335 = arith.cmpi eq, %jit3A_333, %eq3A_334 : i32
        %jit3A_336 = arith.constant 1 : i32
        %select_n3A_337 = arith.select %eq3A_335, %jit3A_336, %jit3A_333 : i32
        %rem3A_338 = arith.remsi %add3A_332, %select_n3A_337 : i32
        %ne3A_339 = arith.constant 0 : i32
        %ne3A_340 = arith.cmpi ne, %rem3A_338, %ne3A_339 : i32
        %lt3A_341 = arith.constant 0 : i32
        %lt3A_342 = arith.cmpi slt, %rem3A_338, %lt3A_341 : i32
        %lt3A_343 = arith.constant 0 : i32
        %lt3A_344 = arith.cmpi slt, %select_n3A_337, %lt3A_343 : i32
        %ne3A_345 = arith.xori %lt3A_342, %lt3A_344 : i1
        %and3A_346 = arith.andi %ne3A_345, %ne3A_340 : i1
        %add3A_347 = arith.addi %rem3A_338, %select_n3A_337 : i32
        %select_n3A_348 = arith.select %and3A_346, %add3A_347, %rem3A_338 : i32
        %eq3A_349 = arith.constant 0 : i32
        %eq3A_350 = arith.cmpi eq, %arg0, %eq3A_349 : i32
        %eq3A_351 = arith.constant 1 : i32
        %eq3A_352 = arith.cmpi eq, %arg0, %eq3A_351 : i32
        %convert_element_type3A_353 = arith.extui %eq3A_350 : i1 to i32
        %cond3A_354 = arith.constant 0 : i32
        %cond3A_355 = arith.cmpi ne, %convert_element_type3A_353, %cond3A_354 : i32
        scf.if %cond3A_355 {
          %dma_start3A_365 = arith.constant 0 : i32
          %dma_start3A_366 = arith.constant 0 : i32
          %dma_start3A_367 = arith.constant 0 : i32
          %dma_start3A_368 = tpu.memref_slice %arg6[%select_n3A_348, %dma_start3A_366, %dma_start3A_367] : memref<2x25x80xi32, #tpu.memory_space<vmem>> -> memref<1x25x80xi32, #tpu.memory_space<vmem>>
          %dma_start3A_369 = tpu.memref_squeeze %dma_start3A_368 : memref<1x25x80xi32, #tpu.memory_space<vmem>> -> memref<25x80xi32, #tpu.memory_space<vmem>>
          %dma_start3A_370 = arith.constant 0 : i32
          %dma_start3A_371 = arith.constant 0 : i32
          %dma_start3A_372 = tpu.memref_slice %arg3[%dma_start3A_365, %arg1, %add3A_330, %dma_start3A_370, %dma_start3A_371] : memref<2x16x10x25x80xi32, #tpu.memory_space<hbm>> -> memref<1x1x1x25x80xi32, #tpu.memory_space<hbm>>
          %dma_start3A_373 = tpu.memref_squeeze %dma_start3A_372 : memref<1x1x1x25x80xi32, #tpu.memory_space<hbm>> -> memref<25x80xi32, #tpu.memory_space<hbm>>
          %dma_start3A_374 = arith.constant 0 : i32
          %dma_start3A_375 = arith.constant 0 : i32
          %dma_start3A_376 = tpu.memref_slice %arg6[%select_n3A_348, %dma_start3A_374, %dma_start3A_375] : memref<2x25x80xi32, #tpu.memory_space<vmem>> -> memref<1x25x80xi32, #tpu.memory_space<vmem>>
          %dma_start3A_377 = tpu.memref_squeeze %dma_start3A_376 : memref<1x25x80xi32, #tpu.memory_space<vmem>> -> memref<25x80xi32, #tpu.memory_space<vmem>>
          %dma_start3A_378 = arith.constant 0 : i32
          %dma_start3A_379 = arith.constant 0 : i32
          %dma_start3A_380 = tpu.memref_slice %arg3[%dma_start3A_365, %arg1, %add3A_330, %dma_start3A_378, %dma_start3A_379] : memref<2x16x10x25x80xi32, #tpu.memory_space<hbm>> -> memref<1x1x1x25x80xi32, #tpu.memory_space<hbm>>
          %dma_start3A_381 = tpu.memref_squeeze %dma_start3A_380 : memref<1x1x1x25x80xi32, #tpu.memory_space<hbm>> -> memref<25x80xi32, #tpu.memory_space<hbm>>
          tpu.enqueue_dma source(%dma_start3A_381 : memref<25x80xi32, #tpu.memory_space<hbm>>) target(%dma_start3A_377 : memref<25x80xi32, #tpu.memory_space<vmem>>) target_semaphore(%arg12 : memref<!tpu.dma_semaphore, #tpu.memory_space<semaphore_mem>>)
        } else {
        }
        %convert_element_type3A_356 = arith.extui %eq3A_350 : i1 to i32
        %cond3A_357 = arith.constant 0 : i32
        %cond3A_358 = arith.cmpi ne, %convert_element_type3A_356, %cond3A_357 : i32
        scf.if %cond3A_358 {
          %dma_start3A_365 = arith.constant 1 : i32
          %dma_start3A_366 = arith.constant 0 : i32
          %dma_start3A_367 = arith.constant 0 : i32
          %dma_start3A_368 = tpu.memref_slice %arg7[%select_n3A_348, %dma_start3A_366, %dma_start3A_367] : memref<2x25x80xi32, #tpu.memory_space<vmem>> -> memref<1x25x80xi32, #tpu.memory_space<vmem>>
          %dma_start3A_369 = tpu.memref_squeeze %dma_start3A_368 : memref<1x25x80xi32, #tpu.memory_space<vmem>> -> memref<25x80xi32, #tpu.memory_space<vmem>>
          %dma_start3A_370 = arith.constant 0 : i32
          %dma_start3A_371 = arith.constant 0 : i32
          %dma_start3A_372 = tpu.memref_slice %arg3[%dma_start3A_365, %arg1, %add3A_330, %dma_start3A_370, %dma_start3A_371] : memref<2x16x10x25x80xi32, #tpu.memory_space<hbm>> -> memref<1x1x1x25x80xi32, #tpu.memory_space<hbm>>
          %dma_start3A_373 = tpu.memref_squeeze %dma_start3A_372 : memref<1x1x1x25x80xi32, #tpu.memory_space<hbm>> -> memref<25x80xi32, #tpu.memory_space<hbm>>
          %dma_start3A_374 = arith.constant 0 : i32
          %dma_start3A_375 = arith.constant 0 : i32
          %dma_start3A_376 = tpu.memref_slice %arg7[%select_n3A_348, %dma_start3A_374, %dma_start3A_375] : memref<2x25x80xi32, #tpu.memory_space<vmem>> -> memref<1x25x80xi32, #tpu.memory_space<vmem>>
          %dma_start3A_377 = tpu.memref_squeeze %dma_start3A_376 : memref<1x25x80xi32, #tpu.memory_space<vmem>> -> memref<25x80xi32, #tpu.memory_space<vmem>>
          %dma_start3A_378 = arith.constant 0 : i32
          %dma_start3A_379 = arith.constant 0 : i32
          %dma_start3A_380 = tpu.memref_slice %arg3[%dma_start3A_365, %arg1, %add3A_330, %dma_start3A_378, %dma_start3A_379] : memref<2x16x10x25x80xi32, #tpu.memory_space<hbm>> -> memref<1x1x1x25x80xi32, #tpu.memory_space<hbm>>
          %dma_start3A_381 = tpu.memref_squeeze %dma_start3A_380 : memref<1x1x1x25x80xi32, #tpu.memory_space<hbm>> -> memref<25x80xi32, #tpu.memory_space<hbm>>
          tpu.enqueue_dma source(%dma_start3A_381 : memref<25x80xi32, #tpu.memory_space<hbm>>) target(%dma_start3A_377 : memref<25x80xi32, #tpu.memory_space<vmem>>) target_semaphore(%arg12 : memref<!tpu.dma_semaphore, #tpu.memory_space<semaphore_mem>>)
        } else {
        }
        %convert_element_type3A_359 = arith.extui %eq3A_352 : i1 to i32
        %cond3A_360 = arith.constant 0 : i32
        %cond3A_361 = arith.cmpi ne, %convert_element_type3A_359, %cond3A_360 : i32
        scf.if %cond3A_361 {
          %dma_start3A_365 = arith.constant 0 : i32
          %dma_start3A_366 = arith.constant 0 : i32
          %dma_start3A_367 = arith.constant 0 : i32
          %dma_start3A_368 = tpu.memref_slice %arg6[%select_n3A_348, %dma_start3A_366, %dma_start3A_367] : memref<2x25x80xi32, #tpu.memory_space<vmem>> -> memref<1x25x80xi32, #tpu.memory_space<vmem>>
          %dma_start3A_369 = tpu.memref_squeeze %dma_start3A_368 : memref<1x25x80xi32, #tpu.memory_space<vmem>> -> memref<25x80xi32, #tpu.memory_space<vmem>>
          %dma_start3A_370 = arith.constant 0 : i32
          %dma_start3A_371 = arith.constant 0 : i32
          %dma_start3A_372 = tpu.memref_slice %arg4[%dma_start3A_365, %arg1, %add3A_330, %dma_start3A_370, %dma_start3A_371] : memref<2x16x10x25x80xi32, #tpu.memory_space<hbm>> -> memref<1x1x1x25x80xi32, #tpu.memory_space<hbm>>
          %dma_start3A_373 = tpu.memref_squeeze %dma_start3A_372 : memref<1x1x1x25x80xi32, #tpu.memory_space<hbm>> -> memref<25x80xi32, #tpu.memory_space<hbm>>
          %dma_start3A_374 = arith.constant 0 : i32
          %dma_start3A_375 = arith.constant 0 : i32
          %dma_start3A_376 = tpu.memref_slice %arg6[%select_n3A_348, %dma_start3A_374, %dma_start3A_375] : memref<2x25x80xi32, #tpu.memory_space<vmem>> -> memref<1x25x80xi32, #tpu.memory_space<vmem>>
          %dma_start3A_377 = tpu.memref_squeeze %dma_start3A_376 : memref<1x25x80xi32, #tpu.memory_space<vmem>> -> memref<25x80xi32, #tpu.memory_space<vmem>>
          %dma_start3A_378 = arith.constant 0 : i32
          %dma_start3A_379 = arith.constant 0 : i32
          %dma_start3A_380 = tpu.memref_slice %arg4[%dma_start3A_365, %arg1, %add3A_330, %dma_start3A_378, %dma_start3A_379] : memref<2x16x10x25x80xi32, #tpu.memory_space<hbm>> -> memref<1x1x1x25x80xi32, #tpu.memory_space<hbm>>
          %dma_start3A_381 = tpu.memref_squeeze %dma_start3A_380 : memref<1x1x1x25x80xi32, #tpu.memory_space<hbm>> -> memref<25x80xi32, #tpu.memory_space<hbm>>
          tpu.enqueue_dma source(%dma_start3A_381 : memref<25x80xi32, #tpu.memory_space<hbm>>) target(%dma_start3A_377 : memref<25x80xi32, #tpu.memory_space<vmem>>) target_semaphore(%arg12 : memref<!tpu.dma_semaphore, #tpu.memory_space<semaphore_mem>>)
        } else {
        }
        %convert_element_type3A_362 = arith.extui %eq3A_352 : i1 to i32
        %cond3A_363 = arith.constant 0 : i32
        %cond3A_364 = arith.cmpi ne, %convert_element_type3A_362, %cond3A_363 : i32
        scf.if %cond3A_364 {
          %dma_start3A_365 = arith.constant 1 : i32
          %dma_start3A_366 = arith.constant 0 : i32
          %dma_start3A_367 = arith.constant 0 : i32
          %dma_start3A_368 = tpu.memref_slice %arg7[%select_n3A_348, %dma_start3A_366, %dma_start3A_367] : memref<2x25x80xi32, #tpu.memory_space<vmem>> -> memref<1x25x80xi32, #tpu.memory_space<vmem>>
          %dma_start3A_369 = tpu.memref_squeeze %dma_start3A_368 : memref<1x25x80xi32, #tpu.memory_space<vmem>> -> memref<25x80xi32, #tpu.memory_space<vmem>>
          %dma_start3A_370 = arith.constant 0 : i32
          %dma_start3A_371 = arith.constant 0 : i32
          %dma_start3A_372 = tpu.memref_slice %arg4[%dma_start3A_365, %arg1, %add3A_330, %dma_start3A_370, %dma_start3A_371] : memref<2x16x10x25x80xi32, #tpu.memory_space<hbm>> -> memref<1x1x1x25x80xi32, #tpu.memory_space<hbm>>
          %dma_start3A_373 = tpu.memref_squeeze %dma_start3A_372 : memref<1x1x1x25x80xi32, #tpu.memory_space<hbm>> -> memref<25x80xi32, #tpu.memory_space<hbm>>
          %dma_start3A_374 = arith.constant 0 : i32
          %dma_start3A_375 = arith.constant 0 : i32
          %dma_start3A_376 = tpu.memref_slice %arg7[%select_n3A_348, %dma_start3A_374, %dma_start3A_375] : memref<2x25x80xi32, #tpu.memory_space<vmem>> -> memref<1x25x80xi32, #tpu.memory_space<vmem>>
          %dma_start3A_377 = tpu.memref_squeeze %dma_start3A_376 : memref<1x25x80xi32, #tpu.memory_space<vmem>> -> memref<25x80xi32, #tpu.memory_space<vmem>>
          %dma_start3A_378 = arith.constant 0 : i32
          %dma_start3A_379 = arith.constant 0 : i32
          %dma_start3A_380 = tpu.memref_slice %arg4[%dma_start3A_365, %arg1, %add3A_330, %dma_start3A_378, %dma_start3A_379] : memref<2x16x10x25x80xi32, #tpu.memory_space<hbm>> -> memref<1x1x1x25x80xi32, #tpu.memory_space<hbm>>
          %dma_start3A_381 = tpu.memref_squeeze %dma_start3A_380 : memref<1x1x1x25x80xi32, #tpu.memory_space<hbm>> -> memref<25x80xi32, #tpu.memory_space<hbm>>
          tpu.enqueue_dma source(%dma_start3A_381 : memref<25x80xi32, #tpu.memory_space<hbm>>) target(%dma_start3A_377 : memref<25x80xi32, #tpu.memory_space<vmem>>) target_semaphore(%arg12 : memref<!tpu.dma_semaphore, #tpu.memory_space<semaphore_mem>>)
        } else {
        }
      } else {
      }
      %ge3A_161 = arith.constant 1 : i32
      %ge3A_162 = arith.cmpi sge, %scan3A_117, %ge3A_161 : i32
      %convert_element_type3A_163 = arith.extui %ge3A_162 : i1 to i32
      %cond3A_164 = arith.constant 0 : i32
      %cond3A_165 = arith.cmpi ne, %convert_element_type3A_163, %cond3A_164 : i32
      scf.if %cond3A_165 {
        %add3A_329 = arith.constant 2 : i32
        %add3A_330 = arith.addi %scan3A_117, %add3A_329 : i32
        %jit3A_331 = arith.constant 3 : i32
        %eq3A_332 = arith.constant 0 : i32
        %eq3A_333 = arith.cmpi eq, %jit3A_331, %eq3A_332 : i32
        %jit3A_334 = arith.constant 1 : i32
        %select_n3A_335 = arith.select %eq3A_333, %jit3A_334, %jit3A_331 : i32
        %rem3A_336 = arith.remsi %add3A_330, %select_n3A_335 : i32
        %ne3A_337 = arith.constant 0 : i32
        %ne3A_338 = arith.cmpi ne, %rem3A_336, %ne3A_337 : i32
        %lt3A_339 = arith.constant 0 : i32
        %lt3A_340 = arith.cmpi slt, %rem3A_336, %lt3A_339 : i32
        %lt3A_341 = arith.constant 0 : i32
        %lt3A_342 = arith.cmpi slt, %select_n3A_335, %lt3A_341 : i32
        %ne3A_343 = arith.xori %lt3A_340, %lt3A_342 : i1
        %and3A_344 = arith.andi %ne3A_343, %ne3A_338 : i1
        %add3A_345 = arith.addi %rem3A_336, %select_n3A_335 : i32
        %select_n3A_346 = arith.select %and3A_344, %add3A_345, %rem3A_336 : i32
        %dma_wait3A_347 = arith.constant 0 : i32
        %dma_wait3A_348 = arith.constant 0 : i32
        %dma_wait3A_349 = arith.constant 0 : i32
        %dma_wait3A_350 = arith.constant 0 : i32
        %dma_wait3A_351 = tpu.memref_slice %arg8[%select_n3A_346, %dma_wait3A_349, %dma_wait3A_350] : memref<3x80x128xf32, #tpu.memory_space<vmem>> -> memref<1x80x128xf32, #tpu.memory_space<vmem>>
        %dma_wait3A_352 = tpu.memref_squeeze %dma_wait3A_351 : memref<1x80x128xf32, #tpu.memory_space<vmem>> -> memref<80x128xf32, #tpu.memory_space<vmem>>
        %dma_wait3A_353 = arith.constant 0 : i32
        %dma_wait3A_354 = tpu.memref_slice %arg7[%dma_wait3A_347, %dma_wait3A_348, %dma_wait3A_353] : memref<2x25x80xi32, #tpu.memory_space<vmem>> -> memref<1x1x80xi32, #tpu.memory_space<vmem>>
        %dma_wait3A_355 = tpu.memref_squeeze %dma_wait3A_354 : memref<1x1x80xi32, #tpu.memory_space<vmem>> -> memref<80xi32, #tpu.memory_space<vmem>>
        %dma_wait3A_356 = arith.constant 0 : i32
        %dma_wait3A_357 = arith.constant 0 : i32
        %dma_wait3A_358 = tpu.memref_slice %arg9[%dma_wait3A_356, %dma_wait3A_357] : memref<10112x128xf32, #tpu.memory_space<vmem_shared>> -> memref<10112x128xf32, #tpu.memory_space<vmem_shared>>
        %dma_wait3A_359 = tpu.memref_slice %arg11[%select_n3A_346] : memref<3x!tpu.dma_semaphore, #tpu.memory_space<semaphore_mem>> -> memref<1x!tpu.dma_semaphore, #tpu.memory_space<semaphore_mem>>
        %dma_wait3A_360 = tpu.memref_squeeze %dma_wait3A_359 : memref<1x!tpu.dma_semaphore, #tpu.memory_space<semaphore_mem>> -> memref<!tpu.dma_semaphore, #tpu.memory_space<semaphore_mem>>
        tpu.wait_indirect_dma semaphore(%dma_wait3A_360 : memref<!tpu.dma_semaphore, #tpu.memory_space<semaphore_mem>>) src(%dma_wait3A_352 : memref<80x128xf32, #tpu.memory_space<vmem>>) dst(%dma_wait3A_358 : memref<10112x128xf32, #tpu.memory_space<vmem_shared>>)
      } else {
      }
      %eq3A_166 = arith.constant 23 : i32
      %eq3A_167 = arith.cmpi eq, %select_n3A_148, %eq3A_166 : i32
      %and3A_168 = arith.andi %eq3A_167, %and3A_154 : i1
      %convert_element_type3A_169 = arith.extui %and3A_168 : i1 to i32
      %cond3A_170 = arith.constant 0 : i32
      %cond3A_171 = arith.cmpi ne, %convert_element_type3A_169, %cond3A_170 : i32
      scf.if %cond3A_171 {
        %dma_wait3A_329 = arith.constant 0 : i32
        %dma_wait3A_330 = arith.constant 0 : i32
        %dma_wait3A_331 = arith.constant 0 : i32
        %dma_wait3A_332 = arith.constant 0 : i32
        %dma_wait3A_333 = arith.constant 0 : i32
        %dma_wait3A_334 = arith.constant 0 : i32
        %dma_wait3A_335 = tpu.memref_slice %arg6[%dma_wait3A_332, %dma_wait3A_333, %dma_wait3A_334] : memref<2x25x80xi32, #tpu.memory_space<vmem>> -> memref<1x25x80xi32, #tpu.memory_space<vmem>>
        %dma_wait3A_336 = tpu.memref_squeeze %dma_wait3A_335 : memref<1x25x80xi32, #tpu.memory_space<vmem>> -> memref<25x80xi32, #tpu.memory_space<vmem>>
        %dma_wait3A_337 = arith.constant 0 : i32
        %dma_wait3A_338 = arith.constant 0 : i32
        %dma_wait3A_339 = tpu.memref_slice %arg3[%dma_wait3A_329, %dma_wait3A_330, %dma_wait3A_331, %dma_wait3A_337, %dma_wait3A_338] : memref<2x16x10x25x80xi32, #tpu.memory_space<hbm>> -> memref<1x1x1x25x80xi32, #tpu.memory_space<hbm>>
        %dma_wait3A_340 = tpu.memref_squeeze %dma_wait3A_339 : memref<1x1x1x25x80xi32, #tpu.memory_space<hbm>> -> memref<25x80xi32, #tpu.memory_space<hbm>>
        %dma_wait3A_341 = arith.constant 0 : i32
        %dma_wait3A_342 = arith.constant 0 : i32
        %dma_wait3A_343 = tpu.memref_slice %arg6[%dma_wait3A_332, %dma_wait3A_341, %dma_wait3A_342] : memref<2x25x80xi32, #tpu.memory_space<vmem>> -> memref<1x25x80xi32, #tpu.memory_space<vmem>>
        %dma_wait3A_344 = tpu.memref_squeeze %dma_wait3A_343 : memref<1x25x80xi32, #tpu.memory_space<vmem>> -> memref<25x80xi32, #tpu.memory_space<vmem>>
        %dma_wait3A_345 = arith.constant 0 : i32
        %dma_wait3A_346 = arith.constant 0 : i32
        %dma_wait3A_347 = tpu.memref_slice %arg3[%dma_wait3A_329, %dma_wait3A_330, %dma_wait3A_331, %dma_wait3A_345, %dma_wait3A_346] : memref<2x16x10x25x80xi32, #tpu.memory_space<hbm>> -> memref<1x1x1x25x80xi32, #tpu.memory_space<hbm>>
        %dma_wait3A_348 = tpu.memref_squeeze %dma_wait3A_347 : memref<1x1x1x25x80xi32, #tpu.memory_space<hbm>> -> memref<25x80xi32, #tpu.memory_space<hbm>>
        tpu.wait_dma2 semaphore(%arg12 : memref<!tpu.dma_semaphore, #tpu.memory_space<semaphore_mem>>) src(%dma_wait3A_348 : memref<25x80xi32, #tpu.memory_space<hbm>>) dst(%dma_wait3A_344 : memref<25x80xi32, #tpu.memory_space<vmem>>)
        %dma_wait3A_349 = arith.constant 0 : i32
        %dma_wait3A_350 = arith.constant 0 : i32
        %dma_wait3A_351 = arith.constant 0 : i32
        %dma_wait3A_352 = arith.constant 0 : i32
        %dma_wait3A_353 = arith.constant 0 : i32
        %dma_wait3A_354 = arith.constant 0 : i32
        %dma_wait3A_355 = tpu.memref_slice %arg7[%dma_wait3A_352, %dma_wait3A_353, %dma_wait3A_354] : memref<2x25x80xi32, #tpu.memory_space<vmem>> -> memref<1x25x80xi32, #tpu.memory_space<vmem>>
        %dma_wait3A_356 = tpu.memref_squeeze %dma_wait3A_355 : memref<1x25x80xi32, #tpu.memory_space<vmem>> -> memref<25x80xi32, #tpu.memory_space<vmem>>
        %dma_wait3A_357 = arith.constant 0 : i32
        %dma_wait3A_358 = arith.constant 0 : i32
        %dma_wait3A_359 = tpu.memref_slice %arg3[%dma_wait3A_349, %dma_wait3A_350, %dma_wait3A_351, %dma_wait3A_357, %dma_wait3A_358] : memref<2x16x10x25x80xi32, #tpu.memory_space<hbm>> -> memref<1x1x1x25x80xi32, #tpu.memory_space<hbm>>
        %dma_wait3A_360 = tpu.memref_squeeze %dma_wait3A_359 : memref<1x1x1x25x80xi32, #tpu.memory_space<hbm>> -> memref<25x80xi32, #tpu.memory_space<hbm>>
        %dma_wait3A_361 = arith.constant 0 : i32
        %dma_wait3A_362 = arith.constant 0 : i32
        %dma_wait3A_363 = tpu.memref_slice %arg7[%dma_wait3A_352, %dma_wait3A_361, %dma_wait3A_362] : memref<2x25x80xi32, #tpu.memory_space<vmem>> -> memref<1x25x80xi32, #tpu.memory_space<vmem>>
        %dma_wait3A_364 = tpu.memref_squeeze %dma_wait3A_363 : memref<1x25x80xi32, #tpu.memory_space<vmem>> -> memref<25x80xi32, #tpu.memory_space<vmem>>
        %dma_wait3A_365 = arith.constant 0 : i32
        %dma_wait3A_366 = arith.constant 0 : i32
        %dma_wait3A_367 = tpu.memref_slice %arg3[%dma_wait3A_349, %dma_wait3A_350, %dma_wait3A_351, %dma_wait3A_365, %dma_wait3A_366] : memref<2x16x10x25x80xi32, #tpu.memory_space<hbm>> -> memref<1x1x1x25x80xi32, #tpu.memory_space<hbm>>
        %dma_wait3A_368 = tpu.memref_squeeze %dma_wait3A_367 : memref<1x1x1x25x80xi32, #tpu.memory_space<hbm>> -> memref<25x80xi32, #tpu.memory_space<hbm>>
        tpu.wait_dma2 semaphore(%arg12 : memref<!tpu.dma_semaphore, #tpu.memory_space<semaphore_mem>>) src(%dma_wait3A_368 : memref<25x80xi32, #tpu.memory_space<hbm>>) dst(%dma_wait3A_364 : memref<25x80xi32, #tpu.memory_space<vmem>>)
      } else {
      }
      %add3A_172 = arith.constant 2 : i32
      %add3A_173 = arith.addi %scan3A_117, %add3A_172 : i32
      %lt3A_174 = arith.constant 250 : i32
      %lt3A_175 = arith.cmpi slt, %add3A_173, %lt3A_174 : i32
      %convert_element_type3A_176 = arith.extui %lt3A_175 : i1 to i32
      %cond3A_177 = arith.constant 0 : i32
      %cond3A_178 = arith.cmpi ne, %convert_element_type3A_176, %cond3A_177 : i32
      scf.if %cond3A_178 {
        %add3A_329 = arith.constant 2 : i32
        %add3A_330 = arith.addi %scan3A_117, %add3A_329 : i32
        %jit3A_331 = arith.constant 25 : i32
        %div3A_332 = arith.divsi %add3A_330, %jit3A_331 : i32
        %sign3A_333 = arith.constant 0 : i32
        %sign3A_334 = arith.cmpi sgt, %add3A_330, %sign3A_333 : i32
        %sign3A_335 = arith.extui %sign3A_334 : i1 to i32
        %sign3A_336 = arith.constant 0 : i32
        %sign3A_337 = arith.cmpi slt, %add3A_330, %sign3A_336 : i32
        %sign3A_338 = arith.extui %sign3A_337 : i1 to i32
        %sign3A_339 = arith.subi %sign3A_335, %sign3A_338 : i32
        %sign3A_340 = arith.constant 0 : i32
        %sign3A_341 = arith.cmpi sgt, %jit3A_331, %sign3A_340 : i32
        %sign3A_342 = arith.extui %sign3A_341 : i1 to i32
        %sign3A_343 = arith.constant 0 : i32
        %sign3A_344 = arith.cmpi slt, %jit3A_331, %sign3A_343 : i32
        %sign3A_345 = arith.extui %sign3A_344 : i1 to i32
        %sign3A_346 = arith.subi %sign3A_342, %sign3A_345 : i32
        %ne3A_347 = arith.cmpi ne, %sign3A_339, %sign3A_346 : i32
        %rem3A_348 = arith.remsi %add3A_330, %jit3A_331 : i32
        %ne3A_349 = arith.constant 0 : i32
        %ne3A_350 = arith.cmpi ne, %rem3A_348, %ne3A_349 : i32
        %and3A_351 = arith.andi %ne3A_347, %ne3A_350 : i1
        %sub3A_352 = arith.constant 1 : i32
        %sub3A_353 = arith.subi %div3A_332, %sub3A_352 : i32
        %select_n3A_354 = arith.select %and3A_351, %sub3A_353, %div3A_332 : i32
        %jit3A_355 = arith.constant 2 : i32
        %eq3A_356 = arith.constant 0 : i32
        %eq3A_357 = arith.cmpi eq, %jit3A_355, %eq3A_356 : i32
        %jit3A_358 = arith.constant 1 : i32
        %select_n3A_359 = arith.select %eq3A_357, %jit3A_358, %jit3A_355 : i32
        %rem3A_360 = arith.remsi %select_n3A_354, %select_n3A_359 : i32
        %ne3A_361 = arith.constant 0 : i32
        %ne3A_362 = arith.cmpi ne, %rem3A_360, %ne3A_361 : i32
        %lt3A_363 = arith.constant 0 : i32
        %lt3A_364 = arith.cmpi slt, %rem3A_360, %lt3A_363 : i32
        %lt3A_365 = arith.constant 0 : i32
        %lt3A_366 = arith.cmpi slt, %select_n3A_359, %lt3A_365 : i32
        %ne3A_367 = arith.xori %lt3A_364, %lt3A_366 : i1
        %and3A_368 = arith.andi %ne3A_367, %ne3A_362 : i1
        %add3A_369 = arith.addi %rem3A_360, %select_n3A_359 : i32
        %select_n3A_370 = arith.select %and3A_368, %add3A_369, %rem3A_360 : i32
        %jit3A_371 = arith.constant 25 : i32
        %eq3A_372 = arith.constant 0 : i32
        %eq3A_373 = arith.cmpi eq, %jit3A_371, %eq3A_372 : i32
        %jit3A_374 = arith.constant 1 : i32
        %select_n3A_375 = arith.select %eq3A_373, %jit3A_374, %jit3A_371 : i32
        %rem3A_376 = arith.remsi %add3A_330, %select_n3A_375 : i32
        %ne3A_377 = arith.constant 0 : i32
        %ne3A_378 = arith.cmpi ne, %rem3A_376, %ne3A_377 : i32
        %lt3A_379 = arith.constant 0 : i32
        %lt3A_380 = arith.cmpi slt, %rem3A_376, %lt3A_379 : i32
        %lt3A_381 = arith.constant 0 : i32
        %lt3A_382 = arith.cmpi slt, %select_n3A_375, %lt3A_381 : i32
        %ne3A_383 = arith.xori %lt3A_380, %lt3A_382 : i1
        %and3A_384 = arith.andi %ne3A_383, %ne3A_378 : i1
        %add3A_385 = arith.addi %rem3A_376, %select_n3A_375 : i32
        %select_n3A_386 = arith.select %and3A_384, %add3A_385, %rem3A_376 : i32
        %jit3A_387 = arith.constant 3 : i32
        %eq3A_388 = arith.constant 0 : i32
        %eq3A_389 = arith.cmpi eq, %jit3A_387, %eq3A_388 : i32
        %jit3A_390 = arith.constant 1 : i32
        %select_n3A_391 = arith.select %eq3A_389, %jit3A_390, %jit3A_387 : i32
        %rem3A_392 = arith.remsi %add3A_330, %select_n3A_391 : i32
        %ne3A_393 = arith.constant 0 : i32
        %ne3A_394 = arith.cmpi ne, %rem3A_392, %ne3A_393 : i32
        %lt3A_395 = arith.constant 0 : i32
        %lt3A_396 = arith.cmpi slt, %rem3A_392, %lt3A_395 : i32
        %lt3A_397 = arith.constant 0 : i32
        %lt3A_398 = arith.cmpi slt, %select_n3A_391, %lt3A_397 : i32
        %ne3A_399 = arith.xori %lt3A_396, %lt3A_398 : i1
        %and3A_400 = arith.andi %ne3A_399, %ne3A_394 : i1
        %add3A_401 = arith.addi %rem3A_392, %select_n3A_391 : i32
        %select_n3A_402 = arith.select %and3A_400, %add3A_401, %rem3A_392 : i32
        %jit3A_403 = arith.constant 3 : i32
        %eq3A_404 = arith.constant 0 : i32
        %eq3A_405 = arith.cmpi eq, %jit3A_403, %eq3A_404 : i32
        %jit3A_406 = arith.constant 1 : i32
        %select_n3A_407 = arith.select %eq3A_405, %jit3A_406, %jit3A_403 : i32
        %rem3A_408 = arith.remsi %add3A_330, %select_n3A_407 : i32
        %ne3A_409 = arith.constant 0 : i32
        %ne3A_410 = arith.cmpi ne, %rem3A_408, %ne3A_409 : i32
        %lt3A_411 = arith.constant 0 : i32
        %lt3A_412 = arith.cmpi slt, %rem3A_408, %lt3A_411 : i32
        %lt3A_413 = arith.constant 0 : i32
        %lt3A_414 = arith.cmpi slt, %select_n3A_407, %lt3A_413 : i32
        %ne3A_415 = arith.xori %lt3A_412, %lt3A_414 : i1
        %and3A_416 = arith.andi %ne3A_415, %ne3A_410 : i1
        %add3A_417 = arith.addi %rem3A_408, %select_n3A_407 : i32
        %select_n3A_418 = arith.select %and3A_416, %add3A_417, %rem3A_408 : i32
        %dma_start3A_419 = arith.constant 0 : i32
        %dma_start3A_420 = arith.constant 0 : i32
        %dma_start3A_421 = tpu.memref_slice %arg8[%select_n3A_402, %dma_start3A_419, %dma_start3A_420] : memref<3x80x128xf32, #tpu.memory_space<vmem>> -> memref<1x80x128xf32, #tpu.memory_space<vmem>>
        %dma_start3A_422 = tpu.memref_squeeze %dma_start3A_421 : memref<1x80x128xf32, #tpu.memory_space<vmem>> -> memref<80x128xf32, #tpu.memory_space<vmem>>
        %dma_start3A_423 = arith.constant 0 : i32
        %dma_start3A_424 = tpu.memref_slice %arg6[%select_n3A_370, %select_n3A_386, %dma_start3A_423] : memref<2x25x80xi32, #tpu.memory_space<vmem>> -> memref<1x1x80xi32, #tpu.memory_space<vmem>>
        %dma_start3A_425 = tpu.memref_squeeze %dma_start3A_424 : memref<1x1x80xi32, #tpu.memory_space<vmem>> -> memref<80xi32, #tpu.memory_space<vmem>>
        %dma_start3A_426 = arith.constant 0 : i32
        %dma_start3A_427 = arith.constant 0 : i32
        %dma_start3A_428 = tpu.memref_slice %arg2[%arg0, %dma_start3A_426, %dma_start3A_427] : memref<2x10000x128xf32, #tpu.memory_space<hbm>> -> memref<1x10000x128xf32, #tpu.memory_space<hbm>>
        %dma_start3A_429 = tpu.memref_squeeze %dma_start3A_428 : memref<1x10000x128xf32, #tpu.memory_space<hbm>> -> memref<10000x128xf32, #tpu.memory_space<hbm>>
        %dma_start3A_430 = arith.constant 0 : i32
        %dma_start3A_431 = arith.constant 0 : i32
        %dma_start3A_432 = tpu.memref_slice %dma_start3A_429[%dma_start3A_430, %dma_start3A_431] : memref<10000x128xf32, #tpu.memory_space<hbm>> -> memref<10000x128xf32, #tpu.memory_space<hbm>>
        %dma_start3A_433 = tpu.memref_slice %arg10[%select_n3A_418] : memref<3x!tpu.dma_semaphore, #tpu.memory_space<semaphore_mem>> -> memref<1x!tpu.dma_semaphore, #tpu.memory_space<semaphore_mem>>
        %dma_start3A_434 = tpu.memref_squeeze %dma_start3A_433 : memref<1x!tpu.dma_semaphore, #tpu.memory_space<semaphore_mem>> -> memref<!tpu.dma_semaphore, #tpu.memory_space<semaphore_mem>>
        tpu.enqueue_indirect_dma source(%dma_start3A_432 : memref<10000x128xf32, #tpu.memory_space<hbm>>) target(%dma_start3A_422 : memref<80x128xf32, #tpu.memory_space<vmem>>) offsets(%dma_start3A_425 : memref<80xi32, #tpu.memory_space<vmem>>) semaphore(%dma_start3A_434 : memref<!tpu.dma_semaphore, #tpu.memory_space<semaphore_mem>>)
      } else {
      }
      %jit3A_179 = arith.constant 3 : i32
      %eq3A_180 = arith.constant 0 : i32
      %eq3A_181 = arith.cmpi eq, %jit3A_179, %eq3A_180 : i32
      %jit3A_182 = arith.constant 1 : i32
      %select_n3A_183 = arith.select %eq3A_181, %jit3A_182, %jit3A_179 : i32
      %rem3A_184 = arith.remsi %scan3A_117, %select_n3A_183 : i32
      %ne3A_185 = arith.constant 0 : i32
      %ne3A_186 = arith.cmpi ne, %rem3A_184, %ne3A_185 : i32
      %lt3A_187 = arith.constant 0 : i32
      %lt3A_188 = arith.cmpi slt, %rem3A_184, %lt3A_187 : i32
      %lt3A_189 = arith.constant 0 : i32
      %lt3A_190 = arith.cmpi slt, %select_n3A_183, %lt3A_189 : i32
      %ne3A_191 = arith.xori %lt3A_188, %lt3A_190 : i1
      %and3A_192 = arith.andi %ne3A_191, %ne3A_186 : i1
      %add3A_193 = arith.addi %rem3A_184, %select_n3A_183 : i32
      %select_n3A_194 = arith.select %and3A_192, %add3A_193, %rem3A_184 : i32
      %jit3A_195 = arith.constant 3 : i32
      %eq3A_196 = arith.constant 0 : i32
      %eq3A_197 = arith.cmpi eq, %jit3A_195, %eq3A_196 : i32
      %jit3A_198 = arith.constant 1 : i32
      %select_n3A_199 = arith.select %eq3A_197, %jit3A_198, %jit3A_195 : i32
      %rem3A_200 = arith.remsi %scan3A_117, %select_n3A_199 : i32
      %ne3A_201 = arith.constant 0 : i32
      %ne3A_202 = arith.cmpi ne, %rem3A_200, %ne3A_201 : i32
      %lt3A_203 = arith.constant 0 : i32
      %lt3A_204 = arith.cmpi slt, %rem3A_200, %lt3A_203 : i32
      %lt3A_205 = arith.constant 0 : i32
      %lt3A_206 = arith.cmpi slt, %select_n3A_199, %lt3A_205 : i32
      %ne3A_207 = arith.xori %lt3A_204, %lt3A_206 : i1
      %and3A_208 = arith.andi %ne3A_207, %ne3A_202 : i1
      %add3A_209 = arith.addi %rem3A_200, %select_n3A_199 : i32
      %select_n3A_210 = arith.select %and3A_208, %add3A_209, %rem3A_200 : i32
      %dma_wait3A_211 = arith.constant 0 : i32
      %dma_wait3A_212 = arith.constant 0 : i32
      %dma_wait3A_213 = arith.constant 0 : i32
      %dma_wait3A_214 = arith.constant 0 : i32
      %dma_wait3A_215 = tpu.memref_slice %arg8[%select_n3A_194, %dma_wait3A_213, %dma_wait3A_214] : memref<3x80x128xf32, #tpu.memory_space<vmem>> -> memref<1x80x128xf32, #tpu.memory_space<vmem>>
      %dma_wait3A_216 = tpu.memref_squeeze %dma_wait3A_215 : memref<1x80x128xf32, #tpu.memory_space<vmem>> -> memref<80x128xf32, #tpu.memory_space<vmem>>
      %dma_wait3A_217 = arith.constant 0 : i32
      %dma_wait3A_218 = tpu.memref_slice %arg6[%dma_wait3A_211, %dma_wait3A_212, %dma_wait3A_217] : memref<2x25x80xi32, #tpu.memory_space<vmem>> -> memref<1x1x80xi32, #tpu.memory_space<vmem>>
      %dma_wait3A_219 = tpu.memref_squeeze %dma_wait3A_218 : memref<1x1x80xi32, #tpu.memory_space<vmem>> -> memref<80xi32, #tpu.memory_space<vmem>>
      %dma_wait3A_220 = arith.constant 0 : i32
      %dma_wait3A_221 = arith.constant 0 : i32
      %dma_wait3A_222 = tpu.memref_slice %arg2[%arg0, %dma_wait3A_220, %dma_wait3A_221] : memref<2x10000x128xf32, #tpu.memory_space<hbm>> -> memref<1x10000x128xf32, #tpu.memory_space<hbm>>
      %dma_wait3A_223 = tpu.memref_squeeze %dma_wait3A_222 : memref<1x10000x128xf32, #tpu.memory_space<hbm>> -> memref<10000x128xf32, #tpu.memory_space<hbm>>
      %dma_wait3A_224 = arith.constant 0 : i32
      %dma_wait3A_225 = arith.constant 0 : i32
      %dma_wait3A_226 = tpu.memref_slice %dma_wait3A_223[%dma_wait3A_224, %dma_wait3A_225] : memref<10000x128xf32, #tpu.memory_space<hbm>> -> memref<10000x128xf32, #tpu.memory_space<hbm>>
      %dma_wait3A_227 = tpu.memref_slice %arg10[%select_n3A_210] : memref<3x!tpu.dma_semaphore, #tpu.memory_space<semaphore_mem>> -> memref<1x!tpu.dma_semaphore, #tpu.memory_space<semaphore_mem>>
      %dma_wait3A_228 = tpu.memref_squeeze %dma_wait3A_227 : memref<1x!tpu.dma_semaphore, #tpu.memory_space<semaphore_mem>> -> memref<!tpu.dma_semaphore, #tpu.memory_space<semaphore_mem>>
      tpu.wait_indirect_dma semaphore(%dma_wait3A_228 : memref<!tpu.dma_semaphore, #tpu.memory_space<semaphore_mem>>) src(%dma_wait3A_226 : memref<10000x128xf32, #tpu.memory_space<hbm>>) dst(%dma_wait3A_216 : memref<80x128xf32, #tpu.memory_space<vmem>>)
      %jit3A_229 = arith.constant 25 : i32
      %div3A_230 = arith.divsi %scan3A_117, %jit3A_229 : i32
      %sign3A_231 = arith.constant 0 : i32
      %sign3A_232 = arith.cmpi sgt, %scan3A_117, %sign3A_231 : i32
      %sign3A_233 = arith.extui %sign3A_232 : i1 to i32
      %sign3A_234 = arith.constant 0 : i32
      %sign3A_235 = arith.cmpi slt, %scan3A_117, %sign3A_234 : i32
      %sign3A_236 = arith.extui %sign3A_235 : i1 to i32
      %sign3A_237 = arith.subi %sign3A_233, %sign3A_236 : i32
      %sign3A_238 = arith.constant 0 : i32
      %sign3A_239 = arith.cmpi sgt, %jit3A_229, %sign3A_238 : i32
      %sign3A_240 = arith.extui %sign3A_239 : i1 to i32
      %sign3A_241 = arith.constant 0 : i32
      %sign3A_242 = arith.cmpi slt, %jit3A_229, %sign3A_241 : i32
      %sign3A_243 = arith.extui %sign3A_242 : i1 to i32
      %sign3A_244 = arith.subi %sign3A_240, %sign3A_243 : i32
      %ne3A_245 = arith.cmpi ne, %sign3A_237, %sign3A_244 : i32
      %rem3A_246 = arith.remsi %scan3A_117, %jit3A_229 : i32
      %ne3A_247 = arith.constant 0 : i32
      %ne3A_248 = arith.cmpi ne, %rem3A_246, %ne3A_247 : i32
      %and3A_249 = arith.andi %ne3A_245, %ne3A_248 : i1
      %sub3A_250 = arith.constant 1 : i32
      %sub3A_251 = arith.subi %div3A_230, %sub3A_250 : i32
      %select_n3A_252 = arith.select %and3A_249, %sub3A_251, %div3A_230 : i32
      %jit3A_253 = arith.constant 2 : i32
      %eq3A_254 = arith.constant 0 : i32
      %eq3A_255 = arith.cmpi eq, %jit3A_253, %eq3A_254 : i32
      %jit3A_256 = arith.constant 1 : i32
      %select_n3A_257 = arith.select %eq3A_255, %jit3A_256, %jit3A_253 : i32
      %rem3A_258 = arith.remsi %select_n3A_252, %select_n3A_257 : i32
      %ne3A_259 = arith.constant 0 : i32
      %ne3A_260 = arith.cmpi ne, %rem3A_258, %ne3A_259 : i32
      %lt3A_261 = arith.constant 0 : i32
      %lt3A_262 = arith.cmpi slt, %rem3A_258, %lt3A_261 : i32
      %lt3A_263 = arith.constant 0 : i32
      %lt3A_264 = arith.cmpi slt, %select_n3A_257, %lt3A_263 : i32
      %ne3A_265 = arith.xori %lt3A_262, %lt3A_264 : i1
      %and3A_266 = arith.andi %ne3A_265, %ne3A_260 : i1
      %add3A_267 = arith.addi %rem3A_258, %select_n3A_257 : i32
      %select_n3A_268 = arith.select %and3A_266, %add3A_267, %rem3A_258 : i32
      %jit3A_269 = arith.constant 25 : i32
      %eq3A_270 = arith.constant 0 : i32
      %eq3A_271 = arith.cmpi eq, %jit3A_269, %eq3A_270 : i32
      %jit3A_272 = arith.constant 1 : i32
      %select_n3A_273 = arith.select %eq3A_271, %jit3A_272, %jit3A_269 : i32
      %rem3A_274 = arith.remsi %scan3A_117, %select_n3A_273 : i32
      %ne3A_275 = arith.constant 0 : i32
      %ne3A_276 = arith.cmpi ne, %rem3A_274, %ne3A_275 : i32
      %lt3A_277 = arith.constant 0 : i32
      %lt3A_278 = arith.cmpi slt, %rem3A_274, %lt3A_277 : i32
      %lt3A_279 = arith.constant 0 : i32
      %lt3A_280 = arith.cmpi slt, %select_n3A_273, %lt3A_279 : i32
      %ne3A_281 = arith.xori %lt3A_278, %lt3A_280 : i1
      %and3A_282 = arith.andi %ne3A_281, %ne3A_276 : i1
      %add3A_283 = arith.addi %rem3A_274, %select_n3A_273 : i32
      %select_n3A_284 = arith.select %and3A_282, %add3A_283, %rem3A_274 : i32
      %jit3A_285 = arith.constant 3 : i32
      %eq3A_286 = arith.constant 0 : i32
      %eq3A_287 = arith.cmpi eq, %jit3A_285, %eq3A_286 : i32
      %jit3A_288 = arith.constant 1 : i32
      %select_n3A_289 = arith.select %eq3A_287, %jit3A_288, %jit3A_285 : i32
      %rem3A_290 = arith.remsi %scan3A_117, %select_n3A_289 : i32
      %ne3A_291 = arith.constant 0 : i32
      %ne3A_292 = arith.cmpi ne, %rem3A_290, %ne3A_291 : i32
      %lt3A_293 = arith.constant 0 : i32
      %lt3A_294 = arith.cmpi slt, %rem3A_290, %lt3A_293 : i32
      %lt3A_295 = arith.constant 0 : i32
      %lt3A_296 = arith.cmpi slt, %select_n3A_289, %lt3A_295 : i32
      %ne3A_297 = arith.xori %lt3A_294, %lt3A_296 : i1
      %and3A_298 = arith.andi %ne3A_297, %ne3A_292 : i1
      %add3A_299 = arith.addi %rem3A_290, %select_n3A_289 : i32
      %select_n3A_300 = arith.select %and3A_298, %add3A_299, %rem3A_290 : i32
      %jit3A_301 = arith.constant 3 : i32
      %eq3A_302 = arith.constant 0 : i32
      %eq3A_303 = arith.cmpi eq, %jit3A_301, %eq3A_302 : i32
      %jit3A_304 = arith.constant 1 : i32
      %select_n3A_305 = arith.select %eq3A_303, %jit3A_304, %jit3A_301 : i32
      %rem3A_306 = arith.remsi %scan3A_117, %select_n3A_305 : i32
      %ne3A_307 = arith.constant 0 : i32
      %ne3A_308 = arith.cmpi ne, %rem3A_306, %ne3A_307 : i32
      %lt3A_309 = arith.constant 0 : i32
      %lt3A_310 = arith.cmpi slt, %rem3A_306, %lt3A_309 : i32
      %lt3A_311 = arith.constant 0 : i32
      %lt3A_312 = arith.cmpi slt, %select_n3A_305, %lt3A_311 : i32
      %ne3A_313 = arith.xori %lt3A_310, %lt3A_312 : i1
      %and3A_314 = arith.andi %ne3A_313, %ne3A_308 : i1
      %add3A_315 = arith.addi %rem3A_306, %select_n3A_305 : i32
      %select_n3A_316 = arith.select %and3A_314, %add3A_315, %rem3A_306 : i32
      %dma_start3A_317 = arith.constant 0 : i32
      %dma_start3A_318 = arith.constant 0 : i32
      %dma_start3A_319 = tpu.memref_slice %arg8[%select_n3A_300, %dma_start3A_317, %dma_start3A_318] : memref<3x80x128xf32, #tpu.memory_space<vmem>> -> memref<1x80x128xf32, #tpu.memory_space<vmem>>
      %dma_start3A_320 = tpu.memref_squeeze %dma_start3A_319 : memref<1x80x128xf32, #tpu.memory_space<vmem>> -> memref<80x128xf32, #tpu.memory_space<vmem>>
      %dma_start3A_321 = arith.constant 0 : i32
      %dma_start3A_322 = tpu.memref_slice %arg7[%select_n3A_268, %select_n3A_284, %dma_start3A_321] : memref<2x25x80xi32, #tpu.memory_space<vmem>> -> memref<1x1x80xi32, #tpu.memory_space<vmem>>
      %dma_start3A_323 = tpu.memref_squeeze %dma_start3A_322 : memref<1x1x80xi32, #tpu.memory_space<vmem>> -> memref<80xi32, #tpu.memory_space<vmem>>
      %dma_start3A_324 = arith.constant 0 : i32
      %dma_start3A_325 = arith.constant 0 : i32
      %dma_start3A_326 = tpu.memref_slice %arg9[%dma_start3A_324, %dma_start3A_325] : memref<10112x128xf32, #tpu.memory_space<vmem_shared>> -> memref<10112x128xf32, #tpu.memory_space<vmem_shared>>
      %dma_start3A_327 = tpu.memref_slice %arg11[%select_n3A_316] : memref<3x!tpu.dma_semaphore, #tpu.memory_space<semaphore_mem>> -> memref<1x!tpu.dma_semaphore, #tpu.memory_space<semaphore_mem>>
      %dma_start3A_328 = tpu.memref_squeeze %dma_start3A_327 : memref<1x!tpu.dma_semaphore, #tpu.memory_space<semaphore_mem>> -> memref<!tpu.dma_semaphore, #tpu.memory_space<semaphore_mem>>
      tpu.enqueue_indirect_dma source(%dma_start3A_320 : memref<80x128xf32, #tpu.memory_space<vmem>>) target(%dma_start3A_326 : memref<10112x128xf32, #tpu.memory_space<vmem_shared>>) offsets(%dma_start3A_323 : memref<80xi32, #tpu.memory_space<vmem>>) semaphore(%dma_start3A_328 : memref<!tpu.dma_semaphore, #tpu.memory_space<semaphore_mem>>) {add = true}
    }
    %scan3A_100 = arith.constant 250 : i32
    %dma_wait3A = arith.constant 0 : i32
    %dma_wait3A_101 = arith.constant 0 : i32
    %dma_wait3A_102 = arith.constant 0 : i32
    %dma_wait3A_103 = arith.constant 0 : i32
    %dma_wait3A_104 = arith.constant 0 : i32
    %dma_wait3A_105 = arith.constant 0 : i32
    %dma_wait3A_106 = tpu.memref_slice %arg8[%dma_wait3A, %dma_wait3A_104, %dma_wait3A_105] : memref<3x80x128xf32, #tpu.memory_space<vmem>> -> memref<1x80x128xf32, #tpu.memory_space<vmem>>
    %dma_wait3A_107 = tpu.memref_squeeze %dma_wait3A_106 : memref<1x80x128xf32, #tpu.memory_space<vmem>> -> memref<80x128xf32, #tpu.memory_space<vmem>>
    %dma_wait3A_108 = arith.constant 0 : i32
    %dma_wait3A_109 = tpu.memref_slice %arg7[%dma_wait3A_101, %dma_wait3A_102, %dma_wait3A_108] : memref<2x25x80xi32, #tpu.memory_space<vmem>> -> memref<1x1x80xi32, #tpu.memory_space<vmem>>
    %dma_wait3A_110 = tpu.memref_squeeze %dma_wait3A_109 : memref<1x1x80xi32, #tpu.memory_space<vmem>> -> memref<80xi32, #tpu.memory_space<vmem>>
    %dma_wait3A_111 = arith.constant 0 : i32
    %dma_wait3A_112 = arith.constant 0 : i32
    %dma_wait3A_113 = tpu.memref_slice %arg9[%dma_wait3A_111, %dma_wait3A_112] : memref<10112x128xf32, #tpu.memory_space<vmem_shared>> -> memref<10112x128xf32, #tpu.memory_space<vmem_shared>>
    %dma_wait3A_114 = tpu.memref_slice %arg11[%dma_wait3A_103] : memref<3x!tpu.dma_semaphore, #tpu.memory_space<semaphore_mem>> -> memref<1x!tpu.dma_semaphore, #tpu.memory_space<semaphore_mem>>
    %dma_wait3A_115 = tpu.memref_squeeze %dma_wait3A_114 : memref<1x!tpu.dma_semaphore, #tpu.memory_space<semaphore_mem>> -> memref<!tpu.dma_semaphore, #tpu.memory_space<semaphore_mem>>
    tpu.wait_indirect_dma semaphore(%dma_wait3A_115 : memref<!tpu.dma_semaphore, #tpu.memory_space<semaphore_mem>>) src(%dma_wait3A_107 : memref<80x128xf32, #tpu.memory_space<vmem>>) dst(%dma_wait3A_113 : memref<10112x128xf32, #tpu.memory_space<vmem_shared>>)
    %barrier3A_116 = arith.constant 0 : index
    tpu.barrier barrier_id(%barrier3A_116)
    "tpu.region"() ({
      %run_scoped3A_117 = tpu.sem_alloc : memref<!tpu.dma_semaphore, #tpu.memory_space<semaphore_mem>>
      %dma_start3A_118 = arith.constant 0 : i32
      %dma_start3A_119 = tpu.memref_slice %arg5[%arg0, %mul3A_5, %dma_start3A_118] : memref<2x10112x128xf32, #tpu.memory_space<hbm>> -> memref<1x632x128xf32, #tpu.memory_space<hbm>>
      %dma_start3A_120 = tpu.memref_squeeze %dma_start3A_119 : memref<1x632x128xf32, #tpu.memory_space<hbm>> -> memref<632x128xf32, #tpu.memory_space<hbm>>
      %dma_start3A_121 = arith.constant 0 : i32
      %dma_start3A_122 = tpu.memref_slice %arg9[%mul3A_5, %dma_start3A_121] : memref<10112x128xf32, #tpu.memory_space<vmem_shared>> -> memref<632x128xf32, #tpu.memory_space<vmem_shared>>
      tpu.enqueue_dma source(%dma_start3A_122 : memref<632x128xf32, #tpu.memory_space<vmem_shared>>) target(%dma_start3A_120 : memref<632x128xf32, #tpu.memory_space<hbm>>) target_semaphore(%run_scoped3A_117 : memref<!tpu.dma_semaphore, #tpu.memory_space<semaphore_mem>>)
      %dma_wait3A_123 = arith.constant 0 : i32
      %dma_wait3A_124 = tpu.memref_slice %arg5[%arg0, %mul3A_5, %dma_wait3A_123] : memref<2x10112x128xf32, #tpu.memory_space<hbm>> -> memref<1x632x128xf32, #tpu.memory_space<hbm>>
      %dma_wait3A_125 = tpu.memref_squeeze %dma_wait3A_124 : memref<1x632x128xf32, #tpu.memory_space<hbm>> -> memref<632x128xf32, #tpu.memory_space<hbm>>
      %dma_wait3A_126 = arith.constant 0 : i32
      %dma_wait3A_127 = tpu.memref_slice %arg9[%mul3A_5, %dma_wait3A_126] : memref<10112x128xf32, #tpu.memory_space<vmem_shared>> -> memref<632x128xf32, #tpu.memory_space<vmem_shared>>
      tpu.wait_dma2 semaphore(%run_scoped3A_117 : memref<!tpu.dma_semaphore, #tpu.memory_space<semaphore_mem>>) src(%dma_wait3A_127 : memref<632x128xf32, #tpu.memory_space<vmem_shared>>) dst(%dma_wait3A_125 : memref<632x128xf32, #tpu.memory_space<hbm>>)
      tpu.yield
    }) : () -> ()
    return
  }
}

#map = affine_map<(d0, d1) -> (0, 0, 0)>
#map1 = affine_map<(d0, d1) -> (0, 0, 0, 0, 0)>
module attributes {stable_mosaic.version = 14 : i64} {
  func.func @_sc_segment_sum(%arg0: i32, %arg1: i32, %arg2: memref<2x10000x128xf32, #tpu.memory_space<hbm>>, %arg3: memref<2x16x10x25x80xi32, #tpu.memory_space<hbm>>, %arg4: memref<2x16x10x25x80xi32, #tpu.memory_space<hbm>>, %arg5: memref<2x10112x128xf32, #tpu.memory_space<hbm>>, %arg6: memref<2x25x80xi32, #tpu.memory_space<vmem>>, %arg7: memref<2x25x80xi32, #tpu.memory_space<vmem>>, %arg8: memref<3x80x128xf32, #tpu.memory_space<vmem>>, %arg9: memref<10112x128xf32, #tpu.memory_space<vmem_shared>>, %arg10: memref<3x!tpu.dma_semaphore, #tpu.memory_space<semaphore_mem>>, %arg11: memref<3x!tpu.dma_semaphore, #tpu.memory_space<semaphore_mem>>, %arg12: memref<!tpu.dma_semaphore, #tpu.memory_space<semaphore_mem>>) attributes {dimension_semantics = [#tpu.dimension_semantics<core_parallel>, #tpu.dimension_semantics<subcore_parallel>], iteration_bounds = array<i64: 2, 16>, scalar_prefetch = 0 : i64, scratch_operands = 7 : i64, tpu.core_type = #tpu.core_type<sc_vector_subcore>, window_params = [{transform_indices = #map}, {transform_indices = #map1}, {transform_indices = #map1}, {transform_indices = #map}]} {
    %broadcast_in_dim3A = arith.constant 0.000000e+00 : f32
    %broadcast_in_dim3A_0 = vector.broadcast %broadcast_in_dim3A : f32 to vector<16xf32>
    %scan3A = arith.constant 0 : i32
    %scan3A_1 = arith.constant 640 : i32
    %scan3A_2 = arith.addi %scan3A, %scan3A_1 : i32
    %scan3A_3 = arith.constant 1 : i32
    scf.for %scan3A_117 = %scan3A to %scan3A_2 step %scan3A_3  : i32 {
      %jit3A = arith.constant 8 : i32
      %div3A = arith.divsi %scan3A_117, %jit3A : i32
      %sign3A = arith.constant 0 : i32
      %sign3A_118 = arith.cmpi sgt, %scan3A_117, %sign3A : i32
      %sign3A_119 = arith.extui %sign3A_118 : i1 to i32
      %sign3A_120 = arith.constant 0 : i32
      %sign3A_121 = arith.cmpi slt, %scan3A_117, %sign3A_120 : i32
      %sign3A_122 = arith.extui %sign3A_121 : i1 to i32
      %sign3A_123 = arith.subi %sign3A_119, %sign3A_122 : i32
      %sign3A_124 = arith.constant 0 : i32
      %sign3A_125 = arith.cmpi sgt, %jit3A, %sign3A_124 : i32
      %sign3A_126 = arith.extui %sign3A_125 : i1 to i32
      %sign3A_127 = arith.constant 0 : i32
      %sign3A_128 = arith.cmpi slt, %jit3A, %sign3A_127 : i32
      %sign3A_129 = arith.extui %sign3A_128 : i1 to i32
      %sign3A_130 = arith.subi %sign3A_126, %sign3A_129 : i32
      %ne3A = arith.cmpi ne, %sign3A_123, %sign3A_130 : i32
      %rem3A = arith.remsi %scan3A_117, %jit3A : i32
      %ne3A_131 = arith.constant 0 : i32
      %ne3A_132 = arith.cmpi ne, %rem3A, %ne3A_131 : i32
      %and3A = arith.andi %ne3A, %ne3A_132 : i1
      %sub3A = arith.constant 1 : i32
      %sub3A_133 = arith.subi %div3A, %sub3A : i32
      %select_n3A = arith.select %and3A, %sub3A_133, %div3A : i32
      %jit3A_134 = arith.constant 8 : i32
      %eq3A_135 = arith.constant 0 : i32
      %eq3A_136 = arith.cmpi eq, %jit3A_134, %eq3A_135 : i32
      %jit3A_137 = arith.constant 1 : i32
      %select_n3A_138 = arith.select %eq3A_136, %jit3A_137, %jit3A_134 : i32
      %rem3A_139 = arith.remsi %scan3A_117, %select_n3A_138 : i32
      %ne3A_140 = arith.constant 0 : i32
      %ne3A_141 = arith.cmpi ne, %rem3A_139, %ne3A_140 : i32
      %lt3A = arith.constant 0 : i32
      %lt3A_142 = arith.cmpi slt, %rem3A_139, %lt3A : i32
      %lt3A_143 = arith.constant 0 : i32
      %lt3A_144 = arith.cmpi slt, %select_n3A_138, %lt3A_143 : i32
      %ne3A_145 = arith.xori %lt3A_142, %lt3A_144 : i1
      %and3A_146 = arith.andi %ne3A_145, %ne3A_141 : i1
      %add3A_147 = arith.addi %rem3A_139, %select_n3A_138 : i32
      %select_n3A_148 = arith.select %and3A_146, %add3A_147, %rem3A_139 : i32
      %mul3A_149 = arith.constant 16 : i32
      %mul3A_150 = arith.muli %select_n3A_148, %mul3A_149 : i32
      %swap3A = arith.constant 0 : i32
      %swap3A_151 = arith.index_cast %swap3A : i32 to index
      %swap3A_152 = arith.index_cast %select_n3A : i32 to index
      %swap3A_153 = arith.index_cast %mul3A_150 : i32 to index
      %swap3A_154 = tpu.vector_load %arg8[%swap3A_151, %swap3A_152, %swap3A_153] {strides = array<i32>} : memref<3x80x128xf32, #tpu.memory_space<vmem>>, vector<1x1x16xf32>,
      %swap3A_155 = vector.shape_cast %swap3A_154 : vector<1x1x16xf32> to vector<16xf32>
      %swap3A_156 = vector.shape_cast %broadcast_in_dim3A_0 : vector<16xf32> to vector<1x1x16xf32>
      tpu.vector_store %arg8[%swap3A_151, %swap3A_152, %swap3A_153], %swap3A_156 {strides = array<i32>} : memref<3x80x128xf32, #tpu.memory_space<vmem>>, vector<1x1x16xf32>,
    }
    %scan3A_4 = arith.constant 640 : i32
    %mul3A = arith.constant 632 : i32
    %mul3A_5 = arith.muli %arg1, %mul3A : i32
    %add3A = arith.constant 0 : i32
    %add3A_6 = arith.addi %mul3A_5, %add3A : i32
    %run_scoped3A = arith.constant 0 : i32
    "tpu.region"() ({
      %run_scoped3A_117 = tpu.sem_alloc : memref<!tpu.dma_semaphore, #tpu.memory_space<semaphore_mem>>
      %dma_start3A_118 = arith.constant 0 : i32
      %dma_start3A_119 = arith.constant 0 : i32
      %dma_start3A_120 = tpu.memref_slice %arg8[%run_scoped3A, %dma_start3A_118, %dma_start3A_119] : memref<3x80x128xf32, #tpu.memory_space<vmem>> -> memref<1x80x128xf32, #tpu.memory_space<vmem>>
      %dma_start3A_121 = tpu.memref_squeeze %dma_start3A_120 : memref<1x80x128xf32, #tpu.memory_space<vmem>> -> memref<80x128xf32, #tpu.memory_space<vmem>>
      %dma_start3A_122 = arith.constant 0 : i32
      %dma_start3A_123 = tpu.memref_slice %arg9[%add3A_6, %dma_start3A_122] : memref<10112x128xf32, #tpu.memory_space<vmem_shared>> -> memref<80x128xf32, #tpu.memory_space<vmem_shared>>
      %dma_start3A_124 = arith.constant 0 : i32
      %dma_start3A_125 = tpu.memref_slice %arg9[%add3A_6, %dma_start3A_124] : memref<10112x128xf32, #tpu.memory_space<vmem_shared>> -> memref<80x128xf32, #tpu.memory_space<vmem_shared>>
      %dma_start3A_126 = arith.constant 0 : i32
      %dma_start3A_127 = arith.constant 0 : i32
      %dma_start3A_128 = tpu.memref_slice %arg8[%run_scoped3A, %dma_start3A_126, %dma_start3A_127] : memref<3x80x128xf32, #tpu.memory_space<vmem>> -> memref<1x80x128xf32, #tpu.memory_space<vmem>>
      %dma_start3A_129 = tpu.memref_squeeze %dma_start3A_128 : memref<1x80x128xf32, #tpu.memory_space<vmem>> -> memref<80x128xf32, #tpu.memory_space<vmem>>
      tpu.enqueue_dma source(%dma_start3A_129 : memref<80x128xf32, #tpu.memory_space<vmem>>) target(%dma_start3A_125 : memref<80x128xf32, #tpu.memory_space<vmem_shared>>) target_semaphore(%run_scoped3A_117 : memref<!tpu.dma_semaphore, #tpu.memory_space<semaphore_mem>>)
      %dma_wait3A_130 = arith.constant 0 : i32
      %dma_wait3A_131 = arith.constant 0 : i32
      %dma_wait3A_132 = tpu.memref_slice %arg8[%run_scoped3A, %dma_wait3A_130, %dma_wait3A_131] : memref<3x80x128xf32, #tpu.memory_space<vmem>> -> memref<1x80x128xf32, #tpu.memory_space<vmem>>
      %dma_wait3A_133 = tpu.memref_squeeze %dma_wait3A_132 : memref<1x80x128xf32, #tpu.memory_space<vmem>> -> memref<80x128xf32, #tpu.memory_space<vmem>>
      %dma_wait3A_134 = arith.constant 0 : i32
      %dma_wait3A_135 = tpu.memref_slice %arg9[%add3A_6, %dma_wait3A_134] : memref<10112x128xf32, #tpu.memory_space<vmem_shared>> -> memref<80x128xf32, #tpu.memory_space<vmem_shared>>
      %dma_wait3A_136 = arith.constant 0 : i32
      %dma_wait3A_137 = tpu.memref_slice %arg9[%add3A_6, %dma_wait3A_136] : memref<10112x128xf32, #tpu.memory_space<vmem_shared>> -> memref<80x128xf32, #tpu.memory_space<vmem_shared>>
      %dma_wait3A_138 = arith.constant 0 : i32
      %dma_wait3A_139 = arith.constant 0 : i32
      %dma_wait3A_140 = tpu.memref_slice %arg8[%run_scoped3A, %dma_wait3A_138, %dma_wait3A_139] : memref<3x80x128xf32, #tpu.memory_space<vmem>> -> memref<1x80x128xf32, #tpu.memory_space<vmem>>
      %dma_wait3A_141 = tpu.memref_squeeze %dma_wait3A_140 : memref<1x80x128xf32, #tpu.memory_space<vmem>> -> memref<80x128xf32, #tpu.memory_space<vmem>>
      tpu.wait_dma2 semaphore(%run_scoped3A_117 : memref<!tpu.dma_semaphore, #tpu.memory_space<semaphore_mem>>) src(%dma_wait3A_141 : memref<80x128xf32, #tpu.memory_space<vmem>>) dst(%dma_wait3A_137 : memref<80x128xf32, #tpu.memory_space<vmem_shared>>)
      tpu.yield
    }) : () -> ()
    %add3A_7 = arith.constant 80 : i32
    %add3A_8 = arith.addi %mul3A_5, %add3A_7 : i32
    %run_scoped3A_9 = arith.constant 0 : i32
    "tpu.region"() ({
      %run_scoped3A_117 = tpu.sem_alloc : memref<!tpu.dma_semaphore, #tpu.memory_space<semaphore_mem>>
      %dma_start3A_118 = arith.constant 0 : i32
      %dma_start3A_119 = arith.constant 0 : i32
      %dma_start3A_120 = tpu.memref_slice %arg8[%run_scoped3A_9, %dma_start3A_118, %dma_start3A_119] : memref<3x80x128xf32, #tpu.memory_space<vmem>> -> memref<1x80x128xf32, #tpu.memory_space<vmem>>
      %dma_start3A_121 = tpu.memref_squeeze %dma_start3A_120 : memref<1x80x128xf32, #tpu.memory_space<vmem>> -> memref<80x128xf32, #tpu.memory_space<vmem>>
      %dma_start3A_122 = arith.constant 0 : i32
      %dma_start3A_123 = tpu.memref_slice %arg9[%add3A_8, %dma_start3A_122] : memref<10112x128xf32, #tpu.memory_space<vmem_shared>> -> memref<80x128xf32, #tpu.memory_space<vmem_shared>>
      %dma_start3A_124 = arith.constant 0 : i32
      %dma_start3A_125 = tpu.memref_slice %arg9[%add3A_8, %dma_start3A_124] : memref<10112x128xf32, #tpu.memory_space<vmem_shared>> -> memref<80x128xf32, #tpu.memory_space<vmem_shared>>
      %dma_start3A_126 = arith.constant 0 : i32
      %dma_start3A_127 = arith.constant 0 : i32
      %dma_start3A_128 = tpu.memref_slice %arg8[%run_scoped3A_9, %dma_start3A_126, %dma_start3A_127] : memref<3x80x128xf32, #tpu.memory_space<vmem>> -> memref<1x80x128xf32, #tpu.memory_space<vmem>>
      %dma_start3A_129 = tpu.memref_squeeze %dma_start3A_128 : memref<1x80x128xf32, #tpu.memory_space<vmem>> -> memref<80x128xf32, #tpu.memory_space<vmem>>
      tpu.enqueue_dma source(%dma_start3A_129 : memref<80x128xf32, #tpu.memory_space<vmem>>) target(%dma_start3A_125 : memref<80x128xf32, #tpu.memory_space<vmem_shared>>) target_semaphore(%run_scoped3A_117 : memref<!tpu.dma_semaphore, #tpu.memory_space<semaphore_mem>>)
      %dma_wait3A_130 = arith.constant 0 : i32
      %dma_wait3A_131 = arith.constant 0 : i32
      %dma_wait3A_132 = tpu.memref_slice %arg8[%run_scoped3A_9, %dma_wait3A_130, %dma_wait3A_131] : memref<3x80x128xf32, #tpu.memory_space<vmem>> -> memref<1x80x128xf32, #tpu.memory_space<vmem>>
      %dma_wait3A_133 = tpu.memref_squeeze %dma_wait3A_132 : memref<1x80x128xf32, #tpu.memory_space<vmem>> -> memref<80x128xf32, #tpu.memory_space<vmem>>
      %dma_wait3A_134 = arith.constant 0 : i32
      %dma_wait3A_135 = tpu.memref_slice %arg9[%add3A_8, %dma_wait3A_134] : memref<10112x128xf32, #tpu.memory_space<vmem_shared>> -> memref<80x128xf32, #tpu.memory_space<vmem_shared>>
      %dma_wait3A_136 = arith.constant 0 : i32
      %dma_wait3A_137 = tpu.memref_slice %arg9[%add3A_8, %dma_wait3A_136] : memref<10112x128xf32, #tpu.memory_space<vmem_shared>> -> memref<80x128xf32, #tpu.memory_space<vmem_shared>>
      %dma_wait3A_138 = arith.constant 0 : i32
      %dma_wait3A_139 = arith.constant 0 : i32
      %dma_wait3A_140 = tpu.memref_slice %arg8[%run_scoped3A_9, %dma_wait3A_138, %dma_wait3A_139] : memref<3x80x128xf32, #tpu.memory_space<vmem>> -> memref<1x80x128xf32, #tpu.memory_space<vmem>>
      %dma_wait3A_141 = tpu.memref_squeeze %dma_wait3A_140 : memref<1x80x128xf32, #tpu.memory_space<vmem>> -> memref<80x128xf32, #tpu.memory_space<vmem>>
      tpu.wait_dma2 semaphore(%run_scoped3A_117 : memref<!tpu.dma_semaphore, #tpu.memory_space<semaphore_mem>>) src(%dma_wait3A_141 : memref<80x128xf32, #tpu.memory_space<vmem>>) dst(%dma_wait3A_137 : memref<80x128xf32, #tpu.memory_space<vmem_shared>>)
      tpu.yield
    }) : () -> ()
    %add3A_10 = arith.constant 160 : i32
    %add3A_11 = arith.addi %mul3A_5, %add3A_10 : i32
    %run_scoped3A_12 = arith.constant 0 : i32
    "tpu.region"() ({
      %run_scoped3A_117 = tpu.sem_alloc : memref<!tpu.dma_semaphore, #tpu.memory_space<semaphore_mem>>
      %dma_start3A_118 = arith.constant 0 : i32
      %dma_start3A_119 = arith.constant 0 : i32
      %dma_start3A_120 = tpu.memref_slice %arg8[%run_scoped3A_12, %dma_start3A_118, %dma_start3A_119] : memref<3x80x128xf32, #tpu.memory_space<vmem>> -> memref<1x80x128xf32, #tpu.memory_space<vmem>>
      %dma_start3A_121 = tpu.memref_squeeze %dma_start3A_120 : memref<1x80x128xf32, #tpu.memory_space<vmem>> -> memref<80x128xf32, #tpu.memory_space<vmem>>
      %dma_start3A_122 = arith.constant 0 : i32
      %dma_start3A_123 = tpu.memref_slice %arg9[%add3A_11, %dma_start3A_122] : memref<10112x128xf32, #tpu.memory_space<vmem_shared>> -> memref<80x128xf32, #tpu.memory_space<vmem_shared>>
      %dma_start3A_124 = arith.constant 0 : i32
      %dma_start3A_125 = tpu.memref_slice %arg9[%add3A_11, %dma_start3A_124] : memref<10112x128xf32, #tpu.memory_space<vmem_shared>> -> memref<80x128xf32, #tpu.memory_space<vmem_shared>>
      %dma_start3A_126 = arith.constant 0 : i32
      %dma_start3A_127 = arith.constant 0 : i32
      %dma_start3A_128 = tpu.memref_slice %arg8[%run_scoped3A_12, %dma_start3A_126, %dma_start3A_127] : memref<3x80x128xf32, #tpu.memory_space<vmem>> -> memref<1x80x128xf32, #tpu.memory_space<vmem>>
      %dma_start3A_129 = tpu.memref_squeeze %dma_start3A_128 : memref<1x80x128xf32, #tpu.memory_space<vmem>> -> memref<80x128xf32, #tpu.memory_space<vmem>>
      tpu.enqueue_dma source(%dma_start3A_129 : memref<80x128xf32, #tpu.memory_space<vmem>>) target(%dma_start3A_125 : memref<80x128xf32, #tpu.memory_space<vmem_shared>>) target_semaphore(%run_scoped3A_117 : memref<!tpu.dma_semaphore, #tpu.memory_space<semaphore_mem>>)
      %dma_wait3A_130 = arith.constant 0 : i32
      %dma_wait3A_131 = arith.constant 0 : i32
      %dma_wait3A_132 = tpu.memref_slice %arg8[%run_scoped3A_12, %dma_wait3A_130, %dma_wait3A_131] : memref<3x80x128xf32, #tpu.memory_space<vmem>> -> memref<1x80x128xf32, #tpu.memory_space<vmem>>
      %dma_wait3A_133 = tpu.memref_squeeze %dma_wait3A_132 : memref<1x80x128xf32, #tpu.memory_space<vmem>> -> memref<80x128xf32, #tpu.memory_space<vmem>>
      %dma_wait3A_134 = arith.constant 0 : i32
      %dma_wait3A_135 = tpu.memref_slice %arg9[%add3A_11, %dma_wait3A_134] : memref<10112x128xf32, #tpu.memory_space<vmem_shared>> -> memref<80x128xf32, #tpu.memory_space<vmem_shared>>
      %dma_wait3A_136 = arith.constant 0 : i32
      %dma_wait3A_137 = tpu.memref_slice %arg9[%add3A_11, %dma_wait3A_136] : memref<10112x128xf32, #tpu.memory_space<vmem_shared>> -> memref<80x128xf32, #tpu.memory_space<vmem_shared>>
      %dma_wait3A_138 = arith.constant 0 : i32
      %dma_wait3A_139 = arith.constant 0 : i32
      %dma_wait3A_140 = tpu.memref_slice %arg8[%run_scoped3A_12, %dma_wait3A_138, %dma_wait3A_139] : memref<3x80x128xf32, #tpu.memory_space<vmem>> -> memref<1x80x128xf32, #tpu.memory_space<vmem>>
      %dma_wait3A_141 = tpu.memref_squeeze %dma_wait3A_140 : memref<1x80x128xf32, #tpu.memory_space<vmem>> -> memref<80x128xf32, #tpu.memory_space<vmem>>
      tpu.wait_dma2 semaphore(%run_scoped3A_117 : memref<!tpu.dma_semaphore, #tpu.memory_space<semaphore_mem>>) src(%dma_wait3A_141 : memref<80x128xf32, #tpu.memory_space<vmem>>) dst(%dma_wait3A_137 : memref<80x128xf32, #tpu.memory_space<vmem_shared>>)
      tpu.yield
    }) : () -> ()
    %add3A_13 = arith.constant 240 : i32
    %add3A_14 = arith.addi %mul3A_5, %add3A_13 : i32
    %run_scoped3A_15 = arith.constant 0 : i32
    "tpu.region"() ({
      %run_scoped3A_117 = tpu.sem_alloc : memref<!tpu.dma_semaphore, #tpu.memory_space<semaphore_mem>>
      %dma_start3A_118 = arith.constant 0 : i32
      %dma_start3A_119 = arith.constant 0 : i32
      %dma_start3A_120 = tpu.memref_slice %arg8[%run_scoped3A_15, %dma_start3A_118, %dma_start3A_119] : memref<3x80x128xf32, #tpu.memory_space<vmem>> -> memref<1x80x128xf32, #tpu.memory_space<vmem>>
      %dma_start3A_121 = tpu.memref_squeeze %dma_start3A_120 : memref<1x80x128xf32, #tpu.memory_space<vmem>> -> memref<80x128xf32, #tpu.memory_space<vmem>>
      %dma_start3A_122 = arith.constant 0 : i32
      %dma_start3A_123 = tpu.memref_slice %arg9[%add3A_14, %dma_start3A_122] : memref<10112x128xf32, #tpu.memory_space<vmem_shared>> -> memref<80x128xf32, #tpu.memory_space<vmem_shared>>
      %dma_start3A_124 = arith.constant 0 : i32
      %dma_start3A_125 = tpu.memref_slice %arg9[%add3A_14, %dma_start3A_124] : memref<10112x128xf32, #tpu.memory_space<vmem_shared>> -> memref<80x128xf32, #tpu.memory_space<vmem_shared>>
      %dma_start3A_126 = arith.constant 0 : i32
      %dma_start3A_127 = arith.constant 0 : i32
      %dma_start3A_128 = tpu.memref_slice %arg8[%run_scoped3A_15, %dma_start3A_126, %dma_start3A_127] : memref<3x80x128xf32, #tpu.memory_space<vmem>> -> memref<1x80x128xf32, #tpu.memory_space<vmem>>
      %dma_start3A_129 = tpu.memref_squeeze %dma_start3A_128 : memref<1x80x128xf32, #tpu.memory_space<vmem>> -> memref<80x128xf32, #tpu.memory_space<vmem>>
      tpu.enqueue_dma source(%dma_start3A_129 : memref<80x128xf32, #tpu.memory_space<vmem>>) target(%dma_start3A_125 : memref<80x128xf32, #tpu.memory_space<vmem_shared>>) target_semaphore(%run_scoped3A_117 : memref<!tpu.dma_semaphore, #tpu.memory_space<semaphore_mem>>)
      %dma_wait3A_130 = arith.constant 0 : i32
      %dma_wait3A_131 = arith.constant 0 : i32
      %dma_wait3A_132 = tpu.memref_slice %arg8[%run_scoped3A_15, %dma_wait3A_130, %dma_wait3A_131] : memref<3x80x128xf32, #tpu.memory_space<vmem>> -> memref<1x80x128xf32, #tpu.memory_space<vmem>>
      %dma_wait3A_133 = tpu.memref_squeeze %dma_wait3A_132 : memref<1x80x128xf32, #tpu.memory_space<vmem>> -> memref<80x128xf32, #tpu.memory_space<vmem>>
      %dma_wait3A_134 = arith.constant 0 : i32
      %dma_wait3A_135 = tpu.memref_slice %arg9[%add3A_14, %dma_wait3A_134] : memref<10112x128xf32, #tpu.memory_space<vmem_shared>> -> memref<80x128xf32, #tpu.memory_space<vmem_shared>>
      %dma_wait3A_136 = arith.constant 0 : i32
      %dma_wait3A_137 = tpu.memref_slice %arg9[%add3A_14, %dma_wait3A_136] : memref<10112x128xf32, #tpu.memory_space<vmem_shared>> -> memref<80x128xf32, #tpu.memory_space<vmem_shared>>
      %dma_wait3A_138 = arith.constant 0 : i32
      %dma_wait3A_139 = arith.constant 0 : i32
      %dma_wait3A_140 = tpu.memref_slice %arg8[%run_scoped3A_15, %dma_wait3A_138, %dma_wait3A_139] : memref<3x80x128xf32, #tpu.memory_space<vmem>> -> memref<1x80x128xf32, #tpu.memory_space<vmem>>
      %dma_wait3A_141 = tpu.memref_squeeze %dma_wait3A_140 : memref<1x80x128xf32, #tpu.memory_space<vmem>> -> memref<80x128xf32, #tpu.memory_space<vmem>>
      tpu.wait_dma2 semaphore(%run_scoped3A_117 : memref<!tpu.dma_semaphore, #tpu.memory_space<semaphore_mem>>) src(%dma_wait3A_141 : memref<80x128xf32, #tpu.memory_space<vmem>>) dst(%dma_wait3A_137 : memref<80x128xf32, #tpu.memory_space<vmem_shared>>)
      tpu.yield
    }) : () -> ()
    %add3A_16 = arith.constant 320 : i32
    %add3A_17 = arith.addi %mul3A_5, %add3A_16 : i32
    %run_scoped3A_18 = arith.constant 0 : i32
    "tpu.region"() ({
      %run_scoped3A_117 = tpu.sem_alloc : memref<!tpu.dma_semaphore, #tpu.memory_space<semaphore_mem>>
      %dma_start3A_118 = arith.constant 0 : i32
      %dma_start3A_119 = arith.constant 0 : i32
      %dma_start3A_120 = tpu.memref_slice %arg8[%run_scoped3A_18, %dma_start3A_118, %dma_start3A_119] : memref<3x80x128xf32, #tpu.memory_space<vmem>> -> memref<1x80x128xf32, #tpu.memory_space<vmem>>
      %dma_start3A_121 = tpu.memref_squeeze %dma_start3A_120 : memref<1x80x128xf32, #tpu.memory_space<vmem>> -> memref<80x128xf32, #tpu.memory_space<vmem>>
      %dma_start3A_122 = arith.constant 0 : i32
      %dma_start3A_123 = tpu.memref_slice %arg9[%add3A_17, %dma_start3A_122] : memref<10112x128xf32, #tpu.memory_space<vmem_shared>> -> memref<80x128xf32, #tpu.memory_space<vmem_shared>>
      %dma_start3A_124 = arith.constant 0 : i32
      %dma_start3A_125 = tpu.memref_slice %arg9[%add3A_17, %dma_start3A_124] : memref<10112x128xf32, #tpu.memory_space<vmem_shared>> -> memref<80x128xf32, #tpu.memory_space<vmem_shared>>
      %dma_start3A_126 = arith.constant 0 : i32
      %dma_start3A_127 = arith.constant 0 : i32
      %dma_start3A_128 = tpu.memref_slice %arg8[%run_scoped3A_18, %dma_start3A_126, %dma_start3A_127] : memref<3x80x128xf32, #tpu.memory_space<vmem>> -> memref<1x80x128xf32, #tpu.memory_space<vmem>>
      %dma_start3A_129 = tpu.memref_squeeze %dma_start3A_128 : memref<1x80x128xf32, #tpu.memory_space<vmem>> -> memref<80x128xf32, #tpu.memory_space<vmem>>
      tpu.enqueue_dma source(%dma_start3A_129 : memref<80x128xf32, #tpu.memory_space<vmem>>) target(%dma_start3A_125 : memref<80x128xf32, #tpu.memory_space<vmem_shared>>) target_semaphore(%run_scoped3A_117 : memref<!tpu.dma_semaphore, #tpu.memory_space<semaphore_mem>>)
      %dma_wait3A_130 = arith.constant 0 : i32
      %dma_wait3A_131 = arith.constant 0 : i32
      %dma_wait3A_132 = tpu.memref_slice %arg8[%run_scoped3A_18, %dma_wait3A_130, %dma_wait3A_131] : memref<3x80x128xf32, #tpu.memory_space<vmem>> -> memref<1x80x128xf32, #tpu.memory_space<vmem>>
      %dma_wait3A_133 = tpu.memref_squeeze %dma_wait3A_132 : memref<1x80x128xf32, #tpu.memory_space<vmem>> -> memref<80x128xf32, #tpu.memory_space<vmem>>
      %dma_wait3A_134 = arith.constant 0 : i32
      %dma_wait3A_135 = tpu.memref_slice %arg9[%add3A_17, %dma_wait3A_134] : memref<10112x128xf32, #tpu.memory_space<vmem_shared>> -> memref<80x128xf32, #tpu.memory_space<vmem_shared>>
      %dma_wait3A_136 = arith.constant 0 : i32
      %dma_wait3A_137 = tpu.memref_slice %arg9[%add3A_17, %dma_wait3A_136] : memref<10112x128xf32, #tpu.memory_space<vmem_shared>> -> memref<80x128xf32, #tpu.memory_space<vmem_shared>>
      %dma_wait3A_138 = arith.constant 0 : i32
      %dma_wait3A_139 = arith.constant 0 : i32
      %dma_wait3A_140 = tpu.memref_slice %arg8[%run_scoped3A_18, %dma_wait3A_138, %dma_wait3A_139] : memref<3x80x128xf32, #tpu.memory_space<vmem>> -> memref<1x80x128xf32, #tpu.memory_space<vmem>>
      %dma_wait3A_141 = tpu.memref_squeeze %dma_wait3A_140 : memref<1x80x128xf32, #tpu.memory_space<vmem>> -> memref<80x128xf32, #tpu.memory_space<vmem>>
      tpu.wait_dma2 semaphore(%run_scoped3A_117 : memref<!tpu.dma_semaphore, #tpu.memory_space<semaphore_mem>>) src(%dma_wait3A_141 : memref<80x128xf32, #tpu.memory_space<vmem>>) dst(%dma_wait3A_137 : memref<80x128xf32, #tpu.memory_space<vmem_shared>>)
      tpu.yield
    }) : () -> ()
    %add3A_19 = arith.constant 400 : i32
    %add3A_20 = arith.addi %mul3A_5, %add3A_19 : i32
    %run_scoped3A_21 = arith.constant 0 : i32
    "tpu.region"() ({
      %run_scoped3A_117 = tpu.sem_alloc : memref<!tpu.dma_semaphore, #tpu.memory_space<semaphore_mem>>
      %dma_start3A_118 = arith.constant 0 : i32
      %dma_start3A_119 = arith.constant 0 : i32
      %dma_start3A_120 = tpu.memref_slice %arg8[%run_scoped3A_21, %dma_start3A_118, %dma_start3A_119] : memref<3x80x128xf32, #tpu.memory_space<vmem>> -> memref<1x80x128xf32, #tpu.memory_space<vmem>>
      %dma_start3A_121 = tpu.memref_squeeze %dma_start3A_120 : memref<1x80x128xf32, #tpu.memory_space<vmem>> -> memref<80x128xf32, #tpu.memory_space<vmem>>
      %dma_start3A_122 = arith.constant 0 : i32
      %dma_start3A_123 = tpu.memref_slice %arg9[%add3A_20, %dma_start3A_122] : memref<10112x128xf32, #tpu.memory_space<vmem_shared>> -> memref<80x128xf32, #tpu.memory_space<vmem_shared>>
      %dma_start3A_124 = arith.constant 0 : i32
      %dma_start3A_125 = tpu.memref_slice %arg9[%add3A_20, %dma_start3A_124] : memref<10112x128xf32, #tpu.memory_space<vmem_shared>> -> memref<80x128xf32, #tpu.memory_space<vmem_shared>>
      %dma_start3A_126 = arith.constant 0 : i32
      %dma_start3A_127 = arith.constant 0 : i32
      %dma_start3A_128 = tpu.memref_slice %arg8[%run_scoped3A_21, %dma_start3A_126, %dma_start3A_127] : memref<3x80x128xf32, #tpu.memory_space<vmem>> -> memref<1x80x128xf32, #tpu.memory_space<vmem>>
      %dma_start3A_129 = tpu.memref_squeeze %dma_start3A_128 : memref<1x80x128xf32, #tpu.memory_space<vmem>> -> memref<80x128xf32, #tpu.memory_space<vmem>>
      tpu.enqueue_dma source(%dma_start3A_129 : memref<80x128xf32, #tpu.memory_space<vmem>>) target(%dma_start3A_125 : memref<80x128xf32, #tpu.memory_space<vmem_shared>>) target_semaphore(%run_scoped3A_117 : memref<!tpu.dma_semaphore, #tpu.memory_space<semaphore_mem>>)
      %dma_wait3A_130 = arith.constant 0 : i32
      %dma_wait3A_131 = arith.constant 0 : i32
      %dma_wait3A_132 = tpu.memref_slice %arg8[%run_scoped3A_21, %dma_wait3A_130, %dma_wait3A_131] : memref<3x80x128xf32, #tpu.memory_space<vmem>> -> memref<1x80x128xf32, #tpu.memory_space<vmem>>
      %dma_wait3A_133 = tpu.memref_squeeze %dma_wait3A_132 : memref<1x80x128xf32, #tpu.memory_space<vmem>> -> memref<80x128xf32, #tpu.memory_space<vmem>>
      %dma_wait3A_134 = arith.constant 0 : i32
      %dma_wait3A_135 = tpu.memref_slice %arg9[%add3A_20, %dma_wait3A_134] : memref<10112x128xf32, #tpu.memory_space<vmem_shared>> -> memref<80x128xf32, #tpu.memory_space<vmem_shared>>
      %dma_wait3A_136 = arith.constant 0 : i32
      %dma_wait3A_137 = tpu.memref_slice %arg9[%add3A_20, %dma_wait3A_136] : memref<10112x128xf32, #tpu.memory_space<vmem_shared>> -> memref<80x128xf32, #tpu.memory_space<vmem_shared>>
      %dma_wait3A_138 = arith.constant 0 : i32
      %dma_wait3A_139 = arith.constant 0 : i32
      %dma_wait3A_140 = tpu.memref_slice %arg8[%run_scoped3A_21, %dma_wait3A_138, %dma_wait3A_139] : memref<3x80x128xf32, #tpu.memory_space<vmem>> -> memref<1x80x128xf32, #tpu.memory_space<vmem>>
      %dma_wait3A_141 = tpu.memref_squeeze %dma_wait3A_140 : memref<1x80x128xf32, #tpu.memory_space<vmem>> -> memref<80x128xf32, #tpu.memory_space<vmem>>
      tpu.wait_dma2 semaphore(%run_scoped3A_117 : memref<!tpu.dma_semaphore, #tpu.memory_space<semaphore_mem>>) src(%dma_wait3A_141 : memref<80x128xf32, #tpu.memory_space<vmem>>) dst(%dma_wait3A_137 : memref<80x128xf32, #tpu.memory_space<vmem_shared>>)
      tpu.yield
    }) : () -> ()
    %add3A_22 = arith.constant 480 : i32
    %add3A_23 = arith.addi %mul3A_5, %add3A_22 : i32
    %run_scoped3A_24 = arith.constant 0 : i32
    "tpu.region"() ({
      %run_scoped3A_117 = tpu.sem_alloc : memref<!tpu.dma_semaphore, #tpu.memory_space<semaphore_mem>>
      %dma_start3A_118 = arith.constant 0 : i32
      %dma_start3A_119 = arith.constant 0 : i32
      %dma_start3A_120 = tpu.memref_slice %arg8[%run_scoped3A_24, %dma_start3A_118, %dma_start3A_119] : memref<3x80x128xf32, #tpu.memory_space<vmem>> -> memref<1x80x128xf32, #tpu.memory_space<vmem>>
      %dma_start3A_121 = tpu.memref_squeeze %dma_start3A_120 : memref<1x80x128xf32, #tpu.memory_space<vmem>> -> memref<80x128xf32, #tpu.memory_space<vmem>>
      %dma_start3A_122 = arith.constant 0 : i32
      %dma_start3A_123 = tpu.memref_slice %arg9[%add3A_23, %dma_start3A_122] : memref<10112x128xf32, #tpu.memory_space<vmem_shared>> -> memref<80x128xf32, #tpu.memory_space<vmem_shared>>
      %dma_start3A_124 = arith.constant 0 : i32
      %dma_start3A_125 = tpu.memref_slice %arg9[%add3A_23, %dma_start3A_124] : memref<10112x128xf32, #tpu.memory_space<vmem_shared>> -> memref<80x128xf32, #tpu.memory_space<vmem_shared>>
      %dma_start3A_126 = arith.constant 0 : i32
      %dma_start3A_127 = arith.constant 0 : i32
      %dma_start3A_128 = tpu.memref_slice %arg8[%run_scoped3A_24, %dma_start3A_126, %dma_start3A_127] : memref<3x80x128xf32, #tpu.memory_space<vmem>> -> memref<1x80x128xf32, #tpu.memory_space<vmem>>
      %dma_start3A_129 = tpu.memref_squeeze %dma_start3A_128 : memref<1x80x128xf32, #tpu.memory_space<vmem>> -> memref<80x128xf32, #tpu.memory_space<vmem>>
      tpu.enqueue_dma source(%dma_start3A_129 : memref<80x128xf32, #tpu.memory_space<vmem>>) target(%dma_start3A_125 : memref<80x128xf32, #tpu.memory_space<vmem_shared>>) target_semaphore(%run_scoped3A_117 : memref<!tpu.dma_semaphore, #tpu.memory_space<semaphore_mem>>)
      %dma_wait3A_130 = arith.constant 0 : i32
      %dma_wait3A_131 = arith.constant 0 : i32
      %dma_wait3A_132 = tpu.memref_slice %arg8[%run_scoped3A_24, %dma_wait3A_130, %dma_wait3A_131] : memref<3x80x128xf32, #tpu.memory_space<vmem>> -> memref<1x80x128xf32, #tpu.memory_space<vmem>>
      %dma_wait3A_133 = tpu.memref_squeeze %dma_wait3A_132 : memref<1x80x128xf32, #tpu.memory_space<vmem>> -> memref<80x128xf32, #tpu.memory_space<vmem>>
      %dma_wait3A_134 = arith.constant 0 : i32
      %dma_wait3A_135 = tpu.memref_slice %arg9[%add3A_23, %dma_wait3A_134] : memref<10112x128xf32, #tpu.memory_space<vmem_shared>> -> memref<80x128xf32, #tpu.memory_space<vmem_shared>>
      %dma_wait3A_136 = arith.constant 0 : i32
      %dma_wait3A_137 = tpu.memref_slice %arg9[%add3A_23, %dma_wait3A_136] : memref<10112x128xf32, #tpu.memory_space<vmem_shared>> -> memref<80x128xf32, #tpu.memory_space<vmem_shared>>
      %dma_wait3A_138 = arith.constant 0 : i32
      %dma_wait3A_139 = arith.constant 0 : i32
      %dma_wait3A_140 = tpu.memref_slice %arg8[%run_scoped3A_24, %dma_wait3A_138, %dma_wait3A_139] : memref<3x80x128xf32, #tpu.memory_space<vmem>> -> memref<1x80x128xf32, #tpu.memory_space<vmem>>
      %dma_wait3A_141 = tpu.memref_squeeze %dma_wait3A_140 : memref<1x80x128xf32, #tpu.memory_space<vmem>> -> memref<80x128xf32, #tpu.memory_space<vmem>>
      tpu.wait_dma2 semaphore(%run_scoped3A_117 : memref<!tpu.dma_semaphore, #tpu.memory_space<semaphore_mem>>) src(%dma_wait3A_141 : memref<80x128xf32, #tpu.memory_space<vmem>>) dst(%dma_wait3A_137 : memref<80x128xf32, #tpu.memory_space<vmem_shared>>)
      tpu.yield
    }) : () -> ()
    %add3A_25 = arith.constant 560 : i32
    %add3A_26 = arith.addi %mul3A_5, %add3A_25 : i32
    %run_scoped3A_27 = arith.constant 0 : i32
    "tpu.region"() ({
      %run_scoped3A_117 = tpu.sem_alloc : memref<!tpu.dma_semaphore, #tpu.memory_space<semaphore_mem>>
      %dma_start3A_118 = arith.constant 0 : i32
      %dma_start3A_119 = arith.constant 0 : i32
      %dma_start3A_120 = tpu.memref_slice %arg8[%run_scoped3A_27, %dma_start3A_118, %dma_start3A_119] : memref<3x80x128xf32, #tpu.memory_space<vmem>> -> memref<1x72x128xf32, #tpu.memory_space<vmem>>
      %dma_start3A_121 = tpu.memref_squeeze %dma_start3A_120 : memref<1x72x128xf32, #tpu.memory_space<vmem>> -> memref<72x128xf32, #tpu.memory_space<vmem>>
      %dma_start3A_122 = arith.constant 0 : i32
      %dma_start3A_123 = tpu.memref_slice %arg9[%add3A_26, %dma_start3A_122] : memref<10112x128xf32, #tpu.memory_space<vmem_shared>> -> memref<72x128xf32, #tpu.memory_space<vmem_shared>>
      %dma_start3A_124 = arith.constant 0 : i32
      %dma_start3A_125 = tpu.memref_slice %arg9[%add3A_26, %dma_start3A_124] : memref<10112x128xf32, #tpu.memory_space<vmem_shared>> -> memref<72x128xf32, #tpu.memory_space<vmem_shared>>
      %dma_start3A_126 = arith.constant 0 : i32
      %dma_start3A_127 = arith.constant 0 : i32
      %dma_start3A_128 = tpu.memref_slice %arg8[%run_scoped3A_27, %dma_start3A_126, %dma_start3A_127] : memref<3x80x128xf32, #tpu.memory_space<vmem>> -> memref<1x72x128xf32, #tpu.memory_space<vmem>>
      %dma_start3A_129 = tpu.memref_squeeze %dma_start3A_128 : memref<1x72x128xf32, #tpu.memory_space<vmem>> -> memref<72x128xf32, #tpu.memory_space<vmem>>
      tpu.enqueue_dma source(%dma_start3A_129 : memref<72x128xf32, #tpu.memory_space<vmem>>) target(%dma_start3A_125 : memref<72x128xf32, #tpu.memory_space<vmem_shared>>) target_semaphore(%run_scoped3A_117 : memref<!tpu.dma_semaphore, #tpu.memory_space<semaphore_mem>>)
      %dma_wait3A_130 = arith.constant 0 : i32
      %dma_wait3A_131 = arith.constant 0 : i32
      %dma_wait3A_132 = tpu.memref_slice %arg8[%run_scoped3A_27, %dma_wait3A_130, %dma_wait3A_131] : memref<3x80x128xf32, #tpu.memory_space<vmem>> -> memref<1x72x128xf32, #tpu.memory_space<vmem>>
      %dma_wait3A_133 = tpu.memref_squeeze %dma_wait3A_132 : memref<1x72x128xf32, #tpu.memory_space<vmem>> -> memref<72x128xf32, #tpu.memory_space<vmem>>
      %dma_wait3A_134 = arith.constant 0 : i32
      %dma_wait3A_135 = tpu.memref_slice %arg9[%add3A_26, %dma_wait3A_134] : memref<10112x128xf32, #tpu.memory_space<vmem_shared>> -> memref<72x128xf32, #tpu.memory_space<vmem_shared>>
      %dma_wait3A_136 = arith.constant 0 : i32
      %dma_wait3A_137 = tpu.memref_slice %arg9[%add3A_26, %dma_wait3A_136] : memref<10112x128xf32, #tpu.memory_space<vmem_shared>> -> memref<72x128xf32, #tpu.memory_space<vmem_shared>>
      %dma_wait3A_138 = arith.constant 0 : i32
      %dma_wait3A_139 = arith.constant 0 : i32
      %dma_wait3A_140 = tpu.memref_slice %arg8[%run_scoped3A_27, %dma_wait3A_138, %dma_wait3A_139] : memref<3x80x128xf32, #tpu.memory_space<vmem>> -> memref<1x72x128xf32, #tpu.memory_space<vmem>>
      %dma_wait3A_141 = tpu.memref_squeeze %dma_wait3A_140 : memref<1x72x128xf32, #tpu.memory_space<vmem>> -> memref<72x128xf32, #tpu.memory_space<vmem>>
      tpu.wait_dma2 semaphore(%run_scoped3A_117 : memref<!tpu.dma_semaphore, #tpu.memory_space<semaphore_mem>>) src(%dma_wait3A_141 : memref<72x128xf32, #tpu.memory_space<vmem>>) dst(%dma_wait3A_137 : memref<72x128xf32, #tpu.memory_space<vmem_shared>>)
      tpu.yield
    }) : () -> ()
    %barrier3A = arith.constant 0 : index
    tpu.barrier barrier_id(%barrier3A)
    %eq3A = arith.constant 0 : i32
    %eq3A_28 = arith.cmpi eq, %arg0, %eq3A : i32
    %eq3A_29 = arith.constant 1 : i32
    %eq3A_30 = arith.cmpi eq, %arg0, %eq3A_29 : i32
    %convert_element_type3A = arith.extui %eq3A_28 : i1 to i32
    %cond3A = arith.constant 0 : i32
    %cond3A_31 = arith.cmpi ne, %convert_element_type3A, %cond3A : i32
    scf.if %cond3A_31 {
      %dma_start3A_117 = arith.constant 0 : i32
      %dma_start3A_118 = arith.constant 0 : i32
      %dma_start3A_119 = arith.constant 0 : i32
      %dma_start3A_120 = arith.constant 0 : i32
      %dma_start3A_121 = arith.constant 0 : i32
      %dma_start3A_122 = tpu.memref_slice %arg6[%dma_start3A_119, %dma_start3A_120, %dma_start3A_121] : memref<2x25x80xi32, #tpu.memory_space<vmem>> -> memref<1x25x80xi32, #tpu.memory_space<vmem>>
      %dma_start3A_123 = tpu.memref_squeeze %dma_start3A_122 : memref<1x25x80xi32, #tpu.memory_space<vmem>> -> memref<25x80xi32, #tpu.memory_space<vmem>>
      %dma_start3A_124 = arith.constant 0 : i32
      %dma_start3A_125 = arith.constant 0 : i32
      %dma_start3A_126 = tpu.memref_slice %arg3[%dma_start3A_117, %arg1, %dma_start3A_118, %dma_start3A_124, %dma_start3A_125] : memref<2x16x10x25x80xi32, #tpu.memory_space<hbm>> -> memref<1x1x1x25x80xi32, #tpu.memory_space<hbm>>
      %dma_start3A_127 = tpu.memref_squeeze %dma_start3A_126 : memref<1x1x1x25x80xi32, #tpu.memory_space<hbm>> -> memref<25x80xi32, #tpu.memory_space<hbm>>
      %dma_start3A_128 = arith.constant 0 : i32
      %dma_start3A_129 = arith.constant 0 : i32
      %dma_start3A_130 = tpu.memref_slice %arg6[%dma_start3A_119, %dma_start3A_128, %dma_start3A_129] : memref<2x25x80xi32, #tpu.memory_space<vmem>> -> memref<1x25x80xi32, #tpu.memory_space<vmem>>
      %dma_start3A_131 = tpu.memref_squeeze %dma_start3A_130 : memref<1x25x80xi32, #tpu.memory_space<vmem>> -> memref<25x80xi32, #tpu.memory_space<vmem>>
      %dma_start3A_132 = arith.constant 0 : i32
      %dma_start3A_133 = arith.constant 0 : i32
      %dma_start3A_134 = tpu.memref_slice %arg3[%dma_start3A_117, %arg1, %dma_start3A_118, %dma_start3A_132, %dma_start3A_133] : memref<2x16x10x25x80xi32, #tpu.memory_space<hbm>> -> memref<1x1x1x25x80xi32, #tpu.memory_space<hbm>>
      %dma_start3A_135 = tpu.memref_squeeze %dma_start3A_134 : memref<1x1x1x25x80xi32, #tpu.memory_space<hbm>> -> memref<25x80xi32, #tpu.memory_space<hbm>>
      tpu.enqueue_dma source(%dma_start3A_135 : memref<25x80xi32, #tpu.memory_space<hbm>>) target(%dma_start3A_131 : memref<25x80xi32, #tpu.memory_space<vmem>>) target_semaphore(%arg12 : memref<!tpu.dma_semaphore, #tpu.memory_space<semaphore_mem>>)
      %dma_wait3A_136 = arith.constant 0 : i32
      %dma_wait3A_137 = arith.constant 0 : i32
      %dma_wait3A_138 = arith.constant 0 : i32
      %dma_wait3A_139 = arith.constant 0 : i32
      %dma_wait3A_140 = arith.constant 0 : i32
      %dma_wait3A_141 = tpu.memref_slice %arg6[%dma_wait3A_138, %dma_wait3A_139, %dma_wait3A_140] : memref<2x25x80xi32, #tpu.memory_space<vmem>> -> memref<1x25x80xi32, #tpu.memory_space<vmem>>
      %dma_wait3A_142 = tpu.memref_squeeze %dma_wait3A_141 : memref<1x25x80xi32, #tpu.memory_space<vmem>> -> memref<25x80xi32, #tpu.memory_space<vmem>>
      %dma_wait3A_143 = arith.constant 0 : i32
      %dma_wait3A_144 = arith.constant 0 : i32
      %dma_wait3A_145 = tpu.memref_slice %arg3[%dma_wait3A_136, %arg1, %dma_wait3A_137, %dma_wait3A_143, %dma_wait3A_144] : memref<2x16x10x25x80xi32, #tpu.memory_space<hbm>> -> memref<1x1x1x25x80xi32, #tpu.memory_space<hbm>>
      %dma_wait3A_146 = tpu.memref_squeeze %dma_wait3A_145 : memref<1x1x1x25x80xi32, #tpu.memory_space<hbm>> -> memref<25x80xi32, #tpu.memory_space<hbm>>
      %dma_wait3A_147 = arith.constant 0 : i32
      %dma_wait3A_148 = arith.constant 0 : i32
      %dma_wait3A_149 = tpu.memref_slice %arg6[%dma_wait3A_138, %dma_wait3A_147, %dma_wait3A_148] : memref<2x25x80xi32, #tpu.memory_space<vmem>> -> memref<1x25x80xi32, #tpu.memory_space<vmem>>
      %dma_wait3A_150 = tpu.memref_squeeze %dma_wait3A_149 : memref<1x25x80xi32, #tpu.memory_space<vmem>> -> memref<25x80xi32, #tpu.memory_space<vmem>>
      %dma_wait3A_151 = arith.constant 0 : i32
      %dma_wait3A_152 = arith.constant 0 : i32
      %dma_wait3A_153 = tpu.memref_slice %arg3[%dma_wait3A_136, %arg1, %dma_wait3A_137, %dma_wait3A_151, %dma_wait3A_152] : memref<2x16x10x25x80xi32, #tpu.memory_space<hbm>> -> memref<1x1x1x25x80xi32, #tpu.memory_space<hbm>>
      %dma_wait3A_154 = tpu.memref_squeeze %dma_wait3A_153 : memref<1x1x1x25x80xi32, #tpu.memory_space<hbm>> -> memref<25x80xi32, #tpu.memory_space<hbm>>
      tpu.wait_dma2 semaphore(%arg12 : memref<!tpu.dma_semaphore, #tpu.memory_space<semaphore_mem>>) src(%dma_wait3A_154 : memref<25x80xi32, #tpu.memory_space<hbm>>) dst(%dma_wait3A_150 : memref<25x80xi32, #tpu.memory_space<vmem>>)
    } else {
    }
    %convert_element_type3A_32 = arith.extui %eq3A_28 : i1 to i32
    %cond3A_33 = arith.constant 0 : i32
    %cond3A_34 = arith.cmpi ne, %convert_element_type3A_32, %cond3A_33 : i32
    scf.if %cond3A_34 {
      %dma_start3A_117 = arith.constant 1 : i32
      %dma_start3A_118 = arith.constant 0 : i32
      %dma_start3A_119 = arith.constant 0 : i32
      %dma_start3A_120 = arith.constant 0 : i32
      %dma_start3A_121 = arith.constant 0 : i32
      %dma_start3A_122 = tpu.memref_slice %arg7[%dma_start3A_119, %dma_start3A_120, %dma_start3A_121] : memref<2x25x80xi32, #tpu.memory_space<vmem>> -> memref<1x25x80xi32, #tpu.memory_space<vmem>>
      %dma_start3A_123 = tpu.memref_squeeze %dma_start3A_122 : memref<1x25x80xi32, #tpu.memory_space<vmem>> -> memref<25x80xi32, #tpu.memory_space<vmem>>
      %dma_start3A_124 = arith.constant 0 : i32
      %dma_start3A_125 = arith.constant 0 : i32
      %dma_start3A_126 = tpu.memref_slice %arg3[%dma_start3A_117, %arg1, %dma_start3A_118, %dma_start3A_124, %dma_start3A_125] : memref<2x16x10x25x80xi32, #tpu.memory_space<hbm>> -> memref<1x1x1x25x80xi32, #tpu.memory_space<hbm>>
      %dma_start3A_127 = tpu.memref_squeeze %dma_start3A_126 : memref<1x1x1x25x80xi32, #tpu.memory_space<hbm>> -> memref<25x80xi32, #tpu.memory_space<hbm>>
      %dma_start3A_128 = arith.constant 0 : i32
      %dma_start3A_129 = arith.constant 0 : i32
      %dma_start3A_130 = tpu.memref_slice %arg7[%dma_start3A_119, %dma_start3A_128, %dma_start3A_129] : memref<2x25x80xi32, #tpu.memory_space<vmem>> -> memref<1x25x80xi32, #tpu.memory_space<vmem>>
      %dma_start3A_131 = tpu.memref_squeeze %dma_start3A_130 : memref<1x25x80xi32, #tpu.memory_space<vmem>> -> memref<25x80xi32, #tpu.memory_space<vmem>>
      %dma_start3A_132 = arith.constant 0 : i32
      %dma_start3A_133 = arith.constant 0 : i32
      %dma_start3A_134 = tpu.memref_slice %arg3[%dma_start3A_117, %arg1, %dma_start3A_118, %dma_start3A_132, %dma_start3A_133] : memref<2x16x10x25x80xi32, #tpu.memory_space<hbm>> -> memref<1x1x1x25x80xi32, #tpu.memory_space<hbm>>
      %dma_start3A_135 = tpu.memref_squeeze %dma_start3A_134 : memref<1x1x1x25x80xi32, #tpu.memory_space<hbm>> -> memref<25x80xi32, #tpu.memory_space<hbm>>
      tpu.enqueue_dma source(%dma_start3A_135 : memref<25x80xi32, #tpu.memory_space<hbm>>) target(%dma_start3A_131 : memref<25x80xi32, #tpu.memory_space<vmem>>) target_semaphore(%arg12 : memref<!tpu.dma_semaphore, #tpu.memory_space<semaphore_mem>>)
      %dma_wait3A_136 = arith.constant 1 : i32
      %dma_wait3A_137 = arith.constant 0 : i32
      %dma_wait3A_138 = arith.constant 0 : i32
      %dma_wait3A_139 = arith.constant 0 : i32
      %dma_wait3A_140 = arith.constant 0 : i32
      %dma_wait3A_141 = tpu.memref_slice %arg7[%dma_wait3A_138, %dma_wait3A_139, %dma_wait3A_140] : memref<2x25x80xi32, #tpu.memory_space<vmem>> -> memref<1x25x80xi32, #tpu.memory_space<vmem>>
      %dma_wait3A_142 = tpu.memref_squeeze %dma_wait3A_141 : memref<1x25x80xi32, #tpu.memory_space<vmem>> -> memref<25x80xi32, #tpu.memory_space<vmem>>
      %dma_wait3A_143 = arith.constant 0 : i32
      %dma_wait3A_144 = arith.constant 0 : i32
      %dma_wait3A_145 = tpu.memref_slice %arg3[%dma_wait3A_136, %arg1, %dma_wait3A_137, %dma_wait3A_143, %dma_wait3A_144] : memref<2x16x10x25x80xi32, #tpu.memory_space<hbm>> -> memref<1x1x1x25x80xi32, #tpu.memory_space<hbm>>
      %dma_wait3A_146 = tpu.memref_squeeze %dma_wait3A_145 : memref<1x1x1x25x80xi32, #tpu.memory_space<hbm>> -> memref<25x80xi32, #tpu.memory_space<hbm>>
      %dma_wait3A_147 = arith.constant 0 : i32
      %dma_wait3A_148 = arith.constant 0 : i32
      %dma_wait3A_149 = tpu.memref_slice %arg7[%dma_wait3A_138, %dma_wait3A_147, %dma_wait3A_148] : memref<2x25x80xi32, #tpu.memory_space<vmem>> -> memref<1x25x80xi32, #tpu.memory_space<vmem>>
      %dma_wait3A_150 = tpu.memref_squeeze %dma_wait3A_149 : memref<1x25x80xi32, #tpu.memory_space<vmem>> -> memref<25x80xi32, #tpu.memory_space<vmem>>
      %dma_wait3A_151 = arith.constant 0 : i32
      %dma_wait3A_152 = arith.constant 0 : i32
      %dma_wait3A_153 = tpu.memref_slice %arg3[%dma_wait3A_136, %arg1, %dma_wait3A_137, %dma_wait3A_151, %dma_wait3A_152] : memref<2x16x10x25x80xi32, #tpu.memory_space<hbm>> -> memref<1x1x1x25x80xi32, #tpu.memory_space<hbm>>
      %dma_wait3A_154 = tpu.memref_squeeze %dma_wait3A_153 : memref<1x1x1x25x80xi32, #tpu.memory_space<hbm>> -> memref<25x80xi32, #tpu.memory_space<hbm>>
      tpu.wait_dma2 semaphore(%arg12 : memref<!tpu.dma_semaphore, #tpu.memory_space<semaphore_mem>>) src(%dma_wait3A_154 : memref<25x80xi32, #tpu.memory_space<hbm>>) dst(%dma_wait3A_150 : memref<25x80xi32, #tpu.memory_space<vmem>>)
    } else {
    }
    %convert_element_type3A_35 = arith.extui %eq3A_30 : i1 to i32
    %cond3A_36 = arith.constant 0 : i32
    %cond3A_37 = arith.cmpi ne, %convert_element_type3A_35, %cond3A_36 : i32
    scf.if %cond3A_37 {
      %dma_start3A_117 = arith.constant 0 : i32
      %dma_start3A_118 = arith.constant 0 : i32
      %dma_start3A_119 = arith.constant 0 : i32
      %dma_start3A_120 = arith.constant 0 : i32
      %dma_start3A_121 = arith.constant 0 : i32
      %dma_start3A_122 = tpu.memref_slice %arg6[%dma_start3A_119, %dma_start3A_120, %dma_start3A_121] : memref<2x25x80xi32, #tpu.memory_space<vmem>> -> memref<1x25x80xi32, #tpu.memory_space<vmem>>
      %dma_start3A_123 = tpu.memref_squeeze %dma_start3A_122 : memref<1x25x80xi32, #tpu.memory_space<vmem>> -> memref<25x80xi32, #tpu.memory_space<vmem>>
      %dma_start3A_124 = arith.constant 0 : i32
      %dma_start3A_125 = arith.constant 0 : i32
      %dma_start3A_126 = tpu.memref_slice %arg4[%dma_start3A_117, %arg1, %dma_start3A_118, %dma_start3A_124, %dma_start3A_125] : memref<2x16x10x25x80xi32, #tpu.memory_space<hbm>> -> memref<1x1x1x25x80xi32, #tpu.memory_space<hbm>>
      %dma_start3A_127 = tpu.memref_squeeze %dma_start3A_126 : memref<1x1x1x25x80xi32, #tpu.memory_space<hbm>> -> memref<25x80xi32, #tpu.memory_space<hbm>>
      %dma_start3A_128 = arith.constant 0 : i32
      %dma_start3A_129 = arith.constant 0 : i32
      %dma_start3A_130 = tpu.memref_slice %arg6[%dma_start3A_119, %dma_start3A_128, %dma_start3A_129] : memref<2x25x80xi32, #tpu.memory_space<vmem>> -> memref<1x25x80xi32, #tpu.memory_space<vmem>>
      %dma_start3A_131 = tpu.memref_squeeze %dma_start3A_130 : memref<1x25x80xi32, #tpu.memory_space<vmem>> -> memref<25x80xi32, #tpu.memory_space<vmem>>
      %dma_start3A_132 = arith.constant 0 : i32
      %dma_start3A_133 = arith.constant 0 : i32
      %dma_start3A_134 = tpu.memref_slice %arg4[%dma_start3A_117, %arg1, %dma_start3A_118, %dma_start3A_132, %dma_start3A_133] : memref<2x16x10x25x80xi32, #tpu.memory_space<hbm>> -> memref<1x1x1x25x80xi32, #tpu.memory_space<hbm>>
      %dma_start3A_135 = tpu.memref_squeeze %dma_start3A_134 : memref<1x1x1x25x80xi32, #tpu.memory_space<hbm>> -> memref<25x80xi32, #tpu.memory_space<hbm>>
      tpu.enqueue_dma source(%dma_start3A_135 : memref<25x80xi32, #tpu.memory_space<hbm>>) target(%dma_start3A_131 : memref<25x80xi32, #tpu.memory_space<vmem>>) target_semaphore(%arg12 : memref<!tpu.dma_semaphore, #tpu.memory_space<semaphore_mem>>)
      %dma_wait3A_136 = arith.constant 0 : i32
      %dma_wait3A_137 = arith.constant 0 : i32
      %dma_wait3A_138 = arith.constant 0 : i32
      %dma_wait3A_139 = arith.constant 0 : i32
      %dma_wait3A_140 = arith.constant 0 : i32
      %dma_wait3A_141 = tpu.memref_slice %arg6[%dma_wait3A_138, %dma_wait3A_139, %dma_wait3A_140] : memref<2x25x80xi32, #tpu.memory_space<vmem>> -> memref<1x25x80xi32, #tpu.memory_space<vmem>>
      %dma_wait3A_142 = tpu.memref_squeeze %dma_wait3A_141 : memref<1x25x80xi32, #tpu.memory_space<vmem>> -> memref<25x80xi32, #tpu.memory_space<vmem>>
      %dma_wait3A_143 = arith.constant 0 : i32
      %dma_wait3A_144 = arith.constant 0 : i32
      %dma_wait3A_145 = tpu.memref_slice %arg4[%dma_wait3A_136, %arg1, %dma_wait3A_137, %dma_wait3A_143, %dma_wait3A_144] : memref<2x16x10x25x80xi32, #tpu.memory_space<hbm>> -> memref<1x1x1x25x80xi32, #tpu.memory_space<hbm>>
      %dma_wait3A_146 = tpu.memref_squeeze %dma_wait3A_145 : memref<1x1x1x25x80xi32, #tpu.memory_space<hbm>> -> memref<25x80xi32, #tpu.memory_space<hbm>>
      %dma_wait3A_147 = arith.constant 0 : i32
      %dma_wait3A_148 = arith.constant 0 : i32
      %dma_wait3A_149 = tpu.memref_slice %arg6[%dma_wait3A_138, %dma_wait3A_147, %dma_wait3A_148] : memref<2x25x80xi32, #tpu.memory_space<vmem>> -> memref<1x25x80xi32, #tpu.memory_space<vmem>>
      %dma_wait3A_150 = tpu.memref_squeeze %dma_wait3A_149 : memref<1x25x80xi32, #tpu.memory_space<vmem>> -> memref<25x80xi32, #tpu.memory_space<vmem>>
      %dma_wait3A_151 = arith.constant 0 : i32
      %dma_wait3A_152 = arith.constant 0 : i32
      %dma_wait3A_153 = tpu.memref_slice %arg4[%dma_wait3A_136, %arg1, %dma_wait3A_137, %dma_wait3A_151, %dma_wait3A_152] : memref<2x16x10x25x80xi32, #tpu.memory_space<hbm>> -> memref<1x1x1x25x80xi32, #tpu.memory_space<hbm>>
      %dma_wait3A_154 = tpu.memref_squeeze %dma_wait3A_153 : memref<1x1x1x25x80xi32, #tpu.memory_space<hbm>> -> memref<25x80xi32, #tpu.memory_space<hbm>>
      tpu.wait_dma2 semaphore(%arg12 : memref<!tpu.dma_semaphore, #tpu.memory_space<semaphore_mem>>) src(%dma_wait3A_154 : memref<25x80xi32, #tpu.memory_space<hbm>>) dst(%dma_wait3A_150 : memref<25x80xi32, #tpu.memory_space<vmem>>)
    } else {
    }
    %convert_element_type3A_38 = arith.extui %eq3A_30 : i1 to i32
    %cond3A_39 = arith.constant 0 : i32
    %cond3A_40 = arith.cmpi ne, %convert_element_type3A_38, %cond3A_39 : i32
    scf.if %cond3A_40 {
      %dma_start3A_117 = arith.constant 1 : i32
      %dma_start3A_118 = arith.constant 0 : i32
      %dma_start3A_119 = arith.constant 0 : i32
      %dma_start3A_120 = arith.constant 0 : i32
      %dma_start3A_121 = arith.constant 0 : i32
      %dma_start3A_122 = tpu.memref_slice %arg7[%dma_start3A_119, %dma_start3A_120, %dma_start3A_121] : memref<2x25x80xi32, #tpu.memory_space<vmem>> -> memref<1x25x80xi32, #tpu.memory_space<vmem>>
      %dma_start3A_123 = tpu.memref_squeeze %dma_start3A_122 : memref<1x25x80xi32, #tpu.memory_space<vmem>> -> memref<25x80xi32, #tpu.memory_space<vmem>>
      %dma_start3A_124 = arith.constant 0 : i32
      %dma_start3A_125 = arith.constant 0 : i32
      %dma_start3A_126 = tpu.memref_slice %arg4[%dma_start3A_117, %arg1, %dma_start3A_118, %dma_start3A_124, %dma_start3A_125] : memref<2x16x10x25x80xi32, #tpu.memory_space<hbm>> -> memref<1x1x1x25x80xi32, #tpu.memory_space<hbm>>
      %dma_start3A_127 = tpu.memref_squeeze %dma_start3A_126 : memref<1x1x1x25x80xi32, #tpu.memory_space<hbm>> -> memref<25x80xi32, #tpu.memory_space<hbm>>
      %dma_start3A_128 = arith.constant 0 : i32
      %dma_start3A_129 = arith.constant 0 : i32
      %dma_start3A_130 = tpu.memref_slice %arg7[%dma_start3A_119, %dma_start3A_128, %dma_start3A_129] : memref<2x25x80xi32, #tpu.memory_space<vmem>> -> memref<1x25x80xi32, #tpu.memory_space<vmem>>
      %dma_start3A_131 = tpu.memref_squeeze %dma_start3A_130 : memref<1x25x80xi32, #tpu.memory_space<vmem>> -> memref<25x80xi32, #tpu.memory_space<vmem>>
      %dma_start3A_132 = arith.constant 0 : i32
      %dma_start3A_133 = arith.constant 0 : i32
      %dma_start3A_134 = tpu.memref_slice %arg4[%dma_start3A_117, %arg1, %dma_start3A_118, %dma_start3A_132, %dma_start3A_133] : memref<2x16x10x25x80xi32, #tpu.memory_space<hbm>> -> memref<1x1x1x25x80xi32, #tpu.memory_space<hbm>>
      %dma_start3A_135 = tpu.memref_squeeze %dma_start3A_134 : memref<1x1x1x25x80xi32, #tpu.memory_space<hbm>> -> memref<25x80xi32, #tpu.memory_space<hbm>>
      tpu.enqueue_dma source(%dma_start3A_135 : memref<25x80xi32, #tpu.memory_space<hbm>>) target(%dma_start3A_131 : memref<25x80xi32, #tpu.memory_space<vmem>>) target_semaphore(%arg12 : memref<!tpu.dma_semaphore, #tpu.memory_space<semaphore_mem>>)
      %dma_wait3A_136 = arith.constant 1 : i32
      %dma_wait3A_137 = arith.constant 0 : i32
      %dma_wait3A_138 = arith.constant 0 : i32
      %dma_wait3A_139 = arith.constant 0 : i32
      %dma_wait3A_140 = arith.constant 0 : i32
      %dma_wait3A_141 = tpu.memref_slice %arg7[%dma_wait3A_138, %dma_wait3A_139, %dma_wait3A_140] : memref<2x25x80xi32, #tpu.memory_space<vmem>> -> memref<1x25x80xi32, #tpu.memory_space<vmem>>
      %dma_wait3A_142 = tpu.memref_squeeze %dma_wait3A_141 : memref<1x25x80xi32, #tpu.memory_space<vmem>> -> memref<25x80xi32, #tpu.memory_space<vmem>>
      %dma_wait3A_143 = arith.constant 0 : i32
      %dma_wait3A_144 = arith.constant 0 : i32
      %dma_wait3A_145 = tpu.memref_slice %arg4[%dma_wait3A_136, %arg1, %dma_wait3A_137, %dma_wait3A_143, %dma_wait3A_144] : memref<2x16x10x25x80xi32, #tpu.memory_space<hbm>> -> memref<1x1x1x25x80xi32, #tpu.memory_space<hbm>>
      %dma_wait3A_146 = tpu.memref_squeeze %dma_wait3A_145 : memref<1x1x1x25x80xi32, #tpu.memory_space<hbm>> -> memref<25x80xi32, #tpu.memory_space<hbm>>
      %dma_wait3A_147 = arith.constant 0 : i32
      %dma_wait3A_148 = arith.constant 0 : i32
      %dma_wait3A_149 = tpu.memref_slice %arg7[%dma_wait3A_138, %dma_wait3A_147, %dma_wait3A_148] : memref<2x25x80xi32, #tpu.memory_space<vmem>> -> memref<1x25x80xi32, #tpu.memory_space<vmem>>
      %dma_wait3A_150 = tpu.memref_squeeze %dma_wait3A_149 : memref<1x25x80xi32, #tpu.memory_space<vmem>> -> memref<25x80xi32, #tpu.memory_space<vmem>>
      %dma_wait3A_151 = arith.constant 0 : i32
      %dma_wait3A_152 = arith.constant 0 : i32
      %dma_wait3A_153 = tpu.memref_slice %arg4[%dma_wait3A_136, %arg1, %dma_wait3A_137, %dma_wait3A_151, %dma_wait3A_152] : memref<2x16x10x25x80xi32, #tpu.memory_space<hbm>> -> memref<1x1x1x25x80xi32, #tpu.memory_space<hbm>>
      %dma_wait3A_154 = tpu.memref_squeeze %dma_wait3A_153 : memref<1x1x1x25x80xi32, #tpu.memory_space<hbm>> -> memref<25x80xi32, #tpu.memory_space<hbm>>
      tpu.wait_dma2 semaphore(%arg12 : memref<!tpu.dma_semaphore, #tpu.memory_space<semaphore_mem>>) src(%dma_wait3A_154 : memref<25x80xi32, #tpu.memory_space<hbm>>) dst(%dma_wait3A_150 : memref<25x80xi32, #tpu.memory_space<vmem>>)
    } else {
    }
    %eq3A_41 = arith.constant 0 : i32
    %eq3A_42 = arith.cmpi eq, %arg0, %eq3A_41 : i32
    %eq3A_43 = arith.constant 1 : i32
    %eq3A_44 = arith.cmpi eq, %arg0, %eq3A_43 : i32
    %convert_element_type3A_45 = arith.extui %eq3A_42 : i1 to i32
    %cond3A_46 = arith.constant 0 : i32
    %cond3A_47 = arith.cmpi ne, %convert_element_type3A_45, %cond3A_46 : i32
    scf.if %cond3A_47 {
      %dma_start3A_117 = arith.constant 0 : i32
      %dma_start3A_118 = arith.constant 1 : i32
      %dma_start3A_119 = arith.constant 1 : i32
      %dma_start3A_120 = arith.constant 0 : i32
      %dma_start3A_121 = arith.constant 0 : i32
      %dma_start3A_122 = tpu.memref_slice %arg6[%dma_start3A_119, %dma_start3A_120, %dma_start3A_121] : memref<2x25x80xi32, #tpu.memory_space<vmem>> -> memref<1x25x80xi32, #tpu.memory_space<vmem>>
      %dma_start3A_123 = tpu.memref_squeeze %dma_start3A_122 : memref<1x25x80xi32, #tpu.memory_space<vmem>> -> memref<25x80xi32, #tpu.memory_space<vmem>>
      %dma_start3A_124 = arith.constant 0 : i32
      %dma_start3A_125 = arith.constant 0 : i32
      %dma_start3A_126 = tpu.memref_slice %arg3[%dma_start3A_117, %arg1, %dma_start3A_118, %dma_start3A_124, %dma_start3A_125] : memref<2x16x10x25x80xi32, #tpu.memory_space<hbm>> -> memref<1x1x1x25x80xi32, #tpu.memory_space<hbm>>
      %dma_start3A_127 = tpu.memref_squeeze %dma_start3A_126 : memref<1x1x1x25x80xi32, #tpu.memory_space<hbm>> -> memref<25x80xi32, #tpu.memory_space<hbm>>
      %dma_start3A_128 = arith.constant 0 : i32
      %dma_start3A_129 = arith.constant 0 : i32
      %dma_start3A_130 = tpu.memref_slice %arg6[%dma_start3A_119, %dma_start3A_128, %dma_start3A_129] : memref<2x25x80xi32, #tpu.memory_space<vmem>> -> memref<1x25x80xi32, #tpu.memory_space<vmem>>
      %dma_start3A_131 = tpu.memref_squeeze %dma_start3A_130 : memref<1x25x80xi32, #tpu.memory_space<vmem>> -> memref<25x80xi32, #tpu.memory_space<vmem>>
      %dma_start3A_132 = arith.constant 0 : i32
      %dma_start3A_133 = arith.constant 0 : i32
      %dma_start3A_134 = tpu.memref_slice %arg3[%dma_start3A_117, %arg1, %dma_start3A_118, %dma_start3A_132, %dma_start3A_133] : memref<2x16x10x25x80xi32, #tpu.memory_space<hbm>> -> memref<1x1x1x25x80xi32, #tpu.memory_space<hbm>>
      %dma_start3A_135 = tpu.memref_squeeze %dma_start3A_134 : memref<1x1x1x25x80xi32, #tpu.memory_space<hbm>> -> memref<25x80xi32, #tpu.memory_space<hbm>>
      tpu.enqueue_dma source(%dma_start3A_135 : memref<25x80xi32, #tpu.memory_space<hbm>>) target(%dma_start3A_131 : memref<25x80xi32, #tpu.memory_space<vmem>>) target_semaphore(%arg12 : memref<!tpu.dma_semaphore, #tpu.memory_space<semaphore_mem>>)
      %dma_wait3A_136 = arith.constant 0 : i32
      %dma_wait3A_137 = arith.constant 1 : i32
      %dma_wait3A_138 = arith.constant 1 : i32
      %dma_wait3A_139 = arith.constant 0 : i32
      %dma_wait3A_140 = arith.constant 0 : i32
      %dma_wait3A_141 = tpu.memref_slice %arg6[%dma_wait3A_138, %dma_wait3A_139, %dma_wait3A_140] : memref<2x25x80xi32, #tpu.memory_space<vmem>> -> memref<1x25x80xi32, #tpu.memory_space<vmem>>
      %dma_wait3A_142 = tpu.memref_squeeze %dma_wait3A_141 : memref<1x25x80xi32, #tpu.memory_space<vmem>> -> memref<25x80xi32, #tpu.memory_space<vmem>>
      %dma_wait3A_143 = arith.constant 0 : i32
      %dma_wait3A_144 = arith.constant 0 : i32
      %dma_wait3A_145 = tpu.memref_slice %arg3[%dma_wait3A_136, %arg1, %dma_wait3A_137, %dma_wait3A_143, %dma_wait3A_144] : memref<2x16x10x25x80xi32, #tpu.memory_space<hbm>> -> memref<1x1x1x25x80xi32, #tpu.memory_space<hbm>>
      %dma_wait3A_146 = tpu.memref_squeeze %dma_wait3A_145 : memref<1x1x1x25x80xi32, #tpu.memory_space<hbm>> -> memref<25x80xi32, #tpu.memory_space<hbm>>
      %dma_wait3A_147 = arith.constant 0 : i32
      %dma_wait3A_148 = arith.constant 0 : i32
      %dma_wait3A_149 = tpu.memref_slice %arg6[%dma_wait3A_138, %dma_wait3A_147, %dma_wait3A_148] : memref<2x25x80xi32, #tpu.memory_space<vmem>> -> memref<1x25x80xi32, #tpu.memory_space<vmem>>
      %dma_wait3A_150 = tpu.memref_squeeze %dma_wait3A_149 : memref<1x25x80xi32, #tpu.memory_space<vmem>> -> memref<25x80xi32, #tpu.memory_space<vmem>>
      %dma_wait3A_151 = arith.constant 0 : i32
      %dma_wait3A_152 = arith.constant 0 : i32
      %dma_wait3A_153 = tpu.memref_slice %arg3[%dma_wait3A_136, %arg1, %dma_wait3A_137, %dma_wait3A_151, %dma_wait3A_152] : memref<2x16x10x25x80xi32, #tpu.memory_space<hbm>> -> memref<1x1x1x25x80xi32, #tpu.memory_space<hbm>>
      %dma_wait3A_154 = tpu.memref_squeeze %dma_wait3A_153 : memref<1x1x1x25x80xi32, #tpu.memory_space<hbm>> -> memref<25x80xi32, #tpu.memory_space<hbm>>
      tpu.wait_dma2 semaphore(%arg12 : memref<!tpu.dma_semaphore, #tpu.memory_space<semaphore_mem>>) src(%dma_wait3A_154 : memref<25x80xi32, #tpu.memory_space<hbm>>) dst(%dma_wait3A_150 : memref<25x80xi32, #tpu.memory_space<vmem>>)
    } else {
    }
    %convert_element_type3A_48 = arith.extui %eq3A_42 : i1 to i32
    %cond3A_49 = arith.constant 0 : i32
    %cond3A_50 = arith.cmpi ne, %convert_element_type3A_48, %cond3A_49 : i32
    scf.if %cond3A_50 {
      %dma_start3A_117 = arith.constant 1 : i32
      %dma_start3A_118 = arith.constant 1 : i32
      %dma_start3A_119 = arith.constant 1 : i32
      %dma_start3A_120 = arith.constant 0 : i32
      %dma_start3A_121 = arith.constant 0 : i32
      %dma_start3A_122 = tpu.memref_slice %arg7[%dma_start3A_119, %dma_start3A_120, %dma_start3A_121] : memref<2x25x80xi32, #tpu.memory_space<vmem>> -> memref<1x25x80xi32, #tpu.memory_space<vmem>>
      %dma_start3A_123 = tpu.memref_squeeze %dma_start3A_122 : memref<1x25x80xi32, #tpu.memory_space<vmem>> -> memref<25x80xi32, #tpu.memory_space<vmem>>
      %dma_start3A_124 = arith.constant 0 : i32
      %dma_start3A_125 = arith.constant 0 : i32
      %dma_start3A_126 = tpu.memref_slice %arg3[%dma_start3A_117, %arg1, %dma_start3A_118, %dma_start3A_124, %dma_start3A_125] : memref<2x16x10x25x80xi32, #tpu.memory_space<hbm>> -> memref<1x1x1x25x80xi32, #tpu.memory_space<hbm>>
      %dma_start3A_127 = tpu.memref_squeeze %dma_start3A_126 : memref<1x1x1x25x80xi32, #tpu.memory_space<hbm>> -> memref<25x80xi32, #tpu.memory_space<hbm>>
      %dma_start3A_128 = arith.constant 0 : i32
      %dma_start3A_129 = arith.constant 0 : i32
      %dma_start3A_130 = tpu.memref_slice %arg7[%dma_start3A_119, %dma_start3A_128, %dma_start3A_129] : memref<2x25x80xi32, #tpu.memory_space<vmem>> -> memref<1x25x80xi32, #tpu.memory_space<vmem>>
      %dma_start3A_131 = tpu.memref_squeeze %dma_start3A_130 : memref<1x25x80xi32, #tpu.memory_space<vmem>> -> memref<25x80xi32, #tpu.memory_space<vmem>>
      %dma_start3A_132 = arith.constant 0 : i32
      %dma_start3A_133 = arith.constant 0 : i32
      %dma_start3A_134 = tpu.memref_slice %arg3[%dma_start3A_117, %arg1, %dma_start3A_118, %dma_start3A_132, %dma_start3A_133] : memref<2x16x10x25x80xi32, #tpu.memory_space<hbm>> -> memref<1x1x1x25x80xi32, #tpu.memory_space<hbm>>
      %dma_start3A_135 = tpu.memref_squeeze %dma_start3A_134 : memref<1x1x1x25x80xi32, #tpu.memory_space<hbm>> -> memref<25x80xi32, #tpu.memory_space<hbm>>
      tpu.enqueue_dma source(%dma_start3A_135 : memref<25x80xi32, #tpu.memory_space<hbm>>) target(%dma_start3A_131 : memref<25x80xi32, #tpu.memory_space<vmem>>) target_semaphore(%arg12 : memref<!tpu.dma_semaphore, #tpu.memory_space<semaphore_mem>>)
      %dma_wait3A_136 = arith.constant 1 : i32
      %dma_wait3A_137 = arith.constant 1 : i32
      %dma_wait3A_138 = arith.constant 1 : i32
      %dma_wait3A_139 = arith.constant 0 : i32
      %dma_wait3A_140 = arith.constant 0 : i32
      %dma_wait3A_141 = tpu.memref_slice %arg7[%dma_wait3A_138, %dma_wait3A_139, %dma_wait3A_140] : memref<2x25x80xi32, #tpu.memory_space<vmem>> -> memref<1x25x80xi32, #tpu.memory_space<vmem>>
      %dma_wait3A_142 = tpu.memref_squeeze %dma_wait3A_141 : memref<1x25x80xi32, #tpu.memory_space<vmem>> -> memref<25x80xi32, #tpu.memory_space<vmem>>
      %dma_wait3A_143 = arith.constant 0 : i32
      %dma_wait3A_144 = arith.constant 0 : i32
      %dma_wait3A_145 = tpu.memref_slice %arg3[%dma_wait3A_136, %arg1, %dma_wait3A_137, %dma_wait3A_143, %dma_wait3A_144] : memref<2x16x10x25x80xi32, #tpu.memory_space<hbm>> -> memref<1x1x1x25x80xi32, #tpu.memory_space<hbm>>
      %dma_wait3A_146 = tpu.memref_squeeze %dma_wait3A_145 : memref<1x1x1x25x80xi32, #tpu.memory_space<hbm>> -> memref<25x80xi32, #tpu.memory_space<hbm>>
      %dma_wait3A_147 = arith.constant 0 : i32
      %dma_wait3A_148 = arith.constant 0 : i32
      %dma_wait3A_149 = tpu.memref_slice %arg7[%dma_wait3A_138, %dma_wait3A_147, %dma_wait3A_148] : memref<2x25x80xi32, #tpu.memory_space<vmem>> -> memref<1x25x80xi32, #tpu.memory_space<vmem>>
      %dma_wait3A_150 = tpu.memref_squeeze %dma_wait3A_149 : memref<1x25x80xi32, #tpu.memory_space<vmem>> -> memref<25x80xi32, #tpu.memory_space<vmem>>
      %dma_wait3A_151 = arith.constant 0 : i32
      %dma_wait3A_152 = arith.constant 0 : i32
      %dma_wait3A_153 = tpu.memref_slice %arg3[%dma_wait3A_136, %arg1, %dma_wait3A_137, %dma_wait3A_151, %dma_wait3A_152] : memref<2x16x10x25x80xi32, #tpu.memory_space<hbm>> -> memref<1x1x1x25x80xi32, #tpu.memory_space<hbm>>
      %dma_wait3A_154 = tpu.memref_squeeze %dma_wait3A_153 : memref<1x1x1x25x80xi32, #tpu.memory_space<hbm>> -> memref<25x80xi32, #tpu.memory_space<hbm>>
      tpu.wait_dma2 semaphore(%arg12 : memref<!tpu.dma_semaphore, #tpu.memory_space<semaphore_mem>>) src(%dma_wait3A_154 : memref<25x80xi32, #tpu.memory_space<hbm>>) dst(%dma_wait3A_150 : memref<25x80xi32, #tpu.memory_space<vmem>>)
    } else {
    }
    %convert_element_type3A_51 = arith.extui %eq3A_44 : i1 to i32
    %cond3A_52 = arith.constant 0 : i32
    %cond3A_53 = arith.cmpi ne, %convert_element_type3A_51, %cond3A_52 : i32
    scf.if %cond3A_53 {
      %dma_start3A_117 = arith.constant 0 : i32
      %dma_start3A_118 = arith.constant 1 : i32
      %dma_start3A_119 = arith.constant 1 : i32
      %dma_start3A_120 = arith.constant 0 : i32
      %dma_start3A_121 = arith.constant 0 : i32
      %dma_start3A_122 = tpu.memref_slice %arg6[%dma_start3A_119, %dma_start3A_120, %dma_start3A_121] : memref<2x25x80xi32, #tpu.memory_space<vmem>> -> memref<1x25x80xi32, #tpu.memory_space<vmem>>
      %dma_start3A_123 = tpu.memref_squeeze %dma_start3A_122 : memref<1x25x80xi32, #tpu.memory_space<vmem>> -> memref<25x80xi32, #tpu.memory_space<vmem>>
      %dma_start3A_124 = arith.constant 0 : i32
      %dma_start3A_125 = arith.constant 0 : i32
      %dma_start3A_126 = tpu.memref_slice %arg4[%dma_start3A_117, %arg1, %dma_start3A_118, %dma_start3A_124, %dma_start3A_125] : memref<2x16x10x25x80xi32, #tpu.memory_space<hbm>> -> memref<1x1x1x25x80xi32, #tpu.memory_space<hbm>>
      %dma_start3A_127 = tpu.memref_squeeze %dma_start3A_126 : memref<1x1x1x25x80xi32, #tpu.memory_space<hbm>> -> memref<25x80xi32, #tpu.memory_space<hbm>>
      %dma_start3A_128 = arith.constant 0 : i32
      %dma_start3A_129 = arith.constant 0 : i32
      %dma_start3A_130 = tpu.memref_slice %arg6[%dma_start3A_119, %dma_start3A_128, %dma_start3A_129] : memref<2x25x80xi32, #tpu.memory_space<vmem>> -> memref<1x25x80xi32, #tpu.memory_space<vmem>>
      %dma_start3A_131 = tpu.memref_squeeze %dma_start3A_130 : memref<1x25x80xi32, #tpu.memory_space<vmem>> -> memref<25x80xi32, #tpu.memory_space<vmem>>
      %dma_start3A_132 = arith.constant 0 : i32
      %dma_start3A_133 = arith.constant 0 : i32
      %dma_start3A_134 = tpu.memref_slice %arg4[%dma_start3A_117, %arg1, %dma_start3A_118, %dma_start3A_132, %dma_start3A_133] : memref<2x16x10x25x80xi32, #tpu.memory_space<hbm>> -> memref<1x1x1x25x80xi32, #tpu.memory_space<hbm>>
      %dma_start3A_135 = tpu.memref_squeeze %dma_start3A_134 : memref<1x1x1x25x80xi32, #tpu.memory_space<hbm>> -> memref<25x80xi32, #tpu.memory_space<hbm>>
      tpu.enqueue_dma source(%dma_start3A_135 : memref<25x80xi32, #tpu.memory_space<hbm>>) target(%dma_start3A_131 : memref<25x80xi32, #tpu.memory_space<vmem>>) target_semaphore(%arg12 : memref<!tpu.dma_semaphore, #tpu.memory_space<semaphore_mem>>)
      %dma_wait3A_136 = arith.constant 0 : i32
      %dma_wait3A_137 = arith.constant 1 : i32
      %dma_wait3A_138 = arith.constant 1 : i32
      %dma_wait3A_139 = arith.constant 0 : i32
      %dma_wait3A_140 = arith.constant 0 : i32
      %dma_wait3A_141 = tpu.memref_slice %arg6[%dma_wait3A_138, %dma_wait3A_139, %dma_wait3A_140] : memref<2x25x80xi32, #tpu.memory_space<vmem>> -> memref<1x25x80xi32, #tpu.memory_space<vmem>>
      %dma_wait3A_142 = tpu.memref_squeeze %dma_wait3A_141 : memref<1x25x80xi32, #tpu.memory_space<vmem>> -> memref<25x80xi32, #tpu.memory_space<vmem>>
      %dma_wait3A_143 = arith.constant 0 : i32
      %dma_wait3A_144 = arith.constant 0 : i32
      %dma_wait3A_145 = tpu.memref_slice %arg4[%dma_wait3A_136, %arg1, %dma_wait3A_137, %dma_wait3A_143, %dma_wait3A_144] : memref<2x16x10x25x80xi32, #tpu.memory_space<hbm>> -> memref<1x1x1x25x80xi32, #tpu.memory_space<hbm>>
      %dma_wait3A_146 = tpu.memref_squeeze %dma_wait3A_145 : memref<1x1x1x25x80xi32, #tpu.memory_space<hbm>> -> memref<25x80xi32, #tpu.memory_space<hbm>>
      %dma_wait3A_147 = arith.constant 0 : i32
      %dma_wait3A_148 = arith.constant 0 : i32
      %dma_wait3A_149 = tpu.memref_slice %arg6[%dma_wait3A_138, %dma_wait3A_147, %dma_wait3A_148] : memref<2x25x80xi32, #tpu.memory_space<vmem>> -> memref<1x25x80xi32, #tpu.memory_space<vmem>>
      %dma_wait3A_150 = tpu.memref_squeeze %dma_wait3A_149 : memref<1x25x80xi32, #tpu.memory_space<vmem>> -> memref<25x80xi32, #tpu.memory_space<vmem>>
      %dma_wait3A_151 = arith.constant 0 : i32
      %dma_wait3A_152 = arith.constant 0 : i32
      %dma_wait3A_153 = tpu.memref_slice %arg4[%dma_wait3A_136, %arg1, %dma_wait3A_137, %dma_wait3A_151, %dma_wait3A_152] : memref<2x16x10x25x80xi32, #tpu.memory_space<hbm>> -> memref<1x1x1x25x80xi32, #tpu.memory_space<hbm>>
      %dma_wait3A_154 = tpu.memref_squeeze %dma_wait3A_153 : memref<1x1x1x25x80xi32, #tpu.memory_space<hbm>> -> memref<25x80xi32, #tpu.memory_space<hbm>>
      tpu.wait_dma2 semaphore(%arg12 : memref<!tpu.dma_semaphore, #tpu.memory_space<semaphore_mem>>) src(%dma_wait3A_154 : memref<25x80xi32, #tpu.memory_space<hbm>>) dst(%dma_wait3A_150 : memref<25x80xi32, #tpu.memory_space<vmem>>)
    } else {
    }
    %convert_element_type3A_54 = arith.extui %eq3A_44 : i1 to i32
    %cond3A_55 = arith.constant 0 : i32
    %cond3A_56 = arith.cmpi ne, %convert_element_type3A_54, %cond3A_55 : i32
    scf.if %cond3A_56 {
      %dma_start3A_117 = arith.constant 1 : i32
      %dma_start3A_118 = arith.constant 1 : i32
      %dma_start3A_119 = arith.constant 1 : i32
      %dma_start3A_120 = arith.constant 0 : i32
      %dma_start3A_121 = arith.constant 0 : i32
      %dma_start3A_122 = tpu.memref_slice %arg7[%dma_start3A_119, %dma_start3A_120, %dma_start3A_121] : memref<2x25x80xi32, #tpu.memory_space<vmem>> -> memref<1x25x80xi32, #tpu.memory_space<vmem>>
      %dma_start3A_123 = tpu.memref_squeeze %dma_start3A_122 : memref<1x25x80xi32, #tpu.memory_space<vmem>> -> memref<25x80xi32, #tpu.memory_space<vmem>>
      %dma_start3A_124 = arith.constant 0 : i32
      %dma_start3A_125 = arith.constant 0 : i32
      %dma_start3A_126 = tpu.memref_slice %arg4[%dma_start3A_117, %arg1, %dma_start3A_118, %dma_start3A_124, %dma_start3A_125] : memref<2x16x10x25x80xi32, #tpu.memory_space<hbm>> -> memref<1x1x1x25x80xi32, #tpu.memory_space<hbm>>
      %dma_start3A_127 = tpu.memref_squeeze %dma_start3A_126 : memref<1x1x1x25x80xi32, #tpu.memory_space<hbm>> -> memref<25x80xi32, #tpu.memory_space<hbm>>
      %dma_start3A_128 = arith.constant 0 : i32
      %dma_start3A_129 = arith.constant 0 : i32
      %dma_start3A_130 = tpu.memref_slice %arg7[%dma_start3A_119, %dma_start3A_128, %dma_start3A_129] : memref<2x25x80xi32, #tpu.memory_space<vmem>> -> memref<1x25x80xi32, #tpu.memory_space<vmem>>
      %dma_start3A_131 = tpu.memref_squeeze %dma_start3A_130 : memref<1x25x80xi32, #tpu.memory_space<vmem>> -> memref<25x80xi32, #tpu.memory_space<vmem>>
      %dma_start3A_132 = arith.constant 0 : i32
      %dma_start3A_133 = arith.constant 0 : i32
      %dma_start3A_134 = tpu.memref_slice %arg4[%dma_start3A_117, %arg1, %dma_start3A_118, %dma_start3A_132, %dma_start3A_133] : memref<2x16x10x25x80xi32, #tpu.memory_space<hbm>> -> memref<1x1x1x25x80xi32, #tpu.memory_space<hbm>>
      %dma_start3A_135 = tpu.memref_squeeze %dma_start3A_134 : memref<1x1x1x25x80xi32, #tpu.memory_space<hbm>> -> memref<25x80xi32, #tpu.memory_space<hbm>>
      tpu.enqueue_dma source(%dma_start3A_135 : memref<25x80xi32, #tpu.memory_space<hbm>>) target(%dma_start3A_131 : memref<25x80xi32, #tpu.memory_space<vmem>>) target_semaphore(%arg12 : memref<!tpu.dma_semaphore, #tpu.memory_space<semaphore_mem>>)
      %dma_wait3A_136 = arith.constant 1 : i32
      %dma_wait3A_137 = arith.constant 1 : i32
      %dma_wait3A_138 = arith.constant 1 : i32
      %dma_wait3A_139 = arith.constant 0 : i32
      %dma_wait3A_140 = arith.constant 0 : i32
      %dma_wait3A_141 = tpu.memref_slice %arg7[%dma_wait3A_138, %dma_wait3A_139, %dma_wait3A_140] : memref<2x25x80xi32, #tpu.memory_space<vmem>> -> memref<1x25x80xi32, #tpu.memory_space<vmem>>
      %dma_wait3A_142 = tpu.memref_squeeze %dma_wait3A_141 : memref<1x25x80xi32, #tpu.memory_space<vmem>> -> memref<25x80xi32, #tpu.memory_space<vmem>>
      %dma_wait3A_143 = arith.constant 0 : i32
      %dma_wait3A_144 = arith.constant 0 : i32
      %dma_wait3A_145 = tpu.memref_slice %arg4[%dma_wait3A_136, %arg1, %dma_wait3A_137, %dma_wait3A_143, %dma_wait3A_144] : memref<2x16x10x25x80xi32, #tpu.memory_space<hbm>> -> memref<1x1x1x25x80xi32, #tpu.memory_space<hbm>>
      %dma_wait3A_146 = tpu.memref_squeeze %dma_wait3A_145 : memref<1x1x1x25x80xi32, #tpu.memory_space<hbm>> -> memref<25x80xi32, #tpu.memory_space<hbm>>
      %dma_wait3A_147 = arith.constant 0 : i32
      %dma_wait3A_148 = arith.constant 0 : i32
      %dma_wait3A_149 = tpu.memref_slice %arg7[%dma_wait3A_138, %dma_wait3A_147, %dma_wait3A_148] : memref<2x25x80xi32, #tpu.memory_space<vmem>> -> memref<1x25x80xi32, #tpu.memory_space<vmem>>
      %dma_wait3A_150 = tpu.memref_squeeze %dma_wait3A_149 : memref<1x25x80xi32, #tpu.memory_space<vmem>> -> memref<25x80xi32, #tpu.memory_space<vmem>>
      %dma_wait3A_151 = arith.constant 0 : i32
      %dma_wait3A_152 = arith.constant 0 : i32
      %dma_wait3A_153 = tpu.memref_slice %arg4[%dma_wait3A_136, %arg1, %dma_wait3A_137, %dma_wait3A_151, %dma_wait3A_152] : memref<2x16x10x25x80xi32, #tpu.memory_space<hbm>> -> memref<1x1x1x25x80xi32, #tpu.memory_space<hbm>>
      %dma_wait3A_154 = tpu.memref_squeeze %dma_wait3A_153 : memref<1x1x1x25x80xi32, #tpu.memory_space<hbm>> -> memref<25x80xi32, #tpu.memory_space<hbm>>
      tpu.wait_dma2 semaphore(%arg12 : memref<!tpu.dma_semaphore, #tpu.memory_space<semaphore_mem>>) src(%dma_wait3A_154 : memref<25x80xi32, #tpu.memory_space<hbm>>) dst(%dma_wait3A_150 : memref<25x80xi32, #tpu.memory_space<vmem>>)
    } else {
    }
    %dma_start3A = arith.constant 0 : i32
    %dma_start3A_57 = arith.constant 0 : i32
    %dma_start3A_58 = arith.constant 0 : i32
    %dma_start3A_59 = arith.constant 0 : i32
    %dma_start3A_60 = arith.constant 0 : i32
    %dma_start3A_61 = arith.constant 0 : i32
    %dma_start3A_62 = tpu.memref_slice %arg8[%dma_start3A_58, %dma_start3A_60, %dma_start3A_61] : memref<3x80x128xf32, #tpu.memory_space<vmem>> -> memref<1x80x128xf32, #tpu.memory_space<vmem>>
    %dma_start3A_63 = tpu.memref_squeeze %dma_start3A_62 : memref<1x80x128xf32, #tpu.memory_space<vmem>> -> memref<80x128xf32, #tpu.memory_space<vmem>>
    %dma_start3A_64 = arith.constant 0 : i32
    %dma_start3A_65 = tpu.memref_slice %arg6[%dma_start3A, %dma_start3A_57, %dma_start3A_64] : memref<2x25x80xi32, #tpu.memory_space<vmem>> -> memref<1x1x80xi32, #tpu.memory_space<vmem>>
    %dma_start3A_66 = tpu.memref_squeeze %dma_start3A_65 : memref<1x1x80xi32, #tpu.memory_space<vmem>> -> memref<80xi32, #tpu.memory_space<vmem>>
    %dma_start3A_67 = arith.constant 0 : i32
    %dma_start3A_68 = arith.constant 0 : i32
    %dma_start3A_69 = tpu.memref_slice %arg2[%arg0, %dma_start3A_67, %dma_start3A_68] : memref<2x10000x128xf32, #tpu.memory_space<hbm>> -> memref<1x10000x128xf32, #tpu.memory_space<hbm>>
    %dma_start3A_70 = tpu.memref_squeeze %dma_start3A_69 : memref<1x10000x128xf32, #tpu.memory_space<hbm>> -> memref<10000x128xf32, #tpu.memory_space<hbm>>
    %dma_start3A_71 = arith.constant 0 : i32
    %dma_start3A_72 = arith.constant 0 : i32
    %dma_start3A_73 = tpu.memref_slice %dma_start3A_70[%dma_start3A_71, %dma_start3A_72] : memref<10000x128xf32, #tpu.memory_space<hbm>> -> memref<10000x128xf32, #tpu.memory_space<hbm>>
    %dma_start3A_74 = tpu.memref_slice %arg10[%dma_start3A_59] : memref<3x!tpu.dma_semaphore, #tpu.memory_space<semaphore_mem>> -> memref<1x!tpu.dma_semaphore, #tpu.memory_space<semaphore_mem>>
    %dma_start3A_75 = tpu.memref_squeeze %dma_start3A_74 : memref<1x!tpu.dma_semaphore, #tpu.memory_space<semaphore_mem>> -> memref<!tpu.dma_semaphore, #tpu.memory_space<semaphore_mem>>
    tpu.enqueue_indirect_dma source(%dma_start3A_73 : memref<10000x128xf32, #tpu.memory_space<hbm>>) target(%dma_start3A_63 : memref<80x128xf32, #tpu.memory_space<vmem>>) offsets(%dma_start3A_66 : memref<80xi32, #tpu.memory_space<vmem>>) semaphore(%dma_start3A_75 : memref<!tpu.dma_semaphore, #tpu.memory_space<semaphore_mem>>)
    %dma_start3A_76 = arith.constant 0 : i32
    %dma_start3A_77 = arith.constant 1 : i32
    %dma_start3A_78 = arith.constant 1 : i32
    %dma_start3A_79 = arith.constant 1 : i32
    %dma_start3A_80 = arith.constant 0 : i32
    %dma_start3A_81 = arith.constant 0 : i32
    %dma_start3A_82 = tpu.memref_slice %arg8[%dma_start3A_78, %dma_start3A_80, %dma_start3A_81] : memref<3x80x128xf32, #tpu.memory_space<vmem>> -> memref<1x80x128xf32, #tpu.memory_space<vmem>>
    %dma_start3A_83 = tpu.memref_squeeze %dma_start3A_82 : memref<1x80x128xf32, #tpu.memory_space<vmem>> -> memref<80x128xf32, #tpu.memory_space<vmem>>
    %dma_start3A_84 = arith.constant 0 : i32
    %dma_start3A_85 = tpu.memref_slice %arg6[%dma_start3A_76, %dma_start3A_77, %dma_start3A_84] : memref<2x25x80xi32, #tpu.memory_space<vmem>> -> memref<1x1x80xi32, #tpu.memory_space<vmem>>
    %dma_start3A_86 = tpu.memref_squeeze %dma_start3A_85 : memref<1x1x80xi32, #tpu.memory_space<vmem>> -> memref<80xi32, #tpu.memory_space<vmem>>
    %dma_start3A_87 = arith.constant 0 : i32
    %dma_start3A_88 = arith.constant 0 : i32
    %dma_start3A_89 = tpu.memref_slice %arg2[%arg0, %dma_start3A_87, %dma_start3A_88] : memref<2x10000x128xf32, #tpu.memory_space<hbm>> -> memref<1x10000x128xf32, #tpu.memory_space<hbm>>
    %dma_start3A_90 = tpu.memref_squeeze %dma_start3A_89 : memref<1x10000x128xf32, #tpu.memory_space<hbm>> -> memref<10000x128xf32, #tpu.memory_space<hbm>>
    %dma_start3A_91 = arith.constant 0 : i32
    %dma_start3A_92 = arith.constant 0 : i32
    %dma_start3A_93 = tpu.memref_slice %dma_start3A_90[%dma_start3A_91, %dma_start3A_92] : memref<10000x128xf32, #tpu.memory_space<hbm>> -> memref<10000x128xf32, #tpu.memory_space<hbm>>
    %dma_start3A_94 = tpu.memref_slice %arg10[%dma_start3A_79] : memref<3x!tpu.dma_semaphore, #tpu.memory_space<semaphore_mem>> -> memref<1x!tpu.dma_semaphore, #tpu.memory_space<semaphore_mem>>
    %dma_start3A_95 = tpu.memref_squeeze %dma_start3A_94 : memref<1x!tpu.dma_semaphore, #tpu.memory_space<semaphore_mem>> -> memref<!tpu.dma_semaphore, #tpu.memory_space<semaphore_mem>>
    tpu.enqueue_indirect_dma source(%dma_start3A_93 : memref<10000x128xf32, #tpu.memory_space<hbm>>) target(%dma_start3A_83 : memref<80x128xf32, #tpu.memory_space<vmem>>) offsets(%dma_start3A_86 : memref<80xi32, #tpu.memory_space<vmem>>) semaphore(%dma_start3A_95 : memref<!tpu.dma_semaphore, #tpu.memory_space<semaphore_mem>>)
    %scan3A_96 = arith.constant 0 : i32
    %scan3A_97 = arith.constant 250 : i32
    %scan3A_98 = arith.addi %scan3A_96, %scan3A_97 : i32
    %scan3A_99 = arith.constant 1 : i32
    scf.for %scan3A_117 = %scan3A_96 to %scan3A_98 step %scan3A_99  : i32 {
      %jit3A = arith.constant 25 : i32
      %div3A = arith.divsi %scan3A_117, %jit3A : i32
      %sign3A = arith.constant 0 : i32
      %sign3A_118 = arith.cmpi sgt, %scan3A_117, %sign3A : i32
      %sign3A_119 = arith.extui %sign3A_118 : i1 to i32
      %sign3A_120 = arith.constant 0 : i32
      %sign3A_121 = arith.cmpi slt, %scan3A_117, %sign3A_120 : i32
      %sign3A_122 = arith.extui %sign3A_121 : i1 to i32
      %sign3A_123 = arith.subi %sign3A_119, %sign3A_122 : i32
      %sign3A_124 = arith.constant 0 : i32
      %sign3A_125 = arith.cmpi sgt, %jit3A, %sign3A_124 : i32
      %sign3A_126 = arith.extui %sign3A_125 : i1 to i32
      %sign3A_127 = arith.constant 0 : i32
      %sign3A_128 = arith.cmpi slt, %jit3A, %sign3A_127 : i32
      %sign3A_129 = arith.extui %sign3A_128 : i1 to i32
      %sign3A_130 = arith.subi %sign3A_126, %sign3A_129 : i32
      %ne3A = arith.cmpi ne, %sign3A_123, %sign3A_130 : i32
      %rem3A = arith.remsi %scan3A_117, %jit3A : i32
      %ne3A_131 = arith.constant 0 : i32
      %ne3A_132 = arith.cmpi ne, %rem3A, %ne3A_131 : i32
      %and3A = arith.andi %ne3A, %ne3A_132 : i1
      %sub3A = arith.constant 1 : i32
      %sub3A_133 = arith.subi %div3A, %sub3A : i32
      %select_n3A = arith.select %and3A, %sub3A_133, %div3A : i32
      %jit3A_134 = arith.constant 25 : i32
      %eq3A_135 = arith.constant 0 : i32
      %eq3A_136 = arith.cmpi eq, %jit3A_134, %eq3A_135 : i32
      %jit3A_137 = arith.constant 1 : i32
      %select_n3A_138 = arith.select %eq3A_136, %jit3A_137, %jit3A_134 : i32
      %rem3A_139 = arith.remsi %scan3A_117, %select_n3A_138 : i32
      %ne3A_140 = arith.constant 0 : i32
      %ne3A_141 = arith.cmpi ne, %rem3A_139, %ne3A_140 : i32
      %lt3A = arith.constant 0 : i32
      %lt3A_142 = arith.cmpi slt, %rem3A_139, %lt3A : i32
      %lt3A_143 = arith.constant 0 : i32
      %lt3A_144 = arith.cmpi slt, %select_n3A_138, %lt3A_143 : i32
      %ne3A_145 = arith.xori %lt3A_142, %lt3A_144 : i1
      %and3A_146 = arith.andi %ne3A_145, %ne3A_141 : i1
      %add3A_147 = arith.addi %rem3A_139, %select_n3A_138 : i32
      %select_n3A_148 = arith.select %and3A_146, %add3A_147, %rem3A_139 : i32
      %ge3A = arith.constant 1 : i32
      %ge3A_149 = arith.cmpi sge, %select_n3A, %ge3A : i32
      %add3A_150 = arith.constant 1 : i32
      %add3A_151 = arith.addi %select_n3A, %add3A_150 : i32
      %lt3A_152 = arith.constant 10 : i32
      %lt3A_153 = arith.cmpi slt, %add3A_151, %lt3A_152 : i32
      %and3A_154 = arith.andi %ge3A_149, %lt3A_153 : i1
      %eq3A_155 = arith.constant 2 : i32
      %eq3A_156 = arith.cmpi eq, %select_n3A_148, %eq3A_155 : i32
      %and3A_157 = arith.andi %eq3A_156, %and3A_154 : i1
      %convert_element_type3A_158 = arith.extui %and3A_157 : i1 to i32
      %cond3A_159 = arith.constant 0 : i32
      %cond3A_160 = arith.cmpi ne, %convert_element_type3A_158, %cond3A_159 : i32
      scf.if %cond3A_160 {
        %add3A_329 = arith.constant 1 : i32
        %add3A_330 = arith.addi %select_n3A, %add3A_329 : i32
        %add3A_331 = arith.constant 1 : i32
        %add3A_332 = arith.addi %select_n3A, %add3A_331 : i32
        %jit3A_333 = arith.constant 2 : i32
        %eq3A_334 = arith.constant 0 : i32
        %eq3A_335 = arith.cmpi eq, %jit3A_333, %eq3A_334 : i32
        %jit3A_336 = arith.constant 1 : i32
        %select_n3A_337 = arith.select %eq3A_335, %jit3A_336, %jit3A_333 : i32
        %rem3A_338 = arith.remsi %add3A_332, %select_n3A_337 : i32
        %ne3A_339 = arith.constant 0 : i32
        %ne3A_340 = arith.cmpi ne, %rem3A_338, %ne3A_339 : i32
        %lt3A_341 = arith.constant 0 : i32
        %lt3A_342 = arith.cmpi slt, %rem3A_338, %lt3A_341 : i32
        %lt3A_343 = arith.constant 0 : i32
        %lt3A_344 = arith.cmpi slt, %select_n3A_337, %lt3A_343 : i32
        %ne3A_345 = arith.xori %lt3A_342, %lt3A_344 : i1
        %and3A_346 = arith.andi %ne3A_345, %ne3A_340 : i1
        %add3A_347 = arith.addi %rem3A_338, %select_n3A_337 : i32
        %select_n3A_348 = arith.select %and3A_346, %add3A_347, %rem3A_338 : i32
        %eq3A_349 = arith.constant 0 : i32
        %eq3A_350 = arith.cmpi eq, %arg0, %eq3A_349 : i32
        %eq3A_351 = arith.constant 1 : i32
        %eq3A_352 = arith.cmpi eq, %arg0, %eq3A_351 : i32
        %convert_element_type3A_353 = arith.extui %eq3A_350 : i1 to i32
        %cond3A_354 = arith.constant 0 : i32
        %cond3A_355 = arith.cmpi ne, %convert_element_type3A_353, %cond3A_354 : i32
        scf.if %cond3A_355 {
          %dma_start3A_365 = arith.constant 0 : i32
          %dma_start3A_366 = arith.constant 0 : i32
          %dma_start3A_367 = arith.constant 0 : i32
          %dma_start3A_368 = tpu.memref_slice %arg6[%select_n3A_348, %dma_start3A_366, %dma_start3A_367] : memref<2x25x80xi32, #tpu.memory_space<vmem>> -> memref<1x25x80xi32, #tpu.memory_space<vmem>>
          %dma_start3A_369 = tpu.memref_squeeze %dma_start3A_368 : memref<1x25x80xi32, #tpu.memory_space<vmem>> -> memref<25x80xi32, #tpu.memory_space<vmem>>
          %dma_start3A_370 = arith.constant 0 : i32
          %dma_start3A_371 = arith.constant 0 : i32
          %dma_start3A_372 = tpu.memref_slice %arg3[%dma_start3A_365, %arg1, %add3A_330, %dma_start3A_370, %dma_start3A_371] : memref<2x16x10x25x80xi32, #tpu.memory_space<hbm>> -> memref<1x1x1x25x80xi32, #tpu.memory_space<hbm>>
          %dma_start3A_373 = tpu.memref_squeeze %dma_start3A_372 : memref<1x1x1x25x80xi32, #tpu.memory_space<hbm>> -> memref<25x80xi32, #tpu.memory_space<hbm>>
          %dma_start3A_374 = arith.constant 0 : i32
          %dma_start3A_375 = arith.constant 0 : i32
          %dma_start3A_376 = tpu.memref_slice %arg6[%select_n3A_348, %dma_start3A_374, %dma_start3A_375] : memref<2x25x80xi32, #tpu.memory_space<vmem>> -> memref<1x25x80xi32, #tpu.memory_space<vmem>>
          %dma_start3A_377 = tpu.memref_squeeze %dma_start3A_376 : memref<1x25x80xi32, #tpu.memory_space<vmem>> -> memref<25x80xi32, #tpu.memory_space<vmem>>
          %dma_start3A_378 = arith.constant 0 : i32
          %dma_start3A_379 = arith.constant 0 : i32
          %dma_start3A_380 = tpu.memref_slice %arg3[%dma_start3A_365, %arg1, %add3A_330, %dma_start3A_378, %dma_start3A_379] : memref<2x16x10x25x80xi32, #tpu.memory_space<hbm>> -> memref<1x1x1x25x80xi32, #tpu.memory_space<hbm>>
          %dma_start3A_381 = tpu.memref_squeeze %dma_start3A_380 : memref<1x1x1x25x80xi32, #tpu.memory_space<hbm>> -> memref<25x80xi32, #tpu.memory_space<hbm>>
          tpu.enqueue_dma source(%dma_start3A_381 : memref<25x80xi32, #tpu.memory_space<hbm>>) target(%dma_start3A_377 : memref<25x80xi32, #tpu.memory_space<vmem>>) target_semaphore(%arg12 : memref<!tpu.dma_semaphore, #tpu.memory_space<semaphore_mem>>)
        } else {
        }
        %convert_element_type3A_356 = arith.extui %eq3A_350 : i1 to i32
        %cond3A_357 = arith.constant 0 : i32
        %cond3A_358 = arith.cmpi ne, %convert_element_type3A_356, %cond3A_357 : i32
        scf.if %cond3A_358 {
          %dma_start3A_365 = arith.constant 1 : i32
          %dma_start3A_366 = arith.constant 0 : i32
          %dma_start3A_367 = arith.constant 0 : i32
          %dma_start3A_368 = tpu.memref_slice %arg7[%select_n3A_348, %dma_start3A_366, %dma_start3A_367] : memref<2x25x80xi32, #tpu.memory_space<vmem>> -> memref<1x25x80xi32, #tpu.memory_space<vmem>>
          %dma_start3A_369 = tpu.memref_squeeze %dma_start3A_368 : memref<1x25x80xi32, #tpu.memory_space<vmem>> -> memref<25x80xi32, #tpu.memory_space<vmem>>
          %dma_start3A_370 = arith.constant 0 : i32
          %dma_start3A_371 = arith.constant 0 : i32
          %dma_start3A_372 = tpu.memref_slice %arg3[%dma_start3A_365, %arg1, %add3A_330, %dma_start3A_370, %dma_start3A_371] : memref<2x16x10x25x80xi32, #tpu.memory_space<hbm>> -> memref<1x1x1x25x80xi32, #tpu.memory_space<hbm>>
          %dma_start3A_373 = tpu.memref_squeeze %dma_start3A_372 : memref<1x1x1x25x80xi32, #tpu.memory_space<hbm>> -> memref<25x80xi32, #tpu.memory_space<hbm>>
          %dma_start3A_374 = arith.constant 0 : i32
          %dma_start3A_375 = arith.constant 0 : i32
          %dma_start3A_376 = tpu.memref_slice %arg7[%select_n3A_348, %dma_start3A_374, %dma_start3A_375] : memref<2x25x80xi32, #tpu.memory_space<vmem>> -> memref<1x25x80xi32, #tpu.memory_space<vmem>>
          %dma_start3A_377 = tpu.memref_squeeze %dma_start3A_376 : memref<1x25x80xi32, #tpu.memory_space<vmem>> -> memref<25x80xi32, #tpu.memory_space<vmem>>
          %dma_start3A_378 = arith.constant 0 : i32
          %dma_start3A_379 = arith.constant 0 : i32
          %dma_start3A_380 = tpu.memref_slice %arg3[%dma_start3A_365, %arg1, %add3A_330, %dma_start3A_378, %dma_start3A_379] : memref<2x16x10x25x80xi32, #tpu.memory_space<hbm>> -> memref<1x1x1x25x80xi32, #tpu.memory_space<hbm>>
          %dma_start3A_381 = tpu.memref_squeeze %dma_start3A_380 : memref<1x1x1x25x80xi32, #tpu.memory_space<hbm>> -> memref<25x80xi32, #tpu.memory_space<hbm>>
          tpu.enqueue_dma source(%dma_start3A_381 : memref<25x80xi32, #tpu.memory_space<hbm>>) target(%dma_start3A_377 : memref<25x80xi32, #tpu.memory_space<vmem>>) target_semaphore(%arg12 : memref<!tpu.dma_semaphore, #tpu.memory_space<semaphore_mem>>)
        } else {
        }
        %convert_element_type3A_359 = arith.extui %eq3A_352 : i1 to i32
        %cond3A_360 = arith.constant 0 : i32
        %cond3A_361 = arith.cmpi ne, %convert_element_type3A_359, %cond3A_360 : i32
        scf.if %cond3A_361 {
          %dma_start3A_365 = arith.constant 0 : i32
          %dma_start3A_366 = arith.constant 0 : i32
          %dma_start3A_367 = arith.constant 0 : i32
          %dma_start3A_368 = tpu.memref_slice %arg6[%select_n3A_348, %dma_start3A_366, %dma_start3A_367] : memref<2x25x80xi32, #tpu.memory_space<vmem>> -> memref<1x25x80xi32, #tpu.memory_space<vmem>>
          %dma_start3A_369 = tpu.memref_squeeze %dma_start3A_368 : memref<1x25x80xi32, #tpu.memory_space<vmem>> -> memref<25x80xi32, #tpu.memory_space<vmem>>
          %dma_start3A_370 = arith.constant 0 : i32
          %dma_start3A_371 = arith.constant 0 : i32
          %dma_start3A_372 = tpu.memref_slice %arg4[%dma_start3A_365, %arg1, %add3A_330, %dma_start3A_370, %dma_start3A_371] : memref<2x16x10x25x80xi32, #tpu.memory_space<hbm>> -> memref<1x1x1x25x80xi32, #tpu.memory_space<hbm>>
          %dma_start3A_373 = tpu.memref_squeeze %dma_start3A_372 : memref<1x1x1x25x80xi32, #tpu.memory_space<hbm>> -> memref<25x80xi32, #tpu.memory_space<hbm>>
          %dma_start3A_374 = arith.constant 0 : i32
          %dma_start3A_375 = arith.constant 0 : i32
          %dma_start3A_376 = tpu.memref_slice %arg6[%select_n3A_348, %dma_start3A_374, %dma_start3A_375] : memref<2x25x80xi32, #tpu.memory_space<vmem>> -> memref<1x25x80xi32, #tpu.memory_space<vmem>>
          %dma_start3A_377 = tpu.memref_squeeze %dma_start3A_376 : memref<1x25x80xi32, #tpu.memory_space<vmem>> -> memref<25x80xi32, #tpu.memory_space<vmem>>
          %dma_start3A_378 = arith.constant 0 : i32
          %dma_start3A_379 = arith.constant 0 : i32
          %dma_start3A_380 = tpu.memref_slice %arg4[%dma_start3A_365, %arg1, %add3A_330, %dma_start3A_378, %dma_start3A_379] : memref<2x16x10x25x80xi32, #tpu.memory_space<hbm>> -> memref<1x1x1x25x80xi32, #tpu.memory_space<hbm>>
          %dma_start3A_381 = tpu.memref_squeeze %dma_start3A_380 : memref<1x1x1x25x80xi32, #tpu.memory_space<hbm>> -> memref<25x80xi32, #tpu.memory_space<hbm>>
          tpu.enqueue_dma source(%dma_start3A_381 : memref<25x80xi32, #tpu.memory_space<hbm>>) target(%dma_start3A_377 : memref<25x80xi32, #tpu.memory_space<vmem>>) target_semaphore(%arg12 : memref<!tpu.dma_semaphore, #tpu.memory_space<semaphore_mem>>)
        } else {
        }
        %convert_element_type3A_362 = arith.extui %eq3A_352 : i1 to i32
        %cond3A_363 = arith.constant 0 : i32
        %cond3A_364 = arith.cmpi ne, %convert_element_type3A_362, %cond3A_363 : i32
        scf.if %cond3A_364 {
          %dma_start3A_365 = arith.constant 1 : i32
          %dma_start3A_366 = arith.constant 0 : i32
          %dma_start3A_367 = arith.constant 0 : i32
          %dma_start3A_368 = tpu.memref_slice %arg7[%select_n3A_348, %dma_start3A_366, %dma_start3A_367] : memref<2x25x80xi32, #tpu.memory_space<vmem>> -> memref<1x25x80xi32, #tpu.memory_space<vmem>>
          %dma_start3A_369 = tpu.memref_squeeze %dma_start3A_368 : memref<1x25x80xi32, #tpu.memory_space<vmem>> -> memref<25x80xi32, #tpu.memory_space<vmem>>
          %dma_start3A_370 = arith.constant 0 : i32
          %dma_start3A_371 = arith.constant 0 : i32
          %dma_start3A_372 = tpu.memref_slice %arg4[%dma_start3A_365, %arg1, %add3A_330, %dma_start3A_370, %dma_start3A_371] : memref<2x16x10x25x80xi32, #tpu.memory_space<hbm>> -> memref<1x1x1x25x80xi32, #tpu.memory_space<hbm>>
          %dma_start3A_373 = tpu.memref_squeeze %dma_start3A_372 : memref<1x1x1x25x80xi32, #tpu.memory_space<hbm>> -> memref<25x80xi32, #tpu.memory_space<hbm>>
          %dma_start3A_374 = arith.constant 0 : i32
          %dma_start3A_375 = arith.constant 0 : i32
          %dma_start3A_376 = tpu.memref_slice %arg7[%select_n3A_348, %dma_start3A_374, %dma_start3A_375] : memref<2x25x80xi32, #tpu.memory_space<vmem>> -> memref<1x25x80xi32, #tpu.memory_space<vmem>>
          %dma_start3A_377 = tpu.memref_squeeze %dma_start3A_376 : memref<1x25x80xi32, #tpu.memory_space<vmem>> -> memref<25x80xi32, #tpu.memory_space<vmem>>
          %dma_start3A_378 = arith.constant 0 : i32
          %dma_start3A_379 = arith.constant 0 : i32
          %dma_start3A_380 = tpu.memref_slice %arg4[%dma_start3A_365, %arg1, %add3A_330, %dma_start3A_378, %dma_start3A_379] : memref<2x16x10x25x80xi32, #tpu.memory_space<hbm>> -> memref<1x1x1x25x80xi32, #tpu.memory_space<hbm>>
          %dma_start3A_381 = tpu.memref_squeeze %dma_start3A_380 : memref<1x1x1x25x80xi32, #tpu.memory_space<hbm>> -> memref<25x80xi32, #tpu.memory_space<hbm>>
          tpu.enqueue_dma source(%dma_start3A_381 : memref<25x80xi32, #tpu.memory_space<hbm>>) target(%dma_start3A_377 : memref<25x80xi32, #tpu.memory_space<vmem>>) target_semaphore(%arg12 : memref<!tpu.dma_semaphore, #tpu.memory_space<semaphore_mem>>)
        } else {
        }
      } else {
      }
      %ge3A_161 = arith.constant 1 : i32
      %ge3A_162 = arith.cmpi sge, %scan3A_117, %ge3A_161 : i32
      %convert_element_type3A_163 = arith.extui %ge3A_162 : i1 to i32
      %cond3A_164 = arith.constant 0 : i32
      %cond3A_165 = arith.cmpi ne, %convert_element_type3A_163, %cond3A_164 : i32
      scf.if %cond3A_165 {
        %add3A_329 = arith.constant 2 : i32
        %add3A_330 = arith.addi %scan3A_117, %add3A_329 : i32
        %jit3A_331 = arith.constant 3 : i32
        %eq3A_332 = arith.constant 0 : i32
        %eq3A_333 = arith.cmpi eq, %jit3A_331, %eq3A_332 : i32
        %jit3A_334 = arith.constant 1 : i32
        %select_n3A_335 = arith.select %eq3A_333, %jit3A_334, %jit3A_331 : i32
        %rem3A_336 = arith.remsi %add3A_330, %select_n3A_335 : i32
        %ne3A_337 = arith.constant 0 : i32
        %ne3A_338 = arith.cmpi ne, %rem3A_336, %ne3A_337 : i32
        %lt3A_339 = arith.constant 0 : i32
        %lt3A_340 = arith.cmpi slt, %rem3A_336, %lt3A_339 : i32
        %lt3A_341 = arith.constant 0 : i32
        %lt3A_342 = arith.cmpi slt, %select_n3A_335, %lt3A_341 : i32
        %ne3A_343 = arith.xori %lt3A_340, %lt3A_342 : i1
        %and3A_344 = arith.andi %ne3A_343, %ne3A_338 : i1
        %add3A_345 = arith.addi %rem3A_336, %select_n3A_335 : i32
        %select_n3A_346 = arith.select %and3A_344, %add3A_345, %rem3A_336 : i32
        %dma_wait3A_347 = arith.constant 0 : i32
        %dma_wait3A_348 = arith.constant 0 : i32
        %dma_wait3A_349 = arith.constant 0 : i32
        %dma_wait3A_350 = arith.constant 0 : i32
        %dma_wait3A_351 = tpu.memref_slice %arg8[%select_n3A_346, %dma_wait3A_349, %dma_wait3A_350] : memref<3x80x128xf32, #tpu.memory_space<vmem>> -> memref<1x80x128xf32, #tpu.memory_space<vmem>>
        %dma_wait3A_352 = tpu.memref_squeeze %dma_wait3A_351 : memref<1x80x128xf32, #tpu.memory_space<vmem>> -> memref<80x128xf32, #tpu.memory_space<vmem>>
        %dma_wait3A_353 = arith.constant 0 : i32
        %dma_wait3A_354 = tpu.memref_slice %arg7[%dma_wait3A_347, %dma_wait3A_348, %dma_wait3A_353] : memref<2x25x80xi32, #tpu.memory_space<vmem>> -> memref<1x1x80xi32, #tpu.memory_space<vmem>>
        %dma_wait3A_355 = tpu.memref_squeeze %dma_wait3A_354 : memref<1x1x80xi32, #tpu.memory_space<vmem>> -> memref<80xi32, #tpu.memory_space<vmem>>
        %dma_wait3A_356 = arith.constant 0 : i32
        %dma_wait3A_357 = arith.constant 0 : i32
        %dma_wait3A_358 = tpu.memref_slice %arg9[%dma_wait3A_356, %dma_wait3A_357] : memref<10112x128xf32, #tpu.memory_space<vmem_shared>> -> memref<10112x128xf32, #tpu.memory_space<vmem_shared>>
        %dma_wait3A_359 = tpu.memref_slice %arg11[%select_n3A_346] : memref<3x!tpu.dma_semaphore, #tpu.memory_space<semaphore_mem>> -> memref<1x!tpu.dma_semaphore, #tpu.memory_space<semaphore_mem>>
        %dma_wait3A_360 = tpu.memref_squeeze %dma_wait3A_359 : memref<1x!tpu.dma_semaphore, #tpu.memory_space<semaphore_mem>> -> memref<!tpu.dma_semaphore, #tpu.memory_space<semaphore_mem>>
        tpu.wait_indirect_dma semaphore(%dma_wait3A_360 : memref<!tpu.dma_semaphore, #tpu.memory_space<semaphore_mem>>) src(%dma_wait3A_352 : memref<80x128xf32, #tpu.memory_space<vmem>>) dst(%dma_wait3A_358 : memref<10112x128xf32, #tpu.memory_space<vmem_shared>>)
      } else {
      }
      %eq3A_166 = arith.constant 23 : i32
      %eq3A_167 = arith.cmpi eq, %select_n3A_148, %eq3A_166 : i32
      %and3A_168 = arith.andi %eq3A_167, %and3A_154 : i1
      %convert_element_type3A_169 = arith.extui %and3A_168 : i1 to i32
      %cond3A_170 = arith.constant 0 : i32
      %cond3A_171 = arith.cmpi ne, %convert_element_type3A_169, %cond3A_170 : i32
      scf.if %cond3A_171 {
        %dma_wait3A_329 = arith.constant 0 : i32
        %dma_wait3A_330 = arith.constant 0 : i32
        %dma_wait3A_331 = arith.constant 0 : i32
        %dma_wait3A_332 = arith.constant 0 : i32
        %dma_wait3A_333 = arith.constant 0 : i32
        %dma_wait3A_334 = arith.constant 0 : i32
        %dma_wait3A_335 = tpu.memref_slice %arg6[%dma_wait3A_332, %dma_wait3A_333, %dma_wait3A_334] : memref<2x25x80xi32, #tpu.memory_space<vmem>> -> memref<1x25x80xi32, #tpu.memory_space<vmem>>
        %dma_wait3A_336 = tpu.memref_squeeze %dma_wait3A_335 : memref<1x25x80xi32, #tpu.memory_space<vmem>> -> memref<25x80xi32, #tpu.memory_space<vmem>>
        %dma_wait3A_337 = arith.constant 0 : i32
        %dma_wait3A_338 = arith.constant 0 : i32
        %dma_wait3A_339 = tpu.memref_slice %arg3[%dma_wait3A_329, %dma_wait3A_330, %dma_wait3A_331, %dma_wait3A_337, %dma_wait3A_338] : memref<2x16x10x25x80xi32, #tpu.memory_space<hbm>> -> memref<1x1x1x25x80xi32, #tpu.memory_space<hbm>>
        %dma_wait3A_340 = tpu.memref_squeeze %dma_wait3A_339 : memref<1x1x1x25x80xi32, #tpu.memory_space<hbm>> -> memref<25x80xi32, #tpu.memory_space<hbm>>
        %dma_wait3A_341 = arith.constant 0 : i32
        %dma_wait3A_342 = arith.constant 0 : i32
        %dma_wait3A_343 = tpu.memref_slice %arg6[%dma_wait3A_332, %dma_wait3A_341, %dma_wait3A_342] : memref<2x25x80xi32, #tpu.memory_space<vmem>> -> memref<1x25x80xi32, #tpu.memory_space<vmem>>
        %dma_wait3A_344 = tpu.memref_squeeze %dma_wait3A_343 : memref<1x25x80xi32, #tpu.memory_space<vmem>> -> memref<25x80xi32, #tpu.memory_space<vmem>>
        %dma_wait3A_345 = arith.constant 0 : i32
        %dma_wait3A_346 = arith.constant 0 : i32
        %dma_wait3A_347 = tpu.memref_slice %arg3[%dma_wait3A_329, %dma_wait3A_330, %dma_wait3A_331, %dma_wait3A_345, %dma_wait3A_346] : memref<2x16x10x25x80xi32, #tpu.memory_space<hbm>> -> memref<1x1x1x25x80xi32, #tpu.memory_space<hbm>>
        %dma_wait3A_348 = tpu.memref_squeeze %dma_wait3A_347 : memref<1x1x1x25x80xi32, #tpu.memory_space<hbm>> -> memref<25x80xi32, #tpu.memory_space<hbm>>
        tpu.wait_dma2 semaphore(%arg12 : memref<!tpu.dma_semaphore, #tpu.memory_space<semaphore_mem>>) src(%dma_wait3A_348 : memref<25x80xi32, #tpu.memory_space<hbm>>) dst(%dma_wait3A_344 : memref<25x80xi32, #tpu.memory_space<vmem>>)
        %dma_wait3A_349 = arith.constant 0 : i32
        %dma_wait3A_350 = arith.constant 0 : i32
        %dma_wait3A_351 = arith.constant 0 : i32
        %dma_wait3A_352 = arith.constant 0 : i32
        %dma_wait3A_353 = arith.constant 0 : i32
        %dma_wait3A_354 = arith.constant 0 : i32
        %dma_wait3A_355 = tpu.memref_slice %arg7[%dma_wait3A_352, %dma_wait3A_353, %dma_wait3A_354] : memref<2x25x80xi32, #tpu.memory_space<vmem>> -> memref<1x25x80xi32, #tpu.memory_space<vmem>>
        %dma_wait3A_356 = tpu.memref_squeeze %dma_wait3A_355 : memref<1x25x80xi32, #tpu.memory_space<vmem>> -> memref<25x80xi32, #tpu.memory_space<vmem>>
        %dma_wait3A_357 = arith.constant 0 : i32
        %dma_wait3A_358 = arith.constant 0 : i32
        %dma_wait3A_359 = tpu.memref_slice %arg3[%dma_wait3A_349, %dma_wait3A_350, %dma_wait3A_351, %dma_wait3A_357, %dma_wait3A_358] : memref<2x16x10x25x80xi32, #tpu.memory_space<hbm>> -> memref<1x1x1x25x80xi32, #tpu.memory_space<hbm>>
        %dma_wait3A_360 = tpu.memref_squeeze %dma_wait3A_359 : memref<1x1x1x25x80xi32, #tpu.memory_space<hbm>> -> memref<25x80xi32, #tpu.memory_space<hbm>>
        %dma_wait3A_361 = arith.constant 0 : i32
        %dma_wait3A_362 = arith.constant 0 : i32
        %dma_wait3A_363 = tpu.memref_slice %arg7[%dma_wait3A_352, %dma_wait3A_361, %dma_wait3A_362] : memref<2x25x80xi32, #tpu.memory_space<vmem>> -> memref<1x25x80xi32, #tpu.memory_space<vmem>>
        %dma_wait3A_364 = tpu.memref_squeeze %dma_wait3A_363 : memref<1x25x80xi32, #tpu.memory_space<vmem>> -> memref<25x80xi32, #tpu.memory_space<vmem>>
        %dma_wait3A_365 = arith.constant 0 : i32
        %dma_wait3A_366 = arith.constant 0 : i32
        %dma_wait3A_367 = tpu.memref_slice %arg3[%dma_wait3A_349, %dma_wait3A_350, %dma_wait3A_351, %dma_wait3A_365, %dma_wait3A_366] : memref<2x16x10x25x80xi32, #tpu.memory_space<hbm>> -> memref<1x1x1x25x80xi32, #tpu.memory_space<hbm>>
        %dma_wait3A_368 = tpu.memref_squeeze %dma_wait3A_367 : memref<1x1x1x25x80xi32, #tpu.memory_space<hbm>> -> memref<25x80xi32, #tpu.memory_space<hbm>>
        tpu.wait_dma2 semaphore(%arg12 : memref<!tpu.dma_semaphore, #tpu.memory_space<semaphore_mem>>) src(%dma_wait3A_368 : memref<25x80xi32, #tpu.memory_space<hbm>>) dst(%dma_wait3A_364 : memref<25x80xi32, #tpu.memory_space<vmem>>)
      } else {
      }
      %add3A_172 = arith.constant 2 : i32
      %add3A_173 = arith.addi %scan3A_117, %add3A_172 : i32
      %lt3A_174 = arith.constant 250 : i32
      %lt3A_175 = arith.cmpi slt, %add3A_173, %lt3A_174 : i32
      %convert_element_type3A_176 = arith.extui %lt3A_175 : i1 to i32
      %cond3A_177 = arith.constant 0 : i32
      %cond3A_178 = arith.cmpi ne, %convert_element_type3A_176, %cond3A_177 : i32
      scf.if %cond3A_178 {
        %add3A_329 = arith.constant 2 : i32
        %add3A_330 = arith.addi %scan3A_117, %add3A_329 : i32
        %jit3A_331 = arith.constant 25 : i32
        %div3A_332 = arith.divsi %add3A_330, %jit3A_331 : i32
        %sign3A_333 = arith.constant 0 : i32
        %sign3A_334 = arith.cmpi sgt, %add3A_330, %sign3A_333 : i32
        %sign3A_335 = arith.extui %sign3A_334 : i1 to i32
        %sign3A_336 = arith.constant 0 : i32
        %sign3A_337 = arith.cmpi slt, %add3A_330, %sign3A_336 : i32
        %sign3A_338 = arith.extui %sign3A_337 : i1 to i32
        %sign3A_339 = arith.subi %sign3A_335, %sign3A_338 : i32
        %sign3A_340 = arith.constant 0 : i32
        %sign3A_341 = arith.cmpi sgt, %jit3A_331, %sign3A_340 : i32
        %sign3A_342 = arith.extui %sign3A_341 : i1 to i32
        %sign3A_343 = arith.constant 0 : i32
        %sign3A_344 = arith.cmpi slt, %jit3A_331, %sign3A_343 : i32
        %sign3A_345 = arith.extui %sign3A_344 : i1 to i32
        %sign3A_346 = arith.subi %sign3A_342, %sign3A_345 : i32
        %ne3A_347 = arith.cmpi ne, %sign3A_339, %sign3A_346 : i32
        %rem3A_348 = arith.remsi %add3A_330, %jit3A_331 : i32
        %ne3A_349 = arith.constant 0 : i32
        %ne3A_350 = arith.cmpi ne, %rem3A_348, %ne3A_349 : i32
        %and3A_351 = arith.andi %ne3A_347, %ne3A_350 : i1
        %sub3A_352 = arith.constant 1 : i32
        %sub3A_353 = arith.subi %div3A_332, %sub3A_352 : i32
        %select_n3A_354 = arith.select %and3A_351, %sub3A_353, %div3A_332 : i32
        %jit3A_355 = arith.constant 2 : i32
        %eq3A_356 = arith.constant 0 : i32
        %eq3A_357 = arith.cmpi eq, %jit3A_355, %eq3A_356 : i32
        %jit3A_358 = arith.constant 1 : i32
        %select_n3A_359 = arith.select %eq3A_357, %jit3A_358, %jit3A_355 : i32
        %rem3A_360 = arith.remsi %select_n3A_354, %select_n3A_359 : i32
        %ne3A_361 = arith.constant 0 : i32
        %ne3A_362 = arith.cmpi ne, %rem3A_360, %ne3A_361 : i32
        %lt3A_363 = arith.constant 0 : i32
        %lt3A_364 = arith.cmpi slt, %rem3A_360, %lt3A_363 : i32
        %lt3A_365 = arith.constant 0 : i32
        %lt3A_366 = arith.cmpi slt, %select_n3A_359, %lt3A_365 : i32
        %ne3A_367 = arith.xori %lt3A_364, %lt3A_366 : i1
        %and3A_368 = arith.andi %ne3A_367, %ne3A_362 : i1
        %add3A_369 = arith.addi %rem3A_360, %select_n3A_359 : i32
        %select_n3A_370 = arith.select %and3A_368, %add3A_369, %rem3A_360 : i32
        %jit3A_371 = arith.constant 25 : i32
        %eq3A_372 = arith.constant 0 : i32
        %eq3A_373 = arith.cmpi eq, %jit3A_371, %eq3A_372 : i32
        %jit3A_374 = arith.constant 1 : i32
        %select_n3A_375 = arith.select %eq3A_373, %jit3A_374, %jit3A_371 : i32
        %rem3A_376 = arith.remsi %add3A_330, %select_n3A_375 : i32
        %ne3A_377 = arith.constant 0 : i32
        %ne3A_378 = arith.cmpi ne, %rem3A_376, %ne3A_377 : i32
        %lt3A_379 = arith.constant 0 : i32
        %lt3A_380 = arith.cmpi slt, %rem3A_376, %lt3A_379 : i32
        %lt3A_381 = arith.constant 0 : i32
        %lt3A_382 = arith.cmpi slt, %select_n3A_375, %lt3A_381 : i32
        %ne3A_383 = arith.xori %lt3A_380, %lt3A_382 : i1
        %and3A_384 = arith.andi %ne3A_383, %ne3A_378 : i1
        %add3A_385 = arith.addi %rem3A_376, %select_n3A_375 : i32
        %select_n3A_386 = arith.select %and3A_384, %add3A_385, %rem3A_376 : i32
        %jit3A_387 = arith.constant 3 : i32
        %eq3A_388 = arith.constant 0 : i32
        %eq3A_389 = arith.cmpi eq, %jit3A_387, %eq3A_388 : i32
        %jit3A_390 = arith.constant 1 : i32
        %select_n3A_391 = arith.select %eq3A_389, %jit3A_390, %jit3A_387 : i32
        %rem3A_392 = arith.remsi %add3A_330, %select_n3A_391 : i32
        %ne3A_393 = arith.constant 0 : i32
        %ne3A_394 = arith.cmpi ne, %rem3A_392, %ne3A_393 : i32
        %lt3A_395 = arith.constant 0 : i32
        %lt3A_396 = arith.cmpi slt, %rem3A_392, %lt3A_395 : i32
        %lt3A_397 = arith.constant 0 : i32
        %lt3A_398 = arith.cmpi slt, %select_n3A_391, %lt3A_397 : i32
        %ne3A_399 = arith.xori %lt3A_396, %lt3A_398 : i1
        %and3A_400 = arith.andi %ne3A_399, %ne3A_394 : i1
        %add3A_401 = arith.addi %rem3A_392, %select_n3A_391 : i32
        %select_n3A_402 = arith.select %and3A_400, %add3A_401, %rem3A_392 : i32
        %jit3A_403 = arith.constant 3 : i32
        %eq3A_404 = arith.constant 0 : i32
        %eq3A_405 = arith.cmpi eq, %jit3A_403, %eq3A_404 : i32
        %jit3A_406 = arith.constant 1 : i32
        %select_n3A_407 = arith.select %eq3A_405, %jit3A_406, %jit3A_403 : i32
        %rem3A_408 = arith.remsi %add3A_330, %select_n3A_407 : i32
        %ne3A_409 = arith.constant 0 : i32
        %ne3A_410 = arith.cmpi ne, %rem3A_408, %ne3A_409 : i32
        %lt3A_411 = arith.constant 0 : i32
        %lt3A_412 = arith.cmpi slt, %rem3A_408, %lt3A_411 : i32
        %lt3A_413 = arith.constant 0 : i32
        %lt3A_414 = arith.cmpi slt, %select_n3A_407, %lt3A_413 : i32
        %ne3A_415 = arith.xori %lt3A_412, %lt3A_414 : i1
        %and3A_416 = arith.andi %ne3A_415, %ne3A_410 : i1
        %add3A_417 = arith.addi %rem3A_408, %select_n3A_407 : i32
        %select_n3A_418 = arith.select %and3A_416, %add3A_417, %rem3A_408 : i32
        %dma_start3A_419 = arith.constant 0 : i32
        %dma_start3A_420 = arith.constant 0 : i32
        %dma_start3A_421 = tpu.memref_slice %arg8[%select_n3A_402, %dma_start3A_419, %dma_start3A_420] : memref<3x80x128xf32, #tpu.memory_space<vmem>> -> memref<1x80x128xf32, #tpu.memory_space<vmem>>
        %dma_start3A_422 = tpu.memref_squeeze %dma_start3A_421 : memref<1x80x128xf32, #tpu.memory_space<vmem>> -> memref<80x128xf32, #tpu.memory_space<vmem>>
        %dma_start3A_423 = arith.constant 0 : i32
        %dma_start3A_424 = tpu.memref_slice %arg6[%select_n3A_370, %select_n3A_386, %dma_start3A_423] : memref<2x25x80xi32, #tpu.memory_space<vmem>> -> memref<1x1x80xi32, #tpu.memory_space<vmem>>
        %dma_start3A_425 = tpu.memref_squeeze %dma_start3A_424 : memref<1x1x80xi32, #tpu.memory_space<vmem>> -> memref<80xi32, #tpu.memory_space<vmem>>
        %dma_start3A_426 = arith.constant 0 : i32
        %dma_start3A_427 = arith.constant 0 : i32
        %dma_start3A_428 = tpu.memref_slice %arg2[%arg0, %dma_start3A_426, %dma_start3A_427] : memref<2x10000x128xf32, #tpu.memory_space<hbm>> -> memref<1x10000x128xf32, #tpu.memory_space<hbm>>
        %dma_start3A_429 = tpu.memref_squeeze %dma_start3A_428 : memref<1x10000x128xf32, #tpu.memory_space<hbm>> -> memref<10000x128xf32, #tpu.memory_space<hbm>>
        %dma_start3A_430 = arith.constant 0 : i32
        %dma_start3A_431 = arith.constant 0 : i32
        %dma_start3A_432 = tpu.memref_slice %dma_start3A_429[%dma_start3A_430, %dma_start3A_431] : memref<10000x128xf32, #tpu.memory_space<hbm>> -> memref<10000x128xf32, #tpu.memory_space<hbm>>
        %dma_start3A_433 = tpu.memref_slice %arg10[%select_n3A_418] : memref<3x!tpu.dma_semaphore, #tpu.memory_space<semaphore_mem>> -> memref<1x!tpu.dma_semaphore, #tpu.memory_space<semaphore_mem>>
        %dma_start3A_434 = tpu.memref_squeeze %dma_start3A_433 : memref<1x!tpu.dma_semaphore, #tpu.memory_space<semaphore_mem>> -> memref<!tpu.dma_semaphore, #tpu.memory_space<semaphore_mem>>
        tpu.enqueue_indirect_dma source(%dma_start3A_432 : memref<10000x128xf32, #tpu.memory_space<hbm>>) target(%dma_start3A_422 : memref<80x128xf32, #tpu.memory_space<vmem>>) offsets(%dma_start3A_425 : memref<80xi32, #tpu.memory_space<vmem>>) semaphore(%dma_start3A_434 : memref<!tpu.dma_semaphore, #tpu.memory_space<semaphore_mem>>)
      } else {
      }
      %jit3A_179 = arith.constant 3 : i32
      %eq3A_180 = arith.constant 0 : i32
      %eq3A_181 = arith.cmpi eq, %jit3A_179, %eq3A_180 : i32
      %jit3A_182 = arith.constant 1 : i32
      %select_n3A_183 = arith.select %eq3A_181, %jit3A_182, %jit3A_179 : i32
      %rem3A_184 = arith.remsi %scan3A_117, %select_n3A_183 : i32
      %ne3A_185 = arith.constant 0 : i32
      %ne3A_186 = arith.cmpi ne, %rem3A_184, %ne3A_185 : i32
      %lt3A_187 = arith.constant 0 : i32
      %lt3A_188 = arith.cmpi slt, %rem3A_184, %lt3A_187 : i32
      %lt3A_189 = arith.constant 0 : i32
      %lt3A_190 = arith.cmpi slt, %select_n3A_183, %lt3A_189 : i32
      %ne3A_191 = arith.xori %lt3A_188, %lt3A_190 : i1
      %and3A_192 = arith.andi %ne3A_191, %ne3A_186 : i1
      %add3A_193 = arith.addi %rem3A_184, %select_n3A_183 : i32
      %select_n3A_194 = arith.select %and3A_192, %add3A_193, %rem3A_184 : i32
      %jit3A_195 = arith.constant 3 : i32
      %eq3A_196 = arith.constant 0 : i32
      %eq3A_197 = arith.cmpi eq, %jit3A_195, %eq3A_196 : i32
      %jit3A_198 = arith.constant 1 : i32
      %select_n3A_199 = arith.select %eq3A_197, %jit3A_198, %jit3A_195 : i32
      %rem3A_200 = arith.remsi %scan3A_117, %select_n3A_199 : i32
      %ne3A_201 = arith.constant 0 : i32
      %ne3A_202 = arith.cmpi ne, %rem3A_200, %ne3A_201 : i32
      %lt3A_203 = arith.constant 0 : i32
      %lt3A_204 = arith.cmpi slt, %rem3A_200, %lt3A_203 : i32
      %lt3A_205 = arith.constant 0 : i32
      %lt3A_206 = arith.cmpi slt, %select_n3A_199, %lt3A_205 : i32
      %ne3A_207 = arith.xori %lt3A_204, %lt3A_206 : i1
      %and3A_208 = arith.andi %ne3A_207, %ne3A_202 : i1
      %add3A_209 = arith.addi %rem3A_200, %select_n3A_199 : i32
      %select_n3A_210 = arith.select %and3A_208, %add3A_209, %rem3A_200 : i32
      %dma_wait3A_211 = arith.constant 0 : i32
      %dma_wait3A_212 = arith.constant 0 : i32
      %dma_wait3A_213 = arith.constant 0 : i32
      %dma_wait3A_214 = arith.constant 0 : i32
      %dma_wait3A_215 = tpu.memref_slice %arg8[%select_n3A_194, %dma_wait3A_213, %dma_wait3A_214] : memref<3x80x128xf32, #tpu.memory_space<vmem>> -> memref<1x80x128xf32, #tpu.memory_space<vmem>>
      %dma_wait3A_216 = tpu.memref_squeeze %dma_wait3A_215 : memref<1x80x128xf32, #tpu.memory_space<vmem>> -> memref<80x128xf32, #tpu.memory_space<vmem>>
      %dma_wait3A_217 = arith.constant 0 : i32
      %dma_wait3A_218 = tpu.memref_slice %arg6[%dma_wait3A_211, %dma_wait3A_212, %dma_wait3A_217] : memref<2x25x80xi32, #tpu.memory_space<vmem>> -> memref<1x1x80xi32, #tpu.memory_space<vmem>>
      %dma_wait3A_219 = tpu.memref_squeeze %dma_wait3A_218 : memref<1x1x80xi32, #tpu.memory_space<vmem>> -> memref<80xi32, #tpu.memory_space<vmem>>
      %dma_wait3A_220 = arith.constant 0 : i32
      %dma_wait3A_221 = arith.constant 0 : i32
      %dma_wait3A_222 = tpu.memref_slice %arg2[%arg0, %dma_wait3A_220, %dma_wait3A_221] : memref<2x10000x128xf32, #tpu.memory_space<hbm>> -> memref<1x10000x128xf32, #tpu.memory_space<hbm>>
      %dma_wait3A_223 = tpu.memref_squeeze %dma_wait3A_222 : memref<1x10000x128xf32, #tpu.memory_space<hbm>> -> memref<10000x128xf32, #tpu.memory_space<hbm>>
      %dma_wait3A_224 = arith.constant 0 : i32
      %dma_wait3A_225 = arith.constant 0 : i32
      %dma_wait3A_226 = tpu.memref_slice %dma_wait3A_223[%dma_wait3A_224, %dma_wait3A_225] : memref<10000x128xf32, #tpu.memory_space<hbm>> -> memref<10000x128xf32, #tpu.memory_space<hbm>>
      %dma_wait3A_227 = tpu.memref_slice %arg10[%select_n3A_210] : memref<3x!tpu.dma_semaphore, #tpu.memory_space<semaphore_mem>> -> memref<1x!tpu.dma_semaphore, #tpu.memory_space<semaphore_mem>>
      %dma_wait3A_228 = tpu.memref_squeeze %dma_wait3A_227 : memref<1x!tpu.dma_semaphore, #tpu.memory_space<semaphore_mem>> -> memref<!tpu.dma_semaphore, #tpu.memory_space<semaphore_mem>>
      tpu.wait_indirect_dma semaphore(%dma_wait3A_228 : memref<!tpu.dma_semaphore, #tpu.memory_space<semaphore_mem>>) src(%dma_wait3A_226 : memref<10000x128xf32, #tpu.memory_space<hbm>>) dst(%dma_wait3A_216 : memref<80x128xf32, #tpu.memory_space<vmem>>)
      %jit3A_229 = arith.constant 25 : i32
      %div3A_230 = arith.divsi %scan3A_117, %jit3A_229 : i32
      %sign3A_231 = arith.constant 0 : i32
      %sign3A_232 = arith.cmpi sgt, %scan3A_117, %sign3A_231 : i32
      %sign3A_233 = arith.extui %sign3A_232 : i1 to i32
      %sign3A_234 = arith.constant 0 : i32
      %sign3A_235 = arith.cmpi slt, %scan3A_117, %sign3A_234 : i32
      %sign3A_236 = arith.extui %sign3A_235 : i1 to i32
      %sign3A_237 = arith.subi %sign3A_233, %sign3A_236 : i32
      %sign3A_238 = arith.constant 0 : i32
      %sign3A_239 = arith.cmpi sgt, %jit3A_229, %sign3A_238 : i32
      %sign3A_240 = arith.extui %sign3A_239 : i1 to i32
      %sign3A_241 = arith.constant 0 : i32
      %sign3A_242 = arith.cmpi slt, %jit3A_229, %sign3A_241 : i32
      %sign3A_243 = arith.extui %sign3A_242 : i1 to i32
      %sign3A_244 = arith.subi %sign3A_240, %sign3A_243 : i32
      %ne3A_245 = arith.cmpi ne, %sign3A_237, %sign3A_244 : i32
      %rem3A_246 = arith.remsi %scan3A_117, %jit3A_229 : i32
      %ne3A_247 = arith.constant 0 : i32
      %ne3A_248 = arith.cmpi ne, %rem3A_246, %ne3A_247 : i32
      %and3A_249 = arith.andi %ne3A_245, %ne3A_248 : i1
      %sub3A_250 = arith.constant 1 : i32
      %sub3A_251 = arith.subi %div3A_230, %sub3A_250 : i32
      %select_n3A_252 = arith.select %and3A_249, %sub3A_251, %div3A_230 : i32
      %jit3A_253 = arith.constant 2 : i32
      %eq3A_254 = arith.constant 0 : i32
      %eq3A_255 = arith.cmpi eq, %jit3A_253, %eq3A_254 : i32
      %jit3A_256 = arith.constant 1 : i32
      %select_n3A_257 = arith.select %eq3A_255, %jit3A_256, %jit3A_253 : i32
      %rem3A_258 = arith.remsi %select_n3A_252, %select_n3A_257 : i32
      %ne3A_259 = arith.constant 0 : i32
      %ne3A_260 = arith.cmpi ne, %rem3A_258, %ne3A_259 : i32
      %lt3A_261 = arith.constant 0 : i32
      %lt3A_262 = arith.cmpi slt, %rem3A_258, %lt3A_261 : i32
      %lt3A_263 = arith.constant 0 : i32
      %lt3A_264 = arith.cmpi slt, %select_n3A_257, %lt3A_263 : i32
      %ne3A_265 = arith.xori %lt3A_262, %lt3A_264 : i1
      %and3A_266 = arith.andi %ne3A_265, %ne3A_260 : i1
      %add3A_267 = arith.addi %rem3A_258, %select_n3A_257 : i32
      %select_n3A_268 = arith.select %and3A_266, %add3A_267, %rem3A_258 : i32
      %jit3A_269 = arith.constant 25 : i32
      %eq3A_270 = arith.constant 0 : i32
      %eq3A_271 = arith.cmpi eq, %jit3A_269, %eq3A_270 : i32
      %jit3A_272 = arith.constant 1 : i32
      %select_n3A_273 = arith.select %eq3A_271, %jit3A_272, %jit3A_269 : i32
      %rem3A_274 = arith.remsi %scan3A_117, %select_n3A_273 : i32
      %ne3A_275 = arith.constant 0 : i32
      %ne3A_276 = arith.cmpi ne, %rem3A_274, %ne3A_275 : i32
      %lt3A_277 = arith.constant 0 : i32
      %lt3A_278 = arith.cmpi slt, %rem3A_274, %lt3A_277 : i32
      %lt3A_279 = arith.constant 0 : i32
      %lt3A_280 = arith.cmpi slt, %select_n3A_273, %lt3A_279 : i32
      %ne3A_281 = arith.xori %lt3A_278, %lt3A_280 : i1
      %and3A_282 = arith.andi %ne3A_281, %ne3A_276 : i1
      %add3A_283 = arith.addi %rem3A_274, %select_n3A_273 : i32
      %select_n3A_284 = arith.select %and3A_282, %add3A_283, %rem3A_274 : i32
      %jit3A_285 = arith.constant 3 : i32
      %eq3A_286 = arith.constant 0 : i32
      %eq3A_287 = arith.cmpi eq, %jit3A_285, %eq3A_286 : i32
      %jit3A_288 = arith.constant 1 : i32
      %select_n3A_289 = arith.select %eq3A_287, %jit3A_288, %jit3A_285 : i32
      %rem3A_290 = arith.remsi %scan3A_117, %select_n3A_289 : i32
      %ne3A_291 = arith.constant 0 : i32
      %ne3A_292 = arith.cmpi ne, %rem3A_290, %ne3A_291 : i32
      %lt3A_293 = arith.constant 0 : i32
      %lt3A_294 = arith.cmpi slt, %rem3A_290, %lt3A_293 : i32
      %lt3A_295 = arith.constant 0 : i32
      %lt3A_296 = arith.cmpi slt, %select_n3A_289, %lt3A_295 : i32
      %ne3A_297 = arith.xori %lt3A_294, %lt3A_296 : i1
      %and3A_298 = arith.andi %ne3A_297, %ne3A_292 : i1
      %add3A_299 = arith.addi %rem3A_290, %select_n3A_289 : i32
      %select_n3A_300 = arith.select %and3A_298, %add3A_299, %rem3A_290 : i32
      %jit3A_301 = arith.constant 3 : i32
      %eq3A_302 = arith.constant 0 : i32
      %eq3A_303 = arith.cmpi eq, %jit3A_301, %eq3A_302 : i32
      %jit3A_304 = arith.constant 1 : i32
      %select_n3A_305 = arith.select %eq3A_303, %jit3A_304, %jit3A_301 : i32
      %rem3A_306 = arith.remsi %scan3A_117, %select_n3A_305 : i32
      %ne3A_307 = arith.constant 0 : i32
      %ne3A_308 = arith.cmpi ne, %rem3A_306, %ne3A_307 : i32
      %lt3A_309 = arith.constant 0 : i32
      %lt3A_310 = arith.cmpi slt, %rem3A_306, %lt3A_309 : i32
      %lt3A_311 = arith.constant 0 : i32
      %lt3A_312 = arith.cmpi slt, %select_n3A_305, %lt3A_311 : i32
      %ne3A_313 = arith.xori %lt3A_310, %lt3A_312 : i1
      %and3A_314 = arith.andi %ne3A_313, %ne3A_308 : i1
      %add3A_315 = arith.addi %rem3A_306, %select_n3A_305 : i32
      %select_n3A_316 = arith.select %and3A_314, %add3A_315, %rem3A_306 : i32
      %dma_start3A_317 = arith.constant 0 : i32
      %dma_start3A_318 = arith.constant 0 : i32
      %dma_start3A_319 = tpu.memref_slice %arg8[%select_n3A_300, %dma_start3A_317, %dma_start3A_318] : memref<3x80x128xf32, #tpu.memory_space<vmem>> -> memref<1x80x128xf32, #tpu.memory_space<vmem>>
      %dma_start3A_320 = tpu.memref_squeeze %dma_start3A_319 : memref<1x80x128xf32, #tpu.memory_space<vmem>> -> memref<80x128xf32, #tpu.memory_space<vmem>>
      %dma_start3A_321 = arith.constant 0 : i32
      %dma_start3A_322 = tpu.memref_slice %arg7[%select_n3A_268, %select_n3A_284, %dma_start3A_321] : memref<2x25x80xi32, #tpu.memory_space<vmem>> -> memref<1x1x80xi32, #tpu.memory_space<vmem>>
      %dma_start3A_323 = tpu.memref_squeeze %dma_start3A_322 : memref<1x1x80xi32, #tpu.memory_space<vmem>> -> memref<80xi32, #tpu.memory_space<vmem>>
      %dma_start3A_324 = arith.constant 0 : i32
      %dma_start3A_325 = arith.constant 0 : i32
      %dma_start3A_326 = tpu.memref_slice %arg9[%dma_start3A_324, %dma_start3A_325] : memref<10112x128xf32, #tpu.memory_space<vmem_shared>> -> memref<10112x128xf32, #tpu.memory_space<vmem_shared>>
      %dma_start3A_327 = tpu.memref_slice %arg11[%select_n3A_316] : memref<3x!tpu.dma_semaphore, #tpu.memory_space<semaphore_mem>> -> memref<1x!tpu.dma_semaphore, #tpu.memory_space<semaphore_mem>>
      %dma_start3A_328 = tpu.memref_squeeze %dma_start3A_327 : memref<1x!tpu.dma_semaphore, #tpu.memory_space<semaphore_mem>> -> memref<!tpu.dma_semaphore, #tpu.memory_space<semaphore_mem>>
      tpu.enqueue_indirect_dma source(%dma_start3A_320 : memref<80x128xf32, #tpu.memory_space<vmem>>) target(%dma_start3A_326 : memref<10112x128xf32, #tpu.memory_space<vmem_shared>>) offsets(%dma_start3A_323 : memref<80xi32, #tpu.memory_space<vmem>>) semaphore(%dma_start3A_328 : memref<!tpu.dma_semaphore, #tpu.memory_space<semaphore_mem>>) {add = true}
    }
    %scan3A_100 = arith.constant 250 : i32
    %dma_wait3A = arith.constant 0 : i32
    %dma_wait3A_101 = arith.constant 0 : i32
    %dma_wait3A_102 = arith.constant 0 : i32
    %dma_wait3A_103 = arith.constant 0 : i32
    %dma_wait3A_104 = arith.constant 0 : i32
    %dma_wait3A_105 = arith.constant 0 : i32
    %dma_wait3A_106 = tpu.memref_slice %arg8[%dma_wait3A, %dma_wait3A_104, %dma_wait3A_105] : memref<3x80x128xf32, #tpu.memory_space<vmem>> -> memref<1x80x128xf32, #tpu.memory_space<vmem>>
    %dma_wait3A_107 = tpu.memref_squeeze %dma_wait3A_106 : memref<1x80x128xf32, #tpu.memory_space<vmem>> -> memref<80x128xf32, #tpu.memory_space<vmem>>
    %dma_wait3A_108 = arith.constant 0 : i32
    %dma_wait3A_109 = tpu.memref_slice %arg7[%dma_wait3A_101, %dma_wait3A_102, %dma_wait3A_108] : memref<2x25x80xi32, #tpu.memory_space<vmem>> -> memref<1x1x80xi32, #tpu.memory_space<vmem>>
    %dma_wait3A_110 = tpu.memref_squeeze %dma_wait3A_109 : memref<1x1x80xi32, #tpu.memory_space<vmem>> -> memref<80xi32, #tpu.memory_space<vmem>>
    %dma_wait3A_111 = arith.constant 0 : i32
    %dma_wait3A_112 = arith.constant 0 : i32
    %dma_wait3A_113 = tpu.memref_slice %arg9[%dma_wait3A_111, %dma_wait3A_112] : memref<10112x128xf32, #tpu.memory_space<vmem_shared>> -> memref<10112x128xf32, #tpu.memory_space<vmem_shared>>
    %dma_wait3A_114 = tpu.memref_slice %arg11[%dma_wait3A_103] : memref<3x!tpu.dma_semaphore, #tpu.memory_space<semaphore_mem>> -> memref<1x!tpu.dma_semaphore, #tpu.memory_space<semaphore_mem>>
    %dma_wait3A_115 = tpu.memref_squeeze %dma_wait3A_114 : memref<1x!tpu.dma_semaphore, #tpu.memory_space<semaphore_mem>> -> memref<!tpu.dma_semaphore, #tpu.memory_space<semaphore_mem>>
    tpu.wait_indirect_dma semaphore(%dma_wait3A_115 : memref<!tpu.dma_semaphore, #tpu.memory_space<semaphore_mem>>) src(%dma_wait3A_107 : memref<80x128xf32, #tpu.memory_space<vmem>>) dst(%dma_wait3A_113 : memref<10112x128xf32, #tpu.memory_space<vmem_shared>>)
    %barrier3A_116 = arith.constant 0 : index
    tpu.barrier barrier_id(%barrier3A_116)
    "tpu.region"() ({
      %run_scoped3A_117 = tpu.sem_alloc : memref<!tpu.dma_semaphore, #tpu.memory_space<semaphore_mem>>
      %dma_start3A_118 = arith.constant 0 : i32
      %dma_start3A_119 = tpu.memref_slice %arg5[%arg0, %mul3A_5, %dma_start3A_118] : memref<2x10112x128xf32, #tpu.memory_space<hbm>> -> memref<1x632x128xf32, #tpu.memory_space<hbm>>
      %dma_start3A_120 = tpu.memref_squeeze %dma_start3A_119 : memref<1x632x128xf32, #tpu.memory_space<hbm>> -> memref<632x128xf32, #tpu.memory_space<hbm>>
      %dma_start3A_121 = arith.constant 0 : i32
      %dma_start3A_122 = tpu.memref_slice %arg9[%mul3A_5, %dma_start3A_121] : memref<10112x128xf32, #tpu.memory_space<vmem_shared>> -> memref<632x128xf32, #tpu.memory_space<vmem_shared>>
      tpu.enqueue_dma source(%dma_start3A_122 : memref<632x128xf32, #tpu.memory_space<vmem_shared>>) target(%dma_start3A_120 : memref<632x128xf32, #tpu.memory_space<hbm>>) target_semaphore(%run_scoped3A_117 : memref<!tpu.dma_semaphore, #tpu.memory_space<semaphore_mem>>)
      %dma_wait3A_123 = arith.constant 0 : i32
      %dma_wait3A_124 = tpu.memref_slice %arg5[%arg0, %mul3A_5, %dma_wait3A_123] : memref<2x10112x128xf32, #tpu.memory_space<hbm>> -> memref<1x632x128xf32, #tpu.memory_space<hbm>>
      %dma_wait3A_125 = tpu.memref_squeeze %dma_wait3A_124 : memref<1x632x128xf32, #tpu.memory_space<hbm>> -> memref<632x128xf32, #tpu.memory_space<hbm>>
      %dma_wait3A_126 = arith.constant 0 : i32
      %dma_wait3A_127 = tpu.memref_slice %arg9[%mul3A_5, %dma_wait3A_126] : memref<10112x128xf32, #tpu.memory_space<vmem_shared>> -> memref<632x128xf32, #tpu.memory_space<vmem_shared>>
      tpu.wait_dma2 semaphore(%run_scoped3A_117 : memref<!tpu.dma_semaphore, #tpu.memory_space<semaphore_mem>>) src(%dma_wait3A_127 : memref<632x128xf32, #tpu.memory_space<vmem_shared>>) dst(%dma_wait3A_125 : memref<632x128xf32, #tpu.memory_space<hbm>>)
      tpu.yield
    }) : () -> ()
    return
  }
}

module attributes {stable_mosaic.version = 14 : i64} {
  func.func @_mm_body(%arg0: i32, %arg1: memref<2000x128xf32, #tpu.memory_space<vmem>>, %arg2: memref<2000x128xf32, #tpu.memory_space<vmem>>, %arg3: memref<128x128xf32, #tpu.memory_space<vmem>>, %arg4: memref<128x128xf32, #tpu.memory_space<vmem>>, %arg5: memref<2x2000x128xf32, #tpu.memory_space<vmem>>) attributes {dimension_semantics = [#tpu.dimension_semantics<arbitrary>], iteration_bounds = array<i64: 5>, scalar_prefetch = 0 : i64, scratch_operands = 0 : i64, tpu.core_type = #tpu.core_type<tc>, window_params = [{transform_indices = @transform_0, window_bounds = array<i64: 2000, 128>}, {transform_indices = @transform_1, window_bounds = array<i64: 2000, 128>}, {pipeline_mode = #tpu.pipeline_mode<synchronous>, transform_indices = @transform_2, window_bounds = array<i64: 128, 128>}, {pipeline_mode = #tpu.pipeline_mode<synchronous>, transform_indices = @transform_3, window_bounds = array<i64: 128, 128>}, {transform_indices = @transform_4, window_bounds = array<i64: 2, 2000, 128>}]} {
    %get3A = arith.constant 0 : index
    %get3A_0 = arith.constant 0 : index
    %get3A_1 = vector.load %arg1[%get3A, %get3A_0] : memref<2000x128xf32, #tpu.memory_space<vmem>>, vector<2000x128xf32>
    %get3A_2 = arith.constant 0 : index
    %get3A_3 = arith.constant 0 : index
    %get3A_4 = vector.load %arg3[%get3A_2, %get3A_3] : memref<128x128xf32, #tpu.memory_space<vmem>>, vector<128x128xf32>
    %dot_general3A = arith.constant dense<0.000000e+00> : vector<2000x128xf32>
    %dot_general3A_5 = tpu.matmul %get3A_1, %get3A_4, %dot_general3A {dimension_numbers = #tpu.dot_dimension_numbers<[1], [0], [0], [1], [0, 0, 1, 1], [], []>, transpose_lhs_hint = false} : vector<2000x128xf32>, vector<128x128xf32>, vector<2000x128xf32> -> vector<2000x128xf32>
    %swap3A = arith.constant 0 : index
    %swap3A_6 = arith.constant 0 : index
    %swap3A_7 = arith.constant 0 : index
    %swap3A_8 = vector.load %arg5[%swap3A, %swap3A_6, %swap3A_7] : memref<2x2000x128xf32, #tpu.memory_space<vmem>>, vector<1x2000x128xf32>
    %swap3A_9 = vector.shape_cast %swap3A_8 : vector<1x2000x128xf32> to vector<2000x128xf32>
    %swap3A_10 = vector.shape_cast %dot_general3A_5 : vector<2000x128xf32> to vector<1x2000x128xf32>
    tpu.vector_store %arg5[%swap3A, %swap3A_6, %swap3A_7], %swap3A_10 {strides = array<i32>} : memref<2x2000x128xf32, #tpu.memory_space<vmem>>, vector<1x2000x128xf32>,
    %get3A_11 = arith.constant 0 : index
    %get3A_12 = arith.constant 0 : index
    %get3A_13 = vector.load %arg2[%get3A_11, %get3A_12] : memref<2000x128xf32, #tpu.memory_space<vmem>>, vector<2000x128xf32>
    %get3A_14 = arith.constant 0 : index
    %get3A_15 = arith.constant 0 : index
    %get3A_16 = vector.load %arg4[%get3A_14, %get3A_15] : memref<128x128xf32, #tpu.memory_space<vmem>>, vector<128x128xf32>
    %dot_general3A_17 = arith.constant dense<0.000000e+00> : vector<2000x128xf32>
    %dot_general3A_18 = tpu.matmul %get3A_13, %get3A_16, %dot_general3A_17 {dimension_numbers = #tpu.dot_dimension_numbers<[1], [0], [0], [1], [0, 0, 1, 1], [], []>, transpose_lhs_hint = false} : vector<2000x128xf32>, vector<128x128xf32>, vector<2000x128xf32> -> vector<2000x128xf32>
    %swap3A_19 = arith.constant 1 : index
    %swap3A_20 = arith.constant 0 : index
    %swap3A_21 = arith.constant 0 : index
    %swap3A_22 = vector.load %arg5[%swap3A_19, %swap3A_20, %swap3A_21] : memref<2x2000x128xf32, #tpu.memory_space<vmem>>, vector<1x2000x128xf32>
    %swap3A_23 = vector.shape_cast %swap3A_22 : vector<1x2000x128xf32> to vector<2000x128xf32>
    %swap3A_24 = vector.shape_cast %dot_general3A_18 : vector<2000x128xf32> to vector<1x2000x128xf32>
    tpu.vector_store %arg5[%swap3A_19, %swap3A_20, %swap3A_21], %swap3A_24 {strides = array<i32>} : memref<2x2000x128xf32, #tpu.memory_space<vmem>>, vector<1x2000x128xf32>,
    return
  }
  func.func @transform_0(%arg0: i32) -> (i32, i32) {
    %c0_i32 = arith.constant 0 : i32
    %c0_i32_0 = arith.constant 0 : i32
    return %arg0, %c0_i32 : i32, i32
  }
  func.func @transform_1(%arg0: i32) -> (i32, i32) {
    %c0_i32 = arith.constant 0 : i32
    %c0_i32_0 = arith.constant 0 : i32
    return %arg0, %c0_i32 : i32, i32
  }
  func.func @transform_2(%arg0: i32) -> (i32, i32) {
    %c0_i32 = arith.constant 0 : i32
    %c0_i32_0 = arith.constant 0 : i32
    %c0_i32_1 = arith.constant 0 : i32
    return %c0_i32, %c0_i32_0 : i32, i32
  }
  func.func @transform_3(%arg0: i32) -> (i32, i32) {
    %c0_i32 = arith.constant 0 : i32
    %c0_i32_0 = arith.constant 0 : i32
    %c0_i32_1 = arith.constant 0 : i32
    return %c0_i32, %c0_i32_0 : i32, i32
  }
  func.func @transform_4(%arg0: i32) -> (i32, i32, i32) {
    %c0_i32 = arith.constant 0 : i32
    %c0_i32_0 = arith.constant 0 : i32
    %c0_i32_1 = arith.constant 0 : i32
    return %c0_i32, %arg0, %c0_i32_0 : i32, i32, i32
  }
}

module attributes {stable_mosaic.version = 14 : i64} {
  func.func @_relu_mm_body(%arg0: i32, %arg1: memref<2x2000x128xf32, #tpu.memory_space<vmem>>, %arg2: memref<128x128xf32, #tpu.memory_space<vmem>>, %arg3: memref<128x128xf32, #tpu.memory_space<vmem>>, %arg4: memref<2x2000x128xf32, #tpu.memory_space<vmem>>) attributes {dimension_semantics = [#tpu.dimension_semantics<arbitrary>], iteration_bounds = array<i64: 5>, scalar_prefetch = 0 : i64, scratch_operands = 0 : i64, tpu.core_type = #tpu.core_type<tc>, window_params = [{transform_indices = @transform_0, window_bounds = array<i64: 2, 2000, 128>}, {pipeline_mode = #tpu.pipeline_mode<synchronous>, transform_indices = @transform_1, window_bounds = array<i64: 128, 128>}, {pipeline_mode = #tpu.pipeline_mode<synchronous>, transform_indices = @transform_2, window_bounds = array<i64: 128, 128>}, {transform_indices = @transform_3, window_bounds = array<i64: 2, 2000, 128>}]} {
    %get3A = arith.constant 0 : index
    %get3A_0 = arith.constant 0 : index
    %get3A_1 = arith.constant 0 : index
    %get3A_2 = vector.load %arg1[%get3A, %get3A_0, %get3A_1] : memref<2x2000x128xf32, #tpu.memory_space<vmem>>, vector<1x2000x128xf32>
    %get3A_3 = vector.shape_cast %get3A_2 : vector<1x2000x128xf32> to vector<2000x128xf32>
    %max3A = arith.constant 0.000000e+00 : f32
    %max3A_4 = vector.broadcast %max3A : f32 to vector<2000x128xf32>
    %max3A_5 = arith.maximumf %get3A_3, %max3A_4 : vector<2000x128xf32>
    %get3A_6 = arith.constant 0 : index
    %get3A_7 = arith.constant 0 : index
    %get3A_8 = vector.load %arg2[%get3A_6, %get3A_7] : memref<128x128xf32, #tpu.memory_space<vmem>>, vector<128x128xf32>
    %dot_general3A = arith.constant dense<0.000000e+00> : vector<2000x128xf32>
    %dot_general3A_9 = tpu.matmul %max3A_5, %get3A_8, %dot_general3A {dimension_numbers = #tpu.dot_dimension_numbers<[1], [0], [0], [1], [0, 0, 1, 1], [], []>, transpose_lhs_hint = false} : vector<2000x128xf32>, vector<128x128xf32>, vector<2000x128xf32> -> vector<2000x128xf32>
    %swap3A = arith.constant 0 : index
    %swap3A_10 = arith.constant 0 : index
    %swap3A_11 = arith.constant 0 : index
    %swap3A_12 = vector.load %arg4[%swap3A, %swap3A_10, %swap3A_11] : memref<2x2000x128xf32, #tpu.memory_space<vmem>>, vector<1x2000x128xf32>
    %swap3A_13 = vector.shape_cast %swap3A_12 : vector<1x2000x128xf32> to vector<2000x128xf32>
    %swap3A_14 = vector.shape_cast %dot_general3A_9 : vector<2000x128xf32> to vector<1x2000x128xf32>
    tpu.vector_store %arg4[%swap3A, %swap3A_10, %swap3A_11], %swap3A_14 {strides = array<i32>} : memref<2x2000x128xf32, #tpu.memory_space<vmem>>, vector<1x2000x128xf32>,
    %get3A_15 = arith.constant 1 : index
    %get3A_16 = arith.constant 0 : index
    %get3A_17 = arith.constant 0 : index
    %get3A_18 = vector.load %arg1[%get3A_15, %get3A_16, %get3A_17] : memref<2x2000x128xf32, #tpu.memory_space<vmem>>, vector<1x2000x128xf32>
    %get3A_19 = vector.shape_cast %get3A_18 : vector<1x2000x128xf32> to vector<2000x128xf32>
    %max3A_20 = arith.constant 0.000000e+00 : f32
    %max3A_21 = vector.broadcast %max3A_20 : f32 to vector<2000x128xf32>
    %max3A_22 = arith.maximumf %get3A_19, %max3A_21 : vector<2000x128xf32>
    %get3A_23 = arith.constant 0 : index
    %get3A_24 = arith.constant 0 : index
    %get3A_25 = vector.load %arg3[%get3A_23, %get3A_24] : memref<128x128xf32, #tpu.memory_space<vmem>>, vector<128x128xf32>
    %dot_general3A_26 = arith.constant dense<0.000000e+00> : vector<2000x128xf32>
    %dot_general3A_27 = tpu.matmul %max3A_22, %get3A_25, %dot_general3A_26 {dimension_numbers = #tpu.dot_dimension_numbers<[1], [0], [0], [1], [0, 0, 1, 1], [], []>, transpose_lhs_hint = false} : vector<2000x128xf32>, vector<128x128xf32>, vector<2000x128xf32> -> vector<2000x128xf32>
    %swap3A_28 = arith.constant 1 : index
    %swap3A_29 = arith.constant 0 : index
    %swap3A_30 = arith.constant 0 : index
    %swap3A_31 = vector.load %arg4[%swap3A_28, %swap3A_29, %swap3A_30] : memref<2x2000x128xf32, #tpu.memory_space<vmem>>, vector<1x2000x128xf32>
    %swap3A_32 = vector.shape_cast %swap3A_31 : vector<1x2000x128xf32> to vector<2000x128xf32>
    %swap3A_33 = vector.shape_cast %dot_general3A_27 : vector<2000x128xf32> to vector<1x2000x128xf32>
    tpu.vector_store %arg4[%swap3A_28, %swap3A_29, %swap3A_30], %swap3A_33 {strides = array<i32>} : memref<2x2000x128xf32, #tpu.memory_space<vmem>>, vector<1x2000x128xf32>,
    return
  }
  func.func @transform_0(%arg0: i32) -> (i32, i32, i32) {
    %c0_i32 = arith.constant 0 : i32
    %c0_i32_0 = arith.constant 0 : i32
    %c0_i32_1 = arith.constant 0 : i32
    return %c0_i32, %arg0, %c0_i32_0 : i32, i32, i32
  }
  func.func @transform_1(%arg0: i32) -> (i32, i32) {
    %c0_i32 = arith.constant 0 : i32
    %c0_i32_0 = arith.constant 0 : i32
    %c0_i32_1 = arith.constant 0 : i32
    return %c0_i32, %c0_i32_0 : i32, i32
  }
  func.func @transform_2(%arg0: i32) -> (i32, i32) {
    %c0_i32 = arith.constant 0 : i32
    %c0_i32_0 = arith.constant 0 : i32
    %c0_i32_1 = arith.constant 0 : i32
    return %c0_i32, %c0_i32_0 : i32, i32
  }
  func.func @transform_3(%arg0: i32) -> (i32, i32, i32) {
    %c0_i32 = arith.constant 0 : i32
    %c0_i32_0 = arith.constant 0 : i32
    %c0_i32_1 = arith.constant 0 : i32
    return %c0_i32, %arg0, %c0_i32_0 : i32, i32, i32
  }
}

module attributes {stable_mosaic.version = 14 : i64} {
  func.func @_final_body(%arg0: i32, %arg1: memref<2000x128xf32, #tpu.memory_space<vmem>>, %arg2: memref<2000x128xf32, #tpu.memory_space<vmem>>, %arg3: memref<2x2000x128xf32, #tpu.memory_space<vmem>>, %arg4: memref<2000x512xf32, #tpu.memory_space<vmem>>) attributes {dimension_semantics = [#tpu.dimension_semantics<arbitrary>], iteration_bounds = array<i64: 5>, scalar_prefetch = 0 : i64, scratch_operands = 0 : i64, tpu.core_type = #tpu.core_type<tc>, window_params = [{transform_indices = @transform_0, window_bounds = array<i64: 2000, 128>}, {transform_indices = @transform_1, window_bounds = array<i64: 2000, 128>}, {transform_indices = @transform_2, window_bounds = array<i64: 2, 2000, 128>}, {transform_indices = @transform_3, window_bounds = array<i64: 2000, 512>}]} {
    %get3A = arith.constant 0 : index
    %get3A_0 = arith.constant 0 : index
    %get3A_1 = vector.load %arg1[%get3A, %get3A_0] : memref<2000x128xf32, #tpu.memory_space<vmem>>, vector<2000x128xf32>
    %swap3A = arith.constant 0 : index
    %swap3A_2 = arith.constant 0 : index
    %swap3A_3 = vector.load %arg4[%swap3A, %swap3A_2] : memref<2000x512xf32, #tpu.memory_space<vmem>>, vector<2000x128xf32>
    tpu.vector_store %arg4[%swap3A, %swap3A_2], %get3A_1 {strides = array<i32>} : memref<2000x512xf32, #tpu.memory_space<vmem>>, vector<2000x128xf32>,
    %get3A_4 = arith.constant 0 : index
    %get3A_5 = arith.constant 0 : index
    %get3A_6 = arith.constant 0 : index
    %get3A_7 = vector.load %arg3[%get3A_4, %get3A_5, %get3A_6] : memref<2x2000x128xf32, #tpu.memory_space<vmem>>, vector<1x2000x128xf32>
    %get3A_8 = vector.shape_cast %get3A_7 : vector<1x2000x128xf32> to vector<2000x128xf32>
    %max3A = arith.constant 0.000000e+00 : f32
    %max3A_9 = vector.broadcast %max3A : f32 to vector<2000x128xf32>
    %max3A_10 = arith.maximumf %get3A_8, %max3A_9 : vector<2000x128xf32>
    %swap3A_11 = arith.constant 0 : index
    %swap3A_12 = arith.constant 128 : index
    %swap3A_13 = vector.load %arg4[%swap3A_11, %swap3A_12] : memref<2000x512xf32, #tpu.memory_space<vmem>>, vector<2000x128xf32>
    tpu.vector_store %arg4[%swap3A_11, %swap3A_12], %max3A_10 {strides = array<i32>} : memref<2000x512xf32, #tpu.memory_space<vmem>>, vector<2000x128xf32>,
    %get3A_14 = arith.constant 0 : index
    %get3A_15 = arith.constant 0 : index
    %get3A_16 = vector.load %arg2[%get3A_14, %get3A_15] : memref<2000x128xf32, #tpu.memory_space<vmem>>, vector<2000x128xf32>
    %swap3A_17 = arith.constant 0 : index
    %swap3A_18 = arith.constant 256 : index
    %swap3A_19 = vector.load %arg4[%swap3A_17, %swap3A_18] : memref<2000x512xf32, #tpu.memory_space<vmem>>, vector<2000x128xf32>
    tpu.vector_store %arg4[%swap3A_17, %swap3A_18], %get3A_16 {strides = array<i32>} : memref<2000x512xf32, #tpu.memory_space<vmem>>, vector<2000x128xf32>,
    %get3A_20 = arith.constant 1 : index
    %get3A_21 = arith.constant 0 : index
    %get3A_22 = arith.constant 0 : index
    %get3A_23 = vector.load %arg3[%get3A_20, %get3A_21, %get3A_22] : memref<2x2000x128xf32, #tpu.memory_space<vmem>>, vector<1x2000x128xf32>
    %get3A_24 = vector.shape_cast %get3A_23 : vector<1x2000x128xf32> to vector<2000x128xf32>
    %max3A_25 = arith.constant 0.000000e+00 : f32
    %max3A_26 = vector.broadcast %max3A_25 : f32 to vector<2000x128xf32>
    %max3A_27 = arith.maximumf %get3A_24, %max3A_26 : vector<2000x128xf32>
    %swap3A_28 = arith.constant 0 : index
    %swap3A_29 = arith.constant 384 : index
    %swap3A_30 = vector.load %arg4[%swap3A_28, %swap3A_29] : memref<2000x512xf32, #tpu.memory_space<vmem>>, vector<2000x128xf32>
    tpu.vector_store %arg4[%swap3A_28, %swap3A_29], %max3A_27 {strides = array<i32>} : memref<2000x512xf32, #tpu.memory_space<vmem>>, vector<2000x128xf32>,
    return
  }
  func.func @transform_0(%arg0: i32) -> (i32, i32) {
    %c0_i32 = arith.constant 0 : i32
    %c0_i32_0 = arith.constant 0 : i32
    return %arg0, %c0_i32 : i32, i32
  }
  func.func @transform_1(%arg0: i32) -> (i32, i32) {
    %c0_i32 = arith.constant 0 : i32
    %c0_i32_0 = arith.constant 0 : i32
    return %arg0, %c0_i32 : i32, i32
  }
  func.func @transform_2(%arg0: i32) -> (i32, i32, i32) {
    %c0_i32 = arith.constant 0 : i32
    %c0_i32_0 = arith.constant 0 : i32
    %c0_i32_1 = arith.constant 0 : i32
    return %c0_i32, %arg0, %c0_i32_0 : i32, i32, i32
  }
  func.func @transform_3(%arg0: i32) -> (i32, i32) {
    %c0_i32 = arith.constant 0 : i32
    %c0_i32_0 = arith.constant 0 : i32
    return %arg0, %c0_i32 : i32, i32
  }
}

</mosaic_0001>

<sc_bundles>
// kernel: kernel.12.cloned.1.call-start
scs
__scs_entry_jumppad:
0x0: {  	(pc) =	sbr.rel $0x88, $3  }
0x1: {  	(tag) =	ssettag $0x0;
	lr =	simm.s32 $0x1  }
0x2: {  	[smem:$0x3F97] =	sst lr;
	_ =	strace $0xD0000000  }
0x3: {  	_ = 	snop  }
0x4: {  	_ = 	snop  }
0x5: {  	_ = 	snop  }
0x6: {  	_ = 	snop  }
0x7: {  	_ = 	snop  }
__scs_overlays_trampoline_lowered:
0x8: {  	[smem:$0x3FA6] =	sst s0  }
0x9: {  	[smem:$0x3FA7] =	sst s1  }
0xa: {  	[smem:$0x3FA8] =	sst s2  }
0xb: {  	[smem:$0x3FA9] =	sst s3  }
0xc: {  	[smem:$0x3FAA] =	sst s4  }
0xd: {  	[smem:$0x3FAB] =	sst s5  }
0xe: {  	[smem:$0x3FAC] =	sst s6  }
0xf: {  	[smem:$0x3FAD] =	sst s7  }
0x10: {  	[smem:$0x3FAE] =	sst s8  }
0x11: {  	[smem:$0x3FAF] =	sst s9;
	s0 =	simm.s32 @!p0 $0x0  }
0x12: {  	s1 =	sld [smem:$0x3F95];
	s0 =	simm.s32 @p0 $0x1  }
0x13: {  	[smem:$0x3FB0] =	sst s0;
	s0 =	simm.s32 @!p1 $0x0  }
0x14: {  	s2 =	sld [smem:$0x3F94];
	s0 =	simm.s32 @p1 $0x1  }
0x15: {  	[smem:$0x3FB1] =	sst s0;
	s0 =	simm.s32 @!p2 $0x0  }
0x16: {  	s3 =	sld [smem:$0x3FDB];
	s0 =	simm.s32 @p2 $0x1  }
0x17: {  	s4 =	simm.s32 $0x1BF5;
	[smem:$0x3FB3] =	sst s0  }
0x18: {  	s0 =	sld [smem:$0x3F96];
	_ =	swait.ge [sflag:s4], $0x0  }
0x19: {  	s7 =	sld [smem:$0x3F97]  }
0x1a: {  	s8 =	sadd.s32 $0xFFFFE003, lr  }
0x1b: {  	s9 =	sadd.s32 $0xFFFFFEF7, lr;
	s5 =	simm.s32 $0xFFFFFFFF;
	p2 =	slt.u32 s8, $0xFFFFF086  }
0x1c: {  	p1 =	slt.u32 s9, $0xF7A;
	s5 =	simm.s32 @!p2 $0x0  }
0x1d: {  	s5 =	simm.s32 @p1 $0x1;
	p0 =	seq.s32 s7, s2  }
0x1e: {  	s7 =	smul.u32 @!p0 $0xF7A, s2;
	p2 =	seq.s32 @!p0 s5, $0x0  }
0x1f: {  	s9 =	smul.u32 $0xF7A, s1;
	s8 =	simm.s32 @!p0 $0x1BF5;
	p2 =	por !p2, p0  }
0x20: {  	[sflag:s8] =	ssyncset.s32 @!p0 $0xFFFFF086;
	s6 =	sadd.s32 @!p0 s3, s7;
	s7 =	simm.s32 @!p0 $0x108  }
0x21: {  	s3 =	sadd.s32 s3, s9;
	s6 =	sadd.s32 @!p0 $0x88, s6;
	s7 =	simm.s32 @p2 $0x1082  }
0x22: {  	[simem:s7], [sflag:s8] =	dma.local @!p0 [hbm:s6], $0xF7A  }
0x23: {  	s9 =	sor.u32 $0xD0000000, s2;
	s6 =	simm.s32 $0x108;
	_ =	swait.ge @!p0 [sflag:s8], $0x0  }
0x24: {  	s3 =	sadd.s32 $0x88, s3;
	s6 =	simm.s32 @!p1 $0x1082;
	[sflag:s4] =	ssyncset.s32 $0xFFFFF086  }
0x25: {  	[simem:s6], [sflag:s4] =	dma.local [hbm:s3], $0xF7A  }
0x26: {  	[smem:$0x3F97] =	sst s1;
	(tag) =	ssettag s2;
	_ =	strace s9  }
0x27: {  	s1 =	sld [smem:$0x3FA7]  }
0x28: {  	s2 =	sld [smem:$0x3FA8]  }
0x29: {  	s4 =	sld [smem:$0x3FAA]  }
0x2a: {  	p0 =	seq.s32 s5, $0x0;
	s5 =	sld [smem:$0x3FAB]  }
0x2b: {  	s6 =	sld [smem:$0x3FAC]  }
0x2c: {  	s7 =	sld [smem:$0x3FAD]  }
0x2d: {  	s3 =	simm.s32 $0x108;
	s8 =	sld [smem:$0x3FAE]  }
0x2e: {  	s3 =	simm.s32 @!p0 $0x1082;
	s9 =	sld [smem:$0x3FAF]  }
0x2f: {  	lr =	sadd.s32 s0, s3;
	s0 =	sld [smem:$0x3FA6]  }
0x30: {  	s3 =	sld [smem:$0x3FA9]  }
0x31: {  	[smem:$0x3FB2] =	sst s10  }
0x32: {  	s10 =	sld [smem:$0x3FB0];
	_ =	sdelay $0x3  }
0x33: {  	p0 =	seq.s32 s10, $0x1;
	s10 =	sld [smem:$0x3FB2];
	_ =	sdelay $0x3  }
0x34: {  	[smem:$0x3FB2] =	sst s10  }
0x35: {  	s10 =	sld [smem:$0x3FB1];
	_ =	sdelay $0x3  }
0x36: {  	p1 =	seq.s32 s10, $0x1;
	s10 =	sld [smem:$0x3FB2];
	_ =	sdelay $0x3  }
0x37: {  	[smem:$0x3FB2] =	sst s10  }
0x38: {  	s10 =	sld [smem:$0x3FB3]  }
0x39: {  	_ = 	snop;
	(pc) =	sbr.ind lr, $3  }
0x3a: {  	_ = 	snop  }
0x3b: {  	_ = 	snop  }
0x3c: {  	p2 =	seq.s32 s10, $0x1;
	s10 =	sld [smem:$0x3FB2]  }
0x3d: {  	_ =	shalt  }
0x3e: {  	_ =	shalt  }
0x3f: {  	_ =	shalt  }
0x40: {  	_ =	shalt  }
0x41: {  	_ =	shalt  }
0x42: {  	_ =	shalt  }
0x43: {  	_ =	shalt  }
0x44: {  	_ =	shalt  }
0x45: {  	_ =	shalt  }
0x46: {  	_ =	shalt  }
0x47: {  	_ =	shalt  }
0x48: {  	_ =	shalt  }
0x49: {  	_ =	shalt  }
0x4a: {  	_ =	shalt  }
0x4b: {  	_ =	shalt  }
0x4c: {  	_ =	shalt  }
0x4d: {  	_ =	shalt  }
0x4e: {  	_ =	shalt  }
0x4f: {  	_ =	shalt  }
0x50: {  	_ =	shalt  }
0x51: {  	_ =	shalt  }
0x52: {  	_ =	shalt  }
0x53: {  	_ =	shalt  }
0x54: {  	_ =	shalt  }
0x55: {  	_ =	shalt  }
0x56: {  	_ =	shalt  }
0x57: {  	_ =	shalt  }
0x58: {  	_ =	shalt  }
0x59: {  	_ =	shalt  }
0x5a: {  	_ =	shalt  }
0x5b: {  	_ =	shalt  }
0x5c: {  	_ =	shalt  }
0x5d: {  	_ =	shalt  }
0x5e: {  	_ =	shalt  }
0x5f: {  	_ =	shalt  }
0x60: {  	_ =	shalt  }
0x61: {  	_ =	shalt  }
0x62: {  	_ =	shalt  }
0x63: {  	_ =	shalt  }
0x64: {  	_ =	shalt  }
0x65: {  	_ =	shalt  }
0x66: {  	_ =	shalt  }
0x67: {  	_ =	shalt  }
0x68: {  	_ =	shalt  }
0x69: {  	_ =	shalt  }
0x6a: {  	_ =	shalt  }
0x6b: {  	_ =	shalt  }
0x6c: {  	_ =	shalt  }
0x6d: {  	_ =	shalt  }
0x6e: {  	_ =	shalt  }
0x6f: {  	_ =	shalt  }
0x70: {  	_ =	shalt  }
0x71: {  	_ =	shalt  }
0x72: {  	_ =	shalt  }
0x73: {  	_ =	shalt  }
0x74: {  	_ =	shalt  }
0x75: {  	_ =	shalt  }
0x76: {  	_ =	shalt  }
0x77: {  	_ =	shalt  }
0x78: {  	_ =	shalt  }
0x79: {  	_ =	shalt  }
0x7a: {  	_ =	shalt  }
0x7b: {  	_ =	shalt  }
0x7c: {  	_ =	shalt  }
0x7d: {  	_ =	shalt  }
0x7e: {  	_ =	shalt  }
0x7f: {  	_ =	shalt  }
0x80: {  	_ =	shalt  }
0x81: {  	_ =	shalt  }
0x82: {  	_ =	shalt  }
0x83: {  	_ =	shalt  }
0x84: {  	_ =	shalt  }
0x85: {  	_ =	shalt  }
0x86: {  	_ =	shalt  }
0x87: {  	_ =	shalt  }
.Lfunc_end0:
.L_simem_size_0:
called_computation.1_lowered:
.L_overlay_start_0:
0x88: {  	s2 =	sld [smem:$0x3FD9]  }
0x89: {  	s3 =	sld [smem:$0x3FFE];
	_ =	sdelay $0x1  }
0x8a: {  	s1 =	srdreg.scid  }
0x8b: {  	s0 =	sand.u32 $0x1, s1  }
0x8c: {  	s17 =	sshll.u32 s0, $0xA;
	s2 =	sadd.s32 s3, s2  }
0x8d: {  	s2 =	sadd.s32 s2, s17  }
0x8e: {  	[smem:$0x3FBE] =	sst s2  }
0x8f: {  	_ = 	snop  }
0x90: {  	s2 =	sld [smem:$0x3FD0];
	(tm) =	ssettm $0x1  }
0x91: {  	s18 =	sld [smem:$0x3FFB];
	_ =	sdelay $0x3  }
0x92: {  	_ =	strace s18  }
0x93: {  	s3 =	sld [smem:$0x3FFC];
	_ =	sdelay $0x3  }
0x94: {  	_ =	strace s3  }
0x95: {  	s3 =	sld [smem:$0x3FFD];
	_ =	sdelay $0x3  }
0x96: {  	_ =	strace s3  }
0x97: {  	_ =	strace $0x8FFFFFFF  }
0x98: {  	s19 =	sld [smem:$0x3FDB];
	_ =	sdelay $0x1  }
0x99: {  	s4 =	simm.s32 $_scs_section_size  }
0x9a: {  	s5 =	simm.s32 $_size__tile_overlayer_lowered;
	s6 =	simm.s32 $_tile_overlayer_lowered  }
0x9b: {  	s22 =	simm.s32 $0x1BFF;
	s21 =	sshll.u32 s6, $0x1;
	s3 =	sadd.s32 s4, s19  }
0x9c: {  	s7 =	simm.s32 $0x0;
	s20 =	sshll.u32 s5, $0x1;
	s5 =	sadd.s32 s21, s3  }
0x9d: {  	[timem:s7], [sflag:s22] =	dma.local [hbm:s5], s20  }
0x9e: {  	_ =	swait.ge [sflag:s22], s20  }
0x9f: {  	s4 =	ssub.s32 $0x0, s20;
	[sflag:s22] =	ssyncset.done $0x0  }
0xa0: {  	[sflag:s22] =	ssyncadd.s32 s4;
	_ =	sdelay $0x1  }
0xa1: {  	s23 =	simm.s32 $0x1B8B  }
0xa2: {  	_ =	swait.ge [sflag:s23], $0x1  }
0xa3: {  	[sflag:s23] =	ssyncset.done $0x0  }
0xa4: {  	s25 =	simm.s32 $0x1B8E;
	s24 =	sld [smem:$0x3FFE];
	[sflag:s23] =	ssyncadd.s32 $0xFFFFFFFF  }
0xa5: {  	s26 =	simm.s32 $execute0_lowered;
	[smem:$0x3FD2] =	sst s25  }
0xa6: {  	s5 =	sshll.u32 s26, $0x1;
	_ =	strace $0x80000049;
	[dreg:$0x1] =	wrdreg $0xFFFFFFFF  }
0xa7: {  	s28 =	simm.s32 $_size_execute0_lowered;
	s3 =	sadd.s32 s3, s5;
	[dreg:$0x0] =	wrdreg $0x0  }
0xa8: {  	s5 =	sshll.u32 s28, $0x1;
	[dreg:$0x2] =	wrdreg s3  }
0xa9: {  	[dreg:$0x3] =	wrdreg s5  }
0xaa: {  	[dreg:$0x4] =	wrdreg $0xC0  }
0xab: {  	_ =	task [dreg:s7], $0x5FFFF  }
0xac: {  	[dreg:$0x1] =	wrdreg $0xFFFFFFFF  }
0xad: {  	[dreg:$0x0] =	wrdreg $0x60  }
0xae: {  	[dreg:$0x2] =	wrdreg s24  }
0xaf: {  	[dreg:$0x3] =	wrdreg s2  }
0xb0: {  	[dreg:$0x4] =	wrdreg $0xB8000  }
0xb1: {  	[dreg:$0x5] =	wrdreg $0x9  }
0xb2: {  	_ =	task.clear_ibuf [dreg:s7], $0x6FFFF;
	_ =	strace $0x90000049  }
0xb3: {  	s29 =	simm.s32 $0x9;
	_ =	strace $0x8000004B  }
0xb4: {  	_ =	swait.ge [sflag:s29], $0x1  }
0xb5: {  	[sflag:s29] =	ssyncadd.s32 $0xFFFFFFFF  }
0xb6: {  	_ =	strace $0x9000004B  }
0xb7: {  	_ =	sfence  }
0xb8: {  	s30 =	sld [smem:$0x0];
	_ =	sdelay $0x2  }
0xb9: {  	s31 =	sshll.u32 s1, $0xD;
	s1 =	sshrl.u32 s1, $0x2  }
0xba: {  	s3 =	sand.u32 $0x4000, s31;
	s1 =	sadd.s32 s1, s30  }
0xbb: {  	s0 =	sor.u32 s3, s0;
	s1 =	sshll.u32 s1, $0x11  }
0xbc: {  	s0 =	sor.u32 s1, s0  }
0xbd: {  	s0 =	sadd.s32 $0x8F2B, s0  }
0xbe: {  	[sflag:s0] =	ssyncadd.remote.s32 $0x1  }
0xbf: {  	_ =	sfence.sel $0xFFFF  }
0xc0: {  	[dreg:$0x0] =	wrdreg $0xFFFFFFFF;
	(pc) =	sbr.abs _section_cstart, $3  }
0xc1: {  	[dreg:$0x1] =	wrdreg $0xFFFFFFFF  }
0xc2: {  	_ =	task.clear_ibuf [dreg:s7], $0x2FFFF;
	_ =	strace $0x9FFFFFFF  }
0xc3: {  	(tm) =	ssettm $0x7FFFFFFF  }
tec
execute0_lowered:
.L_overlay_start_1:
0x0: {  	(tag) =	ssettag $0x1  }
0x1: {  	s0 =	rddreg [dreg:$0x0]  }
0x2: {  	s1 =	rddreg [dreg:$0x1]  }
0x3: {  	s2 =	rddreg [dreg:$0x2];
	s4 =	srdreg.scid  }
0x4: {  	s12 =	stileid.u32;
	s3 =	simm.s32 $0x0;
	s16 =	simm.s32 $0x3400  }
0x5: {  	s21 =	simm.s32 $0x4000;
	s22 =	simm.s32 $0x8;
	s26 =	smul.u32 $0x4F000, s12  }
0x6: {  	s23 =	simm.s32 $0x7;
	s11 =	sand.u32 $0x1, s4;
	s15 =	smul.u32 $0x13C00, s12  }
0x7: {  	s28 =	simm.s32 $0x50;
	[smem:$0x7FF] =	sst s3;
	s5 =	smul.u32 $0x27100, s11  }
0x8: {  	s31 =	simm.s32 $0x4;
	_ =	strace $0x8000004A;
	s13 =	smul.u32 $0x13C000, s11  }
0x9: {  	s6 =	ssub.s32 $0x2, s11;
	p0 =	seq.s32 s11, $0x0;
	s11 =	smul.u32 $0xA000, s12  }
0xa: {  	s4 =	sshrl.u32 s26, $0x2;
	s29 =	sshrl.u32 s6, $0x1;
	s16 =	simm.s32 @!p0 $0x2B400  }
0xb: {  	s14 =	sadd.s32 s5, s0;
	s4 =	sadd.s32 s4, s2;
	s17 =	ssub.s32 s6, s29  }
0xc: {  	s13 =	sadd.s32 s15, s13;
	s18 =	sshrl.u32 s11, $0x3;
	s30 =	sadd.s32 $0x2800, s4  }
0xd: {  	s6 =	sadd.s32 $0x5000, s4;
	s7 =	sadd.s32 $0x7800, s4;
	s8 =	sadd.s32 $0xA000, s4  }
.Ltmp0:
0xe: {  	s9 =	sadd.s32 $0xC800, s4;
	s10 =	sadd.s32 $0xF000, s4;
	(pc) =	sbr.rel .LBB2_1-.Ltmp0, $4  }
0xf: {  	s12 =	sadd.s32 $0x11800, s4;
	s15 =	sshrl.u32 s13, $0x3;
	s13 =	sadd.s32 s16, s0  }
0x10: {  	s14 =	sadd.s32 $0x53400, s14;
	s17 =	smax.u32 s17, $0x1;
	s0 =	simm.s32 $0x0  }
0x11: {  	[dreg:$0x4] =	wrdreg s30;
	s15 =	sadd.s32 s1, s15;
	s16 =	sadd.s32 s13, s18  }
0x12: {  	v0 =	vimm.f32 $0.0e+00;
	s18 =	sadd.s32 $0x14000, s16;
	s19 =	sadd.s32 $0x200, s16;
	s20 =	sadd.s32 $0x14200, s16  }
.LBB2_10:
0x13: {  	_ =	swait.ge [sflag:s31], $0x2800;
	s1 =	stileid.u32  }
0x14: {  	s5 =	sshrl.u32 s4, $0x3;
	s0 =	sadd.s32 $0x1, s0;
	[sflag:s31] =	ssyncset.done $0x0  }
0x15: {  	s1 =	sshll.u32 s1, $0x6;
	p0 =	sne.s32 s0, s17;
	[sflag:s31] =	ssyncadd.s32 $0xFFFFD800  }
.Ltmp1:
0x16: {  	s1 =	sor.u32 $0x1C08, s1;
	[bflag:$0x0] =	sbarrier.arrive $0xFFFF;
	(pc) =	sbr.rel @!p0 .LBB2_11-.Ltmp1, $4  }
0x17: {  	[hbm:s15], [sflag:s1] =	dma.local [spmem:s5], $0x2780  }
0x18: {  	_ =	swait.ge [sflag:s22], $0x2780  }
0x19: {  	[sflag:s22] =	ssyncset.done $0x0  }
0x1a: {  	[sflag:s22] =	ssyncadd.s32 $0xFFFFD880  }
.LBB2_1:
0x1b: {  	s1 =	sand.u32 $0xFE00, s3  }
0x1c: {  	s24 =	sand.u32 $0x70, s3;
	s25 =	sshrl.u32 s1, $0x2  }
0x1d: {  	s1 =	simm.s32 $0x40;
	s25 =	sor.u32 s24, s25;
	s24 =	simm.s32 $0x0  }
.LBB2_2:
0x1e: {  	p0 =	sne.s32 s1, $0x9FC0  }
0x1f: {  	[tilespmem:s25+$0x4000] =	vst v0;
	s24 =	sadd.s32 $0x10, s24;
	s25 =	smov.u32 s1;
	s1 =	sadd.s32 $0x40, s1  }
.Ltmp2:
0x20: {  	(pc) =	sbr.rel @p0 .LBB2_2-.Ltmp2, $4  }
0x21: {  	_ = 	snop  }
0x22: {  	s25 =	sand.u32 $0xFE00, s25  }
0x23: {  	s26 =	sand.u32 $0x70, s24;
	s25 =	sshrl.u32 s25, $0x2  }
0x24: {  	s25 =	sor.u32 s26, s25  }
0x25: {  	[tilespmem:s25+$0x4000] =	vst v0  }
0x26: {  	[spmem:s4] =	stream.linear.scatter [tilespmem:s21], [sflag:$0x8], $0x2800, $0x38;
	[tilespmem:$0x1F400] =	vst v63  }
0x27: {  	_ =	swait.ge [sflag:s22], $0x2800  }
0x28: {  	[sflag:s22] =	ssyncset.done $0x0  }
0x29: {  	s1 =	rddreg [dreg:$0x4];
	[sflag:s22] =	ssyncadd.s32 $0xFFFFD800  }
0x2a: {  	[spmem:s1] =	stream.linear.scatter [tilespmem:s21], [sflag:$0x8], $0x2800, $0x38;
	[tilespmem:$0x1F400] =	vst v63  }
0x2b: {  	_ =	swait.ge [sflag:s22], $0x2800  }
0x2c: {  	[sflag:s22] =	ssyncset.done $0x0  }
0x2d: {  	[sflag:s22] =	ssyncadd.s32 $0xFFFFD800  }
0x2e: {  	[spmem:s6] =	stream.linear.scatter [tilespmem:s21], [sflag:$0x8], $0x2800, $0x38;
	[tilespmem:$0x1F400] =	vst v63  }
0x2f: {  	_ =	swait.ge [sflag:s22], $0x2800  }
0x30: {  	[sflag:s22] =	ssyncset.done $0x0  }
0x31: {  	[sflag:s22] =	ssyncadd.s32 $0xFFFFD800  }
0x32: {  	[spmem:s7] =	stream.linear.scatter [tilespmem:s21], [sflag:$0x8], $0x2800, $0x38;
	[tilespmem:$0x1F400] =	vst v63  }
0x33: {  	_ =	swait.ge [sflag:s22], $0x2800  }
0x34: {  	[sflag:s22] =	ssyncset.done $0x0  }
0x35: {  	[sflag:s22] =	ssyncadd.s32 $0xFFFFD800  }
0x36: {  	[spmem:s8] =	stream.linear.scatter [tilespmem:s21], [sflag:$0x8], $0x2800, $0x38;
	[tilespmem:$0x1F400] =	vst v63  }
0x37: {  	_ =	swait.ge [sflag:s22], $0x2800  }
0x38: {  	[sflag:s22] =	ssyncset.done $0x0  }
0x39: {  	[sflag:s22] =	ssyncadd.s32 $0xFFFFD800  }
0x3a: {  	[spmem:s9] =	stream.linear.scatter [tilespmem:s21], [sflag:$0x8], $0x2800, $0x38;
	[tilespmem:$0x1F400] =	vst v63  }
0x3b: {  	_ =	swait.ge [sflag:s22], $0x2800  }
0x3c: {  	[sflag:s22] =	ssyncset.done $0x0  }
0x3d: {  	[sflag:s22] =	ssyncadd.s32 $0xFFFFD800  }
0x3e: {  	[spmem:s10] =	stream.linear.scatter [tilespmem:s21], [sflag:$0x8], $0x2800, $0x38;
	[tilespmem:$0x1F400] =	vst v63  }
0x3f: {  	_ =	swait.ge [sflag:s22], $0x2800  }
0x40: {  	[sflag:s22] =	ssyncset.done $0x0  }
0x41: {  	[sflag:s22] =	ssyncadd.s32 $0xFFFFD800  }
0x42: {  	[spmem:s12] =	stream.linear.scatter [tilespmem:s21], [sflag:$0x8], $0x2400, $0x38;
	[tilespmem:$0x1F400] =	vst v63  }
0x43: {  	_ =	swait.ge [sflag:s22], $0x2400  }
0x44: {  	[sflag:s22] =	ssyncset.done $0x0  }
0x45: {  	[sflag:s22] =	ssyncadd.s32 $0xFFFFDC00  }
0x46: {  	s1 =	simm.s32 $0x0;
	[bflag:$0x0] =	sbarrier.arrive $0xFFFF  }
0x47: {  	[tilespmem:s1], [sflag:$0x7] =	stream.linear.gather [hbm4b:s16+s1], $0xC80, $0x38;
	[tilespmem:$0x1F400] =	vst v63  }
0x48: {  	_ =	swait.ge [sflag:s23], $0xC80  }
0x49: {  	[sflag:s23] =	ssyncset.done $0x0  }
0x4a: {  	s5 =	simm.s32 $0x2000;
	[sflag:s23] =	ssyncadd.s32 $0xFFFFF380  }
0x4b: {  	[tilespmem:s5], [sflag:$0x7] =	stream.linear.gather [hbm4b:s18+s1], $0xC80, $0x38;
	[tilespmem:$0x1F400] =	vst v63  }
0x4c: {  	_ =	swait.ge [sflag:s23], $0xC80  }
0x4d: {  	[sflag:s23] =	ssyncset.done $0x0  }
0x4e: {  	s26 =	simm.s32 $0x1000;
	[sflag:s23] =	ssyncadd.s32 $0xFFFFF380  }
0x4f: {  	[tilespmem:s26], [sflag:$0x7] =	stream.linear.gather [hbm4b:s19+s1], $0xC80, $0x38;
	[tilespmem:$0x1F400] =	vst v63  }
0x50: {  	_ =	swait.ge [sflag:s23], $0xC80  }
0x51: {  	[sflag:s23] =	ssyncset.done $0x0  }
0x52: {  	s29 =	simm.s32 $0x3000;
	[sflag:s23] =	ssyncadd.s32 $0xFFFFF380  }
0x53: {  	[tilespmem:s29], [sflag:$0x7] =	stream.linear.gather [hbm4b:s20+s1], $0xC80, $0x38;
	[tilespmem:$0x1F400] =	vst v63  }
0x54: {  	_ =	swait.ge [sflag:s23], $0xC80  }
.Ltmp3:
0x55: {  	[sflag:s23] =	ssyncset.done $0x0;
	(pc) =	sbr.rel .LBB2_4-.Ltmp3, $4  }
0x56: {  	[sflag:s23] =	ssyncadd.s32 $0xFFFFF380  }
0x57: {  	[tilespmem:s21], [sflag:$0x1] =	stream.indirect.gather [hbm4b:s14+s28], $0x80, s1, s28, $0xb8;
	[tilespmem:$0x1F400] =	vst v63  }
0x58: {  	s30 =	simm.s32 $0x80;
	s24 =	simm.s32 $0x6800  }
0x59: {  	[tilespmem:s24], [sflag:$0x2] =	stream.indirect.gather [hbm4b:s14+s28], $0x80, s30, s28, $0xb8;
	[tilespmem:$0x1F400] =	vst v63  }
.LBB2_8:
0x5a: {  	s26 =	sadd.s32 $0x2, s1  }
0x5b: {  	s29 =	sand.u32 $0xFF, s26  }
0x5c: {  	s30 =	smul.u32 $0xAB, s29;
	_ =	sdelay $0x1  }
0x5d: {  	s29 =	smul.u32 $0x29, s29;
	s30 =	sshrl.u32 s30, $0x9  }
0x5e: {  	s30 =	smul.u32 $0x3, s30  }
0x5f: {  	s5 =	sshrl.u32 s29, $0xA  }
0x60: {  	s5 =	smul.u32 $0x19, s5;
	s30 =	ssub.s32 s26, s30  }
0x61: {  	s30 =	sand.u32 $0xFF, s30  }
0x62: {  	s5 =	ssub.s32 s26, s5;
	s26 =	smul.u32 $0xA000, s30  }
0x63: {  	s29 =	sshll.u32 s29, $0x2;
	s5 =	sand.u32 $0xFF, s5  }
0x64: {  	s29 =	sand.u32 $0x1000, s29;
	s5 =	sshll.u32 s5, $0x7;
	s26 =	sshrl.u32 s26, $0x2  }
0x65: {  	s30 =	sadd.s32 $0x1, s30;
	s5 =	sor.u32 s5, s29;
	s26 =	sadd.s32 $0x4000, s26  }
0x66: {  	[tilespmem:s26], [sflag:s30] =	stream.indirect.gather [hbm4b:s14+s28], $0x80, s5, s28, $0xb8;
	[tilespmem:$0x1F400] =	vst v63  }
.LBB2_9:
0x67: {  	s5 =	smul.u32 $0xAB, s1;
	_ =	sdelay $0x1  }
0x68: {  	s5 =	sshrl.u32 s5, $0x9  }
0x69: {  	s5 =	sand.u32 $0x7F, s5  }
0x6a: {  	s5 =	smul.u32 $0x3, s5;
	_ =	sdelay $0x1  }
0x6b: {  	s5 =	ssub.s32 s1, s5  }
0x6c: {  	s1 =	sadd.s32 $0x1, s1;
	s5 =	sand.u32 $0xFF, s5  }
0x6d: {  	s25 =	sand.u32 $0x1000, s25;
	p0 =	sne.s32 s1, $0xFA;
	s26 =	smul.u32 $0xA000, s5  }
.Ltmp4:
0x6e: {  	s24 =	sshll.u32 s24, $0x7;
	s29 =	sadd.s32 $0x1, s5;
	(pc) =	sbr.rel @!p0 .LBB2_10-.Ltmp4, $4  }
0x6f: {  	s24 =	sadd.s32 s24, s25;
	_ =	swait.ge [sflag:s29], $0x2800  }
0x70: {  	s24 =	sadd.s32 $0x2000, s24;
	s26 =	sshrl.u32 s26, $0x2;
	[sflag:s29] =	ssyncset.done $0x0  }
0x71: {  	s5 =	sor.u32 $0x4, s5;
	s26 =	sadd.s32 $0x4000, s26;
	[sflag:s29] =	ssyncadd.s32 $0xFFFFD800  }
0x72: {  	[spmem:s2] =	stream.indirect.scatter.add.f32 [tilespmem:s26], [sflag:s5], $0x80, s24, s28, $0xb8;
	[tilespmem:$0x1F400] =	vst v63  }
.LBB2_4:
0x73: {  	s24 =	smul.u32 $0x29, s1;
	_ =	sdelay $0x1  }
0x74: {  	s24 =	sshrl.u32 s24, $0xA  }
0x75: {  	s25 =	sand.u32 $0x3F, s24  }
0x76: {  	s24 =	smul.u32 $0x19, s25;
	_ =	sdelay $0x1  }
0x77: {  	s24 =	ssub.s32 s1, s24  }
0x78: {  	s24 =	sand.u32 $0xFF, s24  }
0x79: {  	s26 =	sadd.s32 $0xFFFFFFFF, s25;
	p0 =	sne.s32 s24, $0x2  }
0x7a: {  	p1 =	sgt.u32 @!p0 s26, $0x7  }
0x7b: {  	p0 =	por p0, p1  }
.Ltmp5:
0x7c: {  	_ = 	snop;
	(pc) =	sbr.rel @p0 .LBB2_6-.Ltmp5, $2  }
0x7d: {  	_ =	sdelay $0x2  }
0x7e: {  	s25 =	sshll.u32 s25, $0xC  }
0x7f: {  	s29 =	sadd.s32 $0x1000, s25  }
0x80: {  	s30 =	sadd.s32 s11, s29  }
.Ltmp6:
0x81: {  	s30 =	sshrl.u32 s30, $0x3;
	(pc) =	sbr.rel .LBB2_7-.Ltmp6, $4  }
0x82: {  	s29 =	sand.u32 $0x1000, s29;
	s30 =	sadd.s32 s13, s30  }
0x83: {  	[tilespmem:s29], [sflag:$0x7] =	stream.linear.gather [hbm4b:s30+s3], $0xC80, $0x38;
	[tilespmem:$0x1F400] =	vst v63  }
0x84: {  	s29 =	sor.u32 $0x2000, s29;
	s30 =	sadd.s32 $0x14000, s30  }
0x85: {  	[tilespmem:s29], [sflag:$0x7] =	stream.linear.gather [hbm4b:s30+s3], $0xC80, $0x38;
	[tilespmem:$0x1F400] =	vst v63  }
.LBB2_6:
0x86: {  	p0 =	seq.s32 s1, $0x0  }
.Ltmp7:
0x87: {  	_ = 	snop;
	(pc) =	sbr.rel @p0 .LBB2_8-.Ltmp7, $1  }
0x88: {  	_ =	sdelay $0x3  }
.LBB2_7:
0x89: {  	s29 =	sadd.s32 $0x2, s1  }
0x8a: {  	s30 =	sand.u32 $0xFF, s29  }
0x8b: {  	s30 =	smul.u32 $0xAB, s30;
	_ =	sdelay $0x1  }
0x8c: {  	s30 =	sshrl.u32 s30, $0x9  }
0x8d: {  	s30 =	smul.u32 $0x3, s30;
	_ =	sdelay $0x1  }
0x8e: {  	s29 =	ssub.s32 s29, s30  }
0x8f: {  	s29 =	sor.u32 $0x4, s29  }
0x90: {  	p0 =	sne.s32 s24, $0x17;
	s29 =	sand.u32 $0xFF, s29  }
0x91: {  	p1 =	sgt.u32 @!p0 s26, $0x7;
	_ =	swait.ge [sflag:s29], $0x2800  }
0x92: {  	p0 =	por p1, p0;
	[sflag:s29] =	ssyncset.done $0x0  }
0x93: {  	s26 =	simm.s32 @!p0 $0x7;
	[sflag:s29] =	ssyncadd.s32 $0xFFFFD800  }
0x94: {  	p1 =	sgt.u32 s1, $0xF7;
	_ =	swait.ge @!p0 [sflag:s26], $0xC80  }
.Ltmp8:
0x95: {  	[sflag:s26] =	ssyncset.done @!p0 $0x0;
	(pc) =	sbr.rel @p1 .LBB2_9-.Ltmp8, $4  }
.Ltmp9:
0x96: {  	[sflag:s26] =	ssyncadd.s32 @!p0 $0xFFFFF380;
	(pc) =	sbr.rel @!p1 .LBB2_8-.Ltmp9, $4  }
0x97: {  	_ =	swait.ge @!p0 [sflag:s26], $0xC80  }
0x98: {  	[sflag:s26] =	ssyncset.done @!p0 $0x0  }
0x99: {  	[sflag:s26] =	ssyncadd.s32 @!p0 $0xFFFFF380  }
0x9a: {  	_ = 	snop  }
.LBB2_11:
0x9b: {  	_ =	sfence.sel $0x180000  }
0x9c: {  	[bflag:$0x0] =	sbarrier.arrive $0xFFFF  }
0x9d: {  	_ =	strace $0x9000004A  }
0x9e: {  	s0 =	stileid.u32;
	[bflag:$0x2] =	sbarrier.arrive $0xFFFF  }
0x9f: {  	p0 =	sne.s32 s0, $0x0;
	s0 =	rddreg [dreg:$0x3]  }
0xa0: {  	s0 =	sadd.s32 @!p0 $0x100000, s0  }
0xa1: {  	[sflag:s0] =	ssyncadd.tile.s32 @!p0 $0x1;
	_ =	shalt  }
.Lfunc_end2:
_tile_overlayer_lowered:
.L_overlay_start_2:
0xa2: {  	(tag) =	ssettag $0x2  }
0xa3: {  	s0 =	rddreg [dreg:$0x0];
	s2 =	stileid.u32  }
0xa4: {  	s1 =	rddreg [dreg:$0x1];
	p0 =	sne.s32 s2, $0x0  }
0xa5: {  	s3 =	rddreg [dreg:$0x2];
	[bflag:$0x3] =	sbarrier.arrive $0xFFFF;
	s2 =	simm.s32 @!p0 $0x1C08  }
0xa6: {  	[timem:s3], [sflag:s2] =	dma.local @!p0 [hbm:s0], s1  }
0xa7: {  	s0 =	simm.s32 @!p0 $0x8  }
0xa8: {  	_ =	swait.ge @!p0 [sflag:s0], s1  }
0xa9: {  	s1 =	ssub.s32 @!p0 $0x0, s1;
	[sflag:s0] =	ssyncset.done @!p0 $0x0  }
0xaa: {  	[sflag:s0] =	ssyncadd.s32 @!p0 s1  }
0xab: {  	[bflag:$0x3] =	sbarrier.arrive $0xFFFF  }
0xac: {  	_ =	shalt  }

// kernel: kernel.15.cloned.1.call-start
scs
__scs_entry_jumppad:
0x0: {  	(pc) =	sbr.rel $0x88, $3  }
0x1: {  	(tag) =	ssettag $0x0;
	lr =	simm.s32 $0x1  }
0x2: {  	[smem:$0x3F97] =	sst lr;
	_ =	strace $0xD0000000  }
0x3: {  	_ = 	snop  }
0x4: {  	_ = 	snop  }
0x5: {  	_ = 	snop  }
0x6: {  	_ = 	snop  }
0x7: {  	_ = 	snop  }
__scs_overlays_trampoline_lowered:
0x8: {  	[smem:$0x3FA6] =	sst s0  }
0x9: {  	[smem:$0x3FA7] =	sst s1  }
0xa: {  	[smem:$0x3FA8] =	sst s2  }
0xb: {  	[smem:$0x3FA9] =	sst s3  }
0xc: {  	[smem:$0x3FAA] =	sst s4  }
0xd: {  	[smem:$0x3FAB] =	sst s5  }
0xe: {  	[smem:$0x3FAC] =	sst s6  }
0xf: {  	[smem:$0x3FAD] =	sst s7  }
0x10: {  	[smem:$0x3FAE] =	sst s8  }
0x11: {  	[smem:$0x3FAF] =	sst s9;
	s0 =	simm.s32 @!p0 $0x0  }
0x12: {  	s1 =	sld [smem:$0x3F95];
	s0 =	simm.s32 @p0 $0x1  }
0x13: {  	[smem:$0x3FB0] =	sst s0;
	s0 =	simm.s32 @!p1 $0x0  }
0x14: {  	s2 =	sld [smem:$0x3F94];
	s0 =	simm.s32 @p1 $0x1  }
0x15: {  	[smem:$0x3FB1] =	sst s0;
	s0 =	simm.s32 @!p2 $0x0  }
0x16: {  	s3 =	sld [smem:$0x3FDB];
	s0 =	simm.s32 @p2 $0x1  }
0x17: {  	s4 =	simm.s32 $0x1BF5;
	[smem:$0x3FB3] =	sst s0  }
0x18: {  	s0 =	sld [smem:$0x3F96];
	_ =	swait.ge [sflag:s4], $0x0  }
0x19: {  	s7 =	sld [smem:$0x3F97]  }
0x1a: {  	s8 =	sadd.s32 $0xFFFFE003, lr  }
0x1b: {  	s9 =	sadd.s32 $0xFFFFFEF7, lr;
	s5 =	simm.s32 $0xFFFFFFFF;
	p2 =	slt.u32 s8, $0xFFFFF086  }
0x1c: {  	p1 =	slt.u32 s9, $0xF7A;
	s5 =	simm.s32 @!p2 $0x0  }
0x1d: {  	s5 =	simm.s32 @p1 $0x1;
	p0 =	seq.s32 s7, s2  }
0x1e: {  	s7 =	smul.u32 @!p0 $0xF7A, s2;
	p2 =	seq.s32 @!p0 s5, $0x0  }
0x1f: {  	s9 =	smul.u32 $0xF7A, s1;
	s8 =	simm.s32 @!p0 $0x1BF5;
	p2 =	por !p2, p0  }
0x20: {  	[sflag:s8] =	ssyncset.s32 @!p0 $0xFFFFF086;
	s6 =	sadd.s32 @!p0 s3, s7;
	s7 =	simm.s32 @!p0 $0x108  }
0x21: {  	s3 =	sadd.s32 s3, s9;
	s6 =	sadd.s32 @!p0 $0x88, s6;
	s7 =	simm.s32 @p2 $0x1082  }
0x22: {  	[simem:s7], [sflag:s8] =	dma.local @!p0 [hbm:s6], $0xF7A  }
0x23: {  	s9 =	sor.u32 $0xD0000000, s2;
	s6 =	simm.s32 $0x108;
	_ =	swait.ge @!p0 [sflag:s8], $0x0  }
0x24: {  	s3 =	sadd.s32 $0x88, s3;
	s6 =	simm.s32 @!p1 $0x1082;
	[sflag:s4] =	ssyncset.s32 $0xFFFFF086  }
0x25: {  	[simem:s6], [sflag:s4] =	dma.local [hbm:s3], $0xF7A  }
0x26: {  	[smem:$0x3F97] =	sst s1;
	(tag) =	ssettag s2;
	_ =	strace s9  }
0x27: {  	s1 =	sld [smem:$0x3FA7]  }
0x28: {  	s2 =	sld [smem:$0x3FA8]  }
0x29: {  	s4 =	sld [smem:$0x3FAA]  }
0x2a: {  	p0 =	seq.s32 s5, $0x0;
	s5 =	sld [smem:$0x3FAB]  }
0x2b: {  	s6 =	sld [smem:$0x3FAC]  }
0x2c: {  	s7 =	sld [smem:$0x3FAD]  }
0x2d: {  	s3 =	simm.s32 $0x108;
	s8 =	sld [smem:$0x3FAE]  }
0x2e: {  	s3 =	simm.s32 @!p0 $0x1082;
	s9 =	sld [smem:$0x3FAF]  }
0x2f: {  	lr =	sadd.s32 s0, s3;
	s0 =	sld [smem:$0x3FA6]  }
0x30: {  	s3 =	sld [smem:$0x3FA9]  }
0x31: {  	[smem:$0x3FB2] =	sst s10  }
0x32: {  	s10 =	sld [smem:$0x3FB0];
	_ =	sdelay $0x3  }
0x33: {  	p0 =	seq.s32 s10, $0x1;
	s10 =	sld [smem:$0x3FB2];
	_ =	sdelay $0x3  }
0x34: {  	[smem:$0x3FB2] =	sst s10  }
0x35: {  	s10 =	sld [smem:$0x3FB1];
	_ =	sdelay $0x3  }
0x36: {  	p1 =	seq.s32 s10, $0x1;
	s10 =	sld [smem:$0x3FB2];
	_ =	sdelay $0x3  }
0x37: {  	[smem:$0x3FB2] =	sst s10  }
0x38: {  	s10 =	sld [smem:$0x3FB3]  }
0x39: {  	_ = 	snop;
	(pc) =	sbr.ind lr, $3  }
0x3a: {  	_ = 	snop  }
0x3b: {  	_ = 	snop  }
0x3c: {  	p2 =	seq.s32 s10, $0x1;
	s10 =	sld [smem:$0x3FB2]  }
0x3d: {  	_ =	shalt  }
0x3e: {  	_ =	shalt  }
0x3f: {  	_ =	shalt  }
0x40: {  	_ =	shalt  }
0x41: {  	_ =	shalt  }
0x42: {  	_ =	shalt  }
0x43: {  	_ =	shalt  }
0x44: {  	_ =	shalt  }
0x45: {  	_ =	shalt  }
0x46: {  	_ =	shalt  }
0x47: {  	_ =	shalt  }
0x48: {  	_ =	shalt  }
0x49: {  	_ =	shalt  }
0x4a: {  	_ =	shalt  }
0x4b: {  	_ =	shalt  }
0x4c: {  	_ =	shalt  }
0x4d: {  	_ =	shalt  }
0x4e: {  	_ =	shalt  }
0x4f: {  	_ =	shalt  }
0x50: {  	_ =	shalt  }
0x51: {  	_ =	shalt  }
0x52: {  	_ =	shalt  }
0x53: {  	_ =	shalt  }
0x54: {  	_ =	shalt  }
0x55: {  	_ =	shalt  }
0x56: {  	_ =	shalt  }
0x57: {  	_ =	shalt  }
0x58: {  	_ =	shalt  }
0x59: {  	_ =	shalt  }
0x5a: {  	_ =	shalt  }
0x5b: {  	_ =	shalt  }
0x5c: {  	_ =	shalt  }
0x5d: {  	_ =	shalt  }
0x5e: {  	_ =	shalt  }
0x5f: {  	_ =	shalt  }
0x60: {  	_ =	shalt  }
0x61: {  	_ =	shalt  }
0x62: {  	_ =	shalt  }
0x63: {  	_ =	shalt  }
0x64: {  	_ =	shalt  }
0x65: {  	_ =	shalt  }
0x66: {  	_ =	shalt  }
0x67: {  	_ =	shalt  }
0x68: {  	_ =	shalt  }
0x69: {  	_ =	shalt  }
0x6a: {  	_ =	shalt  }
0x6b: {  	_ =	shalt  }
0x6c: {  	_ =	shalt  }
0x6d: {  	_ =	shalt  }
0x6e: {  	_ =	shalt  }
0x6f: {  	_ =	shalt  }
0x70: {  	_ =	shalt  }
0x71: {  	_ =	shalt  }
0x72: {  	_ =	shalt  }
0x73: {  	_ =	shalt  }
0x74: {  	_ =	shalt  }
0x75: {  	_ =	shalt  }
0x76: {  	_ =	shalt  }
0x77: {  	_ =	shalt  }
0x78: {  	_ =	shalt  }
0x79: {  	_ =	shalt  }
0x7a: {  	_ =	shalt  }
0x7b: {  	_ =	shalt  }
0x7c: {  	_ =	shalt  }
0x7d: {  	_ =	shalt  }
0x7e: {  	_ =	shalt  }
0x7f: {  	_ =	shalt  }
0x80: {  	_ =	shalt  }
0x81: {  	_ =	shalt  }
0x82: {  	_ =	shalt  }
0x83: {  	_ =	shalt  }
0x84: {  	_ =	shalt  }
0x85: {  	_ =	shalt  }
0x86: {  	_ =	shalt  }
0x87: {  	_ =	shalt  }
.Lfunc_end0:
.L_simem_size_0:
called_computation.2_lowered:
.L_overlay_start_0:
0x88: {  	s2 =	sld [smem:$0x3FD9]  }
0x89: {  	s3 =	sld [smem:$0x3FFE];
	_ =	sdelay $0x1  }
0x8a: {  	s1 =	srdreg.scid  }
0x8b: {  	s0 =	sand.u32 $0x1, s1  }
0x8c: {  	s17 =	sshll.u32 s0, $0xA;
	s2 =	sadd.s32 s3, s2  }
0x8d: {  	s2 =	sadd.s32 s2, s17  }
0x8e: {  	[smem:$0x3FBE] =	sst s2  }
0x8f: {  	_ = 	snop  }
0x90: {  	s2 =	sld [smem:$0x3FD0];
	(tm) =	ssettm $0x1  }
0x91: {  	s18 =	sld [smem:$0x3FFB];
	_ =	sdelay $0x3  }
0x92: {  	_ =	strace s18  }
0x93: {  	s3 =	sld [smem:$0x3FFC];
	_ =	sdelay $0x3  }
0x94: {  	_ =	strace s3  }
0x95: {  	s3 =	sld [smem:$0x3FFD];
	_ =	sdelay $0x3  }
0x96: {  	_ =	strace s3  }
0x97: {  	_ =	strace $0x8FFFFFFF  }
0x98: {  	s19 =	sld [smem:$0x3FDB];
	_ =	sdelay $0x1  }
0x99: {  	s4 =	simm.s32 $_scs_section_size  }
0x9a: {  	s5 =	simm.s32 $_size__tile_overlayer_lowered;
	s6 =	simm.s32 $_tile_overlayer_lowered  }
0x9b: {  	s22 =	simm.s32 $0x1BFF;
	s21 =	sshll.u32 s6, $0x1;
	s3 =	sadd.s32 s4, s19  }
0x9c: {  	s7 =	simm.s32 $0x0;
	s20 =	sshll.u32 s5, $0x1;
	s5 =	sadd.s32 s21, s3  }
0x9d: {  	[timem:s7], [sflag:s22] =	dma.local [hbm:s5], s20  }
0x9e: {  	_ =	swait.ge [sflag:s22], s20  }
0x9f: {  	s4 =	ssub.s32 $0x0, s20;
	[sflag:s22] =	ssyncset.done $0x0  }
0xa0: {  	[sflag:s22] =	ssyncadd.s32 s4;
	_ =	sdelay $0x1  }
0xa1: {  	s23 =	simm.s32 $0x1B8B  }
0xa2: {  	_ =	swait.ge [sflag:s23], $0x1  }
0xa3: {  	[sflag:s23] =	ssyncset.done $0x0  }
0xa4: {  	s25 =	simm.s32 $0x1B8E;
	s24 =	sld [smem:$0x3FFE];
	[sflag:s23] =	ssyncadd.s32 $0xFFFFFFFF  }
0xa5: {  	s26 =	simm.s32 $execute0_lowered;
	[smem:$0x3FD2] =	sst s25  }
0xa6: {  	s5 =	sshll.u32 s26, $0x1;
	_ =	strace $0x8000004C;
	[dreg:$0x1] =	wrdreg $0xFFFFFFFF  }
0xa7: {  	s28 =	simm.s32 $_size_execute0_lowered;
	s3 =	sadd.s32 s3, s5;
	[dreg:$0x0] =	wrdreg $0x0  }
0xa8: {  	s5 =	sshll.u32 s28, $0x1;
	[dreg:$0x2] =	wrdreg s3  }
0xa9: {  	[dreg:$0x3] =	wrdreg s5  }
0xaa: {  	[dreg:$0x4] =	wrdreg $0xC0  }
0xab: {  	_ =	task [dreg:s7], $0x5FFFF  }
0xac: {  	[dreg:$0x1] =	wrdreg $0xFFFFFFFF  }
0xad: {  	[dreg:$0x0] =	wrdreg $0x60  }
0xae: {  	[dreg:$0x2] =	wrdreg s24  }
0xaf: {  	[dreg:$0x3] =	wrdreg s2  }
0xb0: {  	[dreg:$0x4] =	wrdreg $0xB8000  }
0xb1: {  	[dreg:$0x5] =	wrdreg $0x9  }
0xb2: {  	_ =	task.clear_ibuf [dreg:s7], $0x6FFFF;
	_ =	strace $0x9000004C  }
0xb3: {  	s29 =	simm.s32 $0x9;
	_ =	strace $0x8000004E  }
0xb4: {  	_ =	swait.ge [sflag:s29], $0x1  }
0xb5: {  	[sflag:s29] =	ssyncadd.s32 $0xFFFFFFFF  }
0xb6: {  	_ =	strace $0x9000004E  }
0xb7: {  	_ =	sfence  }
0xb8: {  	s30 =	sld [smem:$0x0];
	_ =	sdelay $0x2  }
0xb9: {  	s31 =	sshll.u32 s1, $0xD;
	s1 =	sshrl.u32 s1, $0x2  }
0xba: {  	s3 =	sand.u32 $0x4000, s31;
	s1 =	sadd.s32 s1, s30  }
0xbb: {  	s0 =	sor.u32 s3, s0;
	s1 =	sshll.u32 s1, $0x11  }
0xbc: {  	s0 =	sor.u32 s1, s0  }
0xbd: {  	s0 =	sadd.s32 $0x8F2B, s0  }
0xbe: {  	[sflag:s0] =	ssyncadd.remote.s32 $0x1  }
0xbf: {  	_ =	sfence.sel $0xFFFF  }
0xc0: {  	[dreg:$0x0] =	wrdreg $0xFFFFFFFF;
	(pc) =	sbr.abs _section_cstart, $3  }
0xc1: {  	[dreg:$0x1] =	wrdreg $0xFFFFFFFF  }
0xc2: {  	_ =	task.clear_ibuf [dreg:s7], $0x2FFFF;
	_ =	strace $0x9FFFFFFF  }
0xc3: {  	(tm) =	ssettm $0x7FFFFFFF  }
tec
execute0_lowered:
.L_overlay_start_1:
0x0: {  	(tag) =	ssettag $0x1  }
0x1: {  	s0 =	rddreg [dreg:$0x0]  }
0x2: {  	s1 =	rddreg [dreg:$0x1]  }
0x3: {  	s2 =	rddreg [dreg:$0x2];
	s4 =	srdreg.scid  }
0x4: {  	s12 =	stileid.u32;
	s3 =	simm.s32 $0x0;
	s16 =	simm.s32 $0x3400  }
0x5: {  	s21 =	simm.s32 $0x4000;
	s22 =	simm.s32 $0x8;
	s26 =	smul.u32 $0x4F000, s12  }
0x6: {  	s23 =	simm.s32 $0x7;
	s11 =	sand.u32 $0x1, s4;
	s15 =	smul.u32 $0x13C00, s12  }
0x7: {  	s28 =	simm.s32 $0x50;
	[smem:$0x7FF] =	sst s3;
	s5 =	smul.u32 $0x27100, s11  }
0x8: {  	s31 =	simm.s32 $0x4;
	_ =	strace $0x8000004D;
	s13 =	smul.u32 $0x13C000, s11  }
0x9: {  	s6 =	ssub.s32 $0x2, s11;
	p0 =	seq.s32 s11, $0x0;
	s11 =	smul.u32 $0xA000, s12  }
0xa: {  	s4 =	sshrl.u32 s26, $0x2;
	s29 =	sshrl.u32 s6, $0x1;
	s16 =	simm.s32 @!p0 $0x2B400  }
0xb: {  	s14 =	sadd.s32 s5, s0;
	s4 =	sadd.s32 s4, s2;
	s17 =	ssub.s32 s6, s29  }
0xc: {  	s13 =	sadd.s32 s15, s13;
	s18 =	sshrl.u32 s11, $0x3;
	s30 =	sadd.s32 $0x2800, s4  }
0xd: {  	s6 =	sadd.s32 $0x5000, s4;
	s7 =	sadd.s32 $0x7800, s4;
	s8 =	sadd.s32 $0xA000, s4  }
.Ltmp0:
0xe: {  	s9 =	sadd.s32 $0xC800, s4;
	s10 =	sadd.s32 $0xF000, s4;
	(pc) =	sbr.rel .LBB2_1-.Ltmp0, $4  }
0xf: {  	s12 =	sadd.s32 $0x11800, s4;
	s15 =	sshrl.u32 s13, $0x3;
	s13 =	sadd.s32 s16, s0  }
0x10: {  	s14 =	sadd.s32 $0x53400, s14;
	s17 =	smax.u32 s17, $0x1;
	s0 =	simm.s32 $0x0  }
0x11: {  	[dreg:$0x4] =	wrdreg s30;
	s15 =	sadd.s32 s1, s15;
	s16 =	sadd.s32 s13, s18  }
0x12: {  	v0 =	vimm.f32 $0.0e+00;
	s18 =	sadd.s32 $0x14000, s16;
	s19 =	sadd.s32 $0x200, s16;
	s20 =	sadd.s32 $0x14200, s16  }
.LBB2_10:
0x13: {  	_ =	swait.ge [sflag:s31], $0x2800;
	s1 =	stileid.u32  }
0x14: {  	s5 =	sshrl.u32 s4, $0x3;
	s0 =	sadd.s32 $0x1, s0;
	[sflag:s31] =	ssyncset.done $0x0  }
0x15: {  	s1 =	sshll.u32 s1, $0x6;
	p0 =	sne.s32 s0, s17;
	[sflag:s31] =	ssyncadd.s32 $0xFFFFD800  }
.Ltmp1:
0x16: {  	s1 =	sor.u32 $0x1C08, s1;
	[bflag:$0x0] =	sbarrier.arrive $0xFFFF;
	(pc) =	sbr.rel @!p0 .LBB2_11-.Ltmp1, $4  }
0x17: {  	[hbm:s15], [sflag:s1] =	dma.local [spmem:s5], $0x2780  }
0x18: {  	_ =	swait.ge [sflag:s22], $0x2780  }
0x19: {  	[sflag:s22] =	ssyncset.done $0x0  }
0x1a: {  	[sflag:s22] =	ssyncadd.s32 $0xFFFFD880  }
.LBB2_1:
0x1b: {  	s1 =	sand.u32 $0xFE00, s3  }
0x1c: {  	s24 =	sand.u32 $0x70, s3;
	s25 =	sshrl.u32 s1, $0x2  }
0x1d: {  	s1 =	simm.s32 $0x40;
	s25 =	sor.u32 s24, s25;
	s24 =	simm.s32 $0x0  }
.LBB2_2:
0x1e: {  	p0 =	sne.s32 s1, $0x9FC0  }
0x1f: {  	[tilespmem:s25+$0x4000] =	vst v0;
	s24 =	sadd.s32 $0x10, s24;
	s25 =	smov.u32 s1;
	s1 =	sadd.s32 $0x40, s1  }
.Ltmp2:
0x20: {  	(pc) =	sbr.rel @p0 .LBB2_2-.Ltmp2, $4  }
0x21: {  	_ = 	snop  }
0x22: {  	s25 =	sand.u32 $0xFE00, s25  }
0x23: {  	s26 =	sand.u32 $0x70, s24;
	s25 =	sshrl.u32 s25, $0x2  }
0x24: {  	s25 =	sor.u32 s26, s25  }
0x25: {  	[tilespmem:s25+$0x4000] =	vst v0  }
0x26: {  	[spmem:s4] =	stream.linear.scatter [tilespmem:s21], [sflag:$0x8], $0x2800, $0x38;
	[tilespmem:$0x1F400] =	vst v63  }
0x27: {  	_ =	swait.ge [sflag:s22], $0x2800  }
0x28: {  	[sflag:s22] =	ssyncset.done $0x0  }
0x29: {  	s1 =	rddreg [dreg:$0x4];
	[sflag:s22] =	ssyncadd.s32 $0xFFFFD800  }
0x2a: {  	[spmem:s1] =	stream.linear.scatter [tilespmem:s21], [sflag:$0x8], $0x2800, $0x38;
	[tilespmem:$0x1F400] =	vst v63  }
0x2b: {  	_ =	swait.ge [sflag:s22], $0x2800  }
0x2c: {  	[sflag:s22] =	ssyncset.done $0x0  }
0x2d: {  	[sflag:s22] =	ssyncadd.s32 $0xFFFFD800  }
0x2e: {  	[spmem:s6] =	stream.linear.scatter [tilespmem:s21], [sflag:$0x8], $0x2800, $0x38;
	[tilespmem:$0x1F400] =	vst v63  }
0x2f: {  	_ =	swait.ge [sflag:s22], $0x2800  }
0x30: {  	[sflag:s22] =	ssyncset.done $0x0  }
0x31: {  	[sflag:s22] =	ssyncadd.s32 $0xFFFFD800  }
0x32: {  	[spmem:s7] =	stream.linear.scatter [tilespmem:s21], [sflag:$0x8], $0x2800, $0x38;
	[tilespmem:$0x1F400] =	vst v63  }
0x33: {  	_ =	swait.ge [sflag:s22], $0x2800  }
0x34: {  	[sflag:s22] =	ssyncset.done $0x0  }
0x35: {  	[sflag:s22] =	ssyncadd.s32 $0xFFFFD800  }
0x36: {  	[spmem:s8] =	stream.linear.scatter [tilespmem:s21], [sflag:$0x8], $0x2800, $0x38;
	[tilespmem:$0x1F400] =	vst v63  }
0x37: {  	_ =	swait.ge [sflag:s22], $0x2800  }
0x38: {  	[sflag:s22] =	ssyncset.done $0x0  }
0x39: {  	[sflag:s22] =	ssyncadd.s32 $0xFFFFD800  }
0x3a: {  	[spmem:s9] =	stream.linear.scatter [tilespmem:s21], [sflag:$0x8], $0x2800, $0x38;
	[tilespmem:$0x1F400] =	vst v63  }
0x3b: {  	_ =	swait.ge [sflag:s22], $0x2800  }
0x3c: {  	[sflag:s22] =	ssyncset.done $0x0  }
0x3d: {  	[sflag:s22] =	ssyncadd.s32 $0xFFFFD800  }
0x3e: {  	[spmem:s10] =	stream.linear.scatter [tilespmem:s21], [sflag:$0x8], $0x2800, $0x38;
	[tilespmem:$0x1F400] =	vst v63  }
0x3f: {  	_ =	swait.ge [sflag:s22], $0x2800  }
0x40: {  	[sflag:s22] =	ssyncset.done $0x0  }
0x41: {  	[sflag:s22] =	ssyncadd.s32 $0xFFFFD800  }
0x42: {  	[spmem:s12] =	stream.linear.scatter [tilespmem:s21], [sflag:$0x8], $0x2400, $0x38;
	[tilespmem:$0x1F400] =	vst v63  }
0x43: {  	_ =	swait.ge [sflag:s22], $0x2400  }
0x44: {  	[sflag:s22] =	ssyncset.done $0x0  }
0x45: {  	[sflag:s22] =	ssyncadd.s32 $0xFFFFDC00  }
0x46: {  	s1 =	simm.s32 $0x0;
	[bflag:$0x0] =	sbarrier.arrive $0xFFFF  }
0x47: {  	[tilespmem:s1], [sflag:$0x7] =	stream.linear.gather [hbm4b:s16+s1], $0xC80, $0x38;
	[tilespmem:$0x1F400] =	vst v63  }
0x48: {  	_ =	swait.ge [sflag:s23], $0xC80  }
0x49: {  	[sflag:s23] =	ssyncset.done $0x0  }
0x4a: {  	s5 =	simm.s32 $0x2000;
	[sflag:s23] =	ssyncadd.s32 $0xFFFFF380  }
0x4b: {  	[tilespmem:s5], [sflag:$0x7] =	stream.linear.gather [hbm4b:s18+s1], $0xC80, $0x38;
	[tilespmem:$0x1F400] =	vst v63  }
0x4c: {  	_ =	swait.ge [sflag:s23], $0xC80  }
0x4d: {  	[sflag:s23] =	ssyncset.done $0x0  }
0x4e: {  	s26 =	simm.s32 $0x1000;
	[sflag:s23] =	ssyncadd.s32 $0xFFFFF380  }
0x4f: {  	[tilespmem:s26], [sflag:$0x7] =	stream.linear.gather [hbm4b:s19+s1], $0xC80, $0x38;
	[tilespmem:$0x1F400] =	vst v63  }
0x50: {  	_ =	swait.ge [sflag:s23], $0xC80  }
0x51: {  	[sflag:s23] =	ssyncset.done $0x0  }
0x52: {  	s29 =	simm.s32 $0x3000;
	[sflag:s23] =	ssyncadd.s32 $0xFFFFF380  }
0x53: {  	[tilespmem:s29], [sflag:$0x7] =	stream.linear.gather [hbm4b:s20+s1], $0xC80, $0x38;
	[tilespmem:$0x1F400] =	vst v63  }
0x54: {  	_ =	swait.ge [sflag:s23], $0xC80  }
.Ltmp3:
0x55: {  	[sflag:s23] =	ssyncset.done $0x0;
	(pc) =	sbr.rel .LBB2_4-.Ltmp3, $4  }
0x56: {  	[sflag:s23] =	ssyncadd.s32 $0xFFFFF380  }
0x57: {  	[tilespmem:s21], [sflag:$0x1] =	stream.indirect.gather [hbm4b:s14+s28], $0x80, s1, s28, $0xb8;
	[tilespmem:$0x1F400] =	vst v63  }
0x58: {  	s30 =	simm.s32 $0x80;
	s24 =	simm.s32 $0x6800  }
0x59: {  	[tilespmem:s24], [sflag:$0x2] =	stream.indirect.gather [hbm4b:s14+s28], $0x80, s30, s28, $0xb8;
	[tilespmem:$0x1F400] =	vst v63  }
.LBB2_8:
0x5a: {  	s26 =	sadd.s32 $0x2, s1  }
0x5b: {  	s29 =	sand.u32 $0xFF, s26  }
0x5c: {  	s30 =	smul.u32 $0xAB, s29;
	_ =	sdelay $0x1  }
0x5d: {  	s29 =	smul.u32 $0x29, s29;
	s30 =	sshrl.u32 s30, $0x9  }
0x5e: {  	s30 =	smul.u32 $0x3, s30  }
0x5f: {  	s5 =	sshrl.u32 s29, $0xA  }
0x60: {  	s5 =	smul.u32 $0x19, s5;
	s30 =	ssub.s32 s26, s30  }
0x61: {  	s30 =	sand.u32 $0xFF, s30  }
0x62: {  	s5 =	ssub.s32 s26, s5;
	s26 =	smul.u32 $0xA000, s30  }
0x63: {  	s29 =	sshll.u32 s29, $0x2;
	s5 =	sand.u32 $0xFF, s5  }
0x64: {  	s29 =	sand.u32 $0x1000, s29;
	s5 =	sshll.u32 s5, $0x7;
	s26 =	sshrl.u32 s26, $0x2  }
0x65: {  	s30 =	sadd.s32 $0x1, s30;
	s5 =	sor.u32 s5, s29;
	s26 =	sadd.s32 $0x4000, s26  }
0x66: {  	[tilespmem:s26], [sflag:s30] =	stream.indirect.gather [hbm4b:s14+s28], $0x80, s5, s28, $0xb8;
	[tilespmem:$0x1F400] =	vst v63  }
.LBB2_9:
0x67: {  	s5 =	smul.u32 $0xAB, s1;
	_ =	sdelay $0x1  }
0x68: {  	s5 =	sshrl.u32 s5, $0x9  }
0x69: {  	s5 =	sand.u32 $0x7F, s5  }
0x6a: {  	s5 =	smul.u32 $0x3, s5;
	_ =	sdelay $0x1  }
0x6b: {  	s5 =	ssub.s32 s1, s5  }
0x6c: {  	s1 =	sadd.s32 $0x1, s1;
	s5 =	sand.u32 $0xFF, s5  }
0x6d: {  	s25 =	sand.u32 $0x1000, s25;
	p0 =	sne.s32 s1, $0xFA;
	s26 =	smul.u32 $0xA000, s5  }
.Ltmp4:
0x6e: {  	s24 =	sshll.u32 s24, $0x7;
	s29 =	sadd.s32 $0x1, s5;
	(pc) =	sbr.rel @!p0 .LBB2_10-.Ltmp4, $4  }
0x6f: {  	s24 =	sadd.s32 s24, s25;
	_ =	swait.ge [sflag:s29], $0x2800  }
0x70: {  	s24 =	sadd.s32 $0x2000, s24;
	s26 =	sshrl.u32 s26, $0x2;
	[sflag:s29] =	ssyncset.done $0x0  }
0x71: {  	s5 =	sor.u32 $0x4, s5;
	s26 =	sadd.s32 $0x4000, s26;
	[sflag:s29] =	ssyncadd.s32 $0xFFFFD800  }
0x72: {  	[spmem:s2] =	stream.indirect.scatter.add.f32 [tilespmem:s26], [sflag:s5], $0x80, s24, s28, $0xb8;
	[tilespmem:$0x1F400] =	vst v63  }
.LBB2_4:
0x73: {  	s24 =	smul.u32 $0x29, s1;
	_ =	sdelay $0x1  }
0x74: {  	s24 =	sshrl.u32 s24, $0xA  }
0x75: {  	s25 =	sand.u32 $0x3F, s24  }
0x76: {  	s24 =	smul.u32 $0x19, s25;
	_ =	sdelay $0x1  }
0x77: {  	s24 =	ssub.s32 s1, s24  }
0x78: {  	s24 =	sand.u32 $0xFF, s24  }
0x79: {  	s26 =	sadd.s32 $0xFFFFFFFF, s25;
	p0 =	sne.s32 s24, $0x2  }
0x7a: {  	p1 =	sgt.u32 @!p0 s26, $0x7  }
0x7b: {  	p0 =	por p0, p1  }
.Ltmp5:
0x7c: {  	_ = 	snop;
	(pc) =	sbr.rel @p0 .LBB2_6-.Ltmp5, $2  }
0x7d: {  	_ =	sdelay $0x2  }
0x7e: {  	s25 =	sshll.u32 s25, $0xC  }
0x7f: {  	s29 =	sadd.s32 $0x1000, s25  }
0x80: {  	s30 =	sadd.s32 s11, s29  }
.Ltmp6:
0x81: {  	s30 =	sshrl.u32 s30, $0x3;
	(pc) =	sbr.rel .LBB2_7-.Ltmp6, $4  }
0x82: {  	s29 =	sand.u32 $0x1000, s29;
	s30 =	sadd.s32 s13, s30  }
0x83: {  	[tilespmem:s29], [sflag:$0x7] =	stream.linear.gather [hbm4b:s30+s3], $0xC80, $0x38;
	[tilespmem:$0x1F400] =	vst v63  }
0x84: {  	s29 =	sor.u32 $0x2000, s29;
	s30 =	sadd.s32 $0x14000, s30  }
0x85: {  	[tilespmem:s29], [sflag:$0x7] =	stream.linear.gather [hbm4b:s30+s3], $0xC80, $0x38;
	[tilespmem:$0x1F400] =	vst v63  }
.LBB2_6:
0x86: {  	p0 =	seq.s32 s1, $0x0  }
.Ltmp7:
0x87: {  	_ = 	snop;
	(pc) =	sbr.rel @p0 .LBB2_8-.Ltmp7, $1  }
0x88: {  	_ =	sdelay $0x3  }
.LBB2_7:
0x89: {  	s29 =	sadd.s32 $0x2, s1  }
0x8a: {  	s30 =	sand.u32 $0xFF, s29  }
0x8b: {  	s30 =	smul.u32 $0xAB, s30;
	_ =	sdelay $0x1  }
0x8c: {  	s30 =	sshrl.u32 s30, $0x9  }
0x8d: {  	s30 =	smul.u32 $0x3, s30;
	_ =	sdelay $0x1  }
0x8e: {  	s29 =	ssub.s32 s29, s30  }
0x8f: {  	s29 =	sor.u32 $0x4, s29  }
0x90: {  	p0 =	sne.s32 s24, $0x17;
	s29 =	sand.u32 $0xFF, s29  }
0x91: {  	p1 =	sgt.u32 @!p0 s26, $0x7;
	_ =	swait.ge [sflag:s29], $0x2800  }
0x92: {  	p0 =	por p1, p0;
	[sflag:s29] =	ssyncset.done $0x0  }
0x93: {  	s26 =	simm.s32 @!p0 $0x7;
	[sflag:s29] =	ssyncadd.s32 $0xFFFFD800  }
0x94: {  	p1 =	sgt.u32 s1, $0xF7;
	_ =	swait.ge @!p0 [sflag:s26], $0xC80  }
.Ltmp8:
0x95: {  	[sflag:s26] =	ssyncset.done @!p0 $0x0;
	(pc) =	sbr.rel @p1 .LBB2_9-.Ltmp8, $4  }
.Ltmp9:
0x96: {  	[sflag:s26] =	ssyncadd.s32 @!p0 $0xFFFFF380;
	(pc) =	sbr.rel @!p1 .LBB2_8-.Ltmp9, $4  }
0x97: {  	_ =	swait.ge @!p0 [sflag:s26], $0xC80  }
0x98: {  	[sflag:s26] =	ssyncset.done @!p0 $0x0  }
0x99: {  	[sflag:s26] =	ssyncadd.s32 @!p0 $0xFFFFF380  }
0x9a: {  	_ = 	snop  }
.LBB2_11:
0x9b: {  	_ =	sfence.sel $0x180000  }
0x9c: {  	[bflag:$0x0] =	sbarrier.arrive $0xFFFF  }
0x9d: {  	_ =	strace $0x9000004D  }
0x9e: {  	s0 =	stileid.u32;
	[bflag:$0x2] =	sbarrier.arrive $0xFFFF  }
0x9f: {  	p0 =	sne.s32 s0, $0x0;
	s0 =	rddreg [dreg:$0x3]  }
0xa0: {  	s0 =	sadd.s32 @!p0 $0x100000, s0  }
0xa1: {  	[sflag:s0] =	ssyncadd.tile.s32 @!p0 $0x1;
	_ =	shalt  }
.Lfunc_end2:
_tile_overlayer_lowered:
.L_overlay_start_2:
0xa2: {  	(tag) =	ssettag $0x2  }
0xa3: {  	s0 =	rddreg [dreg:$0x0];
	s2 =	stileid.u32  }
0xa4: {  	s1 =	rddreg [dreg:$0x1];
	p0 =	sne.s32 s2, $0x0  }
0xa5: {  	s3 =	rddreg [dreg:$0x2];
	[bflag:$0x3] =	sbarrier.arrive $0xFFFF;
	s2 =	simm.s32 @!p0 $0x1C08  }
0xa6: {  	[timem:s3], [sflag:s2] =	dma.local @!p0 [hbm:s0], s1  }
0xa7: {  	s0 =	simm.s32 @!p0 $0x8  }
0xa8: {  	_ =	swait.ge @!p0 [sflag:s0], s1  }
0xa9: {  	s1 =	ssub.s32 @!p0 $0x0, s1;
	[sflag:s0] =	ssyncset.done @!p0 $0x0  }
0xaa: {  	[sflag:s0] =	ssyncadd.s32 @!p0 s1  }
0xab: {  	[bflag:$0x3] =	sbarrier.arrive $0xFFFF  }
0xac: {  	_ =	shalt  }

// kernel: kernel.9.cloned.1.call-start
scs
__scs_entry_jumppad:
0x0: {  	(pc) =	sbr.rel $0x88, $3  }
0x1: {  	(tag) =	ssettag $0x0;
	lr =	simm.s32 $0x1  }
0x2: {  	[smem:$0x3F97] =	sst lr;
	_ =	strace $0xD0000000  }
0x3: {  	_ = 	snop  }
0x4: {  	_ = 	snop  }
0x5: {  	_ = 	snop  }
0x6: {  	_ = 	snop  }
0x7: {  	_ = 	snop  }
__scs_overlays_trampoline_lowered:
0x8: {  	[smem:$0x3FA6] =	sst s0  }
0x9: {  	[smem:$0x3FA7] =	sst s1  }
0xa: {  	[smem:$0x3FA8] =	sst s2  }
0xb: {  	[smem:$0x3FA9] =	sst s3  }
0xc: {  	[smem:$0x3FAA] =	sst s4  }
0xd: {  	[smem:$0x3FAB] =	sst s5  }
0xe: {  	[smem:$0x3FAC] =	sst s6  }
0xf: {  	[smem:$0x3FAD] =	sst s7  }
0x10: {  	[smem:$0x3FAE] =	sst s8  }
0x11: {  	[smem:$0x3FAF] =	sst s9;
	s0 =	simm.s32 @!p0 $0x0  }
0x12: {  	s1 =	sld [smem:$0x3F95];
	s0 =	simm.s32 @p0 $0x1  }
0x13: {  	[smem:$0x3FB0] =	sst s0;
	s0 =	simm.s32 @!p1 $0x0  }
0x14: {  	s2 =	sld [smem:$0x3F94];
	s0 =	simm.s32 @p1 $0x1  }
0x15: {  	[smem:$0x3FB1] =	sst s0;
	s0 =	simm.s32 @!p2 $0x0  }
0x16: {  	s3 =	sld [smem:$0x3FDB];
	s0 =	simm.s32 @p2 $0x1  }
0x17: {  	s4 =	simm.s32 $0x1BF5;
	[smem:$0x3FB3] =	sst s0  }
0x18: {  	s0 =	sld [smem:$0x3F96];
	_ =	swait.ge [sflag:s4], $0x0  }
0x19: {  	s7 =	sld [smem:$0x3F97]  }
0x1a: {  	s8 =	sadd.s32 $0xFFFFE003, lr  }
0x1b: {  	s9 =	sadd.s32 $0xFFFFFEF7, lr;
	s5 =	simm.s32 $0xFFFFFFFF;
	p2 =	slt.u32 s8, $0xFFFFF086  }
0x1c: {  	p1 =	slt.u32 s9, $0xF7A;
	s5 =	simm.s32 @!p2 $0x0  }
0x1d: {  	s5 =	simm.s32 @p1 $0x1;
	p0 =	seq.s32 s7, s2  }
0x1e: {  	s7 =	smul.u32 @!p0 $0xF7A, s2;
	p2 =	seq.s32 @!p0 s5, $0x0  }
0x1f: {  	s9 =	smul.u32 $0xF7A, s1;
	s8 =	simm.s32 @!p0 $0x1BF5;
	p2 =	por !p2, p0  }
0x20: {  	[sflag:s8] =	ssyncset.s32 @!p0 $0xFFFFF086;
	s6 =	sadd.s32 @!p0 s3, s7;
	s7 =	simm.s32 @!p0 $0x108  }
0x21: {  	s3 =	sadd.s32 s3, s9;
	s6 =	sadd.s32 @!p0 $0x88, s6;
	s7 =	simm.s32 @p2 $0x1082  }
0x22: {  	[simem:s7], [sflag:s8] =	dma.local @!p0 [hbm:s6], $0xF7A  }
0x23: {  	s9 =	sor.u32 $0xD0000000, s2;
	s6 =	simm.s32 $0x108;
	_ =	swait.ge @!p0 [sflag:s8], $0x0  }
0x24: {  	s3 =	sadd.s32 $0x88, s3;
	s6 =	simm.s32 @!p1 $0x1082;
	[sflag:s4] =	ssyncset.s32 $0xFFFFF086  }
0x25: {  	[simem:s6], [sflag:s4] =	dma.local [hbm:s3], $0xF7A  }
0x26: {  	[smem:$0x3F97] =	sst s1;
	(tag) =	ssettag s2;
	_ =	strace s9  }
0x27: {  	s1 =	sld [smem:$0x3FA7]  }
0x28: {  	s2 =	sld [smem:$0x3FA8]  }
0x29: {  	s4 =	sld [smem:$0x3FAA]  }
0x2a: {  	p0 =	seq.s32 s5, $0x0;
	s5 =	sld [smem:$0x3FAB]  }
0x2b: {  	s6 =	sld [smem:$0x3FAC]  }
0x2c: {  	s7 =	sld [smem:$0x3FAD]  }
0x2d: {  	s3 =	simm.s32 $0x108;
	s8 =	sld [smem:$0x3FAE]  }
0x2e: {  	s3 =	simm.s32 @!p0 $0x1082;
	s9 =	sld [smem:$0x3FAF]  }
0x2f: {  	lr =	sadd.s32 s0, s3;
	s0 =	sld [smem:$0x3FA6]  }
0x30: {  	s3 =	sld [smem:$0x3FA9]  }
0x31: {  	[smem:$0x3FB2] =	sst s10  }
0x32: {  	s10 =	sld [smem:$0x3FB0];
	_ =	sdelay $0x3  }
0x33: {  	p0 =	seq.s32 s10, $0x1;
	s10 =	sld [smem:$0x3FB2];
	_ =	sdelay $0x3  }
0x34: {  	[smem:$0x3FB2] =	sst s10  }
0x35: {  	s10 =	sld [smem:$0x3FB1];
	_ =	sdelay $0x3  }
0x36: {  	p1 =	seq.s32 s10, $0x1;
	s10 =	sld [smem:$0x3FB2];
	_ =	sdelay $0x3  }
0x37: {  	[smem:$0x3FB2] =	sst s10  }
0x38: {  	s10 =	sld [smem:$0x3FB3]  }
0x39: {  	_ = 	snop;
	(pc) =	sbr.ind lr, $3  }
0x3a: {  	_ = 	snop  }
0x3b: {  	_ = 	snop  }
0x3c: {  	p2 =	seq.s32 s10, $0x1;
	s10 =	sld [smem:$0x3FB2]  }
0x3d: {  	_ =	shalt  }
0x3e: {  	_ =	shalt  }
0x3f: {  	_ =	shalt  }
0x40: {  	_ =	shalt  }
0x41: {  	_ =	shalt  }
0x42: {  	_ =	shalt  }
0x43: {  	_ =	shalt  }
0x44: {  	_ =	shalt  }
0x45: {  	_ =	shalt  }
0x46: {  	_ =	shalt  }
0x47: {  	_ =	shalt  }
0x48: {  	_ =	shalt  }
0x49: {  	_ =	shalt  }
0x4a: {  	_ =	shalt  }
0x4b: {  	_ =	shalt  }
0x4c: {  	_ =	shalt  }
0x4d: {  	_ =	shalt  }
0x4e: {  	_ =	shalt  }
0x4f: {  	_ =	shalt  }
0x50: {  	_ =	shalt  }
0x51: {  	_ =	shalt  }
0x52: {  	_ =	shalt  }
0x53: {  	_ =	shalt  }
0x54: {  	_ =	shalt  }
0x55: {  	_ =	shalt  }
0x56: {  	_ =	shalt  }
0x57: {  	_ =	shalt  }
0x58: {  	_ =	shalt  }
0x59: {  	_ =	shalt  }
0x5a: {  	_ =	shalt  }
0x5b: {  	_ =	shalt  }
0x5c: {  	_ =	shalt  }
0x5d: {  	_ =	shalt  }
0x5e: {  	_ =	shalt  }
0x5f: {  	_ =	shalt  }
0x60: {  	_ =	shalt  }
0x61: {  	_ =	shalt  }
0x62: {  	_ =	shalt  }
0x63: {  	_ =	shalt  }
0x64: {  	_ =	shalt  }
0x65: {  	_ =	shalt  }
0x66: {  	_ =	shalt  }
0x67: {  	_ =	shalt  }
0x68: {  	_ =	shalt  }
0x69: {  	_ =	shalt  }
0x6a: {  	_ =	shalt  }
0x6b: {  	_ =	shalt  }
0x6c: {  	_ =	shalt  }
0x6d: {  	_ =	shalt  }
0x6e: {  	_ =	shalt  }
0x6f: {  	_ =	shalt  }
0x70: {  	_ =	shalt  }
0x71: {  	_ =	shalt  }
0x72: {  	_ =	shalt  }
0x73: {  	_ =	shalt  }
0x74: {  	_ =	shalt  }
0x75: {  	_ =	shalt  }
0x76: {  	_ =	shalt  }
0x77: {  	_ =	shalt  }
0x78: {  	_ =	shalt  }
0x79: {  	_ =	shalt  }
0x7a: {  	_ =	shalt  }
0x7b: {  	_ =	shalt  }
0x7c: {  	_ =	shalt  }
0x7d: {  	_ =	shalt  }
0x7e: {  	_ =	shalt  }
0x7f: {  	_ =	shalt  }
0x80: {  	_ =	shalt  }
0x81: {  	_ =	shalt  }
0x82: {  	_ =	shalt  }
0x83: {  	_ =	shalt  }
0x84: {  	_ =	shalt  }
0x85: {  	_ =	shalt  }
0x86: {  	_ =	shalt  }
0x87: {  	_ =	shalt  }
.Lfunc_end0:
.L_simem_size_0:
called_computation_lowered:
.L_overlay_start_0:
0x88: {  	s2 =	sld [smem:$0x3FD9]  }
0x89: {  	s3 =	sld [smem:$0x3FFE];
	_ =	sdelay $0x1  }
0x8a: {  	s1 =	srdreg.scid  }
0x8b: {  	s0 =	sand.u32 $0x1, s1  }
0x8c: {  	s17 =	sshll.u32 s0, $0xA;
	s2 =	sadd.s32 s3, s2  }
0x8d: {  	s2 =	sadd.s32 s2, s17  }
0x8e: {  	[smem:$0x3FBE] =	sst s2  }
0x8f: {  	_ = 	snop  }
0x90: {  	s2 =	sld [smem:$0x3FD0];
	(tm) =	ssettm $0x1  }
0x91: {  	s18 =	sld [smem:$0x3FFB];
	_ =	sdelay $0x3  }
0x92: {  	_ =	strace s18  }
0x93: {  	s3 =	sld [smem:$0x3FFC];
	_ =	sdelay $0x3  }
0x94: {  	_ =	strace s3  }
0x95: {  	s3 =	sld [smem:$0x3FFD];
	_ =	sdelay $0x3  }
0x96: {  	_ =	strace s3  }
0x97: {  	_ =	strace $0x8FFFFFFF  }
0x98: {  	s19 =	sld [smem:$0x3FDB];
	_ =	sdelay $0x1  }
0x99: {  	s4 =	simm.s32 $_scs_section_size  }
0x9a: {  	s5 =	simm.s32 $_size__tile_overlayer_lowered;
	s6 =	simm.s32 $_tile_overlayer_lowered  }
0x9b: {  	s22 =	simm.s32 $0x1BFF;
	s21 =	sshll.u32 s6, $0x1;
	s3 =	sadd.s32 s4, s19  }
0x9c: {  	s7 =	simm.s32 $0x0;
	s20 =	sshll.u32 s5, $0x1;
	s5 =	sadd.s32 s21, s3  }
0x9d: {  	[timem:s7], [sflag:s22] =	dma.local [hbm:s5], s20  }
0x9e: {  	_ =	swait.ge [sflag:s22], s20  }
0x9f: {  	s4 =	ssub.s32 $0x0, s20;
	[sflag:s22] =	ssyncset.done $0x0  }
0xa0: {  	[sflag:s22] =	ssyncadd.s32 s4;
	_ =	sdelay $0x1  }
0xa1: {  	s23 =	simm.s32 $0x1B8B  }
0xa2: {  	_ =	swait.ge [sflag:s23], $0x1  }
0xa3: {  	[sflag:s23] =	ssyncset.done $0x0  }
0xa4: {  	s25 =	simm.s32 $0x1B8E;
	s24 =	sld [smem:$0x3FFE];
	[sflag:s23] =	ssyncadd.s32 $0xFFFFFFFF  }
0xa5: {  	s26 =	simm.s32 $execute0_lowered;
	[smem:$0x3FD2] =	sst s25  }
0xa6: {  	s5 =	sshll.u32 s26, $0x1;
	_ =	strace $0x80000046;
	[dreg:$0x1] =	wrdreg $0xFFFFFFFF  }
0xa7: {  	s28 =	simm.s32 $_size_execute0_lowered;
	s3 =	sadd.s32 s3, s5;
	[dreg:$0x0] =	wrdreg $0x0  }
0xa8: {  	s5 =	sshll.u32 s28, $0x1;
	[dreg:$0x2] =	wrdreg s3  }
0xa9: {  	[dreg:$0x3] =	wrdreg s5  }
0xaa: {  	[dreg:$0x4] =	wrdreg $0xC0  }
0xab: {  	_ =	task [dreg:s7], $0x5FFFF  }
0xac: {  	[dreg:$0x1] =	wrdreg $0xFFFFFFFF  }
0xad: {  	[dreg:$0x0] =	wrdreg $0x60  }
0xae: {  	[dreg:$0x2] =	wrdreg s24  }
0xaf: {  	[dreg:$0x3] =	wrdreg s2  }
0xb0: {  	[dreg:$0x4] =	wrdreg $0xB8000  }
0xb1: {  	[dreg:$0x5] =	wrdreg $0x9  }
0xb2: {  	_ =	task.clear_ibuf [dreg:s7], $0x6FFFF;
	_ =	strace $0x90000046  }
0xb3: {  	s29 =	simm.s32 $0x9;
	_ =	strace $0x80000048  }
0xb4: {  	_ =	swait.ge [sflag:s29], $0x1  }
0xb5: {  	[sflag:s29] =	ssyncadd.s32 $0xFFFFFFFF  }
0xb6: {  	_ =	strace $0x90000048  }
0xb7: {  	_ =	sfence  }
0xb8: {  	s30 =	sld [smem:$0x0];
	_ =	sdelay $0x2  }
0xb9: {  	s31 =	sshll.u32 s1, $0xD;
	s1 =	sshrl.u32 s1, $0x2  }
0xba: {  	s3 =	sand.u32 $0x4000, s31;
	s1 =	sadd.s32 s1, s30  }
0xbb: {  	s0 =	sor.u32 s3, s0;
	s1 =	sshll.u32 s1, $0x11  }
0xbc: {  	s0 =	sor.u32 s1, s0  }
0xbd: {  	s0 =	sadd.s32 $0x8F2B, s0  }
0xbe: {  	[sflag:s0] =	ssyncadd.remote.s32 $0x1  }
0xbf: {  	_ =	sfence.sel $0xFFFF  }
0xc0: {  	[dreg:$0x0] =	wrdreg $0xFFFFFFFF;
	(pc) =	sbr.abs _section_cstart, $3  }
0xc1: {  	[dreg:$0x1] =	wrdreg $0xFFFFFFFF  }
0xc2: {  	_ =	task.clear_ibuf [dreg:s7], $0x2FFFF;
	_ =	strace $0x9FFFFFFF  }
0xc3: {  	(tm) =	ssettm $0x7FFFFFFF  }
tec
execute0_lowered:
.L_overlay_start_1:
0x0: {  	(tag) =	ssettag $0x1  }
0x1: {  	s0 =	rddreg [dreg:$0x0]  }
0x2: {  	s1 =	rddreg [dreg:$0x1]  }
0x3: {  	s2 =	rddreg [dreg:$0x2];
	s4 =	srdreg.scid  }
0x4: {  	s12 =	stileid.u32;
	s3 =	simm.s32 $0x0;
	s16 =	simm.s32 $0x3400  }
0x5: {  	s21 =	simm.s32 $0x4000;
	s22 =	simm.s32 $0x8;
	s26 =	smul.u32 $0x4F000, s12  }
0x6: {  	s23 =	simm.s32 $0x7;
	s11 =	sand.u32 $0x1, s4;
	s15 =	smul.u32 $0x13C00, s12  }
0x7: {  	s28 =	simm.s32 $0x50;
	[smem:$0x7FF] =	sst s3;
	s5 =	smul.u32 $0x27100, s11  }
0x8: {  	s31 =	simm.s32 $0x4;
	_ =	strace $0x80000047;
	s13 =	smul.u32 $0x13C000, s11  }
0x9: {  	s6 =	ssub.s32 $0x2, s11;
	p0 =	seq.s32 s11, $0x0;
	s11 =	smul.u32 $0xA000, s12  }
0xa: {  	s4 =	sshrl.u32 s26, $0x2;
	s29 =	sshrl.u32 s6, $0x1;
	s16 =	simm.s32 @!p0 $0x2B400  }
0xb: {  	s14 =	sadd.s32 s5, s0;
	s4 =	sadd.s32 s4, s2;
	s17 =	ssub.s32 s6, s29  }
0xc: {  	s13 =	sadd.s32 s15, s13;
	s18 =	sshrl.u32 s11, $0x3;
	s30 =	sadd.s32 $0x2800, s4  }
0xd: {  	s6 =	sadd.s32 $0x5000, s4;
	s7 =	sadd.s32 $0x7800, s4;
	s8 =	sadd.s32 $0xA000, s4  }
.Ltmp0:
0xe: {  	s9 =	sadd.s32 $0xC800, s4;
	s10 =	sadd.s32 $0xF000, s4;
	(pc) =	sbr.rel .LBB2_1-.Ltmp0, $4  }
0xf: {  	s12 =	sadd.s32 $0x11800, s4;
	s15 =	sshrl.u32 s13, $0x3;
	s13 =	sadd.s32 s16, s0  }
0x10: {  	s14 =	sadd.s32 $0x53400, s14;
	s17 =	smax.u32 s17, $0x1;
	s0 =	simm.s32 $0x0  }
0x11: {  	[dreg:$0x4] =	wrdreg s30;
	s15 =	sadd.s32 s1, s15;
	s16 =	sadd.s32 s13, s18  }
0x12: {  	v0 =	vimm.f32 $0.0e+00;
	s18 =	sadd.s32 $0x14000, s16;
	s19 =	sadd.s32 $0x200, s16;
	s20 =	sadd.s32 $0x14200, s16  }
.LBB2_10:
0x13: {  	_ =	swait.ge [sflag:s31], $0x2800;
	s1 =	stileid.u32  }
0x14: {  	s5 =	sshrl.u32 s4, $0x3;
	s0 =	sadd.s32 $0x1, s0;
	[sflag:s31] =	ssyncset.done $0x0  }
0x15: {  	s1 =	sshll.u32 s1, $0x6;
	p0 =	sne.s32 s0, s17;
	[sflag:s31] =	ssyncadd.s32 $0xFFFFD800  }
.Ltmp1:
0x16: {  	s1 =	sor.u32 $0x1C08, s1;
	[bflag:$0x0] =	sbarrier.arrive $0xFFFF;
	(pc) =	sbr.rel @!p0 .LBB2_11-.Ltmp1, $4  }
0x17: {  	[hbm:s15], [sflag:s1] =	dma.local [spmem:s5], $0x2780  }
0x18: {  	_ =	swait.ge [sflag:s22], $0x2780  }
0x19: {  	[sflag:s22] =	ssyncset.done $0x0  }
0x1a: {  	[sflag:s22] =	ssyncadd.s32 $0xFFFFD880  }
.LBB2_1:
0x1b: {  	s1 =	sand.u32 $0xFE00, s3  }
0x1c: {  	s24 =	sand.u32 $0x70, s3;
	s25 =	sshrl.u32 s1, $0x2  }
0x1d: {  	s1 =	simm.s32 $0x40;
	s25 =	sor.u32 s24, s25;
	s24 =	simm.s32 $0x0  }
.LBB2_2:
0x1e: {  	p0 =	sne.s32 s1, $0x9FC0  }
0x1f: {  	[tilespmem:s25+$0x4000] =	vst v0;
	s24 =	sadd.s32 $0x10, s24;
	s25 =	smov.u32 s1;
	s1 =	sadd.s32 $0x40, s1  }
.Ltmp2:
0x20: {  	(pc) =	sbr.rel @p0 .LBB2_2-.Ltmp2, $4  }
0x21: {  	_ = 	snop  }
0x22: {  	s25 =	sand.u32 $0xFE00, s25  }
0x23: {  	s26 =	sand.u32 $0x70, s24;
	s25 =	sshrl.u32 s25, $0x2  }
0x24: {  	s25 =	sor.u32 s26, s25  }
0x25: {  	[tilespmem:s25+$0x4000] =	vst v0  }
0x26: {  	[spmem:s4] =	stream.linear.scatter [tilespmem:s21], [sflag:$0x8], $0x2800, $0x38;
	[tilespmem:$0x1F400] =	vst v63  }
0x27: {  	_ =	swait.ge [sflag:s22], $0x2800  }
0x28: {  	[sflag:s22] =	ssyncset.done $0x0  }
0x29: {  	s1 =	rddreg [dreg:$0x4];
	[sflag:s22] =	ssyncadd.s32 $0xFFFFD800  }
0x2a: {  	[spmem:s1] =	stream.linear.scatter [tilespmem:s21], [sflag:$0x8], $0x2800, $0x38;
	[tilespmem:$0x1F400] =	vst v63  }
0x2b: {  	_ =	swait.ge [sflag:s22], $0x2800  }
0x2c: {  	[sflag:s22] =	ssyncset.done $0x0  }
0x2d: {  	[sflag:s22] =	ssyncadd.s32 $0xFFFFD800  }
0x2e: {  	[spmem:s6] =	stream.linear.scatter [tilespmem:s21], [sflag:$0x8], $0x2800, $0x38;
	[tilespmem:$0x1F400] =	vst v63  }
0x2f: {  	_ =	swait.ge [sflag:s22], $0x2800  }
0x30: {  	[sflag:s22] =	ssyncset.done $0x0  }
0x31: {  	[sflag:s22] =	ssyncadd.s32 $0xFFFFD800  }
0x32: {  	[spmem:s7] =	stream.linear.scatter [tilespmem:s21], [sflag:$0x8], $0x2800, $0x38;
	[tilespmem:$0x1F400] =	vst v63  }
0x33: {  	_ =	swait.ge [sflag:s22], $0x2800  }
0x34: {  	[sflag:s22] =	ssyncset.done $0x0  }
0x35: {  	[sflag:s22] =	ssyncadd.s32 $0xFFFFD800  }
0x36: {  	[spmem:s8] =	stream.linear.scatter [tilespmem:s21], [sflag:$0x8], $0x2800, $0x38;
	[tilespmem:$0x1F400] =	vst v63  }
0x37: {  	_ =	swait.ge [sflag:s22], $0x2800  }
0x38: {  	[sflag:s22] =	ssyncset.done $0x0  }
0x39: {  	[sflag:s22] =	ssyncadd.s32 $0xFFFFD800  }
0x3a: {  	[spmem:s9] =	stream.linear.scatter [tilespmem:s21], [sflag:$0x8], $0x2800, $0x38;
	[tilespmem:$0x1F400] =	vst v63  }
0x3b: {  	_ =	swait.ge [sflag:s22], $0x2800  }
0x3c: {  	[sflag:s22] =	ssyncset.done $0x0  }
0x3d: {  	[sflag:s22] =	ssyncadd.s32 $0xFFFFD800  }
0x3e: {  	[spmem:s10] =	stream.linear.scatter [tilespmem:s21], [sflag:$0x8], $0x2800, $0x38;
	[tilespmem:$0x1F400] =	vst v63  }
0x3f: {  	_ =	swait.ge [sflag:s22], $0x2800  }
0x40: {  	[sflag:s22] =	ssyncset.done $0x0  }
0x41: {  	[sflag:s22] =	ssyncadd.s32 $0xFFFFD800  }
0x42: {  	[spmem:s12] =	stream.linear.scatter [tilespmem:s21], [sflag:$0x8], $0x2400, $0x38;
	[tilespmem:$0x1F400] =	vst v63  }
0x43: {  	_ =	swait.ge [sflag:s22], $0x2400  }
0x44: {  	[sflag:s22] =	ssyncset.done $0x0  }
0x45: {  	[sflag:s22] =	ssyncadd.s32 $0xFFFFDC00  }
0x46: {  	s1 =	simm.s32 $0x0;
	[bflag:$0x0] =	sbarrier.arrive $0xFFFF  }
0x47: {  	[tilespmem:s1], [sflag:$0x7] =	stream.linear.gather [hbm4b:s16+s1], $0xC80, $0x38;
	[tilespmem:$0x1F400] =	vst v63  }
0x48: {  	_ =	swait.ge [sflag:s23], $0xC80  }
0x49: {  	[sflag:s23] =	ssyncset.done $0x0  }
0x4a: {  	s5 =	simm.s32 $0x2000;
	[sflag:s23] =	ssyncadd.s32 $0xFFFFF380  }
0x4b: {  	[tilespmem:s5], [sflag:$0x7] =	stream.linear.gather [hbm4b:s18+s1], $0xC80, $0x38;
	[tilespmem:$0x1F400] =	vst v63  }
0x4c: {  	_ =	swait.ge [sflag:s23], $0xC80  }
0x4d: {  	[sflag:s23] =	ssyncset.done $0x0  }
0x4e: {  	s26 =	simm.s32 $0x1000;
	[sflag:s23] =	ssyncadd.s32 $0xFFFFF380  }
0x4f: {  	[tilespmem:s26], [sflag:$0x7] =	stream.linear.gather [hbm4b:s19+s1], $0xC80, $0x38;
	[tilespmem:$0x1F400] =	vst v63  }
0x50: {  	_ =	swait.ge [sflag:s23], $0xC80  }
0x51: {  	[sflag:s23] =	ssyncset.done $0x0  }
0x52: {  	s29 =	simm.s32 $0x3000;
	[sflag:s23] =	ssyncadd.s32 $0xFFFFF380  }
0x53: {  	[tilespmem:s29], [sflag:$0x7] =	stream.linear.gather [hbm4b:s20+s1], $0xC80, $0x38;
	[tilespmem:$0x1F400] =	vst v63  }
0x54: {  	_ =	swait.ge [sflag:s23], $0xC80  }
.Ltmp3:
0x55: {  	[sflag:s23] =	ssyncset.done $0x0;
	(pc) =	sbr.rel .LBB2_4-.Ltmp3, $4  }
0x56: {  	[sflag:s23] =	ssyncadd.s32 $0xFFFFF380  }
0x57: {  	[tilespmem:s21], [sflag:$0x1] =	stream.indirect.gather [hbm4b:s14+s28], $0x80, s1, s28, $0xb8;
	[tilespmem:$0x1F400] =	vst v63  }
0x58: {  	s30 =	simm.s32 $0x80;
	s24 =	simm.s32 $0x6800  }
0x59: {  	[tilespmem:s24], [sflag:$0x2] =	stream.indirect.gather [hbm4b:s14+s28], $0x80, s30, s28, $0xb8;
	[tilespmem:$0x1F400] =	vst v63  }
.LBB2_8:
0x5a: {  	s26 =	sadd.s32 $0x2, s1  }
0x5b: {  	s29 =	sand.u32 $0xFF, s26  }
0x5c: {  	s30 =	smul.u32 $0xAB, s29;
	_ =	sdelay $0x1  }
0x5d: {  	s29 =	smul.u32 $0x29, s29;
	s30 =	sshrl.u32 s30, $0x9  }
0x5e: {  	s30 =	smul.u32 $0x3, s30  }
0x5f: {  	s5 =	sshrl.u32 s29, $0xA  }
0x60: {  	s5 =	smul.u32 $0x19, s5;
	s30 =	ssub.s32 s26, s30  }
0x61: {  	s30 =	sand.u32 $0xFF, s30  }
0x62: {  	s5 =	ssub.s32 s26, s5;
	s26 =	smul.u32 $0xA000, s30  }
0x63: {  	s29 =	sshll.u32 s29, $0x2;
	s5 =	sand.u32 $0xFF, s5  }
0x64: {  	s29 =	sand.u32 $0x1000, s29;
	s5 =	sshll.u32 s5, $0x7;
	s26 =	sshrl.u32 s26, $0x2  }
0x65: {  	s30 =	sadd.s32 $0x1, s30;
	s5 =	sor.u32 s5, s29;
	s26 =	sadd.s32 $0x4000, s26  }
0x66: {  	[tilespmem:s26], [sflag:s30] =	stream.indirect.gather [hbm4b:s14+s28], $0x80, s5, s28, $0xb8;
	[tilespmem:$0x1F400] =	vst v63  }
.LBB2_9:
0x67: {  	s5 =	smul.u32 $0xAB, s1;
	_ =	sdelay $0x1  }
0x68: {  	s5 =	sshrl.u32 s5, $0x9  }
0x69: {  	s5 =	sand.u32 $0x7F, s5  }
0x6a: {  	s5 =	smul.u32 $0x3, s5;
	_ =	sdelay $0x1  }
0x6b: {  	s5 =	ssub.s32 s1, s5  }
0x6c: {  	s1 =	sadd.s32 $0x1, s1;
	s5 =	sand.u32 $0xFF, s5  }
0x6d: {  	s25 =	sand.u32 $0x1000, s25;
	p0 =	sne.s32 s1, $0xFA;
	s26 =	smul.u32 $0xA000, s5  }
.Ltmp4:
0x6e: {  	s24 =	sshll.u32 s24, $0x7;
	s29 =	sadd.s32 $0x1, s5;
	(pc) =	sbr.rel @!p0 .LBB2_10-.Ltmp4, $4  }
0x6f: {  	s24 =	sadd.s32 s24, s25;
	_ =	swait.ge [sflag:s29], $0x2800  }
0x70: {  	s24 =	sadd.s32 $0x2000, s24;
	s26 =	sshrl.u32 s26, $0x2;
	[sflag:s29] =	ssyncset.done $0x0  }
0x71: {  	s5 =	sor.u32 $0x4, s5;
	s26 =	sadd.s32 $0x4000, s26;
	[sflag:s29] =	ssyncadd.s32 $0xFFFFD800  }
0x72: {  	[spmem:s2] =	stream.indirect.scatter.add.f32 [tilespmem:s26], [sflag:s5], $0x80, s24, s28, $0xb8;
	[tilespmem:$0x1F400] =	vst v63  }
.LBB2_4:
0x73: {  	s24 =	smul.u32 $0x29, s1;
	_ =	sdelay $0x1  }
0x74: {  	s24 =	sshrl.u32 s24, $0xA  }
0x75: {  	s25 =	sand.u32 $0x3F, s24  }
0x76: {  	s24 =	smul.u32 $0x19, s25;
	_ =	sdelay $0x1  }
0x77: {  	s24 =	ssub.s32 s1, s24  }
0x78: {  	s24 =	sand.u32 $0xFF, s24  }
0x79: {  	s26 =	sadd.s32 $0xFFFFFFFF, s25;
	p0 =	sne.s32 s24, $0x2  }
0x7a: {  	p1 =	sgt.u32 @!p0 s26, $0x7  }
0x7b: {  	p0 =	por p0, p1  }
.Ltmp5:
0x7c: {  	_ = 	snop;
	(pc) =	sbr.rel @p0 .LBB2_6-.Ltmp5, $2  }
0x7d: {  	_ =	sdelay $0x2  }
0x7e: {  	s25 =	sshll.u32 s25, $0xC  }
0x7f: {  	s29 =	sadd.s32 $0x1000, s25  }
0x80: {  	s30 =	sadd.s32 s11, s29  }
.Ltmp6:
0x81: {  	s30 =	sshrl.u32 s30, $0x3;
	(pc) =	sbr.rel .LBB2_7-.Ltmp6, $4  }
0x82: {  	s29 =	sand.u32 $0x1000, s29;
	s30 =	sadd.s32 s13, s30  }
0x83: {  	[tilespmem:s29], [sflag:$0x7] =	stream.linear.gather [hbm4b:s30+s3], $0xC80, $0x38;
	[tilespmem:$0x1F400] =	vst v63  }
0x84: {  	s29 =	sor.u32 $0x2000, s29;
	s30 =	sadd.s32 $0x14000, s30  }
0x85: {  	[tilespmem:s29], [sflag:$0x7] =	stream.linear.gather [hbm4b:s30+s3], $0xC80, $0x38;
	[tilespmem:$0x1F400] =	vst v63  }
.LBB2_6:
0x86: {  	p0 =	seq.s32 s1, $0x0  }
.Ltmp7:
0x87: {  	_ = 	snop;
	(pc) =	sbr.rel @p0 .LBB2_8-.Ltmp7, $1  }
0x88: {  	_ =	sdelay $0x3  }
.LBB2_7:
0x89: {  	s29 =	sadd.s32 $0x2, s1  }
0x8a: {  	s30 =	sand.u32 $0xFF, s29  }
0x8b: {  	s30 =	smul.u32 $0xAB, s30;
	_ =	sdelay $0x1  }
0x8c: {  	s30 =	sshrl.u32 s30, $0x9  }
0x8d: {  	s30 =	smul.u32 $0x3, s30;
	_ =	sdelay $0x1  }
0x8e: {  	s29 =	ssub.s32 s29, s30  }
0x8f: {  	s29 =	sor.u32 $0x4, s29  }
0x90: {  	p0 =	sne.s32 s24, $0x17;
	s29 =	sand.u32 $0xFF, s29  }
0x91: {  	p1 =	sgt.u32 @!p0 s26, $0x7;
	_ =	swait.ge [sflag:s29], $0x2800  }
0x92: {  	p0 =	por p1, p0;
	[sflag:s29] =	ssyncset.done $0x0  }
0x93: {  	s26 =	simm.s32 @!p0 $0x7;
	[sflag:s29] =	ssyncadd.s32 $0xFFFFD800  }
0x94: {  	p1 =	sgt.u32 s1, $0xF7;
	_ =	swait.ge @!p0 [sflag:s26], $0xC80  }
.Ltmp8:
0x95: {  	[sflag:s26] =	ssyncset.done @!p0 $0x0;
	(pc) =	sbr.rel @p1 .LBB2_9-.Ltmp8, $4  }
.Ltmp9:
0x96: {  	[sflag:s26] =	ssyncadd.s32 @!p0 $0xFFFFF380;
	(pc) =	sbr.rel @!p1 .LBB2_8-.Ltmp9, $4  }
0x97: {  	_ =	swait.ge @!p0 [sflag:s26], $0xC80  }
0x98: {  	[sflag:s26] =	ssyncset.done @!p0 $0x0  }
0x99: {  	[sflag:s26] =	ssyncadd.s32 @!p0 $0xFFFFF380  }
0x9a: {  	_ = 	snop  }
.LBB2_11:
0x9b: {  	_ =	sfence.sel $0x180000  }
0x9c: {  	[bflag:$0x0] =	sbarrier.arrive $0xFFFF  }
0x9d: {  	_ =	strace $0x90000047  }
0x9e: {  	s0 =	stileid.u32;
	[bflag:$0x2] =	sbarrier.arrive $0xFFFF  }
0x9f: {  	p0 =	sne.s32 s0, $0x0;
	s0 =	rddreg [dreg:$0x3]  }
0xa0: {  	s0 =	sadd.s32 @!p0 $0x100000, s0  }
0xa1: {  	[sflag:s0] =	ssyncadd.tile.s32 @!p0 $0x1;
	_ =	shalt  }
.Lfunc_end2:
_tile_overlayer_lowered:
.L_overlay_start_2:
0xa2: {  	(tag) =	ssettag $0x2  }
0xa3: {  	s0 =	rddreg [dreg:$0x0];
	s2 =	stileid.u32  }
0xa4: {  	s1 =	rddreg [dreg:$0x1];
	p0 =	sne.s32 s2, $0x0  }
0xa5: {  	s3 =	rddreg [dreg:$0x2];
	[bflag:$0x3] =	sbarrier.arrive $0xFFFF;
	s2 =	simm.s32 @!p0 $0x1C08  }
0xa6: {  	[timem:s3], [sflag:s2] =	dma.local @!p0 [hbm:s0], s1  }
0xa7: {  	s0 =	simm.s32 @!p0 $0x8  }
0xa8: {  	_ =	swait.ge @!p0 [sflag:s0], s1  }
0xa9: {  	s1 =	ssub.s32 @!p0 $0x0, s1;
	[sflag:s0] =	ssyncset.done @!p0 $0x0  }
0xaa: {  	[sflag:s0] =	ssyncadd.s32 @!p0 s1  }
0xab: {  	[bflag:$0x3] =	sbarrier.arrive $0xFFFF  }
0xac: {  	_ =	shalt  }

</sc_bundles>
